<compile_context>
chip_gen: v7x
topology: tpu7x:2x2x1
jax: 0.10.2.dev20260603
libtpu: 0.0.44.dev20260713+nightly
codegen_flags: <defaults>
</compile_context>

<pallas_src>
import functools

import jax
import jax.numpy as jnp
from jax import lax
from jax.experimental import pallas as pl
from jax.experimental.pallas import tpu as pltpu
from jax.experimental.pallas import tpu_sc as plsc

HEADS = 16
KSEL = 9


def _qkv_kernel(x_ref, w_ref, q_ref, kv_ref):
    d = x_ref.shape[1]
    xb = x_ref[...].astype(jnp.bfloat16)
    acc = jnp.dot(xb, w_ref[...], preferred_element_type=jnp.float32)
    q_ref[...] = acc[:, :d]
    kbits = lax.bitcast_convert_type(acc[:, d : 2 * d], jnp.int32)
    vbits = lax.bitcast_convert_type(acc[:, 2 * d :], jnp.int32)
    kv_ref[...] = lax.shift_right_logical(kbits, 16) | (vbits & jnp.int32(-65536))


def _qkv_call(x2, wqkvT):
    g, d = x2.shape
    rows = 512
    return pl.pallas_call(
        _qkv_kernel,
        grid=(g // rows,),
        in_specs=[
            pl.BlockSpec((rows, d), lambda i: (i, 0)),
            pl.BlockSpec((d, 3 * d), lambda i: (0, 0)),
        ],
        out_specs=[
            pl.BlockSpec((rows, d), lambda i: (i, 0)),
            pl.BlockSpec((rows, d), lambda i: (i, 0)),
        ],
        out_shape=[
            jax.ShapeDtypeStruct((g, d), jnp.float32),
            jax.ShapeDtypeStruct((g, d), jnp.int32),
        ],
    )(x2, wqkvT)


def _topk_kernel(crow_ref, ccol_ref, nn_ref, *, goff):
    rb = crow_ref.shape[1]
    n = ccol_ref.shape[2]
    rx = crow_ref[0, :, 0:1]
    ry = crow_ref[0, :, 1:2]
    cx = ccol_ref[0, 0:1, :]
    cy = ccol_ref[0, 1:2, :]
    sqr = rx * rx + ry * ry
    sqc = cx * cx + cy * cy
    rxb = rx.astype(jnp.bfloat16).astype(jnp.float32)
    ryb = ry.astype(jnp.bfloat16).astype(jnp.float32)
    cxb = cx.astype(jnp.bfloat16).astype(jnp.float32)
    cyb = cy.astype(jnp.bfloat16).astype(jnp.float32)
    dot = rxb * cxb + ryb * cyb
    d2 = jnp.maximum((sqr + sqc) - 2.0 * dot, 0.0)
    coliota = lax.broadcasted_iota(jnp.int32, (rb, n), 1)
    bits = lax.bitcast_convert_type(d2, jnp.int32)
    keys = lax.bitcast_convert_type(
        ((bits + jnp.int32(1 << 23)) & jnp.int32(-4096)) | coliota, jnp.float32
    )
    big = jnp.float32(3.0e38)
    kmins = []
    for t in range(KSEL):
        kmin = jnp.min(keys, axis=1, keepdims=True)
        kmins.append(kmin)
        keys = jnp.where(keys == kmin, big, keys)
    kmat = jnp.concatenate(kmins, axis=1)
    idx = (lax.bitcast_convert_type(kmat, jnp.int32) & jnp.int32(4095)) + goff
    nn_ref[0, :, :] = jnp.transpose(idx, (1, 0))


def _topk_call(coords, coordsT, bi, off, rows):
    _, n, _ = coords.shape
    rb = 512
    grid = (rows // rb,)
    return pl.pallas_call(
        functools.partial(_topk_kernel, goff=bi * n),
        grid=grid,
        in_specs=[
            pl.BlockSpec((1, rb, 2), lambda j: (bi, off // rb + j, 0)),
            pl.BlockSpec((1, 2, n), lambda j: (bi, 0, 0)),
        ],
        out_specs=pl.BlockSpec((1, KSEL, rb), lambda j: (0, 0, j)),
        out_shape=jax.ShapeDtypeStruct((1, KSEL, rows), jnp.int32),
    )(coords, coordsT)


def _gather_call(kv, idx_flat):
    numi = idx_flat.shape[0]
    dkv = kv.shape[1]
    nw = 32
    b_per_w = numi // nw
    ch = 48
    nch = b_per_w // ch
    mesh = plsc.VectorSubcoreMesh(core_axis_name="c", subcore_axis_name="s")

    @functools.partial(
        pl.kernel,
        out_type=jax.ShapeDtypeStruct((numi, dkv), kv.dtype),
        mesh=mesh,
        scratch_types=[
            pltpu.VMEM((b_per_w,), jnp.int32),
            pltpu.VMEM((ch, dkv), kv.dtype),
            pltpu.VMEM((ch, dkv), kv.dtype),
            pltpu.SemaphoreType.DMA,
            pltpu.SemaphoreType.DMA,
        ],
    )
    def gk(kv_hbm, i_hbm, o_hbm, idx_v, rows0, rows1, sem0, sem1):
        wid = lax.axis_index("s") * 2 + lax.axis_index("c")
        base = wid * b_per_w
        pltpu.sync_copy(i_hbm.at[pl.ds(base, b_per_w)], idx_v)

        def fire(c, buf, sem):
            pltpu.async_copy(kv_hbm.at[idx_v.at[pl.ds(c * ch, ch)]], buf, sem)

        fire(0, rows0, sem0)

        @pl.loop(0, nch, step=2)
        def _(c):
            pltpu.make_async_copy(kv_hbm.at[pl.ds(0, ch)], rows0, sem0).wait()

            @pl.when(c + 1 < nch)
            def _():
                fire(c + 1, rows1, sem1)

            pltpu.sync_copy(rows0, o_hbm.at[pl.ds(base + c * ch, ch)])

            @pl.when(c + 1 < nch)
            def _():
                pltpu.make_async_copy(kv_hbm.at[pl.ds(0, ch)], rows1, sem1).wait()

                @pl.when(c + 2 < nch)
                def _():
                    fire(c + 2, rows0, sem0)

                pltpu.sync_copy(rows1, o_hbm.at[pl.ds(base + (c + 1) * ch, ch)])

    return gk(kv, idx_flat)


def _attn_kernel(q_ref, kv_ref, x_ref, wp_ref, bp_ref, o_ref):
    rd, d = q_ref.shape
    hd = d // HEADS
    q = q_ref[...]
    r1 = lax.broadcasted_iota(jnp.int32, (d, HEADS), 0)
    c1 = lax.broadcasted_iota(jnp.int32, (d, HEADS), 1)
    mhead = (r1 // hd == c1).astype(jnp.float32)
    r2 = lax.broadcasted_iota(jnp.int32, (HEADS, d), 0)
    c2 = lax.broadcasted_iota(jnp.int32, (HEADS, d), 1)
    mspread = (c2 // hd == r2).astype(jnp.float32)

    scale = jnp.float32(1.0 / (hd**0.5))
    logits = []
    for j in range(KSEL):
        kj = lax.bitcast_convert_type(kv_ref[j] << 16, jnp.float32)
        lj = jnp.dot(q * kj, mhead, preferred_element_type=jnp.float32)
        logits.append(lj * scale)
    m = logits[0]
    for j in range(1, KSEL):
        m = jnp.maximum(m, logits[j])
    exps = [jnp.exp(l - m) for l in logits]
    s = exps[0]
    for j in range(1, KSEL):
        s = s + exps[j]
    rs = 1.0 / s
    o = jnp.zeros((rd, d), jnp.float32)
    for j in range(KSEL):
        w = exps[j] * rs
        wexp = jnp.dot(w, mspread, preferred_element_type=jnp.float32)
        vj = lax.bitcast_convert_type(kv_ref[j] & jnp.int32(-65536), jnp.float32)
        o = o + wexp * vj
    g = 0.5 * o * (1.0 + lax.erf(o * jnp.float32(0.7071067811865476)))
    y = jnp.dot(g.astype(jnp.bfloat16), wp_ref[...], preferred_element_type=jnp.float32)
    o_ref[...] = x_ref[...] + y + bp_ref[...]


def _attn_call(q, kvnb3, x2, wpT, bp2, goff, rows):
    _, d = q.shape
    rd = 256
    co = goff // rd
    grid = (rows // rd,)
    return pl.pallas_call(
        _attn_kernel,
        grid=grid,
        in_specs=[
            pl.BlockSpec((rd, d), lambda i: (co + i, 0)),
            pl.BlockSpec((KSEL, rd, d), lambda i: (0, i, 0)),
            pl.BlockSpec((rd, d), lambda i: (co + i, 0)),
            pl.BlockSpec((d, d), lambda i: (0, 0)),
            pl.BlockSpec((1, d), lambda i: (0, 0)),
        ],
        out_specs=pl.BlockSpec((rd, d), lambda i: (i, 0)),
        out_shape=jax.ShapeDtypeStruct((rows, d), jnp.float32),
    )(q, kvnb3, x2, wpT, bp2)


def kernel(x, coords, Wqkv, Wp, bp):
    b, n, d = x.shape
    g = b * n
    x2 = x.reshape(g, d)
    wqkvT = Wqkv.T.astype(jnp.bfloat16)
    wpT = Wp.T.astype(jnp.bfloat16)
    bp2 = bp.reshape(1, d)
    coordsT = jnp.transpose(coords, (0, 2, 1))
    q, kv = _qkv_call(x2, wqkvT)
    rows = n // 2
    outs = []
    for bi in range(b):
        for off in range(0, n, rows):
            nn_c = _topk_call(coords, coordsT, bi, off, rows)
            kvnb_c = _gather_call(kv, nn_c.reshape(KSEL * rows))
            kvnb3 = kvnb_c.reshape(KSEL, rows, d)
            outs.append(_attn_call(q, kvnb3, x2, wpT, bp2, bi * n + off, rows))
    out = jnp.concatenate(outs, axis=0)
    return out.reshape(b, n, d)

# --- scband reference (transcript-rebuilt; emitter-appended) ---
"""Pipeline reference for scband-spatial-transcript-former-52072183497313 (READ-ONLY COPY).

The authoritative reference and input builder live on the scoring server;
editing this copy changes nothing except your own understanding.
"""

import jax, jax.numpy as jnp
import numpy as np

B, N, D = 2, 4096, 1024
HEADS = 16
K_NN = 8


def setup_inputs(seed: int = 0) -> dict:
    key = jax.random.key(seed)
    ks = jax.random.split(key, 5)
    x = jax.random.normal(ks[0], (B, N, D), dtype=jnp.float32)
    coords = jax.random.uniform(ks[1], (B, N, 2), dtype=jnp.float32) * 100.0
    Wqkv = jax.random.normal(ks[2], (3 * D, D), dtype=jnp.float32) * 0.02
    Wp = jax.random.normal(ks[3], (D, D), dtype=jnp.float32) * 0.02
    bp = jnp.zeros((D,), dtype=jnp.float32)
    return {"x": x, "coords": coords, "Wqkv": Wqkv, "Wp": Wp, "bp": bp}


def reference(x, coords, Wqkv, Wp, bp):
    b, n, d = x.shape
    heads = HEADS
    hd = d // heads
    k_actual = min(K_NN + 1, n)
    # torch.cdist (p=2) equivalent via expansion
    sq = jnp.sum(coords * coords, axis=-1)
    d2 = sq[:, :, None] + sq[:, None, :] - 2.0 * jnp.einsum('bnc,bmc->bnm', coords, coords)
    dist = jnp.sqrt(jnp.clip(d2, 0.0, None))
    _, nn_idx = jax.lax.top_k(-dist, k_actual)  # (B, N, kA)
    # gather neighbors: x_neighbors[b, i, j] = x[b, nn_idx[b, i, j]]
    x_neighbors = jax.vmap(lambda xb, ib: xb[ib])(x, nn_idx)  # (B, N, kA, D)
    qkv_center = x @ Wqkv.T  # (B, N, 3D)
    q_center = qkv_center[..., :d]
    qkv_neighbors = x_neighbors @ Wqkv.T  # (B, N, kA, 3D)
    k_neighbors = qkv_neighbors[..., d:2 * d]
    v_neighbors = qkv_neighbors[..., 2 * d:3 * d]
    q = q_center.reshape(b, n, heads, hd)[:, :, :, None, :]  # (B, N, H, 1, hd)
    kk = k_neighbors.reshape(b, n, k_actual, heads, hd).transpose(0, 1, 3, 2, 4)  # (B, N, H, kA, hd)
    vv = v_neighbors.reshape(b, n, k_actual, heads, hd).transpose(0, 1, 3, 2, 4)  # (B, N, H, kA, hd)
    attn = jnp.sum(q * kk, axis=-1) / (hd ** 0.5)  # (B, N, H, kA)
    attn = jax.nn.softmax(attn, axis=-1)
    out = jnp.sum(attn[..., None] * vv, axis=-2)  # (B, N, H, hd)
    out = out.reshape(b, n, d)
    out = jax.nn.gelu(out, approximate=False) @ Wp.T + bp
    return x + out

if __name__ == "__main__":
    import jax
    _d = setup_inputs()
    print(jax.jit(kernel)(*tuple(_d.values())))

</pallas_src>

<mosaic_0001>
#map = affine_map<(d0, d1) -> (0, 0)>
#map1 = affine_map<(d0, d1) -> (0)>
module attributes {stable_mosaic.version = 14 : i64} {
  func.func @gk(%arg0: i32, %arg1: i32, %arg2: memref<8192x1024xi32, #tpu.memory_space<hbm>>, %arg3: memref<18432xi32, #tpu.memory_space<hbm>>, %arg4: memref<18432x1024xi32, #tpu.memory_space<hbm>>, %arg5: memref<576xi32, #tpu.memory_space<vmem>>, %arg6: memref<48x1024xi32, #tpu.memory_space<vmem>>, %arg7: memref<48x1024xi32, #tpu.memory_space<vmem>>, %arg8: memref<!tpu.dma_semaphore, #tpu.memory_space<semaphore_mem>>, %arg9: memref<!tpu.dma_semaphore, #tpu.memory_space<semaphore_mem>>) attributes {dimension_semantics = [#tpu.dimension_semantics<core_parallel>, #tpu.dimension_semantics<subcore_parallel>], iteration_bounds = array<i64: 2, 16>, scalar_prefetch = 0 : i64, scratch_operands = 5 : i64, tpu.core_type = #tpu.core_type<sc_vector_subcore>, window_params = [{transform_indices = #map}, {transform_indices = #map1}, {transform_indices = #map}]} {
    %mul3A = arith.constant 2 : i32
    %mul3A_0 = arith.muli %arg1, %mul3A : i32
    %add3A = arith.addi %mul3A_0, %arg0 : i32
    %mul3A_1 = arith.constant 576 : i32
    %mul3A_2 = arith.muli %add3A, %mul3A_1 : i32
    "tpu.region"() ({
      %run_scoped3A = tpu.sem_alloc : memref<!tpu.dma_semaphore, #tpu.memory_space<semaphore_mem>>
      %dma_start3A_11 = tpu.memref_slice %arg3[%mul3A_2] : memref<18432xi32, #tpu.memory_space<hbm>> -> memref<576xi32, #tpu.memory_space<hbm>>
      %dma_start3A_12 = tpu.memref_slice %arg3[%mul3A_2] : memref<18432xi32, #tpu.memory_space<hbm>> -> memref<576xi32, #tpu.memory_space<hbm>>
      tpu.enqueue_dma source(%dma_start3A_12 : memref<576xi32, #tpu.memory_space<hbm>>) target(%arg5 : memref<576xi32, #tpu.memory_space<vmem>>) target_semaphore(%run_scoped3A : memref<!tpu.dma_semaphore, #tpu.memory_space<semaphore_mem>>)
      %dma_wait3A = tpu.memref_slice %arg3[%mul3A_2] : memref<18432xi32, #tpu.memory_space<hbm>> -> memref<576xi32, #tpu.memory_space<hbm>>
      %dma_wait3A_13 = tpu.memref_slice %arg3[%mul3A_2] : memref<18432xi32, #tpu.memory_space<hbm>> -> memref<576xi32, #tpu.memory_space<hbm>>
      tpu.wait_dma2 semaphore(%run_scoped3A : memref<!tpu.dma_semaphore, #tpu.memory_space<semaphore_mem>>) src(%dma_wait3A_13 : memref<576xi32, #tpu.memory_space<hbm>>) dst(%arg5 : memref<576xi32, #tpu.memory_space<vmem>>)
      tpu.yield
    }) : () -> ()
    %dma_start3A = arith.constant 0 : i32
    %dma_start3A_3 = tpu.memref_slice %arg5[%dma_start3A] : memref<576xi32, #tpu.memory_space<vmem>> -> memref<48xi32, #tpu.memory_space<vmem>>
    %dma_start3A_4 = arith.constant 0 : i32
    %dma_start3A_5 = arith.constant 0 : i32
    %dma_start3A_6 = tpu.memref_slice %arg2[%dma_start3A_4, %dma_start3A_5] : memref<8192x1024xi32, #tpu.memory_space<hbm>> -> memref<8192x1024xi32, #tpu.memory_space<hbm>>
    tpu.enqueue_indirect_dma source(%dma_start3A_6 : memref<8192x1024xi32, #tpu.memory_space<hbm>>) target(%arg6 : memref<48x1024xi32, #tpu.memory_space<vmem>>) offsets(%dma_start3A_3 : memref<48xi32, #tpu.memory_space<vmem>>) semaphore(%arg8 : memref<!tpu.dma_semaphore, #tpu.memory_space<semaphore_mem>>)
    %scan3A = arith.constant 0 : i32
    %scan3A_7 = arith.constant 6 : i32
    %scan3A_8 = arith.addi %scan3A, %scan3A_7 : i32
    %scan3A_9 = arith.constant 1 : i32
    scf.for %scan3A_11 = %scan3A to %scan3A_8 step %scan3A_9  : i32 {
      %mul3A_12 = arith.constant 2 : i32
      %mul3A_13 = arith.muli %scan3A_11, %mul3A_12 : i32
      %add3A_14 = arith.constant 0 : i32
      %add3A_15 = arith.addi %add3A_14, %mul3A_13 : i32
      %dma_wait3A = arith.constant 0 : i32
      %dma_wait3A_16 = arith.constant 0 : i32
      %dma_wait3A_17 = tpu.memref_slice %arg2[%dma_wait3A, %dma_wait3A_16] : memref<8192x1024xi32, #tpu.memory_space<hbm>> -> memref<48x1024xi32, #tpu.memory_space<hbm>>
      %dma_wait3A_18 = arith.constant 0 : i32
      %dma_wait3A_19 = arith.constant 0 : i32
      %dma_wait3A_20 = tpu.memref_slice %arg2[%dma_wait3A_18, %dma_wait3A_19] : memref<8192x1024xi32, #tpu.memory_space<hbm>> -> memref<48x1024xi32, #tpu.memory_space<hbm>>
      tpu.wait_dma2 semaphore(%arg8 : memref<!tpu.dma_semaphore, #tpu.memory_space<semaphore_mem>>) src(%dma_wait3A_20 : memref<48x1024xi32, #tpu.memory_space<hbm>>) dst(%arg6 : memref<48x1024xi32, #tpu.memory_space<vmem>>)
      %add3A_21 = arith.constant 1 : i32
      %add3A_22 = arith.addi %add3A_15, %add3A_21 : i32
      %lt3A = arith.constant 12 : i32
      %lt3A_23 = arith.cmpi slt, %add3A_22, %lt3A : i32
      %convert_element_type3A = arith.extui %lt3A_23 : i1 to i32
      %cond3A = arith.constant 0 : i32
      %cond3A_24 = arith.cmpi ne, %convert_element_type3A, %cond3A : i32
      scf.if %cond3A_24 {
        %add3A_35 = arith.constant 1 : i32
        %add3A_36 = arith.addi %add3A_15, %add3A_35 : i32
        %mul3A_37 = arith.constant 48 : i32
        %mul3A_38 = arith.muli %add3A_36, %mul3A_37 : i32
        %dma_start3A_39 = tpu.memref_slice %arg5[%mul3A_38] : memref<576xi32, #tpu.memory_space<vmem>> -> memref<48xi32, #tpu.memory_space<vmem>>
        %dma_start3A_40 = arith.constant 0 : i32
        %dma_start3A_41 = arith.constant 0 : i32
        %dma_start3A_42 = tpu.memref_slice %arg2[%dma_start3A_40, %dma_start3A_41] : memref<8192x1024xi32, #tpu.memory_space<hbm>> -> memref<8192x1024xi32, #tpu.memory_space<hbm>>
        tpu.enqueue_indirect_dma source(%dma_start3A_42 : memref<8192x1024xi32, #tpu.memory_space<hbm>>) target(%arg7 : memref<48x1024xi32, #tpu.memory_space<vmem>>) offsets(%dma_start3A_39 : memref<48xi32, #tpu.memory_space<vmem>>) semaphore(%arg9 : memref<!tpu.dma_semaphore, #tpu.memory_space<semaphore_mem>>)
      } else {
      }
      %mul3A_25 = arith.constant 48 : i32
      %mul3A_26 = arith.muli %add3A_15, %mul3A_25 : i32
      %add3A_27 = arith.addi %mul3A_2, %mul3A_26 : i32
      "tpu.region"() ({
        %run_scoped3A = tpu.sem_alloc : memref<!tpu.dma_semaphore, #tpu.memory_space<semaphore_mem>>
        %dma_start3A_35 = arith.constant 0 : i32
        %dma_start3A_36 = tpu.memref_slice %arg4[%add3A_27, %dma_start3A_35] : memref<18432x1024xi32, #tpu.memory_space<hbm>> -> memref<48x1024xi32, #tpu.memory_space<hbm>>
        %dma_start3A_37 = arith.constant 0 : i32
        %dma_start3A_38 = tpu.memref_slice %arg4[%add3A_27, %dma_start3A_37] : memref<18432x1024xi32, #tpu.memory_space<hbm>> -> memref<48x1024xi32, #tpu.memory_space<hbm>>
        tpu.enqueue_dma source(%arg6 : memref<48x1024xi32, #tpu.memory_space<vmem>>) target(%dma_start3A_38 : memref<48x1024xi32, #tpu.memory_space<hbm>>) target_semaphore(%run_scoped3A : memref<!tpu.dma_semaphore, #tpu.memory_space<semaphore_mem>>)
        %dma_wait3A_39 = arith.constant 0 : i32
        %dma_wait3A_40 = tpu.memref_slice %arg4[%add3A_27, %dma_wait3A_39] : memref<18432x1024xi32, #tpu.memory_space<hbm>> -> memref<48x1024xi32, #tpu.memory_space<hbm>>
        %dma_wait3A_41 = arith.constant 0 : i32
        %dma_wait3A_42 = tpu.memref_slice %arg4[%add3A_27, %dma_wait3A_41] : memref<18432x1024xi32, #tpu.memory_space<hbm>> -> memref<48x1024xi32, #tpu.memory_space<hbm>>
        tpu.wait_dma2 semaphore(%run_scoped3A : memref<!tpu.dma_semaphore, #tpu.memory_space<semaphore_mem>>) src(%arg6 : memref<48x1024xi32, #tpu.memory_space<vmem>>) dst(%dma_wait3A_42 : memref<48x1024xi32, #tpu.memory_space<hbm>>)
        tpu.yield
      }) : () -> ()
      %add3A_28 = arith.constant 1 : i32
      %add3A_29 = arith.addi %add3A_15, %add3A_28 : i32
      %lt3A_30 = arith.constant 12 : i32
      %lt3A_31 = arith.cmpi slt, %add3A_29, %lt3A_30 : i32
      %convert_element_type3A_32 = arith.extui %lt3A_31 : i1 to i32
      %cond3A_33 = arith.constant 0 : i32
      %cond3A_34 = arith.cmpi ne, %convert_element_type3A_32, %cond3A_33 : i32
      scf.if %cond3A_34 {
        %dma_wait3A_35 = arith.constant 0 : i32
        %dma_wait3A_36 = arith.constant 0 : i32
        %dma_wait3A_37 = tpu.memref_slice %arg2[%dma_wait3A_35, %dma_wait3A_36] : memref<8192x1024xi32, #tpu.memory_space<hbm>> -> memref<48x1024xi32, #tpu.memory_space<hbm>>
        %dma_wait3A_38 = arith.constant 0 : i32
        %dma_wait3A_39 = arith.constant 0 : i32
        %dma_wait3A_40 = tpu.memref_slice %arg2[%dma_wait3A_38, %dma_wait3A_39] : memref<8192x1024xi32, #tpu.memory_space<hbm>> -> memref<48x1024xi32, #tpu.memory_space<hbm>>
        tpu.wait_dma2 semaphore(%arg9 : memref<!tpu.dma_semaphore, #tpu.memory_space<semaphore_mem>>) src(%dma_wait3A_40 : memref<48x1024xi32, #tpu.memory_space<hbm>>) dst(%arg7 : memref<48x1024xi32, #tpu.memory_space<vmem>>)
        %add3A_41 = arith.constant 2 : i32
        %add3A_42 = arith.addi %add3A_15, %add3A_41 : i32
        %lt3A_43 = arith.constant 12 : i32
        %lt3A_44 = arith.cmpi slt, %add3A_42, %lt3A_43 : i32
        %convert_element_type3A_45 = arith.extui %lt3A_44 : i1 to i32
        %cond3A_46 = arith.constant 0 : i32
        %cond3A_47 = arith.cmpi ne, %convert_element_type3A_45, %cond3A_46 : i32
        scf.if %cond3A_47 {
          %add3A_53 = arith.constant 2 : i32
          %add3A_54 = arith.addi %add3A_15, %add3A_53 : i32
          %mul3A_55 = arith.constant 48 : i32
          %mul3A_56 = arith.muli %add3A_54, %mul3A_55 : i32
          %dma_start3A_57 = tpu.memref_slice %arg5[%mul3A_56] : memref<576xi32, #tpu.memory_space<vmem>> -> memref<48xi32, #tpu.memory_space<vmem>>
          %dma_start3A_58 = arith.constant 0 : i32
          %dma_start3A_59 = arith.constant 0 : i32
          %dma_start3A_60 = tpu.memref_slice %arg2[%dma_start3A_58, %dma_start3A_59] : memref<8192x1024xi32, #tpu.memory_space<hbm>> -> memref<8192x1024xi32, #tpu.memory_space<hbm>>
          tpu.enqueue_indirect_dma source(%dma_start3A_60 : memref<8192x1024xi32, #tpu.memory_space<hbm>>) target(%arg6 : memref<48x1024xi32, #tpu.memory_space<vmem>>) offsets(%dma_start3A_57 : memref<48xi32, #tpu.memory_space<vmem>>) semaphore(%arg8 : memref<!tpu.dma_semaphore, #tpu.memory_space<semaphore_mem>>)
        } else {
        }
        %add3A_48 = arith.constant 1 : i32
        %add3A_49 = arith.addi %add3A_15, %add3A_48 : i32
        %mul3A_50 = arith.constant 48 : i32
        %mul3A_51 = arith.muli %add3A_49, %mul3A_50 : i32
        %add3A_52 = arith.addi %mul3A_2, %mul3A_51 : i32
        "tpu.region"() ({
          %run_scoped3A = tpu.sem_alloc : memref<!tpu.dma_semaphore, #tpu.memory_space<semaphore_mem>>
          %dma_start3A_53 = arith.constant 0 : i32
          %dma_start3A_54 = tpu.memref_slice %arg4[%add3A_52, %dma_start3A_53] : memref<18432x1024xi32, #tpu.memory_space<hbm>> -> memref<48x1024xi32, #tpu.memory_space<hbm>>
          %dma_start3A_55 = arith.constant 0 : i32
          %dma_start3A_56 = tpu.memref_slice %arg4[%add3A_52, %dma_start3A_55] : memref<18432x1024xi32, #tpu.memory_space<hbm>> -> memref<48x1024xi32, #tpu.memory_space<hbm>>
          tpu.enqueue_dma source(%arg7 : memref<48x1024xi32, #tpu.memory_space<vmem>>) target(%dma_start3A_56 : memref<48x1024xi32, #tpu.memory_space<hbm>>) target_semaphore(%run_scoped3A : memref<!tpu.dma_semaphore, #tpu.memory_space<semaphore_mem>>)
          %dma_wait3A_57 = arith.constant 0 : i32
          %dma_wait3A_58 = tpu.memref_slice %arg4[%add3A_52, %dma_wait3A_57] : memref<18432x1024xi32, #tpu.memory_space<hbm>> -> memref<48x1024xi32, #tpu.memory_space<hbm>>
          %dma_wait3A_59 = arith.constant 0 : i32
          %dma_wait3A_60 = tpu.memref_slice %arg4[%add3A_52, %dma_wait3A_59] : memref<18432x1024xi32, #tpu.memory_space<hbm>> -> memref<48x1024xi32, #tpu.memory_space<hbm>>
          tpu.wait_dma2 semaphore(%run_scoped3A : memref<!tpu.dma_semaphore, #tpu.memory_space<semaphore_mem>>) src(%arg7 : memref<48x1024xi32, #tpu.memory_space<vmem>>) dst(%dma_wait3A_60 : memref<48x1024xi32, #tpu.memory_space<hbm>>)
          tpu.yield
        }) : () -> ()
      } else {
      }
    }
    %scan3A_10 = arith.constant 6 : i32
    return
  }
}

#map = affine_map<(d0, d1) -> (0, 0)>
#map1 = affine_map<(d0, d1) -> (0)>
module attributes {stable_mosaic.version = 14 : i64} {
  func.func @gk(%arg0: i32, %arg1: i32, %arg2: memref<8192x1024xi32, #tpu.memory_space<hbm>>, %arg3: memref<18432xi32, #tpu.memory_space<hbm>>, %arg4: memref<18432x1024xi32, #tpu.memory_space<hbm>>, %arg5: memref<576xi32, #tpu.memory_space<vmem>>, %arg6: memref<48x1024xi32, #tpu.memory_space<vmem>>, %arg7: memref<48x1024xi32, #tpu.memory_space<vmem>>, %arg8: memref<!tpu.dma_semaphore, #tpu.memory_space<semaphore_mem>>, %arg9: memref<!tpu.dma_semaphore, #tpu.memory_space<semaphore_mem>>) attributes {dimension_semantics = [#tpu.dimension_semantics<core_parallel>, #tpu.dimension_semantics<subcore_parallel>], iteration_bounds = array<i64: 2, 16>, scalar_prefetch = 0 : i64, scratch_operands = 5 : i64, tpu.core_type = #tpu.core_type<sc_vector_subcore>, window_params = [{transform_indices = #map}, {transform_indices = #map1}, {transform_indices = #map}]} {
    %mul3A = arith.constant 2 : i32
    %mul3A_0 = arith.muli %arg1, %mul3A : i32
    %add3A = arith.addi %mul3A_0, %arg0 : i32
    %mul3A_1 = arith.constant 576 : i32
    %mul3A_2 = arith.muli %add3A, %mul3A_1 : i32
    "tpu.region"() ({
      %run_scoped3A = tpu.sem_alloc : memref<!tpu.dma_semaphore, #tpu.memory_space<semaphore_mem>>
      %dma_start3A_11 = tpu.memref_slice %arg3[%mul3A_2] : memref<18432xi32, #tpu.memory_space<hbm>> -> memref<576xi32, #tpu.memory_space<hbm>>
      %dma_start3A_12 = tpu.memref_slice %arg3[%mul3A_2] : memref<18432xi32, #tpu.memory_space<hbm>> -> memref<576xi32, #tpu.memory_space<hbm>>
      tpu.enqueue_dma source(%dma_start3A_12 : memref<576xi32, #tpu.memory_space<hbm>>) target(%arg5 : memref<576xi32, #tpu.memory_space<vmem>>) target_semaphore(%run_scoped3A : memref<!tpu.dma_semaphore, #tpu.memory_space<semaphore_mem>>)
      %dma_wait3A = tpu.memref_slice %arg3[%mul3A_2] : memref<18432xi32, #tpu.memory_space<hbm>> -> memref<576xi32, #tpu.memory_space<hbm>>
      %dma_wait3A_13 = tpu.memref_slice %arg3[%mul3A_2] : memref<18432xi32, #tpu.memory_space<hbm>> -> memref<576xi32, #tpu.memory_space<hbm>>
      tpu.wait_dma2 semaphore(%run_scoped3A : memref<!tpu.dma_semaphore, #tpu.memory_space<semaphore_mem>>) src(%dma_wait3A_13 : memref<576xi32, #tpu.memory_space<hbm>>) dst(%arg5 : memref<576xi32, #tpu.memory_space<vmem>>)
      tpu.yield
    }) : () -> ()
    %dma_start3A = arith.constant 0 : i32
    %dma_start3A_3 = tpu.memref_slice %arg5[%dma_start3A] : memref<576xi32, #tpu.memory_space<vmem>> -> memref<48xi32, #tpu.memory_space<vmem>>
    %dma_start3A_4 = arith.constant 0 : i32
    %dma_start3A_5 = arith.constant 0 : i32
    %dma_start3A_6 = tpu.memref_slice %arg2[%dma_start3A_4, %dma_start3A_5] : memref<8192x1024xi32, #tpu.memory_space<hbm>> -> memref<8192x1024xi32, #tpu.memory_space<hbm>>
    tpu.enqueue_indirect_dma source(%dma_start3A_6 : memref<8192x1024xi32, #tpu.memory_space<hbm>>) target(%arg6 : memref<48x1024xi32, #tpu.memory_space<vmem>>) offsets(%dma_start3A_3 : memref<48xi32, #tpu.memory_space<vmem>>) semaphore(%arg8 : memref<!tpu.dma_semaphore, #tpu.memory_space<semaphore_mem>>)
    %scan3A = arith.constant 0 : i32
    %scan3A_7 = arith.constant 6 : i32
    %scan3A_8 = arith.addi %scan3A, %scan3A_7 : i32
    %scan3A_9 = arith.constant 1 : i32
    scf.for %scan3A_11 = %scan3A to %scan3A_8 step %scan3A_9  : i32 {
      %mul3A_12 = arith.constant 2 : i32
      %mul3A_13 = arith.muli %scan3A_11, %mul3A_12 : i32
      %add3A_14 = arith.constant 0 : i32
      %add3A_15 = arith.addi %add3A_14, %mul3A_13 : i32
      %dma_wait3A = arith.constant 0 : i32
      %dma_wait3A_16 = arith.constant 0 : i32
      %dma_wait3A_17 = tpu.memref_slice %arg2[%dma_wait3A, %dma_wait3A_16] : memref<8192x1024xi32, #tpu.memory_space<hbm>> -> memref<48x1024xi32, #tpu.memory_space<hbm>>
      %dma_wait3A_18 = arith.constant 0 : i32
      %dma_wait3A_19 = arith.constant 0 : i32
      %dma_wait3A_20 = tpu.memref_slice %arg2[%dma_wait3A_18, %dma_wait3A_19] : memref<8192x1024xi32, #tpu.memory_space<hbm>> -> memref<48x1024xi32, #tpu.memory_space<hbm>>
      tpu.wait_dma2 semaphore(%arg8 : memref<!tpu.dma_semaphore, #tpu.memory_space<semaphore_mem>>) src(%dma_wait3A_20 : memref<48x1024xi32, #tpu.memory_space<hbm>>) dst(%arg6 : memref<48x1024xi32, #tpu.memory_space<vmem>>)
      %add3A_21 = arith.constant 1 : i32
      %add3A_22 = arith.addi %add3A_15, %add3A_21 : i32
      %lt3A = arith.constant 12 : i32
      %lt3A_23 = arith.cmpi slt, %add3A_22, %lt3A : i32
      %convert_element_type3A = arith.extui %lt3A_23 : i1 to i32
      %cond3A = arith.constant 0 : i32
      %cond3A_24 = arith.cmpi ne, %convert_element_type3A, %cond3A : i32
      scf.if %cond3A_24 {
        %add3A_35 = arith.constant 1 : i32
        %add3A_36 = arith.addi %add3A_15, %add3A_35 : i32
        %mul3A_37 = arith.constant 48 : i32
        %mul3A_38 = arith.muli %add3A_36, %mul3A_37 : i32
        %dma_start3A_39 = tpu.memref_slice %arg5[%mul3A_38] : memref<576xi32, #tpu.memory_space<vmem>> -> memref<48xi32, #tpu.memory_space<vmem>>
        %dma_start3A_40 = arith.constant 0 : i32
        %dma_start3A_41 = arith.constant 0 : i32
        %dma_start3A_42 = tpu.memref_slice %arg2[%dma_start3A_40, %dma_start3A_41] : memref<8192x1024xi32, #tpu.memory_space<hbm>> -> memref<8192x1024xi32, #tpu.memory_space<hbm>>
        tpu.enqueue_indirect_dma source(%dma_start3A_42 : memref<8192x1024xi32, #tpu.memory_space<hbm>>) target(%arg7 : memref<48x1024xi32, #tpu.memory_space<vmem>>) offsets(%dma_start3A_39 : memref<48xi32, #tpu.memory_space<vmem>>) semaphore(%arg9 : memref<!tpu.dma_semaphore, #tpu.memory_space<semaphore_mem>>)
      } else {
      }
      %mul3A_25 = arith.constant 48 : i32
      %mul3A_26 = arith.muli %add3A_15, %mul3A_25 : i32
      %add3A_27 = arith.addi %mul3A_2, %mul3A_26 : i32
      "tpu.region"() ({
        %run_scoped3A = tpu.sem_alloc : memref<!tpu.dma_semaphore, #tpu.memory_space<semaphore_mem>>
        %dma_start3A_35 = arith.constant 0 : i32
        %dma_start3A_36 = tpu.memref_slice %arg4[%add3A_27, %dma_start3A_35] : memref<18432x1024xi32, #tpu.memory_space<hbm>> -> memref<48x1024xi32, #tpu.memory_space<hbm>>
        %dma_start3A_37 = arith.constant 0 : i32
        %dma_start3A_38 = tpu.memref_slice %arg4[%add3A_27, %dma_start3A_37] : memref<18432x1024xi32, #tpu.memory_space<hbm>> -> memref<48x1024xi32, #tpu.memory_space<hbm>>
        tpu.enqueue_dma source(%arg6 : memref<48x1024xi32, #tpu.memory_space<vmem>>) target(%dma_start3A_38 : memref<48x1024xi32, #tpu.memory_space<hbm>>) target_semaphore(%run_scoped3A : memref<!tpu.dma_semaphore, #tpu.memory_space<semaphore_mem>>)
        %dma_wait3A_39 = arith.constant 0 : i32
        %dma_wait3A_40 = tpu.memref_slice %arg4[%add3A_27, %dma_wait3A_39] : memref<18432x1024xi32, #tpu.memory_space<hbm>> -> memref<48x1024xi32, #tpu.memory_space<hbm>>
        %dma_wait3A_41 = arith.constant 0 : i32
        %dma_wait3A_42 = tpu.memref_slice %arg4[%add3A_27, %dma_wait3A_41] : memref<18432x1024xi32, #tpu.memory_space<hbm>> -> memref<48x1024xi32, #tpu.memory_space<hbm>>
        tpu.wait_dma2 semaphore(%run_scoped3A : memref<!tpu.dma_semaphore, #tpu.memory_space<semaphore_mem>>) src(%arg6 : memref<48x1024xi32, #tpu.memory_space<vmem>>) dst(%dma_wait3A_42 : memref<48x1024xi32, #tpu.memory_space<hbm>>)
        tpu.yield
      }) : () -> ()
      %add3A_28 = arith.constant 1 : i32
      %add3A_29 = arith.addi %add3A_15, %add3A_28 : i32
      %lt3A_30 = arith.constant 12 : i32
      %lt3A_31 = arith.cmpi slt, %add3A_29, %lt3A_30 : i32
      %convert_element_type3A_32 = arith.extui %lt3A_31 : i1 to i32
      %cond3A_33 = arith.constant 0 : i32
      %cond3A_34 = arith.cmpi ne, %convert_element_type3A_32, %cond3A_33 : i32
      scf.if %cond3A_34 {
        %dma_wait3A_35 = arith.constant 0 : i32
        %dma_wait3A_36 = arith.constant 0 : i32
        %dma_wait3A_37 = tpu.memref_slice %arg2[%dma_wait3A_35, %dma_wait3A_36] : memref<8192x1024xi32, #tpu.memory_space<hbm>> -> memref<48x1024xi32, #tpu.memory_space<hbm>>
        %dma_wait3A_38 = arith.constant 0 : i32
        %dma_wait3A_39 = arith.constant 0 : i32
        %dma_wait3A_40 = tpu.memref_slice %arg2[%dma_wait3A_38, %dma_wait3A_39] : memref<8192x1024xi32, #tpu.memory_space<hbm>> -> memref<48x1024xi32, #tpu.memory_space<hbm>>
        tpu.wait_dma2 semaphore(%arg9 : memref<!tpu.dma_semaphore, #tpu.memory_space<semaphore_mem>>) src(%dma_wait3A_40 : memref<48x1024xi32, #tpu.memory_space<hbm>>) dst(%arg7 : memref<48x1024xi32, #tpu.memory_space<vmem>>)
        %add3A_41 = arith.constant 2 : i32
        %add3A_42 = arith.addi %add3A_15, %add3A_41 : i32
        %lt3A_43 = arith.constant 12 : i32
        %lt3A_44 = arith.cmpi slt, %add3A_42, %lt3A_43 : i32
        %convert_element_type3A_45 = arith.extui %lt3A_44 : i1 to i32
        %cond3A_46 = arith.constant 0 : i32
        %cond3A_47 = arith.cmpi ne, %convert_element_type3A_45, %cond3A_46 : i32
        scf.if %cond3A_47 {
          %add3A_53 = arith.constant 2 : i32
          %add3A_54 = arith.addi %add3A_15, %add3A_53 : i32
          %mul3A_55 = arith.constant 48 : i32
          %mul3A_56 = arith.muli %add3A_54, %mul3A_55 : i32
          %dma_start3A_57 = tpu.memref_slice %arg5[%mul3A_56] : memref<576xi32, #tpu.memory_space<vmem>> -> memref<48xi32, #tpu.memory_space<vmem>>
          %dma_start3A_58 = arith.constant 0 : i32
          %dma_start3A_59 = arith.constant 0 : i32
          %dma_start3A_60 = tpu.memref_slice %arg2[%dma_start3A_58, %dma_start3A_59] : memref<8192x1024xi32, #tpu.memory_space<hbm>> -> memref<8192x1024xi32, #tpu.memory_space<hbm>>
          tpu.enqueue_indirect_dma source(%dma_start3A_60 : memref<8192x1024xi32, #tpu.memory_space<hbm>>) target(%arg6 : memref<48x1024xi32, #tpu.memory_space<vmem>>) offsets(%dma_start3A_57 : memref<48xi32, #tpu.memory_space<vmem>>) semaphore(%arg8 : memref<!tpu.dma_semaphore, #tpu.memory_space<semaphore_mem>>)
        } else {
        }
        %add3A_48 = arith.constant 1 : i32
        %add3A_49 = arith.addi %add3A_15, %add3A_48 : i32
        %mul3A_50 = arith.constant 48 : i32
        %mul3A_51 = arith.muli %add3A_49, %mul3A_50 : i32
        %add3A_52 = arith.addi %mul3A_2, %mul3A_51 : i32
        "tpu.region"() ({
          %run_scoped3A = tpu.sem_alloc : memref<!tpu.dma_semaphore, #tpu.memory_space<semaphore_mem>>
          %dma_start3A_53 = arith.constant 0 : i32
          %dma_start3A_54 = tpu.memref_slice %arg4[%add3A_52, %dma_start3A_53] : memref<18432x1024xi32, #tpu.memory_space<hbm>> -> memref<48x1024xi32, #tpu.memory_space<hbm>>
          %dma_start3A_55 = arith.constant 0 : i32
          %dma_start3A_56 = tpu.memref_slice %arg4[%add3A_52, %dma_start3A_55] : memref<18432x1024xi32, #tpu.memory_space<hbm>> -> memref<48x1024xi32, #tpu.memory_space<hbm>>
          tpu.enqueue_dma source(%arg7 : memref<48x1024xi32, #tpu.memory_space<vmem>>) target(%dma_start3A_56 : memref<48x1024xi32, #tpu.memory_space<hbm>>) target_semaphore(%run_scoped3A : memref<!tpu.dma_semaphore, #tpu.memory_space<semaphore_mem>>)
          %dma_wait3A_57 = arith.constant 0 : i32
          %dma_wait3A_58 = tpu.memref_slice %arg4[%add3A_52, %dma_wait3A_57] : memref<18432x1024xi32, #tpu.memory_space<hbm>> -> memref<48x1024xi32, #tpu.memory_space<hbm>>
          %dma_wait3A_59 = arith.constant 0 : i32
          %dma_wait3A_60 = tpu.memref_slice %arg4[%add3A_52, %dma_wait3A_59] : memref<18432x1024xi32, #tpu.memory_space<hbm>> -> memref<48x1024xi32, #tpu.memory_space<hbm>>
          tpu.wait_dma2 semaphore(%run_scoped3A : memref<!tpu.dma_semaphore, #tpu.memory_space<semaphore_mem>>) src(%arg7 : memref<48x1024xi32, #tpu.memory_space<vmem>>) dst(%dma_wait3A_60 : memref<48x1024xi32, #tpu.memory_space<hbm>>)
          tpu.yield
        }) : () -> ()
      } else {
      }
    }
    %scan3A_10 = arith.constant 6 : i32
    return
  }
}

#map = affine_map<(d0, d1) -> (0, 0)>
#map1 = affine_map<(d0, d1) -> (0)>
module attributes {stable_mosaic.version = 14 : i64} {
  func.func @gk(%arg0: i32, %arg1: i32, %arg2: memref<8192x1024xi32, #tpu.memory_space<hbm>>, %arg3: memref<18432xi32, #tpu.memory_space<hbm>>, %arg4: memref<18432x1024xi32, #tpu.memory_space<hbm>>, %arg5: memref<576xi32, #tpu.memory_space<vmem>>, %arg6: memref<48x1024xi32, #tpu.memory_space<vmem>>, %arg7: memref<48x1024xi32, #tpu.memory_space<vmem>>, %arg8: memref<!tpu.dma_semaphore, #tpu.memory_space<semaphore_mem>>, %arg9: memref<!tpu.dma_semaphore, #tpu.memory_space<semaphore_mem>>) attributes {dimension_semantics = [#tpu.dimension_semantics<core_parallel>, #tpu.dimension_semantics<subcore_parallel>], iteration_bounds = array<i64: 2, 16>, scalar_prefetch = 0 : i64, scratch_operands = 5 : i64, tpu.core_type = #tpu.core_type<sc_vector_subcore>, window_params = [{transform_indices = #map}, {transform_indices = #map1}, {transform_indices = #map}]} {
    %mul3A = arith.constant 2 : i32
    %mul3A_0 = arith.muli %arg1, %mul3A : i32
    %add3A = arith.addi %mul3A_0, %arg0 : i32
    %mul3A_1 = arith.constant 576 : i32
    %mul3A_2 = arith.muli %add3A, %mul3A_1 : i32
    "tpu.region"() ({
      %run_scoped3A = tpu.sem_alloc : memref<!tpu.dma_semaphore, #tpu.memory_space<semaphore_mem>>
      %dma_start3A_11 = tpu.memref_slice %arg3[%mul3A_2] : memref<18432xi32, #tpu.memory_space<hbm>> -> memref<576xi32, #tpu.memory_space<hbm>>
      %dma_start3A_12 = tpu.memref_slice %arg3[%mul3A_2] : memref<18432xi32, #tpu.memory_space<hbm>> -> memref<576xi32, #tpu.memory_space<hbm>>
      tpu.enqueue_dma source(%dma_start3A_12 : memref<576xi32, #tpu.memory_space<hbm>>) target(%arg5 : memref<576xi32, #tpu.memory_space<vmem>>) target_semaphore(%run_scoped3A : memref<!tpu.dma_semaphore, #tpu.memory_space<semaphore_mem>>)
      %dma_wait3A = tpu.memref_slice %arg3[%mul3A_2] : memref<18432xi32, #tpu.memory_space<hbm>> -> memref<576xi32, #tpu.memory_space<hbm>>
      %dma_wait3A_13 = tpu.memref_slice %arg3[%mul3A_2] : memref<18432xi32, #tpu.memory_space<hbm>> -> memref<576xi32, #tpu.memory_space<hbm>>
      tpu.wait_dma2 semaphore(%run_scoped3A : memref<!tpu.dma_semaphore, #tpu.memory_space<semaphore_mem>>) src(%dma_wait3A_13 : memref<576xi32, #tpu.memory_space<hbm>>) dst(%arg5 : memref<576xi32, #tpu.memory_space<vmem>>)
      tpu.yield
    }) : () -> ()
    %dma_start3A = arith.constant 0 : i32
    %dma_start3A_3 = tpu.memref_slice %arg5[%dma_start3A] : memref<576xi32, #tpu.memory_space<vmem>> -> memref<48xi32, #tpu.memory_space<vmem>>
    %dma_start3A_4 = arith.constant 0 : i32
    %dma_start3A_5 = arith.constant 0 : i32
    %dma_start3A_6 = tpu.memref_slice %arg2[%dma_start3A_4, %dma_start3A_5] : memref<8192x1024xi32, #tpu.memory_space<hbm>> -> memref<8192x1024xi32, #tpu.memory_space<hbm>>
    tpu.enqueue_indirect_dma source(%dma_start3A_6 : memref<8192x1024xi32, #tpu.memory_space<hbm>>) target(%arg6 : memref<48x1024xi32, #tpu.memory_space<vmem>>) offsets(%dma_start3A_3 : memref<48xi32, #tpu.memory_space<vmem>>) semaphore(%arg8 : memref<!tpu.dma_semaphore, #tpu.memory_space<semaphore_mem>>)
    %scan3A = arith.constant 0 : i32
    %scan3A_7 = arith.constant 6 : i32
    %scan3A_8 = arith.addi %scan3A, %scan3A_7 : i32
    %scan3A_9 = arith.constant 1 : i32
    scf.for %scan3A_11 = %scan3A to %scan3A_8 step %scan3A_9  : i32 {
      %mul3A_12 = arith.constant 2 : i32
      %mul3A_13 = arith.muli %scan3A_11, %mul3A_12 : i32
      %add3A_14 = arith.constant 0 : i32
      %add3A_15 = arith.addi %add3A_14, %mul3A_13 : i32
      %dma_wait3A = arith.constant 0 : i32
      %dma_wait3A_16 = arith.constant 0 : i32
      %dma_wait3A_17 = tpu.memref_slice %arg2[%dma_wait3A, %dma_wait3A_16] : memref<8192x1024xi32, #tpu.memory_space<hbm>> -> memref<48x1024xi32, #tpu.memory_space<hbm>>
      %dma_wait3A_18 = arith.constant 0 : i32
      %dma_wait3A_19 = arith.constant 0 : i32
      %dma_wait3A_20 = tpu.memref_slice %arg2[%dma_wait3A_18, %dma_wait3A_19] : memref<8192x1024xi32, #tpu.memory_space<hbm>> -> memref<48x1024xi32, #tpu.memory_space<hbm>>
      tpu.wait_dma2 semaphore(%arg8 : memref<!tpu.dma_semaphore, #tpu.memory_space<semaphore_mem>>) src(%dma_wait3A_20 : memref<48x1024xi32, #tpu.memory_space<hbm>>) dst(%arg6 : memref<48x1024xi32, #tpu.memory_space<vmem>>)
      %add3A_21 = arith.constant 1 : i32
      %add3A_22 = arith.addi %add3A_15, %add3A_21 : i32
      %lt3A = arith.constant 12 : i32
      %lt3A_23 = arith.cmpi slt, %add3A_22, %lt3A : i32
      %convert_element_type3A = arith.extui %lt3A_23 : i1 to i32
      %cond3A = arith.constant 0 : i32
      %cond3A_24 = arith.cmpi ne, %convert_element_type3A, %cond3A : i32
      scf.if %cond3A_24 {
        %add3A_35 = arith.constant 1 : i32
        %add3A_36 = arith.addi %add3A_15, %add3A_35 : i32
        %mul3A_37 = arith.constant 48 : i32
        %mul3A_38 = arith.muli %add3A_36, %mul3A_37 : i32
        %dma_start3A_39 = tpu.memref_slice %arg5[%mul3A_38] : memref<576xi32, #tpu.memory_space<vmem>> -> memref<48xi32, #tpu.memory_space<vmem>>
        %dma_start3A_40 = arith.constant 0 : i32
        %dma_start3A_41 = arith.constant 0 : i32
        %dma_start3A_42 = tpu.memref_slice %arg2[%dma_start3A_40, %dma_start3A_41] : memref<8192x1024xi32, #tpu.memory_space<hbm>> -> memref<8192x1024xi32, #tpu.memory_space<hbm>>
        tpu.enqueue_indirect_dma source(%dma_start3A_42 : memref<8192x1024xi32, #tpu.memory_space<hbm>>) target(%arg7 : memref<48x1024xi32, #tpu.memory_space<vmem>>) offsets(%dma_start3A_39 : memref<48xi32, #tpu.memory_space<vmem>>) semaphore(%arg9 : memref<!tpu.dma_semaphore, #tpu.memory_space<semaphore_mem>>)
      } else {
      }
      %mul3A_25 = arith.constant 48 : i32
      %mul3A_26 = arith.muli %add3A_15, %mul3A_25 : i32
      %add3A_27 = arith.addi %mul3A_2, %mul3A_26 : i32
      "tpu.region"() ({
        %run_scoped3A = tpu.sem_alloc : memref<!tpu.dma_semaphore, #tpu.memory_space<semaphore_mem>>
        %dma_start3A_35 = arith.constant 0 : i32
        %dma_start3A_36 = tpu.memref_slice %arg4[%add3A_27, %dma_start3A_35] : memref<18432x1024xi32, #tpu.memory_space<hbm>> -> memref<48x1024xi32, #tpu.memory_space<hbm>>
        %dma_start3A_37 = arith.constant 0 : i32
        %dma_start3A_38 = tpu.memref_slice %arg4[%add3A_27, %dma_start3A_37] : memref<18432x1024xi32, #tpu.memory_space<hbm>> -> memref<48x1024xi32, #tpu.memory_space<hbm>>
        tpu.enqueue_dma source(%arg6 : memref<48x1024xi32, #tpu.memory_space<vmem>>) target(%dma_start3A_38 : memref<48x1024xi32, #tpu.memory_space<hbm>>) target_semaphore(%run_scoped3A : memref<!tpu.dma_semaphore, #tpu.memory_space<semaphore_mem>>)
        %dma_wait3A_39 = arith.constant 0 : i32
        %dma_wait3A_40 = tpu.memref_slice %arg4[%add3A_27, %dma_wait3A_39] : memref<18432x1024xi32, #tpu.memory_space<hbm>> -> memref<48x1024xi32, #tpu.memory_space<hbm>>
        %dma_wait3A_41 = arith.constant 0 : i32
        %dma_wait3A_42 = tpu.memref_slice %arg4[%add3A_27, %dma_wait3A_41] : memref<18432x1024xi32, #tpu.memory_space<hbm>> -> memref<48x1024xi32, #tpu.memory_space<hbm>>
        tpu.wait_dma2 semaphore(%run_scoped3A : memref<!tpu.dma_semaphore, #tpu.memory_space<semaphore_mem>>) src(%arg6 : memref<48x1024xi32, #tpu.memory_space<vmem>>) dst(%dma_wait3A_42 : memref<48x1024xi32, #tpu.memory_space<hbm>>)
        tpu.yield
      }) : () -> ()
      %add3A_28 = arith.constant 1 : i32
      %add3A_29 = arith.addi %add3A_15, %add3A_28 : i32
      %lt3A_30 = arith.constant 12 : i32
      %lt3A_31 = arith.cmpi slt, %add3A_29, %lt3A_30 : i32
      %convert_element_type3A_32 = arith.extui %lt3A_31 : i1 to i32
      %cond3A_33 = arith.constant 0 : i32
      %cond3A_34 = arith.cmpi ne, %convert_element_type3A_32, %cond3A_33 : i32
      scf.if %cond3A_34 {
        %dma_wait3A_35 = arith.constant 0 : i32
        %dma_wait3A_36 = arith.constant 0 : i32
        %dma_wait3A_37 = tpu.memref_slice %arg2[%dma_wait3A_35, %dma_wait3A_36] : memref<8192x1024xi32, #tpu.memory_space<hbm>> -> memref<48x1024xi32, #tpu.memory_space<hbm>>
        %dma_wait3A_38 = arith.constant 0 : i32
        %dma_wait3A_39 = arith.constant 0 : i32
        %dma_wait3A_40 = tpu.memref_slice %arg2[%dma_wait3A_38, %dma_wait3A_39] : memref<8192x1024xi32, #tpu.memory_space<hbm>> -> memref<48x1024xi32, #tpu.memory_space<hbm>>
        tpu.wait_dma2 semaphore(%arg9 : memref<!tpu.dma_semaphore, #tpu.memory_space<semaphore_mem>>) src(%dma_wait3A_40 : memref<48x1024xi32, #tpu.memory_space<hbm>>) dst(%arg7 : memref<48x1024xi32, #tpu.memory_space<vmem>>)
        %add3A_41 = arith.constant 2 : i32
        %add3A_42 = arith.addi %add3A_15, %add3A_41 : i32
        %lt3A_43 = arith.constant 12 : i32
        %lt3A_44 = arith.cmpi slt, %add3A_42, %lt3A_43 : i32
        %convert_element_type3A_45 = arith.extui %lt3A_44 : i1 to i32
        %cond3A_46 = arith.constant 0 : i32
        %cond3A_47 = arith.cmpi ne, %convert_element_type3A_45, %cond3A_46 : i32
        scf.if %cond3A_47 {
          %add3A_53 = arith.constant 2 : i32
          %add3A_54 = arith.addi %add3A_15, %add3A_53 : i32
          %mul3A_55 = arith.constant 48 : i32
          %mul3A_56 = arith.muli %add3A_54, %mul3A_55 : i32
          %dma_start3A_57 = tpu.memref_slice %arg5[%mul3A_56] : memref<576xi32, #tpu.memory_space<vmem>> -> memref<48xi32, #tpu.memory_space<vmem>>
          %dma_start3A_58 = arith.constant 0 : i32
          %dma_start3A_59 = arith.constant 0 : i32
          %dma_start3A_60 = tpu.memref_slice %arg2[%dma_start3A_58, %dma_start3A_59] : memref<8192x1024xi32, #tpu.memory_space<hbm>> -> memref<8192x1024xi32, #tpu.memory_space<hbm>>
          tpu.enqueue_indirect_dma source(%dma_start3A_60 : memref<8192x1024xi32, #tpu.memory_space<hbm>>) target(%arg6 : memref<48x1024xi32, #tpu.memory_space<vmem>>) offsets(%dma_start3A_57 : memref<48xi32, #tpu.memory_space<vmem>>) semaphore(%arg8 : memref<!tpu.dma_semaphore, #tpu.memory_space<semaphore_mem>>)
        } else {
        }
        %add3A_48 = arith.constant 1 : i32
        %add3A_49 = arith.addi %add3A_15, %add3A_48 : i32
        %mul3A_50 = arith.constant 48 : i32
        %mul3A_51 = arith.muli %add3A_49, %mul3A_50 : i32
        %add3A_52 = arith.addi %mul3A_2, %mul3A_51 : i32
        "tpu.region"() ({
          %run_scoped3A = tpu.sem_alloc : memref<!tpu.dma_semaphore, #tpu.memory_space<semaphore_mem>>
          %dma_start3A_53 = arith.constant 0 : i32
          %dma_start3A_54 = tpu.memref_slice %arg4[%add3A_52, %dma_start3A_53] : memref<18432x1024xi32, #tpu.memory_space<hbm>> -> memref<48x1024xi32, #tpu.memory_space<hbm>>
          %dma_start3A_55 = arith.constant 0 : i32
          %dma_start3A_56 = tpu.memref_slice %arg4[%add3A_52, %dma_start3A_55] : memref<18432x1024xi32, #tpu.memory_space<hbm>> -> memref<48x1024xi32, #tpu.memory_space<hbm>>
          tpu.enqueue_dma source(%arg7 : memref<48x1024xi32, #tpu.memory_space<vmem>>) target(%dma_start3A_56 : memref<48x1024xi32, #tpu.memory_space<hbm>>) target_semaphore(%run_scoped3A : memref<!tpu.dma_semaphore, #tpu.memory_space<semaphore_mem>>)
          %dma_wait3A_57 = arith.constant 0 : i32
          %dma_wait3A_58 = tpu.memref_slice %arg4[%add3A_52, %dma_wait3A_57] : memref<18432x1024xi32, #tpu.memory_space<hbm>> -> memref<48x1024xi32, #tpu.memory_space<hbm>>
          %dma_wait3A_59 = arith.constant 0 : i32
          %dma_wait3A_60 = tpu.memref_slice %arg4[%add3A_52, %dma_wait3A_59] : memref<18432x1024xi32, #tpu.memory_space<hbm>> -> memref<48x1024xi32, #tpu.memory_space<hbm>>
          tpu.wait_dma2 semaphore(%run_scoped3A : memref<!tpu.dma_semaphore, #tpu.memory_space<semaphore_mem>>) src(%arg7 : memref<48x1024xi32, #tpu.memory_space<vmem>>) dst(%dma_wait3A_60 : memref<48x1024xi32, #tpu.memory_space<hbm>>)
          tpu.yield
        }) : () -> ()
      } else {
      }
    }
    %scan3A_10 = arith.constant 6 : i32
    return
  }
}

#map = affine_map<(d0, d1) -> (0, 0)>
#map1 = affine_map<(d0, d1) -> (0)>
module attributes {stable_mosaic.version = 14 : i64} {
  func.func @gk(%arg0: i32, %arg1: i32, %arg2: memref<8192x1024xi32, #tpu.memory_space<hbm>>, %arg3: memref<18432xi32, #tpu.memory_space<hbm>>, %arg4: memref<18432x1024xi32, #tpu.memory_space<hbm>>, %arg5: memref<576xi32, #tpu.memory_space<vmem>>, %arg6: memref<48x1024xi32, #tpu.memory_space<vmem>>, %arg7: memref<48x1024xi32, #tpu.memory_space<vmem>>, %arg8: memref<!tpu.dma_semaphore, #tpu.memory_space<semaphore_mem>>, %arg9: memref<!tpu.dma_semaphore, #tpu.memory_space<semaphore_mem>>) attributes {dimension_semantics = [#tpu.dimension_semantics<core_parallel>, #tpu.dimension_semantics<subcore_parallel>], iteration_bounds = array<i64: 2, 16>, scalar_prefetch = 0 : i64, scratch_operands = 5 : i64, tpu.core_type = #tpu.core_type<sc_vector_subcore>, window_params = [{transform_indices = #map}, {transform_indices = #map1}, {transform_indices = #map}]} {
    %mul3A = arith.constant 2 : i32
    %mul3A_0 = arith.muli %arg1, %mul3A : i32
    %add3A = arith.addi %mul3A_0, %arg0 : i32
    %mul3A_1 = arith.constant 576 : i32
    %mul3A_2 = arith.muli %add3A, %mul3A_1 : i32
    "tpu.region"() ({
      %run_scoped3A = tpu.sem_alloc : memref<!tpu.dma_semaphore, #tpu.memory_space<semaphore_mem>>
      %dma_start3A_11 = tpu.memref_slice %arg3[%mul3A_2] : memref<18432xi32, #tpu.memory_space<hbm>> -> memref<576xi32, #tpu.memory_space<hbm>>
      %dma_start3A_12 = tpu.memref_slice %arg3[%mul3A_2] : memref<18432xi32, #tpu.memory_space<hbm>> -> memref<576xi32, #tpu.memory_space<hbm>>
      tpu.enqueue_dma source(%dma_start3A_12 : memref<576xi32, #tpu.memory_space<hbm>>) target(%arg5 : memref<576xi32, #tpu.memory_space<vmem>>) target_semaphore(%run_scoped3A : memref<!tpu.dma_semaphore, #tpu.memory_space<semaphore_mem>>)
      %dma_wait3A = tpu.memref_slice %arg3[%mul3A_2] : memref<18432xi32, #tpu.memory_space<hbm>> -> memref<576xi32, #tpu.memory_space<hbm>>
      %dma_wait3A_13 = tpu.memref_slice %arg3[%mul3A_2] : memref<18432xi32, #tpu.memory_space<hbm>> -> memref<576xi32, #tpu.memory_space<hbm>>
      tpu.wait_dma2 semaphore(%run_scoped3A : memref<!tpu.dma_semaphore, #tpu.memory_space<semaphore_mem>>) src(%dma_wait3A_13 : memref<576xi32, #tpu.memory_space<hbm>>) dst(%arg5 : memref<576xi32, #tpu.memory_space<vmem>>)
      tpu.yield
    }) : () -> ()
    %dma_start3A = arith.constant 0 : i32
    %dma_start3A_3 = tpu.memref_slice %arg5[%dma_start3A] : memref<576xi32, #tpu.memory_space<vmem>> -> memref<48xi32, #tpu.memory_space<vmem>>
    %dma_start3A_4 = arith.constant 0 : i32
    %dma_start3A_5 = arith.constant 0 : i32
    %dma_start3A_6 = tpu.memref_slice %arg2[%dma_start3A_4, %dma_start3A_5] : memref<8192x1024xi32, #tpu.memory_space<hbm>> -> memref<8192x1024xi32, #tpu.memory_space<hbm>>
    tpu.enqueue_indirect_dma source(%dma_start3A_6 : memref<8192x1024xi32, #tpu.memory_space<hbm>>) target(%arg6 : memref<48x1024xi32, #tpu.memory_space<vmem>>) offsets(%dma_start3A_3 : memref<48xi32, #tpu.memory_space<vmem>>) semaphore(%arg8 : memref<!tpu.dma_semaphore, #tpu.memory_space<semaphore_mem>>)
    %scan3A = arith.constant 0 : i32
    %scan3A_7 = arith.constant 6 : i32
    %scan3A_8 = arith.addi %scan3A, %scan3A_7 : i32
    %scan3A_9 = arith.constant 1 : i32
    scf.for %scan3A_11 = %scan3A to %scan3A_8 step %scan3A_9  : i32 {
      %mul3A_12 = arith.constant 2 : i32
      %mul3A_13 = arith.muli %scan3A_11, %mul3A_12 : i32
      %add3A_14 = arith.constant 0 : i32
      %add3A_15 = arith.addi %add3A_14, %mul3A_13 : i32
      %dma_wait3A = arith.constant 0 : i32
      %dma_wait3A_16 = arith.constant 0 : i32
      %dma_wait3A_17 = tpu.memref_slice %arg2[%dma_wait3A, %dma_wait3A_16] : memref<8192x1024xi32, #tpu.memory_space<hbm>> -> memref<48x1024xi32, #tpu.memory_space<hbm>>
      %dma_wait3A_18 = arith.constant 0 : i32
      %dma_wait3A_19 = arith.constant 0 : i32
      %dma_wait3A_20 = tpu.memref_slice %arg2[%dma_wait3A_18, %dma_wait3A_19] : memref<8192x1024xi32, #tpu.memory_space<hbm>> -> memref<48x1024xi32, #tpu.memory_space<hbm>>
      tpu.wait_dma2 semaphore(%arg8 : memref<!tpu.dma_semaphore, #tpu.memory_space<semaphore_mem>>) src(%dma_wait3A_20 : memref<48x1024xi32, #tpu.memory_space<hbm>>) dst(%arg6 : memref<48x1024xi32, #tpu.memory_space<vmem>>)
      %add3A_21 = arith.constant 1 : i32
      %add3A_22 = arith.addi %add3A_15, %add3A_21 : i32
      %lt3A = arith.constant 12 : i32
      %lt3A_23 = arith.cmpi slt, %add3A_22, %lt3A : i32
      %convert_element_type3A = arith.extui %lt3A_23 : i1 to i32
      %cond3A = arith.constant 0 : i32
      %cond3A_24 = arith.cmpi ne, %convert_element_type3A, %cond3A : i32
      scf.if %cond3A_24 {
        %add3A_35 = arith.constant 1 : i32
        %add3A_36 = arith.addi %add3A_15, %add3A_35 : i32
        %mul3A_37 = arith.constant 48 : i32
        %mul3A_38 = arith.muli %add3A_36, %mul3A_37 : i32
        %dma_start3A_39 = tpu.memref_slice %arg5[%mul3A_38] : memref<576xi32, #tpu.memory_space<vmem>> -> memref<48xi32, #tpu.memory_space<vmem>>
        %dma_start3A_40 = arith.constant 0 : i32
        %dma_start3A_41 = arith.constant 0 : i32
        %dma_start3A_42 = tpu.memref_slice %arg2[%dma_start3A_40, %dma_start3A_41] : memref<8192x1024xi32, #tpu.memory_space<hbm>> -> memref<8192x1024xi32, #tpu.memory_space<hbm>>
        tpu.enqueue_indirect_dma source(%dma_start3A_42 : memref<8192x1024xi32, #tpu.memory_space<hbm>>) target(%arg7 : memref<48x1024xi32, #tpu.memory_space<vmem>>) offsets(%dma_start3A_39 : memref<48xi32, #tpu.memory_space<vmem>>) semaphore(%arg9 : memref<!tpu.dma_semaphore, #tpu.memory_space<semaphore_mem>>)
      } else {
      }
      %mul3A_25 = arith.constant 48 : i32
      %mul3A_26 = arith.muli %add3A_15, %mul3A_25 : i32
      %add3A_27 = arith.addi %mul3A_2, %mul3A_26 : i32
      "tpu.region"() ({
        %run_scoped3A = tpu.sem_alloc : memref<!tpu.dma_semaphore, #tpu.memory_space<semaphore_mem>>
        %dma_start3A_35 = arith.constant 0 : i32
        %dma_start3A_36 = tpu.memref_slice %arg4[%add3A_27, %dma_start3A_35] : memref<18432x1024xi32, #tpu.memory_space<hbm>> -> memref<48x1024xi32, #tpu.memory_space<hbm>>
        %dma_start3A_37 = arith.constant 0 : i32
        %dma_start3A_38 = tpu.memref_slice %arg4[%add3A_27, %dma_start3A_37] : memref<18432x1024xi32, #tpu.memory_space<hbm>> -> memref<48x1024xi32, #tpu.memory_space<hbm>>
        tpu.enqueue_dma source(%arg6 : memref<48x1024xi32, #tpu.memory_space<vmem>>) target(%dma_start3A_38 : memref<48x1024xi32, #tpu.memory_space<hbm>>) target_semaphore(%run_scoped3A : memref<!tpu.dma_semaphore, #tpu.memory_space<semaphore_mem>>)
        %dma_wait3A_39 = arith.constant 0 : i32
        %dma_wait3A_40 = tpu.memref_slice %arg4[%add3A_27, %dma_wait3A_39] : memref<18432x1024xi32, #tpu.memory_space<hbm>> -> memref<48x1024xi32, #tpu.memory_space<hbm>>
        %dma_wait3A_41 = arith.constant 0 : i32
        %dma_wait3A_42 = tpu.memref_slice %arg4[%add3A_27, %dma_wait3A_41] : memref<18432x1024xi32, #tpu.memory_space<hbm>> -> memref<48x1024xi32, #tpu.memory_space<hbm>>
        tpu.wait_dma2 semaphore(%run_scoped3A : memref<!tpu.dma_semaphore, #tpu.memory_space<semaphore_mem>>) src(%arg6 : memref<48x1024xi32, #tpu.memory_space<vmem>>) dst(%dma_wait3A_42 : memref<48x1024xi32, #tpu.memory_space<hbm>>)
        tpu.yield
      }) : () -> ()
      %add3A_28 = arith.constant 1 : i32
      %add3A_29 = arith.addi %add3A_15, %add3A_28 : i32
      %lt3A_30 = arith.constant 12 : i32
      %lt3A_31 = arith.cmpi slt, %add3A_29, %lt3A_30 : i32
      %convert_element_type3A_32 = arith.extui %lt3A_31 : i1 to i32
      %cond3A_33 = arith.constant 0 : i32
      %cond3A_34 = arith.cmpi ne, %convert_element_type3A_32, %cond3A_33 : i32
      scf.if %cond3A_34 {
        %dma_wait3A_35 = arith.constant 0 : i32
        %dma_wait3A_36 = arith.constant 0 : i32
        %dma_wait3A_37 = tpu.memref_slice %arg2[%dma_wait3A_35, %dma_wait3A_36] : memref<8192x1024xi32, #tpu.memory_space<hbm>> -> memref<48x1024xi32, #tpu.memory_space<hbm>>
        %dma_wait3A_38 = arith.constant 0 : i32
        %dma_wait3A_39 = arith.constant 0 : i32
        %dma_wait3A_40 = tpu.memref_slice %arg2[%dma_wait3A_38, %dma_wait3A_39] : memref<8192x1024xi32, #tpu.memory_space<hbm>> -> memref<48x1024xi32, #tpu.memory_space<hbm>>
        tpu.wait_dma2 semaphore(%arg9 : memref<!tpu.dma_semaphore, #tpu.memory_space<semaphore_mem>>) src(%dma_wait3A_40 : memref<48x1024xi32, #tpu.memory_space<hbm>>) dst(%arg7 : memref<48x1024xi32, #tpu.memory_space<vmem>>)
        %add3A_41 = arith.constant 2 : i32
        %add3A_42 = arith.addi %add3A_15, %add3A_41 : i32
        %lt3A_43 = arith.constant 12 : i32
        %lt3A_44 = arith.cmpi slt, %add3A_42, %lt3A_43 : i32
        %convert_element_type3A_45 = arith.extui %lt3A_44 : i1 to i32
        %cond3A_46 = arith.constant 0 : i32
        %cond3A_47 = arith.cmpi ne, %convert_element_type3A_45, %cond3A_46 : i32
        scf.if %cond3A_47 {
          %add3A_53 = arith.constant 2 : i32
          %add3A_54 = arith.addi %add3A_15, %add3A_53 : i32
          %mul3A_55 = arith.constant 48 : i32
          %mul3A_56 = arith.muli %add3A_54, %mul3A_55 : i32
          %dma_start3A_57 = tpu.memref_slice %arg5[%mul3A_56] : memref<576xi32, #tpu.memory_space<vmem>> -> memref<48xi32, #tpu.memory_space<vmem>>
          %dma_start3A_58 = arith.constant 0 : i32
          %dma_start3A_59 = arith.constant 0 : i32
          %dma_start3A_60 = tpu.memref_slice %arg2[%dma_start3A_58, %dma_start3A_59] : memref<8192x1024xi32, #tpu.memory_space<hbm>> -> memref<8192x1024xi32, #tpu.memory_space<hbm>>
          tpu.enqueue_indirect_dma source(%dma_start3A_60 : memref<8192x1024xi32, #tpu.memory_space<hbm>>) target(%arg6 : memref<48x1024xi32, #tpu.memory_space<vmem>>) offsets(%dma_start3A_57 : memref<48xi32, #tpu.memory_space<vmem>>) semaphore(%arg8 : memref<!tpu.dma_semaphore, #tpu.memory_space<semaphore_mem>>)
        } else {
        }
        %add3A_48 = arith.constant 1 : i32
        %add3A_49 = arith.addi %add3A_15, %add3A_48 : i32
        %mul3A_50 = arith.constant 48 : i32
        %mul3A_51 = arith.muli %add3A_49, %mul3A_50 : i32
        %add3A_52 = arith.addi %mul3A_2, %mul3A_51 : i32
        "tpu.region"() ({
          %run_scoped3A = tpu.sem_alloc : memref<!tpu.dma_semaphore, #tpu.memory_space<semaphore_mem>>
          %dma_start3A_53 = arith.constant 0 : i32
          %dma_start3A_54 = tpu.memref_slice %arg4[%add3A_52, %dma_start3A_53] : memref<18432x1024xi32, #tpu.memory_space<hbm>> -> memref<48x1024xi32, #tpu.memory_space<hbm>>
          %dma_start3A_55 = arith.constant 0 : i32
          %dma_start3A_56 = tpu.memref_slice %arg4[%add3A_52, %dma_start3A_55] : memref<18432x1024xi32, #tpu.memory_space<hbm>> -> memref<48x1024xi32, #tpu.memory_space<hbm>>
          tpu.enqueue_dma source(%arg7 : memref<48x1024xi32, #tpu.memory_space<vmem>>) target(%dma_start3A_56 : memref<48x1024xi32, #tpu.memory_space<hbm>>) target_semaphore(%run_scoped3A : memref<!tpu.dma_semaphore, #tpu.memory_space<semaphore_mem>>)
          %dma_wait3A_57 = arith.constant 0 : i32
          %dma_wait3A_58 = tpu.memref_slice %arg4[%add3A_52, %dma_wait3A_57] : memref<18432x1024xi32, #tpu.memory_space<hbm>> -> memref<48x1024xi32, #tpu.memory_space<hbm>>
          %dma_wait3A_59 = arith.constant 0 : i32
          %dma_wait3A_60 = tpu.memref_slice %arg4[%add3A_52, %dma_wait3A_59] : memref<18432x1024xi32, #tpu.memory_space<hbm>> -> memref<48x1024xi32, #tpu.memory_space<hbm>>
          tpu.wait_dma2 semaphore(%run_scoped3A : memref<!tpu.dma_semaphore, #tpu.memory_space<semaphore_mem>>) src(%arg7 : memref<48x1024xi32, #tpu.memory_space<vmem>>) dst(%dma_wait3A_60 : memref<48x1024xi32, #tpu.memory_space<hbm>>)
          tpu.yield
        }) : () -> ()
      } else {
      }
    }
    %scan3A_10 = arith.constant 6 : i32
    return
  }
}

module attributes {stable_mosaic.version = 14 : i64} {
  func.func @_qkv_kernel(%arg0: i32, %arg1: memref<512x1024xf32, #tpu.memory_space<vmem>>, %arg2: memref<1024x3072xbf16, #tpu.memory_space<vmem>>, %arg3: memref<512x1024xf32, #tpu.memory_space<vmem>>, %arg4: memref<512x1024xi32, #tpu.memory_space<vmem>>) attributes {dimension_semantics = [#tpu.dimension_semantics<arbitrary>], iteration_bounds = array<i64: 16>, scalar_prefetch = 0 : i64, scratch_operands = 0 : i64, tpu.core_type = #tpu.core_type<tc>, window_params = [{transform_indices = @transform_0, window_bounds = array<i64: 512, 1024>}, {pipeline_mode = #tpu.pipeline_mode<synchronous>, transform_indices = @transform_1, window_bounds = array<i64: 1024, 3072>}, {transform_indices = @transform_2, window_bounds = array<i64: 512, 1024>}, {transform_indices = @transform_3, window_bounds = array<i64: 512, 1024>}]} {
    %get3A = arith.constant 0 : index
    %get3A_0 = arith.constant 0 : index
    %get3A_1 = vector.load %arg1[%get3A, %get3A_0] : memref<512x1024xf32, #tpu.memory_space<vmem>>, vector<512x1024xf32>
    %convert_element_type3A = arith.truncf %get3A_1 : vector<512x1024xf32> to vector<512x1024xbf16>
    %get3A_2 = arith.constant 0 : index
    %get3A_3 = arith.constant 0 : index
    %get3A_4 = vector.load %arg2[%get3A_2, %get3A_3] : memref<1024x3072xbf16, #tpu.memory_space<vmem>>, vector<1024x3072xbf16>
    %dot_general3A = arith.constant dense<0.000000e+00> : vector<512x3072xf32>
    %dot_general3A_5 = tpu.matmul %convert_element_type3A, %get3A_4, %dot_general3A {dimension_numbers = #tpu.dot_dimension_numbers<[1], [0], [0], [1], [0, 0, 1, 1], [], []>, transpose_lhs_hint = false} : vector<512x1024xbf16>, vector<1024x3072xbf16>, vector<512x3072xf32> -> vector<512x3072xf32>
    %slice3A = vector.extract_strided_slice %dot_general3A_5 {offsets = [0, 0], sizes = [512, 1024], strides = [1, 1]} : vector<512x3072xf32> to vector<512x1024xf32>
    %swap3A = arith.constant 0 : index
    %swap3A_6 = arith.constant 0 : index
    %swap3A_7 = vector.load %arg3[%swap3A, %swap3A_6] : memref<512x1024xf32, #tpu.memory_space<vmem>>, vector<512x1024xf32>
    tpu.vector_store %arg3[%swap3A, %swap3A_6], %slice3A {strides = array<i32>} : memref<512x1024xf32, #tpu.memory_space<vmem>>, vector<512x1024xf32>,
    %slice3A_8 = vector.extract_strided_slice %dot_general3A_5 {offsets = [0, 1024], sizes = [512, 1024], strides = [1, 1]} : vector<512x3072xf32> to vector<512x1024xf32>
    %bitcast_convert_type3A = tpu.bitcast %slice3A_8 : vector<512x1024xf32> -> vector<512x1024xi32>
    %slice3A_9 = vector.extract_strided_slice %dot_general3A_5 {offsets = [0, 2048], sizes = [512, 1024], strides = [1, 1]} : vector<512x3072xf32> to vector<512x1024xf32>
    %bitcast_convert_type3A_10 = tpu.bitcast %slice3A_9 : vector<512x1024xf32> -> vector<512x1024xi32>
    %shift_right_logical3A = arith.constant 16 : i32
    %shift_right_logical3A_11 = vector.broadcast %shift_right_logical3A : i32 to vector<512x1024xi32>
    %shift_right_logical3A_12 = arith.shrui %bitcast_convert_type3A, %shift_right_logical3A_11 : vector<512x1024xi32>
    %and3A = arith.constant -65536 : i32
    %and3A_13 = vector.broadcast %and3A : i32 to vector<512x1024xi32>
    %and3A_14 = arith.andi %bitcast_convert_type3A_10, %and3A_13 : vector<512x1024xi32>
    %or3A = arith.ori %shift_right_logical3A_12, %and3A_14 : vector<512x1024xi32>
    %swap3A_15 = arith.constant 0 : index
    %swap3A_16 = arith.constant 0 : index
    %swap3A_17 = vector.load %arg4[%swap3A_15, %swap3A_16] : memref<512x1024xi32, #tpu.memory_space<vmem>>, vector<512x1024xi32>
    tpu.vector_store %arg4[%swap3A_15, %swap3A_16], %or3A {strides = array<i32>} : memref<512x1024xi32, #tpu.memory_space<vmem>>, vector<512x1024xi32>,
    return
  }
  func.func @transform_0(%arg0: i32) -> (i32, i32) {
    %c0_i32 = arith.constant 0 : i32
    %c0_i32_0 = arith.constant 0 : i32
    return %arg0, %c0_i32 : i32, i32
  }
  func.func @transform_1(%arg0: i32) -> (i32, i32) {
    %c0_i32 = arith.constant 0 : i32
    %c0_i32_0 = arith.constant 0 : i32
    %c0_i32_1 = arith.constant 0 : i32
    return %c0_i32, %c0_i32_0 : i32, i32
  }
  func.func @transform_2(%arg0: i32) -> (i32, i32) {
    %c0_i32 = arith.constant 0 : i32
    %c0_i32_0 = arith.constant 0 : i32
    return %arg0, %c0_i32 : i32, i32
  }
  func.func @transform_3(%arg0: i32) -> (i32, i32) {
    %c0_i32 = arith.constant 0 : i32
    %c0_i32_0 = arith.constant 0 : i32
    return %arg0, %c0_i32 : i32, i32
  }
}

module attributes {stable_mosaic.version = 14 : i64} {
  func.func @_topk_kernel(%arg0: i32, %arg1: memref<1x512x2xf32, #tpu.memory_space<vmem>>, %arg2: memref<1x2x4096xf32, #tpu.memory_space<vmem>>, %arg3: memref<1x9x512xi32, #tpu.memory_space<vmem>>) attributes {dimension_semantics = [#tpu.dimension_semantics<arbitrary>], iteration_bounds = array<i64: 4>, scalar_prefetch = 0 : i64, scratch_operands = 0 : i64, tpu.core_type = #tpu.core_type<tc>, window_params = [{transform_indices = @transform_0, window_bounds = array<i64: 1, 512, 2>}, {transform_indices = @transform_1, window_bounds = array<i64: 1, 2, 4096>}, {transform_indices = @transform_2, window_bounds = array<i64: 1, 9, 512>}]} {
    %get3A = arith.constant 0 : index
    %get3A_0 = arith.constant 0 : index
    %get3A_1 = arith.constant 0 : index
    %get3A_2 = vector.load %arg1[%get3A, %get3A_0, %get3A_1] : memref<1x512x2xf32, #tpu.memory_space<vmem>>, vector<1x512x1xf32>
    %get3A_3 = vector.shape_cast %get3A_2 : vector<1x512x1xf32> to vector<512x1xf32>
    %get3A_4 = arith.constant 0 : index
    %get3A_5 = arith.constant 0 : index
    %get3A_6 = arith.constant 1 : index
    %get3A_7 = vector.load %arg1[%get3A_4, %get3A_5, %get3A_6] : memref<1x512x2xf32, #tpu.memory_space<vmem>>, vector<1x512x1xf32>
    %get3A_8 = vector.shape_cast %get3A_7 : vector<1x512x1xf32> to vector<512x1xf32>
    %get3A_9 = arith.constant 0 : index
    %get3A_10 = arith.constant 0 : index
    %get3A_11 = arith.constant 0 : index
    %get3A_12 = vector.load %arg2[%get3A_9, %get3A_10, %get3A_11] : memref<1x2x4096xf32, #tpu.memory_space<vmem>>, vector<1x1x4096xf32>
    %get3A_13 = vector.shape_cast %get3A_12 : vector<1x1x4096xf32> to vector<1x4096xf32>
    %get3A_14 = arith.constant 0 : index
    %get3A_15 = arith.constant 1 : index
    %get3A_16 = arith.constant 0 : index
    %get3A_17 = vector.load %arg2[%get3A_14, %get3A_15, %get3A_16] : memref<1x2x4096xf32, #tpu.memory_space<vmem>>, vector<1x1x4096xf32>
    %get3A_18 = vector.shape_cast %get3A_17 : vector<1x1x4096xf32> to vector<1x4096xf32>
    %mul3A = arith.mulf %get3A_3, %get3A_3 : vector<512x1xf32>
    %mul3A_19 = arith.mulf %get3A_8, %get3A_8 : vector<512x1xf32>
    %add3A = arith.addf %mul3A, %mul3A_19 : vector<512x1xf32>
    %mul3A_20 = arith.mulf %get3A_13, %get3A_13 : vector<1x4096xf32>
    %mul3A_21 = arith.mulf %get3A_18, %get3A_18 : vector<1x4096xf32>
    %add3A_22 = arith.addf %mul3A_20, %mul3A_21 : vector<1x4096xf32>
    %convert_element_type3A = arith.truncf %get3A_3 : vector<512x1xf32> to vector<512x1xbf16>
    %convert_element_type3A_23 = arith.extf %convert_element_type3A : vector<512x1xbf16> to vector<512x1xf32>
    %convert_element_type3A_24 = arith.truncf %get3A_8 : vector<512x1xf32> to vector<512x1xbf16>
    %convert_element_type3A_25 = arith.extf %convert_element_type3A_24 : vector<512x1xbf16> to vector<512x1xf32>
    %convert_element_type3A_26 = arith.truncf %get3A_13 : vector<1x4096xf32> to vector<1x4096xbf16>
    %convert_element_type3A_27 = arith.extf %convert_element_type3A_26 : vector<1x4096xbf16> to vector<1x4096xf32>
    %convert_element_type3A_28 = arith.truncf %get3A_18 : vector<1x4096xf32> to vector<1x4096xbf16>
    %convert_element_type3A_29 = arith.extf %convert_element_type3A_28 : vector<1x4096xbf16> to vector<1x4096xf32>
    %mul3A_30 = vector.broadcast %convert_element_type3A_23 : vector<512x1xf32> to vector<512x4096xf32>
    %mul3A_31 = vector.broadcast %convert_element_type3A_27 : vector<1x4096xf32> to vector<512x4096xf32>
    %mul3A_32 = arith.mulf %mul3A_30, %mul3A_31 : vector<512x4096xf32>
    %mul3A_33 = vector.broadcast %convert_element_type3A_25 : vector<512x1xf32> to vector<512x4096xf32>
    %mul3A_34 = vector.broadcast %convert_element_type3A_29 : vector<1x4096xf32> to vector<512x4096xf32>
    %mul3A_35 = arith.mulf %mul3A_33, %mul3A_34 : vector<512x4096xf32>
    %add3A_36 = arith.addf %mul3A_32, %mul3A_35 : vector<512x4096xf32>
    %add3A_37 = vector.broadcast %add3A : vector<512x1xf32> to vector<512x4096xf32>
    %add3A_38 = vector.broadcast %add3A_22 : vector<1x4096xf32> to vector<512x4096xf32>
    %add3A_39 = arith.addf %add3A_37, %add3A_38 : vector<512x4096xf32>
    %mul3A_40 = arith.constant 2.000000e+00 : f32
    %mul3A_41 = vector.broadcast %mul3A_40 : f32 to vector<512x4096xf32>
    %mul3A_42 = arith.mulf %mul3A_41, %add3A_36 : vector<512x4096xf32>
    %sub3A = arith.subf %add3A_39, %mul3A_42 : vector<512x4096xf32>
    %max3A = arith.constant 0.000000e+00 : f32
    %max3A_43 = vector.broadcast %max3A : f32 to vector<512x4096xf32>
    %max3A_44 = arith.maximumf %sub3A, %max3A_43 : vector<512x4096xf32>
    %iota3A = tpu.iota {dimensions = array<i32: 1>} : vector<512x4096xi32>
    %bitcast_convert_type3A = tpu.bitcast %max3A_44 : vector<512x4096xf32> -> vector<512x4096xi32>
    %add3A_45 = arith.constant 8388608 : i32
    %add3A_46 = vector.broadcast %add3A_45 : i32 to vector<512x4096xi32>
    %add3A_47 = arith.addi %bitcast_convert_type3A, %add3A_46 : vector<512x4096xi32>
    %and3A = arith.constant -4096 : i32
    %and3A_48 = vector.broadcast %and3A : i32 to vector<512x4096xi32>
    %and3A_49 = arith.andi %add3A_47, %and3A_48 : vector<512x4096xi32>
    %or3A = arith.ori %and3A_49, %iota3A : vector<512x4096xi32>
    %bitcast_convert_type3A_50 = tpu.bitcast %or3A : vector<512x4096xi32> -> vector<512x4096xf32>
    %reduce_min3A = arith.constant dense<0x7F800000> : vector<512xf32>
    %reduce_min3A_51 = vector.multi_reduction <minimumf>, %bitcast_convert_type3A_50, %reduce_min3A [1] : vector<512x4096xf32> to vector<512xf32>
    %broadcast_in_dim3A = vector.shape_cast %reduce_min3A_51 : vector<512xf32> to vector<512x1xf32>
    %eq3A = vector.broadcast %broadcast_in_dim3A : vector<512x1xf32> to vector<512x4096xf32>
    %eq3A_52 = arith.cmpf oeq, %bitcast_convert_type3A_50, %eq3A : vector<512x4096xf32>
    %jit3A = arith.constant 3.000000e+38 : f32
    %broadcast_in_dim3A_53 = vector.broadcast %jit3A : f32 to vector<512x4096xf32>
    %select_n3A = arith.select %eq3A_52, %broadcast_in_dim3A_53, %bitcast_convert_type3A_50 : vector<512x4096xi1>, vector<512x4096xf32>
    %reduce_min3A_54 = arith.constant dense<0x7F800000> : vector<512xf32>
    %reduce_min3A_55 = vector.multi_reduction <minimumf>, %select_n3A, %reduce_min3A_54 [1] : vector<512x4096xf32> to vector<512xf32>
    %broadcast_in_dim3A_56 = vector.shape_cast %reduce_min3A_55 : vector<512xf32> to vector<512x1xf32>
    %eq3A_57 = vector.broadcast %broadcast_in_dim3A_56 : vector<512x1xf32> to vector<512x4096xf32>
    %eq3A_58 = arith.cmpf oeq, %select_n3A, %eq3A_57 : vector<512x4096xf32>
    %jit3A_59 = arith.constant 3.000000e+38 : f32
    %broadcast_in_dim3A_60 = vector.broadcast %jit3A_59 : f32 to vector<512x4096xf32>
    %select_n3A_61 = arith.select %eq3A_58, %broadcast_in_dim3A_60, %select_n3A : vector<512x4096xi1>, vector<512x4096xf32>
    %reduce_min3A_62 = arith.constant dense<0x7F800000> : vector<512xf32>
    %reduce_min3A_63 = vector.multi_reduction <minimumf>, %select_n3A_61, %reduce_min3A_62 [1] : vector<512x4096xf32> to vector<512xf32>
    %broadcast_in_dim3A_64 = vector.shape_cast %reduce_min3A_63 : vector<512xf32> to vector<512x1xf32>
    %eq3A_65 = vector.broadcast %broadcast_in_dim3A_64 : vector<512x1xf32> to vector<512x4096xf32>
    %eq3A_66 = arith.cmpf oeq, %select_n3A_61, %eq3A_65 : vector<512x4096xf32>
    %jit3A_67 = arith.constant 3.000000e+38 : f32
    %broadcast_in_dim3A_68 = vector.broadcast %jit3A_67 : f32 to vector<512x4096xf32>
    %select_n3A_69 = arith.select %eq3A_66, %broadcast_in_dim3A_68, %select_n3A_61 : vector<512x4096xi1>, vector<512x4096xf32>
    %reduce_min3A_70 = arith.constant dense<0x7F800000> : vector<512xf32>
    %reduce_min3A_71 = vector.multi_reduction <minimumf>, %select_n3A_69, %reduce_min3A_70 [1] : vector<512x4096xf32> to vector<512xf32>
    %broadcast_in_dim3A_72 = vector.shape_cast %reduce_min3A_71 : vector<512xf32> to vector<512x1xf32>
    %eq3A_73 = vector.broadcast %broadcast_in_dim3A_72 : vector<512x1xf32> to vector<512x4096xf32>
    %eq3A_74 = arith.cmpf oeq, %select_n3A_69, %eq3A_73 : vector<512x4096xf32>
    %jit3A_75 = arith.constant 3.000000e+38 : f32
    %broadcast_in_dim3A_76 = vector.broadcast %jit3A_75 : f32 to vector<512x4096xf32>
    %select_n3A_77 = arith.select %eq3A_74, %broadcast_in_dim3A_76, %select_n3A_69 : vector<512x4096xi1>, vector<512x4096xf32>
    %reduce_min3A_78 = arith.constant dense<0x7F800000> : vector<512xf32>
    %reduce_min3A_79 = vector.multi_reduction <minimumf>, %select_n3A_77, %reduce_min3A_78 [1] : vector<512x4096xf32> to vector<512xf32>
    %broadcast_in_dim3A_80 = vector.shape_cast %reduce_min3A_79 : vector<512xf32> to vector<512x1xf32>
    %eq3A_81 = vector.broadcast %broadcast_in_dim3A_80 : vector<512x1xf32> to vector<512x4096xf32>
    %eq3A_82 = arith.cmpf oeq, %select_n3A_77, %eq3A_81 : vector<512x4096xf32>
    %jit3A_83 = arith.constant 3.000000e+38 : f32
    %broadcast_in_dim3A_84 = vector.broadcast %jit3A_83 : f32 to vector<512x4096xf32>
    %select_n3A_85 = arith.select %eq3A_82, %broadcast_in_dim3A_84, %select_n3A_77 : vector<512x4096xi1>, vector<512x4096xf32>
    %reduce_min3A_86 = arith.constant dense<0x7F800000> : vector<512xf32>
    %reduce_min3A_87 = vector.multi_reduction <minimumf>, %select_n3A_85, %reduce_min3A_86 [1] : vector<512x4096xf32> to vector<512xf32>
    %broadcast_in_dim3A_88 = vector.shape_cast %reduce_min3A_87 : vector<512xf32> to vector<512x1xf32>
    %eq3A_89 = vector.broadcast %broadcast_in_dim3A_88 : vector<512x1xf32> to vector<512x4096xf32>
    %eq3A_90 = arith.cmpf oeq, %select_n3A_85, %eq3A_89 : vector<512x4096xf32>
    %jit3A_91 = arith.constant 3.000000e+38 : f32
    %broadcast_in_dim3A_92 = vector.broadcast %jit3A_91 : f32 to vector<512x4096xf32>
    %select_n3A_93 = arith.select %eq3A_90, %broadcast_in_dim3A_92, %select_n3A_85 : vector<512x4096xi1>, vector<512x4096xf32>
    %reduce_min3A_94 = arith.constant dense<0x7F800000> : vector<512xf32>
    %reduce_min3A_95 = vector.multi_reduction <minimumf>, %select_n3A_93, %reduce_min3A_94 [1] : vector<512x4096xf32> to vector<512xf32>
    %broadcast_in_dim3A_96 = vector.shape_cast %reduce_min3A_95 : vector<512xf32> to vector<512x1xf32>
    %eq3A_97 = vector.broadcast %broadcast_in_dim3A_96 : vector<512x1xf32> to vector<512x4096xf32>
    %eq3A_98 = arith.cmpf oeq, %select_n3A_93, %eq3A_97 : vector<512x4096xf32>
    %jit3A_99 = arith.constant 3.000000e+38 : f32
    %broadcast_in_dim3A_100 = vector.broadcast %jit3A_99 : f32 to vector<512x4096xf32>
    %select_n3A_101 = arith.select %eq3A_98, %broadcast_in_dim3A_100, %select_n3A_93 : vector<512x4096xi1>, vector<512x4096xf32>
    %reduce_min3A_102 = arith.constant dense<0x7F800000> : vector<512xf32>
    %reduce_min3A_103 = vector.multi_reduction <minimumf>, %select_n3A_101, %reduce_min3A_102 [1] : vector<512x4096xf32> to vector<512xf32>
    %broadcast_in_dim3A_104 = vector.shape_cast %reduce_min3A_103 : vector<512xf32> to vector<512x1xf32>
    %eq3A_105 = vector.broadcast %broadcast_in_dim3A_104 : vector<512x1xf32> to vector<512x4096xf32>
    %eq3A_106 = arith.cmpf oeq, %select_n3A_101, %eq3A_105 : vector<512x4096xf32>
    %jit3A_107 = arith.constant 3.000000e+38 : f32
    %broadcast_in_dim3A_108 = vector.broadcast %jit3A_107 : f32 to vector<512x4096xf32>
    %select_n3A_109 = arith.select %eq3A_106, %broadcast_in_dim3A_108, %select_n3A_101 : vector<512x4096xi1>, vector<512x4096xf32>
    %reduce_min3A_110 = arith.constant dense<0x7F800000> : vector<512xf32>
    %reduce_min3A_111 = vector.multi_reduction <minimumf>, %select_n3A_109, %reduce_min3A_110 [1] : vector<512x4096xf32> to vector<512xf32>
    %broadcast_in_dim3A_112 = vector.shape_cast %reduce_min3A_111 : vector<512xf32> to vector<512x1xf32>
    %concatenate3A = tpu.concatenate %broadcast_in_dim3A, %broadcast_in_dim3A_56, %broadcast_in_dim3A_64, %broadcast_in_dim3A_72, %broadcast_in_dim3A_80, %broadcast_in_dim3A_88, %broadcast_in_dim3A_96, %broadcast_in_dim3A_104, %broadcast_in_dim3A_112 in 1 : vector<512x1xf32>, vector<512x1xf32>, vector<512x1xf32>, vector<512x1xf32>, vector<512x1xf32>, vector<512x1xf32>, vector<512x1xf32>, vector<512x1xf32>, vector<512x1xf32> -> vector<512x9xf32>
    %bitcast_convert_type3A_113 = tpu.bitcast %concatenate3A : vector<512x9xf32> -> vector<512x9xi32>
    %and3A_114 = arith.constant 4095 : i32
    %and3A_115 = vector.broadcast %and3A_114 : i32 to vector<512x9xi32>
    %and3A_116 = arith.andi %bitcast_convert_type3A_113, %and3A_115 : vector<512x9xi32>
    %add3A_117 = arith.constant 4096 : i32
    %add3A_118 = vector.broadcast %add3A_117 : i32 to vector<512x9xi32>
    %add3A_119 = arith.addi %and3A_116, %add3A_118 : vector<512x9xi32>
    %transpose3A = tpu.transpose %add3A_119, [1, 0] : vector<512x9xi32> -> vector<9x512xi32>
    %swap3A = arith.constant 0 : index
    %swap3A_120 = arith.constant 0 : index
    %swap3A_121 = arith.constant 0 : index
    %swap3A_122 = vector.load %arg3[%swap3A, %swap3A_120, %swap3A_121] : memref<1x9x512xi32, #tpu.memory_space<vmem>>, vector<1x9x512xi32>
    %swap3A_123 = vector.shape_cast %swap3A_122 : vector<1x9x512xi32> to vector<9x512xi32>
    %swap3A_124 = vector.shape_cast %transpose3A : vector<9x512xi32> to vector<1x9x512xi32>
    tpu.vector_store %arg3[%swap3A, %swap3A_120, %swap3A_121], %swap3A_124 {strides = array<i32>} : memref<1x9x512xi32, #tpu.memory_space<vmem>>, vector<1x9x512xi32>,
    return
  }
  func.func @transform_0(%arg0: i32) -> (i32, i32, i32) {
    %add3A = arith.constant 4 : i32
    %add3A_0 = arith.addi %add3A, %arg0 : i32
    %c1_i32 = arith.constant 1 : i32
    %c0_i32 = arith.constant 0 : i32
    %c0_i32_1 = arith.constant 0 : i32
    return %c1_i32, %add3A_0, %c0_i32 : i32, i32, i32
  }
  func.func @transform_1(%arg0: i32) -> (i32, i32, i32) {
    %c1_i32 = arith.constant 1 : i32
    %c0_i32 = arith.constant 0 : i32
    %c0_i32_0 = arith.constant 0 : i32
    %c0_i32_1 = arith.constant 0 : i32
    return %c1_i32, %c0_i32, %c0_i32_0 : i32, i32, i32
  }
  func.func @transform_2(%arg0: i32) -> (i32, i32, i32) {
    %c0_i32 = arith.constant 0 : i32
    %c0_i32_0 = arith.constant 0 : i32
    %c0_i32_1 = arith.constant 0 : i32
    return %c0_i32, %c0_i32_0, %arg0 : i32, i32, i32
  }
}

module attributes {stable_mosaic.version = 14 : i64} {
  func.func @_topk_kernel(%arg0: i32, %arg1: memref<1x512x2xf32, #tpu.memory_space<vmem>>, %arg2: memref<1x2x4096xf32, #tpu.memory_space<vmem>>, %arg3: memref<1x9x512xi32, #tpu.memory_space<vmem>>) attributes {dimension_semantics = [#tpu.dimension_semantics<arbitrary>], iteration_bounds = array<i64: 4>, scalar_prefetch = 0 : i64, scratch_operands = 0 : i64, tpu.core_type = #tpu.core_type<tc>, window_params = [{transform_indices = @transform_0, window_bounds = array<i64: 1, 512, 2>}, {transform_indices = @transform_1, window_bounds = array<i64: 1, 2, 4096>}, {transform_indices = @transform_2, window_bounds = array<i64: 1, 9, 512>}]} {
    %get3A = arith.constant 0 : index
    %get3A_0 = arith.constant 0 : index
    %get3A_1 = arith.constant 0 : index
    %get3A_2 = vector.load %arg1[%get3A, %get3A_0, %get3A_1] : memref<1x512x2xf32, #tpu.memory_space<vmem>>, vector<1x512x1xf32>
    %get3A_3 = vector.shape_cast %get3A_2 : vector<1x512x1xf32> to vector<512x1xf32>
    %get3A_4 = arith.constant 0 : index
    %get3A_5 = arith.constant 0 : index
    %get3A_6 = arith.constant 1 : index
    %get3A_7 = vector.load %arg1[%get3A_4, %get3A_5, %get3A_6] : memref<1x512x2xf32, #tpu.memory_space<vmem>>, vector<1x512x1xf32>
    %get3A_8 = vector.shape_cast %get3A_7 : vector<1x512x1xf32> to vector<512x1xf32>
    %get3A_9 = arith.constant 0 : index
    %get3A_10 = arith.constant 0 : index
    %get3A_11 = arith.constant 0 : index
    %get3A_12 = vector.load %arg2[%get3A_9, %get3A_10, %get3A_11] : memref<1x2x4096xf32, #tpu.memory_space<vmem>>, vector<1x1x4096xf32>
    %get3A_13 = vector.shape_cast %get3A_12 : vector<1x1x4096xf32> to vector<1x4096xf32>
    %get3A_14 = arith.constant 0 : index
    %get3A_15 = arith.constant 1 : index
    %get3A_16 = arith.constant 0 : index
    %get3A_17 = vector.load %arg2[%get3A_14, %get3A_15, %get3A_16] : memref<1x2x4096xf32, #tpu.memory_space<vmem>>, vector<1x1x4096xf32>
    %get3A_18 = vector.shape_cast %get3A_17 : vector<1x1x4096xf32> to vector<1x4096xf32>
    %mul3A = arith.mulf %get3A_3, %get3A_3 : vector<512x1xf32>
    %mul3A_19 = arith.mulf %get3A_8, %get3A_8 : vector<512x1xf32>
    %add3A = arith.addf %mul3A, %mul3A_19 : vector<512x1xf32>
    %mul3A_20 = arith.mulf %get3A_13, %get3A_13 : vector<1x4096xf32>
    %mul3A_21 = arith.mulf %get3A_18, %get3A_18 : vector<1x4096xf32>
    %add3A_22 = arith.addf %mul3A_20, %mul3A_21 : vector<1x4096xf32>
    %convert_element_type3A = arith.truncf %get3A_3 : vector<512x1xf32> to vector<512x1xbf16>
    %convert_element_type3A_23 = arith.extf %convert_element_type3A : vector<512x1xbf16> to vector<512x1xf32>
    %convert_element_type3A_24 = arith.truncf %get3A_8 : vector<512x1xf32> to vector<512x1xbf16>
    %convert_element_type3A_25 = arith.extf %convert_element_type3A_24 : vector<512x1xbf16> to vector<512x1xf32>
    %convert_element_type3A_26 = arith.truncf %get3A_13 : vector<1x4096xf32> to vector<1x4096xbf16>
    %convert_element_type3A_27 = arith.extf %convert_element_type3A_26 : vector<1x4096xbf16> to vector<1x4096xf32>
    %convert_element_type3A_28 = arith.truncf %get3A_18 : vector<1x4096xf32> to vector<1x4096xbf16>
    %convert_element_type3A_29 = arith.extf %convert_element_type3A_28 : vector<1x4096xbf16> to vector<1x4096xf32>
    %mul3A_30 = vector.broadcast %convert_element_type3A_23 : vector<512x1xf32> to vector<512x4096xf32>
    %mul3A_31 = vector.broadcast %convert_element_type3A_27 : vector<1x4096xf32> to vector<512x4096xf32>
    %mul3A_32 = arith.mulf %mul3A_30, %mul3A_31 : vector<512x4096xf32>
    %mul3A_33 = vector.broadcast %convert_element_type3A_25 : vector<512x1xf32> to vector<512x4096xf32>
    %mul3A_34 = vector.broadcast %convert_element_type3A_29 : vector<1x4096xf32> to vector<512x4096xf32>
    %mul3A_35 = arith.mulf %mul3A_33, %mul3A_34 : vector<512x4096xf32>
    %add3A_36 = arith.addf %mul3A_32, %mul3A_35 : vector<512x4096xf32>
    %add3A_37 = vector.broadcast %add3A : vector<512x1xf32> to vector<512x4096xf32>
    %add3A_38 = vector.broadcast %add3A_22 : vector<1x4096xf32> to vector<512x4096xf32>
    %add3A_39 = arith.addf %add3A_37, %add3A_38 : vector<512x4096xf32>
    %mul3A_40 = arith.constant 2.000000e+00 : f32
    %mul3A_41 = vector.broadcast %mul3A_40 : f32 to vector<512x4096xf32>
    %mul3A_42 = arith.mulf %mul3A_41, %add3A_36 : vector<512x4096xf32>
    %sub3A = arith.subf %add3A_39, %mul3A_42 : vector<512x4096xf32>
    %max3A = arith.constant 0.000000e+00 : f32
    %max3A_43 = vector.broadcast %max3A : f32 to vector<512x4096xf32>
    %max3A_44 = arith.maximumf %sub3A, %max3A_43 : vector<512x4096xf32>
    %iota3A = tpu.iota {dimensions = array<i32: 1>} : vector<512x4096xi32>
    %bitcast_convert_type3A = tpu.bitcast %max3A_44 : vector<512x4096xf32> -> vector<512x4096xi32>
    %add3A_45 = arith.constant 8388608 : i32
    %add3A_46 = vector.broadcast %add3A_45 : i32 to vector<512x4096xi32>
    %add3A_47 = arith.addi %bitcast_convert_type3A, %add3A_46 : vector<512x4096xi32>
    %and3A = arith.constant -4096 : i32
    %and3A_48 = vector.broadcast %and3A : i32 to vector<512x4096xi32>
    %and3A_49 = arith.andi %add3A_47, %and3A_48 : vector<512x4096xi32>
    %or3A = arith.ori %and3A_49, %iota3A : vector<512x4096xi32>
    %bitcast_convert_type3A_50 = tpu.bitcast %or3A : vector<512x4096xi32> -> vector<512x4096xf32>
    %reduce_min3A = arith.constant dense<0x7F800000> : vector<512xf32>
    %reduce_min3A_51 = vector.multi_reduction <minimumf>, %bitcast_convert_type3A_50, %reduce_min3A [1] : vector<512x4096xf32> to vector<512xf32>
    %broadcast_in_dim3A = vector.shape_cast %reduce_min3A_51 : vector<512xf32> to vector<512x1xf32>
    %eq3A = vector.broadcast %broadcast_in_dim3A : vector<512x1xf32> to vector<512x4096xf32>
    %eq3A_52 = arith.cmpf oeq, %bitcast_convert_type3A_50, %eq3A : vector<512x4096xf32>
    %jit3A = arith.constant 3.000000e+38 : f32
    %broadcast_in_dim3A_53 = vector.broadcast %jit3A : f32 to vector<512x4096xf32>
    %select_n3A = arith.select %eq3A_52, %broadcast_in_dim3A_53, %bitcast_convert_type3A_50 : vector<512x4096xi1>, vector<512x4096xf32>
    %reduce_min3A_54 = arith.constant dense<0x7F800000> : vector<512xf32>
    %reduce_min3A_55 = vector.multi_reduction <minimumf>, %select_n3A, %reduce_min3A_54 [1] : vector<512x4096xf32> to vector<512xf32>
    %broadcast_in_dim3A_56 = vector.shape_cast %reduce_min3A_55 : vector<512xf32> to vector<512x1xf32>
    %eq3A_57 = vector.broadcast %broadcast_in_dim3A_56 : vector<512x1xf32> to vector<512x4096xf32>
    %eq3A_58 = arith.cmpf oeq, %select_n3A, %eq3A_57 : vector<512x4096xf32>
    %jit3A_59 = arith.constant 3.000000e+38 : f32
    %broadcast_in_dim3A_60 = vector.broadcast %jit3A_59 : f32 to vector<512x4096xf32>
    %select_n3A_61 = arith.select %eq3A_58, %broadcast_in_dim3A_60, %select_n3A : vector<512x4096xi1>, vector<512x4096xf32>
    %reduce_min3A_62 = arith.constant dense<0x7F800000> : vector<512xf32>
    %reduce_min3A_63 = vector.multi_reduction <minimumf>, %select_n3A_61, %reduce_min3A_62 [1] : vector<512x4096xf32> to vector<512xf32>
    %broadcast_in_dim3A_64 = vector.shape_cast %reduce_min3A_63 : vector<512xf32> to vector<512x1xf32>
    %eq3A_65 = vector.broadcast %broadcast_in_dim3A_64 : vector<512x1xf32> to vector<512x4096xf32>
    %eq3A_66 = arith.cmpf oeq, %select_n3A_61, %eq3A_65 : vector<512x4096xf32>
    %jit3A_67 = arith.constant 3.000000e+38 : f32
    %broadcast_in_dim3A_68 = vector.broadcast %jit3A_67 : f32 to vector<512x4096xf32>
    %select_n3A_69 = arith.select %eq3A_66, %broadcast_in_dim3A_68, %select_n3A_61 : vector<512x4096xi1>, vector<512x4096xf32>
    %reduce_min3A_70 = arith.constant dense<0x7F800000> : vector<512xf32>
    %reduce_min3A_71 = vector.multi_reduction <minimumf>, %select_n3A_69, %reduce_min3A_70 [1] : vector<512x4096xf32> to vector<512xf32>
    %broadcast_in_dim3A_72 = vector.shape_cast %reduce_min3A_71 : vector<512xf32> to vector<512x1xf32>
    %eq3A_73 = vector.broadcast %broadcast_in_dim3A_72 : vector<512x1xf32> to vector<512x4096xf32>
    %eq3A_74 = arith.cmpf oeq, %select_n3A_69, %eq3A_73 : vector<512x4096xf32>
    %jit3A_75 = arith.constant 3.000000e+38 : f32
    %broadcast_in_dim3A_76 = vector.broadcast %jit3A_75 : f32 to vector<512x4096xf32>
    %select_n3A_77 = arith.select %eq3A_74, %broadcast_in_dim3A_76, %select_n3A_69 : vector<512x4096xi1>, vector<512x4096xf32>
    %reduce_min3A_78 = arith.constant dense<0x7F800000> : vector<512xf32>
    %reduce_min3A_79 = vector.multi_reduction <minimumf>, %select_n3A_77, %reduce_min3A_78 [1] : vector<512x4096xf32> to vector<512xf32>
    %broadcast_in_dim3A_80 = vector.shape_cast %reduce_min3A_79 : vector<512xf32> to vector<512x1xf32>
    %eq3A_81 = vector.broadcast %broadcast_in_dim3A_80 : vector<512x1xf32> to vector<512x4096xf32>
    %eq3A_82 = arith.cmpf oeq, %select_n3A_77, %eq3A_81 : vector<512x4096xf32>
    %jit3A_83 = arith.constant 3.000000e+38 : f32
    %broadcast_in_dim3A_84 = vector.broadcast %jit3A_83 : f32 to vector<512x4096xf32>
    %select_n3A_85 = arith.select %eq3A_82, %broadcast_in_dim3A_84, %select_n3A_77 : vector<512x4096xi1>, vector<512x4096xf32>
    %reduce_min3A_86 = arith.constant dense<0x7F800000> : vector<512xf32>
    %reduce_min3A_87 = vector.multi_reduction <minimumf>, %select_n3A_85, %reduce_min3A_86 [1] : vector<512x4096xf32> to vector<512xf32>
    %broadcast_in_dim3A_88 = vector.shape_cast %reduce_min3A_87 : vector<512xf32> to vector<512x1xf32>
    %eq3A_89 = vector.broadcast %broadcast_in_dim3A_88 : vector<512x1xf32> to vector<512x4096xf32>
    %eq3A_90 = arith.cmpf oeq, %select_n3A_85, %eq3A_89 : vector<512x4096xf32>
    %jit3A_91 = arith.constant 3.000000e+38 : f32
    %broadcast_in_dim3A_92 = vector.broadcast %jit3A_91 : f32 to vector<512x4096xf32>
    %select_n3A_93 = arith.select %eq3A_90, %broadcast_in_dim3A_92, %select_n3A_85 : vector<512x4096xi1>, vector<512x4096xf32>
    %reduce_min3A_94 = arith.constant dense<0x7F800000> : vector<512xf32>
    %reduce_min3A_95 = vector.multi_reduction <minimumf>, %select_n3A_93, %reduce_min3A_94 [1] : vector<512x4096xf32> to vector<512xf32>
    %broadcast_in_dim3A_96 = vector.shape_cast %reduce_min3A_95 : vector<512xf32> to vector<512x1xf32>
    %eq3A_97 = vector.broadcast %broadcast_in_dim3A_96 : vector<512x1xf32> to vector<512x4096xf32>
    %eq3A_98 = arith.cmpf oeq, %select_n3A_93, %eq3A_97 : vector<512x4096xf32>
    %jit3A_99 = arith.constant 3.000000e+38 : f32
    %broadcast_in_dim3A_100 = vector.broadcast %jit3A_99 : f32 to vector<512x4096xf32>
    %select_n3A_101 = arith.select %eq3A_98, %broadcast_in_dim3A_100, %select_n3A_93 : vector<512x4096xi1>, vector<512x4096xf32>
    %reduce_min3A_102 = arith.constant dense<0x7F800000> : vector<512xf32>
    %reduce_min3A_103 = vector.multi_reduction <minimumf>, %select_n3A_101, %reduce_min3A_102 [1] : vector<512x4096xf32> to vector<512xf32>
    %broadcast_in_dim3A_104 = vector.shape_cast %reduce_min3A_103 : vector<512xf32> to vector<512x1xf32>
    %eq3A_105 = vector.broadcast %broadcast_in_dim3A_104 : vector<512x1xf32> to vector<512x4096xf32>
    %eq3A_106 = arith.cmpf oeq, %select_n3A_101, %eq3A_105 : vector<512x4096xf32>
    %jit3A_107 = arith.constant 3.000000e+38 : f32
    %broadcast_in_dim3A_108 = vector.broadcast %jit3A_107 : f32 to vector<512x4096xf32>
    %select_n3A_109 = arith.select %eq3A_106, %broadcast_in_dim3A_108, %select_n3A_101 : vector<512x4096xi1>, vector<512x4096xf32>
    %reduce_min3A_110 = arith.constant dense<0x7F800000> : vector<512xf32>
    %reduce_min3A_111 = vector.multi_reduction <minimumf>, %select_n3A_109, %reduce_min3A_110 [1] : vector<512x4096xf32> to vector<512xf32>
    %broadcast_in_dim3A_112 = vector.shape_cast %reduce_min3A_111 : vector<512xf32> to vector<512x1xf32>
    %concatenate3A = tpu.concatenate %broadcast_in_dim3A, %broadcast_in_dim3A_56, %broadcast_in_dim3A_64, %broadcast_in_dim3A_72, %broadcast_in_dim3A_80, %broadcast_in_dim3A_88, %broadcast_in_dim3A_96, %broadcast_in_dim3A_104, %broadcast_in_dim3A_112 in 1 : vector<512x1xf32>, vector<512x1xf32>, vector<512x1xf32>, vector<512x1xf32>, vector<512x1xf32>, vector<512x1xf32>, vector<512x1xf32>, vector<512x1xf32>, vector<512x1xf32> -> vector<512x9xf32>
    %bitcast_convert_type3A_113 = tpu.bitcast %concatenate3A : vector<512x9xf32> -> vector<512x9xi32>
    %and3A_114 = arith.constant 4095 : i32
    %and3A_115 = vector.broadcast %and3A_114 : i32 to vector<512x9xi32>
    %and3A_116 = arith.andi %bitcast_convert_type3A_113, %and3A_115 : vector<512x9xi32>
    %add3A_117 = arith.constant 4096 : i32
    %add3A_118 = vector.broadcast %add3A_117 : i32 to vector<512x9xi32>
    %add3A_119 = arith.addi %and3A_116, %add3A_118 : vector<512x9xi32>
    %transpose3A = tpu.transpose %add3A_119, [1, 0] : vector<512x9xi32> -> vector<9x512xi32>
    %swap3A = arith.constant 0 : index
    %swap3A_120 = arith.constant 0 : index
    %swap3A_121 = arith.constant 0 : index
    %swap3A_122 = vector.load %arg3[%swap3A, %swap3A_120, %swap3A_121] : memref<1x9x512xi32, #tpu.memory_space<vmem>>, vector<1x9x512xi32>
    %swap3A_123 = vector.shape_cast %swap3A_122 : vector<1x9x512xi32> to vector<9x512xi32>
    %swap3A_124 = vector.shape_cast %transpose3A : vector<9x512xi32> to vector<1x9x512xi32>
    tpu.vector_store %arg3[%swap3A, %swap3A_120, %swap3A_121], %swap3A_124 {strides = array<i32>} : memref<1x9x512xi32, #tpu.memory_space<vmem>>, vector<1x9x512xi32>,
    return
  }
  func.func @transform_0(%arg0: i32) -> (i32, i32, i32) {
    %add3A = arith.constant 0 : i32
    %add3A_0 = arith.addi %add3A, %arg0 : i32
    %c1_i32 = arith.constant 1 : i32
    %c0_i32 = arith.constant 0 : i32
    %c0_i32_1 = arith.constant 0 : i32
    return %c1_i32, %add3A_0, %c0_i32 : i32, i32, i32
  }
  func.func @transform_1(%arg0: i32) -> (i32, i32, i32) {
    %c1_i32 = arith.constant 1 : i32
    %c0_i32 = arith.constant 0 : i32
    %c0_i32_0 = arith.constant 0 : i32
    %c0_i32_1 = arith.constant 0 : i32
    return %c1_i32, %c0_i32, %c0_i32_0 : i32, i32, i32
  }
  func.func @transform_2(%arg0: i32) -> (i32, i32, i32) {
    %c0_i32 = arith.constant 0 : i32
    %c0_i32_0 = arith.constant 0 : i32
    %c0_i32_1 = arith.constant 0 : i32
    return %c0_i32, %c0_i32_0, %arg0 : i32, i32, i32
  }
}

module attributes {stable_mosaic.version = 14 : i64} {
  func.func @_topk_kernel(%arg0: i32, %arg1: memref<1x512x2xf32, #tpu.memory_space<vmem>>, %arg2: memref<1x2x4096xf32, #tpu.memory_space<vmem>>, %arg3: memref<1x9x512xi32, #tpu.memory_space<vmem>>) attributes {dimension_semantics = [#tpu.dimension_semantics<arbitrary>], iteration_bounds = array<i64: 4>, scalar_prefetch = 0 : i64, scratch_operands = 0 : i64, tpu.core_type = #tpu.core_type<tc>, window_params = [{transform_indices = @transform_0, window_bounds = array<i64: 1, 512, 2>}, {transform_indices = @transform_1, window_bounds = array<i64: 1, 2, 4096>}, {transform_indices = @transform_2, window_bounds = array<i64: 1, 9, 512>}]} {
    %get3A = arith.constant 0 : index
    %get3A_0 = arith.constant 0 : index
    %get3A_1 = arith.constant 0 : index
    %get3A_2 = vector.load %arg1[%get3A, %get3A_0, %get3A_1] : memref<1x512x2xf32, #tpu.memory_space<vmem>>, vector<1x512x1xf32>
    %get3A_3 = vector.shape_cast %get3A_2 : vector<1x512x1xf32> to vector<512x1xf32>
    %get3A_4 = arith.constant 0 : index
    %get3A_5 = arith.constant 0 : index
    %get3A_6 = arith.constant 1 : index
    %get3A_7 = vector.load %arg1[%get3A_4, %get3A_5, %get3A_6] : memref<1x512x2xf32, #tpu.memory_space<vmem>>, vector<1x512x1xf32>
    %get3A_8 = vector.shape_cast %get3A_7 : vector<1x512x1xf32> to vector<512x1xf32>
    %get3A_9 = arith.constant 0 : index
    %get3A_10 = arith.constant 0 : index
    %get3A_11 = arith.constant 0 : index
    %get3A_12 = vector.load %arg2[%get3A_9, %get3A_10, %get3A_11] : memref<1x2x4096xf32, #tpu.memory_space<vmem>>, vector<1x1x4096xf32>
    %get3A_13 = vector.shape_cast %get3A_12 : vector<1x1x4096xf32> to vector<1x4096xf32>
    %get3A_14 = arith.constant 0 : index
    %get3A_15 = arith.constant 1 : index
    %get3A_16 = arith.constant 0 : index
    %get3A_17 = vector.load %arg2[%get3A_14, %get3A_15, %get3A_16] : memref<1x2x4096xf32, #tpu.memory_space<vmem>>, vector<1x1x4096xf32>
    %get3A_18 = vector.shape_cast %get3A_17 : vector<1x1x4096xf32> to vector<1x4096xf32>
    %mul3A = arith.mulf %get3A_3, %get3A_3 : vector<512x1xf32>
    %mul3A_19 = arith.mulf %get3A_8, %get3A_8 : vector<512x1xf32>
    %add3A = arith.addf %mul3A, %mul3A_19 : vector<512x1xf32>
    %mul3A_20 = arith.mulf %get3A_13, %get3A_13 : vector<1x4096xf32>
    %mul3A_21 = arith.mulf %get3A_18, %get3A_18 : vector<1x4096xf32>
    %add3A_22 = arith.addf %mul3A_20, %mul3A_21 : vector<1x4096xf32>
    %convert_element_type3A = arith.truncf %get3A_3 : vector<512x1xf32> to vector<512x1xbf16>
    %convert_element_type3A_23 = arith.extf %convert_element_type3A : vector<512x1xbf16> to vector<512x1xf32>
    %convert_element_type3A_24 = arith.truncf %get3A_8 : vector<512x1xf32> to vector<512x1xbf16>
    %convert_element_type3A_25 = arith.extf %convert_element_type3A_24 : vector<512x1xbf16> to vector<512x1xf32>
    %convert_element_type3A_26 = arith.truncf %get3A_13 : vector<1x4096xf32> to vector<1x4096xbf16>
    %convert_element_type3A_27 = arith.extf %convert_element_type3A_26 : vector<1x4096xbf16> to vector<1x4096xf32>
    %convert_element_type3A_28 = arith.truncf %get3A_18 : vector<1x4096xf32> to vector<1x4096xbf16>
    %convert_element_type3A_29 = arith.extf %convert_element_type3A_28 : vector<1x4096xbf16> to vector<1x4096xf32>
    %mul3A_30 = vector.broadcast %convert_element_type3A_23 : vector<512x1xf32> to vector<512x4096xf32>
    %mul3A_31 = vector.broadcast %convert_element_type3A_27 : vector<1x4096xf32> to vector<512x4096xf32>
    %mul3A_32 = arith.mulf %mul3A_30, %mul3A_31 : vector<512x4096xf32>
    %mul3A_33 = vector.broadcast %convert_element_type3A_25 : vector<512x1xf32> to vector<512x4096xf32>
    %mul3A_34 = vector.broadcast %convert_element_type3A_29 : vector<1x4096xf32> to vector<512x4096xf32>
    %mul3A_35 = arith.mulf %mul3A_33, %mul3A_34 : vector<512x4096xf32>
    %add3A_36 = arith.addf %mul3A_32, %mul3A_35 : vector<512x4096xf32>
    %add3A_37 = vector.broadcast %add3A : vector<512x1xf32> to vector<512x4096xf32>
    %add3A_38 = vector.broadcast %add3A_22 : vector<1x4096xf32> to vector<512x4096xf32>
    %add3A_39 = arith.addf %add3A_37, %add3A_38 : vector<512x4096xf32>
    %mul3A_40 = arith.constant 2.000000e+00 : f32
    %mul3A_41 = vector.broadcast %mul3A_40 : f32 to vector<512x4096xf32>
    %mul3A_42 = arith.mulf %mul3A_41, %add3A_36 : vector<512x4096xf32>
    %sub3A = arith.subf %add3A_39, %mul3A_42 : vector<512x4096xf32>
    %max3A = arith.constant 0.000000e+00 : f32
    %max3A_43 = vector.broadcast %max3A : f32 to vector<512x4096xf32>
    %max3A_44 = arith.maximumf %sub3A, %max3A_43 : vector<512x4096xf32>
    %iota3A = tpu.iota {dimensions = array<i32: 1>} : vector<512x4096xi32>
    %bitcast_convert_type3A = tpu.bitcast %max3A_44 : vector<512x4096xf32> -> vector<512x4096xi32>
    %add3A_45 = arith.constant 8388608 : i32
    %add3A_46 = vector.broadcast %add3A_45 : i32 to vector<512x4096xi32>
    %add3A_47 = arith.addi %bitcast_convert_type3A, %add3A_46 : vector<512x4096xi32>
    %and3A = arith.constant -4096 : i32
    %and3A_48 = vector.broadcast %and3A : i32 to vector<512x4096xi32>
    %and3A_49 = arith.andi %add3A_47, %and3A_48 : vector<512x4096xi32>
    %or3A = arith.ori %and3A_49, %iota3A : vector<512x4096xi32>
    %bitcast_convert_type3A_50 = tpu.bitcast %or3A : vector<512x4096xi32> -> vector<512x4096xf32>
    %reduce_min3A = arith.constant dense<0x7F800000> : vector<512xf32>
    %reduce_min3A_51 = vector.multi_reduction <minimumf>, %bitcast_convert_type3A_50, %reduce_min3A [1] : vector<512x4096xf32> to vector<512xf32>
    %broadcast_in_dim3A = vector.shape_cast %reduce_min3A_51 : vector<512xf32> to vector<512x1xf32>
    %eq3A = vector.broadcast %broadcast_in_dim3A : vector<512x1xf32> to vector<512x4096xf32>
    %eq3A_52 = arith.cmpf oeq, %bitcast_convert_type3A_50, %eq3A : vector<512x4096xf32>
    %jit3A = arith.constant 3.000000e+38 : f32
    %broadcast_in_dim3A_53 = vector.broadcast %jit3A : f32 to vector<512x4096xf32>
    %select_n3A = arith.select %eq3A_52, %broadcast_in_dim3A_53, %bitcast_convert_type3A_50 : vector<512x4096xi1>, vector<512x4096xf32>
    %reduce_min3A_54 = arith.constant dense<0x7F800000> : vector<512xf32>
    %reduce_min3A_55 = vector.multi_reduction <minimumf>, %select_n3A, %reduce_min3A_54 [1] : vector<512x4096xf32> to vector<512xf32>
    %broadcast_in_dim3A_56 = vector.shape_cast %reduce_min3A_55 : vector<512xf32> to vector<512x1xf32>
    %eq3A_57 = vector.broadcast %broadcast_in_dim3A_56 : vector<512x1xf32> to vector<512x4096xf32>
    %eq3A_58 = arith.cmpf oeq, %select_n3A, %eq3A_57 : vector<512x4096xf32>
    %jit3A_59 = arith.constant 3.000000e+38 : f32
    %broadcast_in_dim3A_60 = vector.broadcast %jit3A_59 : f32 to vector<512x4096xf32>
    %select_n3A_61 = arith.select %eq3A_58, %broadcast_in_dim3A_60, %select_n3A : vector<512x4096xi1>, vector<512x4096xf32>
    %reduce_min3A_62 = arith.constant dense<0x7F800000> : vector<512xf32>
    %reduce_min3A_63 = vector.multi_reduction <minimumf>, %select_n3A_61, %reduce_min3A_62 [1] : vector<512x4096xf32> to vector<512xf32>
    %broadcast_in_dim3A_64 = vector.shape_cast %reduce_min3A_63 : vector<512xf32> to vector<512x1xf32>
    %eq3A_65 = vector.broadcast %broadcast_in_dim3A_64 : vector<512x1xf32> to vector<512x4096xf32>
    %eq3A_66 = arith.cmpf oeq, %select_n3A_61, %eq3A_65 : vector<512x4096xf32>
    %jit3A_67 = arith.constant 3.000000e+38 : f32
    %broadcast_in_dim3A_68 = vector.broadcast %jit3A_67 : f32 to vector<512x4096xf32>
    %select_n3A_69 = arith.select %eq3A_66, %broadcast_in_dim3A_68, %select_n3A_61 : vector<512x4096xi1>, vector<512x4096xf32>
    %reduce_min3A_70 = arith.constant dense<0x7F800000> : vector<512xf32>
    %reduce_min3A_71 = vector.multi_reduction <minimumf>, %select_n3A_69, %reduce_min3A_70 [1] : vector<512x4096xf32> to vector<512xf32>
    %broadcast_in_dim3A_72 = vector.shape_cast %reduce_min3A_71 : vector<512xf32> to vector<512x1xf32>
    %eq3A_73 = vector.broadcast %broadcast_in_dim3A_72 : vector<512x1xf32> to vector<512x4096xf32>
    %eq3A_74 = arith.cmpf oeq, %select_n3A_69, %eq3A_73 : vector<512x4096xf32>
    %jit3A_75 = arith.constant 3.000000e+38 : f32
    %broadcast_in_dim3A_76 = vector.broadcast %jit3A_75 : f32 to vector<512x4096xf32>
    %select_n3A_77 = arith.select %eq3A_74, %broadcast_in_dim3A_76, %select_n3A_69 : vector<512x4096xi1>, vector<512x4096xf32>
    %reduce_min3A_78 = arith.constant dense<0x7F800000> : vector<512xf32>
    %reduce_min3A_79 = vector.multi_reduction <minimumf>, %select_n3A_77, %reduce_min3A_78 [1] : vector<512x4096xf32> to vector<512xf32>
    %broadcast_in_dim3A_80 = vector.shape_cast %reduce_min3A_79 : vector<512xf32> to vector<512x1xf32>
    %eq3A_81 = vector.broadcast %broadcast_in_dim3A_80 : vector<512x1xf32> to vector<512x4096xf32>
    %eq3A_82 = arith.cmpf oeq, %select_n3A_77, %eq3A_81 : vector<512x4096xf32>
    %jit3A_83 = arith.constant 3.000000e+38 : f32
    %broadcast_in_dim3A_84 = vector.broadcast %jit3A_83 : f32 to vector<512x4096xf32>
    %select_n3A_85 = arith.select %eq3A_82, %broadcast_in_dim3A_84, %select_n3A_77 : vector<512x4096xi1>, vector<512x4096xf32>
    %reduce_min3A_86 = arith.constant dense<0x7F800000> : vector<512xf32>
    %reduce_min3A_87 = vector.multi_reduction <minimumf>, %select_n3A_85, %reduce_min3A_86 [1] : vector<512x4096xf32> to vector<512xf32>
    %broadcast_in_dim3A_88 = vector.shape_cast %reduce_min3A_87 : vector<512xf32> to vector<512x1xf32>
    %eq3A_89 = vector.broadcast %broadcast_in_dim3A_88 : vector<512x1xf32> to vector<512x4096xf32>
    %eq3A_90 = arith.cmpf oeq, %select_n3A_85, %eq3A_89 : vector<512x4096xf32>
    %jit3A_91 = arith.constant 3.000000e+38 : f32
    %broadcast_in_dim3A_92 = vector.broadcast %jit3A_91 : f32 to vector<512x4096xf32>
    %select_n3A_93 = arith.select %eq3A_90, %broadcast_in_dim3A_92, %select_n3A_85 : vector<512x4096xi1>, vector<512x4096xf32>
    %reduce_min3A_94 = arith.constant dense<0x7F800000> : vector<512xf32>
    %reduce_min3A_95 = vector.multi_reduction <minimumf>, %select_n3A_93, %reduce_min3A_94 [1] : vector<512x4096xf32> to vector<512xf32>
    %broadcast_in_dim3A_96 = vector.shape_cast %reduce_min3A_95 : vector<512xf32> to vector<512x1xf32>
    %eq3A_97 = vector.broadcast %broadcast_in_dim3A_96 : vector<512x1xf32> to vector<512x4096xf32>
    %eq3A_98 = arith.cmpf oeq, %select_n3A_93, %eq3A_97 : vector<512x4096xf32>
    %jit3A_99 = arith.constant 3.000000e+38 : f32
    %broadcast_in_dim3A_100 = vector.broadcast %jit3A_99 : f32 to vector<512x4096xf32>
    %select_n3A_101 = arith.select %eq3A_98, %broadcast_in_dim3A_100, %select_n3A_93 : vector<512x4096xi1>, vector<512x4096xf32>
    %reduce_min3A_102 = arith.constant dense<0x7F800000> : vector<512xf32>
    %reduce_min3A_103 = vector.multi_reduction <minimumf>, %select_n3A_101, %reduce_min3A_102 [1] : vector<512x4096xf32> to vector<512xf32>
    %broadcast_in_dim3A_104 = vector.shape_cast %reduce_min3A_103 : vector<512xf32> to vector<512x1xf32>
    %eq3A_105 = vector.broadcast %broadcast_in_dim3A_104 : vector<512x1xf32> to vector<512x4096xf32>
    %eq3A_106 = arith.cmpf oeq, %select_n3A_101, %eq3A_105 : vector<512x4096xf32>
    %jit3A_107 = arith.constant 3.000000e+38 : f32
    %broadcast_in_dim3A_108 = vector.broadcast %jit3A_107 : f32 to vector<512x4096xf32>
    %select_n3A_109 = arith.select %eq3A_106, %broadcast_in_dim3A_108, %select_n3A_101 : vector<512x4096xi1>, vector<512x4096xf32>
    %reduce_min3A_110 = arith.constant dense<0x7F800000> : vector<512xf32>
    %reduce_min3A_111 = vector.multi_reduction <minimumf>, %select_n3A_109, %reduce_min3A_110 [1] : vector<512x4096xf32> to vector<512xf32>
    %broadcast_in_dim3A_112 = vector.shape_cast %reduce_min3A_111 : vector<512xf32> to vector<512x1xf32>
    %concatenate3A = tpu.concatenate %broadcast_in_dim3A, %broadcast_in_dim3A_56, %broadcast_in_dim3A_64, %broadcast_in_dim3A_72, %broadcast_in_dim3A_80, %broadcast_in_dim3A_88, %broadcast_in_dim3A_96, %broadcast_in_dim3A_104, %broadcast_in_dim3A_112 in 1 : vector<512x1xf32>, vector<512x1xf32>, vector<512x1xf32>, vector<512x1xf32>, vector<512x1xf32>, vector<512x1xf32>, vector<512x1xf32>, vector<512x1xf32>, vector<512x1xf32> -> vector<512x9xf32>
    %bitcast_convert_type3A_113 = tpu.bitcast %concatenate3A : vector<512x9xf32> -> vector<512x9xi32>
    %and3A_114 = arith.constant 4095 : i32
    %and3A_115 = vector.broadcast %and3A_114 : i32 to vector<512x9xi32>
    %and3A_116 = arith.andi %bitcast_convert_type3A_113, %and3A_115 : vector<512x9xi32>
    %add3A_117 = arith.constant 0 : i32
    %add3A_118 = vector.broadcast %add3A_117 : i32 to vector<512x9xi32>
    %add3A_119 = arith.addi %and3A_116, %add3A_118 : vector<512x9xi32>
    %transpose3A = tpu.transpose %add3A_119, [1, 0] : vector<512x9xi32> -> vector<9x512xi32>
    %swap3A = arith.constant 0 : index
    %swap3A_120 = arith.constant 0 : index
    %swap3A_121 = arith.constant 0 : index
    %swap3A_122 = vector.load %arg3[%swap3A, %swap3A_120, %swap3A_121] : memref<1x9x512xi32, #tpu.memory_space<vmem>>, vector<1x9x512xi32>
    %swap3A_123 = vector.shape_cast %swap3A_122 : vector<1x9x512xi32> to vector<9x512xi32>
    %swap3A_124 = vector.shape_cast %transpose3A : vector<9x512xi32> to vector<1x9x512xi32>
    tpu.vector_store %arg3[%swap3A, %swap3A_120, %swap3A_121], %swap3A_124 {strides = array<i32>} : memref<1x9x512xi32, #tpu.memory_space<vmem>>, vector<1x9x512xi32>,
    return
  }
  func.func @transform_0(%arg0: i32) -> (i32, i32, i32) {
    %add3A = arith.constant 4 : i32
    %add3A_0 = arith.addi %add3A, %arg0 : i32
    %c0_i32 = arith.constant 0 : i32
    %c0_i32_1 = arith.constant 0 : i32
    %c0_i32_2 = arith.constant 0 : i32
    return %c0_i32, %add3A_0, %c0_i32_1 : i32, i32, i32
  }
  func.func @transform_1(%arg0: i32) -> (i32, i32, i32) {
    %c0_i32 = arith.constant 0 : i32
    %c0_i32_0 = arith.constant 0 : i32
    %c0_i32_1 = arith.constant 0 : i32
    %c0_i32_2 = arith.constant 0 : i32
    return %c0_i32, %c0_i32_0, %c0_i32_1 : i32, i32, i32
  }
  func.func @transform_2(%arg0: i32) -> (i32, i32, i32) {
    %c0_i32 = arith.constant 0 : i32
    %c0_i32_0 = arith.constant 0 : i32
    %c0_i32_1 = arith.constant 0 : i32
    return %c0_i32, %c0_i32_0, %arg0 : i32, i32, i32
  }
}

module attributes {stable_mosaic.version = 14 : i64} {
  func.func @_topk_kernel(%arg0: i32, %arg1: memref<1x512x2xf32, #tpu.memory_space<vmem>>, %arg2: memref<1x2x4096xf32, #tpu.memory_space<vmem>>, %arg3: memref<1x9x512xi32, #tpu.memory_space<vmem>>) attributes {dimension_semantics = [#tpu.dimension_semantics<arbitrary>], iteration_bounds = array<i64: 4>, scalar_prefetch = 0 : i64, scratch_operands = 0 : i64, tpu.core_type = #tpu.core_type<tc>, window_params = [{transform_indices = @transform_0, window_bounds = array<i64: 1, 512, 2>}, {transform_indices = @transform_1, window_bounds = array<i64: 1, 2, 4096>}, {transform_indices = @transform_2, window_bounds = array<i64: 1, 9, 512>}]} {
    %get3A = arith.constant 0 : index
    %get3A_0 = arith.constant 0 : index
    %get3A_1 = arith.constant 0 : index
    %get3A_2 = vector.load %arg1[%get3A, %get3A_0, %get3A_1] : memref<1x512x2xf32, #tpu.memory_space<vmem>>, vector<1x512x1xf32>
    %get3A_3 = vector.shape_cast %get3A_2 : vector<1x512x1xf32> to vector<512x1xf32>
    %get3A_4 = arith.constant 0 : index
    %get3A_5 = arith.constant 0 : index
    %get3A_6 = arith.constant 1 : index
    %get3A_7 = vector.load %arg1[%get3A_4, %get3A_5, %get3A_6] : memref<1x512x2xf32, #tpu.memory_space<vmem>>, vector<1x512x1xf32>
    %get3A_8 = vector.shape_cast %get3A_7 : vector<1x512x1xf32> to vector<512x1xf32>
    %get3A_9 = arith.constant 0 : index
    %get3A_10 = arith.constant 0 : index
    %get3A_11 = arith.constant 0 : index
    %get3A_12 = vector.load %arg2[%get3A_9, %get3A_10, %get3A_11] : memref<1x2x4096xf32, #tpu.memory_space<vmem>>, vector<1x1x4096xf32>
    %get3A_13 = vector.shape_cast %get3A_12 : vector<1x1x4096xf32> to vector<1x4096xf32>
    %get3A_14 = arith.constant 0 : index
    %get3A_15 = arith.constant 1 : index
    %get3A_16 = arith.constant 0 : index
    %get3A_17 = vector.load %arg2[%get3A_14, %get3A_15, %get3A_16] : memref<1x2x4096xf32, #tpu.memory_space<vmem>>, vector<1x1x4096xf32>
    %get3A_18 = vector.shape_cast %get3A_17 : vector<1x1x4096xf32> to vector<1x4096xf32>
    %mul3A = arith.mulf %get3A_3, %get3A_3 : vector<512x1xf32>
    %mul3A_19 = arith.mulf %get3A_8, %get3A_8 : vector<512x1xf32>
    %add3A = arith.addf %mul3A, %mul3A_19 : vector<512x1xf32>
    %mul3A_20 = arith.mulf %get3A_13, %get3A_13 : vector<1x4096xf32>
    %mul3A_21 = arith.mulf %get3A_18, %get3A_18 : vector<1x4096xf32>
    %add3A_22 = arith.addf %mul3A_20, %mul3A_21 : vector<1x4096xf32>
    %convert_element_type3A = arith.truncf %get3A_3 : vector<512x1xf32> to vector<512x1xbf16>
    %convert_element_type3A_23 = arith.extf %convert_element_type3A : vector<512x1xbf16> to vector<512x1xf32>
    %convert_element_type3A_24 = arith.truncf %get3A_8 : vector<512x1xf32> to vector<512x1xbf16>
    %convert_element_type3A_25 = arith.extf %convert_element_type3A_24 : vector<512x1xbf16> to vector<512x1xf32>
    %convert_element_type3A_26 = arith.truncf %get3A_13 : vector<1x4096xf32> to vector<1x4096xbf16>
    %convert_element_type3A_27 = arith.extf %convert_element_type3A_26 : vector<1x4096xbf16> to vector<1x4096xf32>
    %convert_element_type3A_28 = arith.truncf %get3A_18 : vector<1x4096xf32> to vector<1x4096xbf16>
    %convert_element_type3A_29 = arith.extf %convert_element_type3A_28 : vector<1x4096xbf16> to vector<1x4096xf32>
    %mul3A_30 = vector.broadcast %convert_element_type3A_23 : vector<512x1xf32> to vector<512x4096xf32>
    %mul3A_31 = vector.broadcast %convert_element_type3A_27 : vector<1x4096xf32> to vector<512x4096xf32>
    %mul3A_32 = arith.mulf %mul3A_30, %mul3A_31 : vector<512x4096xf32>
    %mul3A_33 = vector.broadcast %convert_element_type3A_25 : vector<512x1xf32> to vector<512x4096xf32>
    %mul3A_34 = vector.broadcast %convert_element_type3A_29 : vector<1x4096xf32> to vector<512x4096xf32>
    %mul3A_35 = arith.mulf %mul3A_33, %mul3A_34 : vector<512x4096xf32>
    %add3A_36 = arith.addf %mul3A_32, %mul3A_35 : vector<512x4096xf32>
    %add3A_37 = vector.broadcast %add3A : vector<512x1xf32> to vector<512x4096xf32>
    %add3A_38 = vector.broadcast %add3A_22 : vector<1x4096xf32> to vector<512x4096xf32>
    %add3A_39 = arith.addf %add3A_37, %add3A_38 : vector<512x4096xf32>
    %mul3A_40 = arith.constant 2.000000e+00 : f32
    %mul3A_41 = vector.broadcast %mul3A_40 : f32 to vector<512x4096xf32>
    %mul3A_42 = arith.mulf %mul3A_41, %add3A_36 : vector<512x4096xf32>
    %sub3A = arith.subf %add3A_39, %mul3A_42 : vector<512x4096xf32>
    %max3A = arith.constant 0.000000e+00 : f32
    %max3A_43 = vector.broadcast %max3A : f32 to vector<512x4096xf32>
    %max3A_44 = arith.maximumf %sub3A, %max3A_43 : vector<512x4096xf32>
    %iota3A = tpu.iota {dimensions = array<i32: 1>} : vector<512x4096xi32>
    %bitcast_convert_type3A = tpu.bitcast %max3A_44 : vector<512x4096xf32> -> vector<512x4096xi32>
    %add3A_45 = arith.constant 8388608 : i32
    %add3A_46 = vector.broadcast %add3A_45 : i32 to vector<512x4096xi32>
    %add3A_47 = arith.addi %bitcast_convert_type3A, %add3A_46 : vector<512x4096xi32>
    %and3A = arith.constant -4096 : i32
    %and3A_48 = vector.broadcast %and3A : i32 to vector<512x4096xi32>
    %and3A_49 = arith.andi %add3A_47, %and3A_48 : vector<512x4096xi32>
    %or3A = arith.ori %and3A_49, %iota3A : vector<512x4096xi32>
    %bitcast_convert_type3A_50 = tpu.bitcast %or3A : vector<512x4096xi32> -> vector<512x4096xf32>
    %reduce_min3A = arith.constant dense<0x7F800000> : vector<512xf32>
    %reduce_min3A_51 = vector.multi_reduction <minimumf>, %bitcast_convert_type3A_50, %reduce_min3A [1] : vector<512x4096xf32> to vector<512xf32>
    %broadcast_in_dim3A = vector.shape_cast %reduce_min3A_51 : vector<512xf32> to vector<512x1xf32>
    %eq3A = vector.broadcast %broadcast_in_dim3A : vector<512x1xf32> to vector<512x4096xf32>
    %eq3A_52 = arith.cmpf oeq, %bitcast_convert_type3A_50, %eq3A : vector<512x4096xf32>
    %jit3A = arith.constant 3.000000e+38 : f32
    %broadcast_in_dim3A_53 = vector.broadcast %jit3A : f32 to vector<512x4096xf32>
    %select_n3A = arith.select %eq3A_52, %broadcast_in_dim3A_53, %bitcast_convert_type3A_50 : vector<512x4096xi1>, vector<512x4096xf32>
    %reduce_min3A_54 = arith.constant dense<0x7F800000> : vector<512xf32>
    %reduce_min3A_55 = vector.multi_reduction <minimumf>, %select_n3A, %reduce_min3A_54 [1] : vector<512x4096xf32> to vector<512xf32>
    %broadcast_in_dim3A_56 = vector.shape_cast %reduce_min3A_55 : vector<512xf32> to vector<512x1xf32>
    %eq3A_57 = vector.broadcast %broadcast_in_dim3A_56 : vector<512x1xf32> to vector<512x4096xf32>
    %eq3A_58 = arith.cmpf oeq, %select_n3A, %eq3A_57 : vector<512x4096xf32>
    %jit3A_59 = arith.constant 3.000000e+38 : f32
    %broadcast_in_dim3A_60 = vector.broadcast %jit3A_59 : f32 to vector<512x4096xf32>
    %select_n3A_61 = arith.select %eq3A_58, %broadcast_in_dim3A_60, %select_n3A : vector<512x4096xi1>, vector<512x4096xf32>
    %reduce_min3A_62 = arith.constant dense<0x7F800000> : vector<512xf32>
    %reduce_min3A_63 = vector.multi_reduction <minimumf>, %select_n3A_61, %reduce_min3A_62 [1] : vector<512x4096xf32> to vector<512xf32>
    %broadcast_in_dim3A_64 = vector.shape_cast %reduce_min3A_63 : vector<512xf32> to vector<512x1xf32>
    %eq3A_65 = vector.broadcast %broadcast_in_dim3A_64 : vector<512x1xf32> to vector<512x4096xf32>
    %eq3A_66 = arith.cmpf oeq, %select_n3A_61, %eq3A_65 : vector<512x4096xf32>
    %jit3A_67 = arith.constant 3.000000e+38 : f32
    %broadcast_in_dim3A_68 = vector.broadcast %jit3A_67 : f32 to vector<512x4096xf32>
    %select_n3A_69 = arith.select %eq3A_66, %broadcast_in_dim3A_68, %select_n3A_61 : vector<512x4096xi1>, vector<512x4096xf32>
    %reduce_min3A_70 = arith.constant dense<0x7F800000> : vector<512xf32>
    %reduce_min3A_71 = vector.multi_reduction <minimumf>, %select_n3A_69, %reduce_min3A_70 [1] : vector<512x4096xf32> to vector<512xf32>
    %broadcast_in_dim3A_72 = vector.shape_cast %reduce_min3A_71 : vector<512xf32> to vector<512x1xf32>
    %eq3A_73 = vector.broadcast %broadcast_in_dim3A_72 : vector<512x1xf32> to vector<512x4096xf32>
    %eq3A_74 = arith.cmpf oeq, %select_n3A_69, %eq3A_73 : vector<512x4096xf32>
    %jit3A_75 = arith.constant 3.000000e+38 : f32
    %broadcast_in_dim3A_76 = vector.broadcast %jit3A_75 : f32 to vector<512x4096xf32>
    %select_n3A_77 = arith.select %eq3A_74, %broadcast_in_dim3A_76, %select_n3A_69 : vector<512x4096xi1>, vector<512x4096xf32>
    %reduce_min3A_78 = arith.constant dense<0x7F800000> : vector<512xf32>
    %reduce_min3A_79 = vector.multi_reduction <minimumf>, %select_n3A_77, %reduce_min3A_78 [1] : vector<512x4096xf32> to vector<512xf32>
    %broadcast_in_dim3A_80 = vector.shape_cast %reduce_min3A_79 : vector<512xf32> to vector<512x1xf32>
    %eq3A_81 = vector.broadcast %broadcast_in_dim3A_80 : vector<512x1xf32> to vector<512x4096xf32>
    %eq3A_82 = arith.cmpf oeq, %select_n3A_77, %eq3A_81 : vector<512x4096xf32>
    %jit3A_83 = arith.constant 3.000000e+38 : f32
    %broadcast_in_dim3A_84 = vector.broadcast %jit3A_83 : f32 to vector<512x4096xf32>
    %select_n3A_85 = arith.select %eq3A_82, %broadcast_in_dim3A_84, %select_n3A_77 : vector<512x4096xi1>, vector<512x4096xf32>
    %reduce_min3A_86 = arith.constant dense<0x7F800000> : vector<512xf32>
    %reduce_min3A_87 = vector.multi_reduction <minimumf>, %select_n3A_85, %reduce_min3A_86 [1] : vector<512x4096xf32> to vector<512xf32>
    %broadcast_in_dim3A_88 = vector.shape_cast %reduce_min3A_87 : vector<512xf32> to vector<512x1xf32>
    %eq3A_89 = vector.broadcast %broadcast_in_dim3A_88 : vector<512x1xf32> to vector<512x4096xf32>
    %eq3A_90 = arith.cmpf oeq, %select_n3A_85, %eq3A_89 : vector<512x4096xf32>
    %jit3A_91 = arith.constant 3.000000e+38 : f32
    %broadcast_in_dim3A_92 = vector.broadcast %jit3A_91 : f32 to vector<512x4096xf32>
    %select_n3A_93 = arith.select %eq3A_90, %broadcast_in_dim3A_92, %select_n3A_85 : vector<512x4096xi1>, vector<512x4096xf32>
    %reduce_min3A_94 = arith.constant dense<0x7F800000> : vector<512xf32>
    %reduce_min3A_95 = vector.multi_reduction <minimumf>, %select_n3A_93, %reduce_min3A_94 [1] : vector<512x4096xf32> to vector<512xf32>
    %broadcast_in_dim3A_96 = vector.shape_cast %reduce_min3A_95 : vector<512xf32> to vector<512x1xf32>
    %eq3A_97 = vector.broadcast %broadcast_in_dim3A_96 : vector<512x1xf32> to vector<512x4096xf32>
    %eq3A_98 = arith.cmpf oeq, %select_n3A_93, %eq3A_97 : vector<512x4096xf32>
    %jit3A_99 = arith.constant 3.000000e+38 : f32
    %broadcast_in_dim3A_100 = vector.broadcast %jit3A_99 : f32 to vector<512x4096xf32>
    %select_n3A_101 = arith.select %eq3A_98, %broadcast_in_dim3A_100, %select_n3A_93 : vector<512x4096xi1>, vector<512x4096xf32>
    %reduce_min3A_102 = arith.constant dense<0x7F800000> : vector<512xf32>
    %reduce_min3A_103 = vector.multi_reduction <minimumf>, %select_n3A_101, %reduce_min3A_102 [1] : vector<512x4096xf32> to vector<512xf32>
    %broadcast_in_dim3A_104 = vector.shape_cast %reduce_min3A_103 : vector<512xf32> to vector<512x1xf32>
    %eq3A_105 = vector.broadcast %broadcast_in_dim3A_104 : vector<512x1xf32> to vector<512x4096xf32>
    %eq3A_106 = arith.cmpf oeq, %select_n3A_101, %eq3A_105 : vector<512x4096xf32>
    %jit3A_107 = arith.constant 3.000000e+38 : f32
    %broadcast_in_dim3A_108 = vector.broadcast %jit3A_107 : f32 to vector<512x4096xf32>
    %select_n3A_109 = arith.select %eq3A_106, %broadcast_in_dim3A_108, %select_n3A_101 : vector<512x4096xi1>, vector<512x4096xf32>
    %reduce_min3A_110 = arith.constant dense<0x7F800000> : vector<512xf32>
    %reduce_min3A_111 = vector.multi_reduction <minimumf>, %select_n3A_109, %reduce_min3A_110 [1] : vector<512x4096xf32> to vector<512xf32>
    %broadcast_in_dim3A_112 = vector.shape_cast %reduce_min3A_111 : vector<512xf32> to vector<512x1xf32>
    %concatenate3A = tpu.concatenate %broadcast_in_dim3A, %broadcast_in_dim3A_56, %broadcast_in_dim3A_64, %broadcast_in_dim3A_72, %broadcast_in_dim3A_80, %broadcast_in_dim3A_88, %broadcast_in_dim3A_96, %broadcast_in_dim3A_104, %broadcast_in_dim3A_112 in 1 : vector<512x1xf32>, vector<512x1xf32>, vector<512x1xf32>, vector<512x1xf32>, vector<512x1xf32>, vector<512x1xf32>, vector<512x1xf32>, vector<512x1xf32>, vector<512x1xf32> -> vector<512x9xf32>
    %bitcast_convert_type3A_113 = tpu.bitcast %concatenate3A : vector<512x9xf32> -> vector<512x9xi32>
    %and3A_114 = arith.constant 4095 : i32
    %and3A_115 = vector.broadcast %and3A_114 : i32 to vector<512x9xi32>
    %and3A_116 = arith.andi %bitcast_convert_type3A_113, %and3A_115 : vector<512x9xi32>
    %add3A_117 = arith.constant 0 : i32
    %add3A_118 = vector.broadcast %add3A_117 : i32 to vector<512x9xi32>
    %add3A_119 = arith.addi %and3A_116, %add3A_118 : vector<512x9xi32>
    %transpose3A = tpu.transpose %add3A_119, [1, 0] : vector<512x9xi32> -> vector<9x512xi32>
    %swap3A = arith.constant 0 : index
    %swap3A_120 = arith.constant 0 : index
    %swap3A_121 = arith.constant 0 : index
    %swap3A_122 = vector.load %arg3[%swap3A, %swap3A_120, %swap3A_121] : memref<1x9x512xi32, #tpu.memory_space<vmem>>, vector<1x9x512xi32>
    %swap3A_123 = vector.shape_cast %swap3A_122 : vector<1x9x512xi32> to vector<9x512xi32>
    %swap3A_124 = vector.shape_cast %transpose3A : vector<9x512xi32> to vector<1x9x512xi32>
    tpu.vector_store %arg3[%swap3A, %swap3A_120, %swap3A_121], %swap3A_124 {strides = array<i32>} : memref<1x9x512xi32, #tpu.memory_space<vmem>>, vector<1x9x512xi32>,
    return
  }
  func.func @transform_0(%arg0: i32) -> (i32, i32, i32) {
    %add3A = arith.constant 0 : i32
    %add3A_0 = arith.addi %add3A, %arg0 : i32
    %c0_i32 = arith.constant 0 : i32
    %c0_i32_1 = arith.constant 0 : i32
    %c0_i32_2 = arith.constant 0 : i32
    return %c0_i32, %add3A_0, %c0_i32_1 : i32, i32, i32
  }
  func.func @transform_1(%arg0: i32) -> (i32, i32, i32) {
    %c0_i32 = arith.constant 0 : i32
    %c0_i32_0 = arith.constant 0 : i32
    %c0_i32_1 = arith.constant 0 : i32
    %c0_i32_2 = arith.constant 0 : i32
    return %c0_i32, %c0_i32_0, %c0_i32_1 : i32, i32, i32
  }
  func.func @transform_2(%arg0: i32) -> (i32, i32, i32) {
    %c0_i32 = arith.constant 0 : i32
    %c0_i32_0 = arith.constant 0 : i32
    %c0_i32_1 = arith.constant 0 : i32
    return %c0_i32, %c0_i32_0, %arg0 : i32, i32, i32
  }
}

module attributes {stable_mosaic.version = 14 : i64} {
  func.func @_attn_kernel(%arg0: i32, %arg1: memref<256x1024xf32, #tpu.memory_space<vmem>>, %arg2: memref<9x256x1024xi32, #tpu.memory_space<vmem>>, %arg3: memref<256x1024xf32, #tpu.memory_space<vmem>>, %arg4: memref<1024x1024xbf16, #tpu.memory_space<vmem>>, %arg5: memref<1x1024xf32, #tpu.memory_space<vmem>>, %arg6: memref<256x1024xf32, #tpu.memory_space<vmem>>) attributes {dimension_semantics = [#tpu.dimension_semantics<arbitrary>], iteration_bounds = array<i64: 8>, scalar_prefetch = 0 : i64, scratch_operands = 0 : i64, tpu.core_type = #tpu.core_type<tc>, window_params = [{transform_indices = @transform_0, window_bounds = array<i64: 256, 1024>}, {transform_indices = @transform_1, window_bounds = array<i64: 9, 256, 1024>}, {transform_indices = @transform_2, window_bounds = array<i64: 256, 1024>}, {pipeline_mode = #tpu.pipeline_mode<synchronous>, transform_indices = @transform_3, window_bounds = array<i64: 1024, 1024>}, {pipeline_mode = #tpu.pipeline_mode<synchronous>, transform_indices = @transform_4, window_bounds = array<i64: 1, 1024>}, {transform_indices = @transform_5, window_bounds = array<i64: 256, 1024>}]} {
    %get3A = arith.constant 0 : index
    %get3A_0 = arith.constant 0 : index
    %get3A_1 = vector.load %arg1[%get3A, %get3A_0] : memref<256x1024xf32, #tpu.memory_space<vmem>>, vector<256x1024xf32>
    %iota3A = tpu.iota {dimensions = array<i32: 0>} : vector<1024x16xi32>
    %iota3A_2 = tpu.iota {dimensions = array<i32: 1>} : vector<1024x16xi32>
    %jit3A = arith.constant 64 : i32
    %div3A = vector.broadcast %jit3A : i32 to vector<1024x16xi32>
    %div3A_3 = arith.divsi %iota3A, %div3A : vector<1024x16xi32>
    %sign3A = arith.constant 0 : i32
    %sign3A_4 = vector.broadcast %sign3A : i32 to vector<1024x16xi32>
    %sign3A_5 = arith.cmpi sgt, %iota3A, %sign3A_4 : vector<1024x16xi32>
    %sign3A_6 = arith.extui %sign3A_5 : vector<1024x16xi1> to vector<1024x16xi32>
    %sign3A_7 = arith.constant 0 : i32
    %sign3A_8 = vector.broadcast %sign3A_7 : i32 to vector<1024x16xi32>
    %sign3A_9 = arith.cmpi slt, %iota3A, %sign3A_8 : vector<1024x16xi32>
    %sign3A_10 = arith.extui %sign3A_9 : vector<1024x16xi1> to vector<1024x16xi32>
    %sign3A_11 = arith.subi %sign3A_6, %sign3A_10 : vector<1024x16xi32>
    %sign3A_12 = arith.constant 0 : i32
    %sign3A_13 = arith.cmpi sgt, %jit3A, %sign3A_12 : i32
    %sign3A_14 = arith.extui %sign3A_13 : i1 to i32
    %sign3A_15 = arith.constant 0 : i32
    %sign3A_16 = arith.cmpi slt, %jit3A, %sign3A_15 : i32
    %sign3A_17 = arith.extui %sign3A_16 : i1 to i32
    %sign3A_18 = arith.subi %sign3A_14, %sign3A_17 : i32
    %ne3A = vector.broadcast %sign3A_18 : i32 to vector<1024x16xi32>
    %ne3A_19 = arith.cmpi ne, %sign3A_11, %ne3A : vector<1024x16xi32>
    %rem3A = vector.broadcast %jit3A : i32 to vector<1024x16xi32>
    %rem3A_20 = arith.remsi %iota3A, %rem3A : vector<1024x16xi32>
    %ne3A_21 = arith.constant 0 : i32
    %ne3A_22 = vector.broadcast %ne3A_21 : i32 to vector<1024x16xi32>
    %ne3A_23 = arith.cmpi ne, %rem3A_20, %ne3A_22 : vector<1024x16xi32>
    %and3A = arith.andi %ne3A_19, %ne3A_23 : vector<1024x16xi1>
    %sub3A = arith.constant 1 : i32
    %sub3A_24 = vector.broadcast %sub3A : i32 to vector<1024x16xi32>
    %sub3A_25 = arith.subi %div3A_3, %sub3A_24 : vector<1024x16xi32>
    %select_n3A = arith.select %and3A, %sub3A_25, %div3A_3 : vector<1024x16xi1>, vector<1024x16xi32>
    %eq3A = arith.cmpi eq, %select_n3A, %iota3A_2 : vector<1024x16xi32>
    %convert_element_type3A = arith.extui %eq3A : vector<1024x16xi1> to vector<1024x16xi32>
    %convert_element_type3A_26 = arith.sitofp %convert_element_type3A : vector<1024x16xi32> to vector<1024x16xf32>
    %iota3A_27 = tpu.iota {dimensions = array<i32: 0>} : vector<16x1024xi32>
    %iota3A_28 = tpu.iota {dimensions = array<i32: 1>} : vector<16x1024xi32>
    %jit3A_29 = arith.constant 64 : i32
    %div3A_30 = vector.broadcast %jit3A_29 : i32 to vector<16x1024xi32>
    %div3A_31 = arith.divsi %iota3A_28, %div3A_30 : vector<16x1024xi32>
    %sign3A_32 = arith.constant 0 : i32
    %sign3A_33 = vector.broadcast %sign3A_32 : i32 to vector<16x1024xi32>
    %sign3A_34 = arith.cmpi sgt, %iota3A_28, %sign3A_33 : vector<16x1024xi32>
    %sign3A_35 = arith.extui %sign3A_34 : vector<16x1024xi1> to vector<16x1024xi32>
    %sign3A_36 = arith.constant 0 : i32
    %sign3A_37 = vector.broadcast %sign3A_36 : i32 to vector<16x1024xi32>
    %sign3A_38 = arith.cmpi slt, %iota3A_28, %sign3A_37 : vector<16x1024xi32>
    %sign3A_39 = arith.extui %sign3A_38 : vector<16x1024xi1> to vector<16x1024xi32>
    %sign3A_40 = arith.subi %sign3A_35, %sign3A_39 : vector<16x1024xi32>
    %sign3A_41 = arith.constant 0 : i32
    %sign3A_42 = arith.cmpi sgt, %jit3A_29, %sign3A_41 : i32
    %sign3A_43 = arith.extui %sign3A_42 : i1 to i32
    %sign3A_44 = arith.constant 0 : i32
    %sign3A_45 = arith.cmpi slt, %jit3A_29, %sign3A_44 : i32
    %sign3A_46 = arith.extui %sign3A_45 : i1 to i32
    %sign3A_47 = arith.subi %sign3A_43, %sign3A_46 : i32
    %ne3A_48 = vector.broadcast %sign3A_47 : i32 to vector<16x1024xi32>
    %ne3A_49 = arith.cmpi ne, %sign3A_40, %ne3A_48 : vector<16x1024xi32>
    %rem3A_50 = vector.broadcast %jit3A_29 : i32 to vector<16x1024xi32>
    %rem3A_51 = arith.remsi %iota3A_28, %rem3A_50 : vector<16x1024xi32>
    %ne3A_52 = arith.constant 0 : i32
    %ne3A_53 = vector.broadcast %ne3A_52 : i32 to vector<16x1024xi32>
    %ne3A_54 = arith.cmpi ne, %rem3A_51, %ne3A_53 : vector<16x1024xi32>
    %and3A_55 = arith.andi %ne3A_49, %ne3A_54 : vector<16x1024xi1>
    %sub3A_56 = arith.constant 1 : i32
    %sub3A_57 = vector.broadcast %sub3A_56 : i32 to vector<16x1024xi32>
    %sub3A_58 = arith.subi %div3A_31, %sub3A_57 : vector<16x1024xi32>
    %select_n3A_59 = arith.select %and3A_55, %sub3A_58, %div3A_31 : vector<16x1024xi1>, vector<16x1024xi32>
    %eq3A_60 = arith.cmpi eq, %select_n3A_59, %iota3A_27 : vector<16x1024xi32>
    %convert_element_type3A_61 = arith.extui %eq3A_60 : vector<16x1024xi1> to vector<16x1024xi32>
    %convert_element_type3A_62 = arith.sitofp %convert_element_type3A_61 : vector<16x1024xi32> to vector<16x1024xf32>
    %get3A_63 = arith.constant 0 : index
    %get3A_64 = arith.constant 0 : index
    %get3A_65 = arith.constant 0 : index
    %get3A_66 = vector.load %arg2[%get3A_63, %get3A_64, %get3A_65] : memref<9x256x1024xi32, #tpu.memory_space<vmem>>, vector<1x256x1024xi32>
    %get3A_67 = vector.shape_cast %get3A_66 : vector<1x256x1024xi32> to vector<256x1024xi32>
    %shift_left3A = arith.constant 16 : i32
    %shift_left3A_68 = vector.broadcast %shift_left3A : i32 to vector<256x1024xi32>
    %shift_left3A_69 = arith.shli %get3A_67, %shift_left3A_68 : vector<256x1024xi32>
    %bitcast_convert_type3A = tpu.bitcast %shift_left3A_69 : vector<256x1024xi32> -> vector<256x1024xf32>
    %mul3A = arith.mulf %get3A_1, %bitcast_convert_type3A : vector<256x1024xf32>
    %dot_general3A = arith.constant dense<0.000000e+00> : vector<256x16xf32>
    %dot_general3A_70 = tpu.matmul %mul3A, %convert_element_type3A_26, %dot_general3A {dimension_numbers = #tpu.dot_dimension_numbers<[1], [0], [0], [1], [0, 0, 1, 1], [], []>, transpose_lhs_hint = false} : vector<256x1024xf32>, vector<1024x16xf32>, vector<256x16xf32> -> vector<256x16xf32>
    %mul3A_71 = arith.constant 1.250000e-01 : f32
    %mul3A_72 = vector.broadcast %mul3A_71 : f32 to vector<256x16xf32>
    %mul3A_73 = arith.mulf %dot_general3A_70, %mul3A_72 : vector<256x16xf32>
    %get3A_74 = arith.constant 1 : index
    %get3A_75 = arith.constant 0 : index
    %get3A_76 = arith.constant 0 : index
    %get3A_77 = vector.load %arg2[%get3A_74, %get3A_75, %get3A_76] : memref<9x256x1024xi32, #tpu.memory_space<vmem>>, vector<1x256x1024xi32>
    %get3A_78 = vector.shape_cast %get3A_77 : vector<1x256x1024xi32> to vector<256x1024xi32>
    %shift_left3A_79 = arith.constant 16 : i32
    %shift_left3A_80 = vector.broadcast %shift_left3A_79 : i32 to vector<256x1024xi32>
    %shift_left3A_81 = arith.shli %get3A_78, %shift_left3A_80 : vector<256x1024xi32>
    %bitcast_convert_type3A_82 = tpu.bitcast %shift_left3A_81 : vector<256x1024xi32> -> vector<256x1024xf32>
    %mul3A_83 = arith.mulf %get3A_1, %bitcast_convert_type3A_82 : vector<256x1024xf32>
    %dot_general3A_84 = arith.constant dense<0.000000e+00> : vector<256x16xf32>
    %dot_general3A_85 = tpu.matmul %mul3A_83, %convert_element_type3A_26, %dot_general3A_84 {dimension_numbers = #tpu.dot_dimension_numbers<[1], [0], [0], [1], [0, 0, 1, 1], [], []>, transpose_lhs_hint = false} : vector<256x1024xf32>, vector<1024x16xf32>, vector<256x16xf32> -> vector<256x16xf32>
    %mul3A_86 = arith.constant 1.250000e-01 : f32
    %mul3A_87 = vector.broadcast %mul3A_86 : f32 to vector<256x16xf32>
    %mul3A_88 = arith.mulf %dot_general3A_85, %mul3A_87 : vector<256x16xf32>
    %get3A_89 = arith.constant 2 : index
    %get3A_90 = arith.constant 0 : index
    %get3A_91 = arith.constant 0 : index
    %get3A_92 = vector.load %arg2[%get3A_89, %get3A_90, %get3A_91] : memref<9x256x1024xi32, #tpu.memory_space<vmem>>, vector<1x256x1024xi32>
    %get3A_93 = vector.shape_cast %get3A_92 : vector<1x256x1024xi32> to vector<256x1024xi32>
    %shift_left3A_94 = arith.constant 16 : i32
    %shift_left3A_95 = vector.broadcast %shift_left3A_94 : i32 to vector<256x1024xi32>
    %shift_left3A_96 = arith.shli %get3A_93, %shift_left3A_95 : vector<256x1024xi32>
    %bitcast_convert_type3A_97 = tpu.bitcast %shift_left3A_96 : vector<256x1024xi32> -> vector<256x1024xf32>
    %mul3A_98 = arith.mulf %get3A_1, %bitcast_convert_type3A_97 : vector<256x1024xf32>
    %dot_general3A_99 = arith.constant dense<0.000000e+00> : vector<256x16xf32>
    %dot_general3A_100 = tpu.matmul %mul3A_98, %convert_element_type3A_26, %dot_general3A_99 {dimension_numbers = #tpu.dot_dimension_numbers<[1], [0], [0], [1], [0, 0, 1, 1], [], []>, transpose_lhs_hint = false} : vector<256x1024xf32>, vector<1024x16xf32>, vector<256x16xf32> -> vector<256x16xf32>
    %mul3A_101 = arith.constant 1.250000e-01 : f32
    %mul3A_102 = vector.broadcast %mul3A_101 : f32 to vector<256x16xf32>
    %mul3A_103 = arith.mulf %dot_general3A_100, %mul3A_102 : vector<256x16xf32>
    %get3A_104 = arith.constant 3 : index
    %get3A_105 = arith.constant 0 : index
    %get3A_106 = arith.constant 0 : index
    %get3A_107 = vector.load %arg2[%get3A_104, %get3A_105, %get3A_106] : memref<9x256x1024xi32, #tpu.memory_space<vmem>>, vector<1x256x1024xi32>
    %get3A_108 = vector.shape_cast %get3A_107 : vector<1x256x1024xi32> to vector<256x1024xi32>
    %shift_left3A_109 = arith.constant 16 : i32
    %shift_left3A_110 = vector.broadcast %shift_left3A_109 : i32 to vector<256x1024xi32>
    %shift_left3A_111 = arith.shli %get3A_108, %shift_left3A_110 : vector<256x1024xi32>
    %bitcast_convert_type3A_112 = tpu.bitcast %shift_left3A_111 : vector<256x1024xi32> -> vector<256x1024xf32>
    %mul3A_113 = arith.mulf %get3A_1, %bitcast_convert_type3A_112 : vector<256x1024xf32>
    %dot_general3A_114 = arith.constant dense<0.000000e+00> : vector<256x16xf32>
    %dot_general3A_115 = tpu.matmul %mul3A_113, %convert_element_type3A_26, %dot_general3A_114 {dimension_numbers = #tpu.dot_dimension_numbers<[1], [0], [0], [1], [0, 0, 1, 1], [], []>, transpose_lhs_hint = false} : vector<256x1024xf32>, vector<1024x16xf32>, vector<256x16xf32> -> vector<256x16xf32>
    %mul3A_116 = arith.constant 1.250000e-01 : f32
    %mul3A_117 = vector.broadcast %mul3A_116 : f32 to vector<256x16xf32>
    %mul3A_118 = arith.mulf %dot_general3A_115, %mul3A_117 : vector<256x16xf32>
    %get3A_119 = arith.constant 4 : index
    %get3A_120 = arith.constant 0 : index
    %get3A_121 = arith.constant 0 : index
    %get3A_122 = vector.load %arg2[%get3A_119, %get3A_120, %get3A_121] : memref<9x256x1024xi32, #tpu.memory_space<vmem>>, vector<1x256x1024xi32>
    %get3A_123 = vector.shape_cast %get3A_122 : vector<1x256x1024xi32> to vector<256x1024xi32>
    %shift_left3A_124 = arith.constant 16 : i32
    %shift_left3A_125 = vector.broadcast %shift_left3A_124 : i32 to vector<256x1024xi32>
    %shift_left3A_126 = arith.shli %get3A_123, %shift_left3A_125 : vector<256x1024xi32>
    %bitcast_convert_type3A_127 = tpu.bitcast %shift_left3A_126 : vector<256x1024xi32> -> vector<256x1024xf32>
    %mul3A_128 = arith.mulf %get3A_1, %bitcast_convert_type3A_127 : vector<256x1024xf32>
    %dot_general3A_129 = arith.constant dense<0.000000e+00> : vector<256x16xf32>
    %dot_general3A_130 = tpu.matmul %mul3A_128, %convert_element_type3A_26, %dot_general3A_129 {dimension_numbers = #tpu.dot_dimension_numbers<[1], [0], [0], [1], [0, 0, 1, 1], [], []>, transpose_lhs_hint = false} : vector<256x1024xf32>, vector<1024x16xf32>, vector<256x16xf32> -> vector<256x16xf32>
    %mul3A_131 = arith.constant 1.250000e-01 : f32
    %mul3A_132 = vector.broadcast %mul3A_131 : f32 to vector<256x16xf32>
    %mul3A_133 = arith.mulf %dot_general3A_130, %mul3A_132 : vector<256x16xf32>
    %get3A_134 = arith.constant 5 : index
    %get3A_135 = arith.constant 0 : index
    %get3A_136 = arith.constant 0 : index
    %get3A_137 = vector.load %arg2[%get3A_134, %get3A_135, %get3A_136] : memref<9x256x1024xi32, #tpu.memory_space<vmem>>, vector<1x256x1024xi32>
    %get3A_138 = vector.shape_cast %get3A_137 : vector<1x256x1024xi32> to vector<256x1024xi32>
    %shift_left3A_139 = arith.constant 16 : i32
    %shift_left3A_140 = vector.broadcast %shift_left3A_139 : i32 to vector<256x1024xi32>
    %shift_left3A_141 = arith.shli %get3A_138, %shift_left3A_140 : vector<256x1024xi32>
    %bitcast_convert_type3A_142 = tpu.bitcast %shift_left3A_141 : vector<256x1024xi32> -> vector<256x1024xf32>
    %mul3A_143 = arith.mulf %get3A_1, %bitcast_convert_type3A_142 : vector<256x1024xf32>
    %dot_general3A_144 = arith.constant dense<0.000000e+00> : vector<256x16xf32>
    %dot_general3A_145 = tpu.matmul %mul3A_143, %convert_element_type3A_26, %dot_general3A_144 {dimension_numbers = #tpu.dot_dimension_numbers<[1], [0], [0], [1], [0, 0, 1, 1], [], []>, transpose_lhs_hint = false} : vector<256x1024xf32>, vector<1024x16xf32>, vector<256x16xf32> -> vector<256x16xf32>
    %mul3A_146 = arith.constant 1.250000e-01 : f32
    %mul3A_147 = vector.broadcast %mul3A_146 : f32 to vector<256x16xf32>
    %mul3A_148 = arith.mulf %dot_general3A_145, %mul3A_147 : vector<256x16xf32>
    %get3A_149 = arith.constant 6 : index
    %get3A_150 = arith.constant 0 : index
    %get3A_151 = arith.constant 0 : index
    %get3A_152 = vector.load %arg2[%get3A_149, %get3A_150, %get3A_151] : memref<9x256x1024xi32, #tpu.memory_space<vmem>>, vector<1x256x1024xi32>
    %get3A_153 = vector.shape_cast %get3A_152 : vector<1x256x1024xi32> to vector<256x1024xi32>
    %shift_left3A_154 = arith.constant 16 : i32
    %shift_left3A_155 = vector.broadcast %shift_left3A_154 : i32 to vector<256x1024xi32>
    %shift_left3A_156 = arith.shli %get3A_153, %shift_left3A_155 : vector<256x1024xi32>
    %bitcast_convert_type3A_157 = tpu.bitcast %shift_left3A_156 : vector<256x1024xi32> -> vector<256x1024xf32>
    %mul3A_158 = arith.mulf %get3A_1, %bitcast_convert_type3A_157 : vector<256x1024xf32>
    %dot_general3A_159 = arith.constant dense<0.000000e+00> : vector<256x16xf32>
    %dot_general3A_160 = tpu.matmul %mul3A_158, %convert_element_type3A_26, %dot_general3A_159 {dimension_numbers = #tpu.dot_dimension_numbers<[1], [0], [0], [1], [0, 0, 1, 1], [], []>, transpose_lhs_hint = false} : vector<256x1024xf32>, vector<1024x16xf32>, vector<256x16xf32> -> vector<256x16xf32>
    %mul3A_161 = arith.constant 1.250000e-01 : f32
    %mul3A_162 = vector.broadcast %mul3A_161 : f32 to vector<256x16xf32>
    %mul3A_163 = arith.mulf %dot_general3A_160, %mul3A_162 : vector<256x16xf32>
    %get3A_164 = arith.constant 7 : index
    %get3A_165 = arith.constant 0 : index
    %get3A_166 = arith.constant 0 : index
    %get3A_167 = vector.load %arg2[%get3A_164, %get3A_165, %get3A_166] : memref<9x256x1024xi32, #tpu.memory_space<vmem>>, vector<1x256x1024xi32>
    %get3A_168 = vector.shape_cast %get3A_167 : vector<1x256x1024xi32> to vector<256x1024xi32>
    %shift_left3A_169 = arith.constant 16 : i32
    %shift_left3A_170 = vector.broadcast %shift_left3A_169 : i32 to vector<256x1024xi32>
    %shift_left3A_171 = arith.shli %get3A_168, %shift_left3A_170 : vector<256x1024xi32>
    %bitcast_convert_type3A_172 = tpu.bitcast %shift_left3A_171 : vector<256x1024xi32> -> vector<256x1024xf32>
    %mul3A_173 = arith.mulf %get3A_1, %bitcast_convert_type3A_172 : vector<256x1024xf32>
    %dot_general3A_174 = arith.constant dense<0.000000e+00> : vector<256x16xf32>
    %dot_general3A_175 = tpu.matmul %mul3A_173, %convert_element_type3A_26, %dot_general3A_174 {dimension_numbers = #tpu.dot_dimension_numbers<[1], [0], [0], [1], [0, 0, 1, 1], [], []>, transpose_lhs_hint = false} : vector<256x1024xf32>, vector<1024x16xf32>, vector<256x16xf32> -> vector<256x16xf32>
    %mul3A_176 = arith.constant 1.250000e-01 : f32
    %mul3A_177 = vector.broadcast %mul3A_176 : f32 to vector<256x16xf32>
    %mul3A_178 = arith.mulf %dot_general3A_175, %mul3A_177 : vector<256x16xf32>
    %get3A_179 = arith.constant 8 : index
    %get3A_180 = arith.constant 0 : index
    %get3A_181 = arith.constant 0 : index
    %get3A_182 = vector.load %arg2[%get3A_179, %get3A_180, %get3A_181] : memref<9x256x1024xi32, #tpu.memory_space<vmem>>, vector<1x256x1024xi32>
    %get3A_183 = vector.shape_cast %get3A_182 : vector<1x256x1024xi32> to vector<256x1024xi32>
    %shift_left3A_184 = arith.constant 16 : i32
    %shift_left3A_185 = vector.broadcast %shift_left3A_184 : i32 to vector<256x1024xi32>
    %shift_left3A_186 = arith.shli %get3A_183, %shift_left3A_185 : vector<256x1024xi32>
    %bitcast_convert_type3A_187 = tpu.bitcast %shift_left3A_186 : vector<256x1024xi32> -> vector<256x1024xf32>
    %mul3A_188 = arith.mulf %get3A_1, %bitcast_convert_type3A_187 : vector<256x1024xf32>
    %dot_general3A_189 = arith.constant dense<0.000000e+00> : vector<256x16xf32>
    %dot_general3A_190 = tpu.matmul %mul3A_188, %convert_element_type3A_26, %dot_general3A_189 {dimension_numbers = #tpu.dot_dimension_numbers<[1], [0], [0], [1], [0, 0, 1, 1], [], []>, transpose_lhs_hint = false} : vector<256x1024xf32>, vector<1024x16xf32>, vector<256x16xf32> -> vector<256x16xf32>
    %mul3A_191 = arith.constant 1.250000e-01 : f32
    %mul3A_192 = vector.broadcast %mul3A_191 : f32 to vector<256x16xf32>
    %mul3A_193 = arith.mulf %dot_general3A_190, %mul3A_192 : vector<256x16xf32>
    %max3A = arith.maximumf %mul3A_73, %mul3A_88 : vector<256x16xf32>
    %max3A_194 = arith.maximumf %max3A, %mul3A_103 : vector<256x16xf32>
    %max3A_195 = arith.maximumf %max3A_194, %mul3A_118 : vector<256x16xf32>
    %max3A_196 = arith.maximumf %max3A_195, %mul3A_133 : vector<256x16xf32>
    %max3A_197 = arith.maximumf %max3A_196, %mul3A_148 : vector<256x16xf32>
    %max3A_198 = arith.maximumf %max3A_197, %mul3A_163 : vector<256x16xf32>
    %max3A_199 = arith.maximumf %max3A_198, %mul3A_178 : vector<256x16xf32>
    %max3A_200 = arith.maximumf %max3A_199, %mul3A_193 : vector<256x16xf32>
    %sub3A_201 = arith.subf %mul3A_73, %max3A_200 : vector<256x16xf32>
    %exp3A = math.exp %sub3A_201 : vector<256x16xf32>
    %sub3A_202 = arith.subf %mul3A_88, %max3A_200 : vector<256x16xf32>
    %exp3A_203 = math.exp %sub3A_202 : vector<256x16xf32>
    %sub3A_204 = arith.subf %mul3A_103, %max3A_200 : vector<256x16xf32>
    %exp3A_205 = math.exp %sub3A_204 : vector<256x16xf32>
    %sub3A_206 = arith.subf %mul3A_118, %max3A_200 : vector<256x16xf32>
    %exp3A_207 = math.exp %sub3A_206 : vector<256x16xf32>
    %sub3A_208 = arith.subf %mul3A_133, %max3A_200 : vector<256x16xf32>
    %exp3A_209 = math.exp %sub3A_208 : vector<256x16xf32>
    %sub3A_210 = arith.subf %mul3A_148, %max3A_200 : vector<256x16xf32>
    %exp3A_211 = math.exp %sub3A_210 : vector<256x16xf32>
    %sub3A_212 = arith.subf %mul3A_163, %max3A_200 : vector<256x16xf32>
    %exp3A_213 = math.exp %sub3A_212 : vector<256x16xf32>
    %sub3A_214 = arith.subf %mul3A_178, %max3A_200 : vector<256x16xf32>
    %exp3A_215 = math.exp %sub3A_214 : vector<256x16xf32>
    %sub3A_216 = arith.subf %mul3A_193, %max3A_200 : vector<256x16xf32>
    %exp3A_217 = math.exp %sub3A_216 : vector<256x16xf32>
    %add3A = arith.addf %exp3A, %exp3A_203 : vector<256x16xf32>
    %add3A_218 = arith.addf %add3A, %exp3A_205 : vector<256x16xf32>
    %add3A_219 = arith.addf %add3A_218, %exp3A_207 : vector<256x16xf32>
    %add3A_220 = arith.addf %add3A_219, %exp3A_209 : vector<256x16xf32>
    %add3A_221 = arith.addf %add3A_220, %exp3A_211 : vector<256x16xf32>
    %add3A_222 = arith.addf %add3A_221, %exp3A_213 : vector<256x16xf32>
    %add3A_223 = arith.addf %add3A_222, %exp3A_215 : vector<256x16xf32>
    %add3A_224 = arith.addf %add3A_223, %exp3A_217 : vector<256x16xf32>
    %div3A_225 = arith.constant 1.000000e+00 : f32
    %div3A_226 = vector.broadcast %div3A_225 : f32 to vector<256x16xf32>
    %div3A_227 = arith.divf %div3A_226, %add3A_224 : vector<256x16xf32>
    %broadcast_in_dim3A = arith.constant 0.000000e+00 : f32
    %broadcast_in_dim3A_228 = vector.broadcast %broadcast_in_dim3A : f32 to vector<256x1024xf32>
    %mul3A_229 = arith.mulf %exp3A, %div3A_227 : vector<256x16xf32>
    %dot_general3A_230 = arith.constant dense<0.000000e+00> : vector<256x1024xf32>
    %dot_general3A_231 = tpu.matmul %mul3A_229, %convert_element_type3A_62, %dot_general3A_230 {dimension_numbers = #tpu.dot_dimension_numbers<[1], [0], [0], [1], [0, 0, 1, 1], [], []>, transpose_lhs_hint = false} : vector<256x16xf32>, vector<16x1024xf32>, vector<256x1024xf32> -> vector<256x1024xf32>
    %get3A_232 = arith.constant 0 : index
    %get3A_233 = arith.constant 0 : index
    %get3A_234 = arith.constant 0 : index
    %get3A_235 = vector.load %arg2[%get3A_232, %get3A_233, %get3A_234] : memref<9x256x1024xi32, #tpu.memory_space<vmem>>, vector<1x256x1024xi32>
    %get3A_236 = vector.shape_cast %get3A_235 : vector<1x256x1024xi32> to vector<256x1024xi32>
    %and3A_237 = arith.constant -65536 : i32
    %and3A_238 = vector.broadcast %and3A_237 : i32 to vector<256x1024xi32>
    %and3A_239 = arith.andi %get3A_236, %and3A_238 : vector<256x1024xi32>
    %bitcast_convert_type3A_240 = tpu.bitcast %and3A_239 : vector<256x1024xi32> -> vector<256x1024xf32>
    %mul3A_241 = arith.mulf %dot_general3A_231, %bitcast_convert_type3A_240 : vector<256x1024xf32>
    %add3A_242 = arith.addf %broadcast_in_dim3A_228, %mul3A_241 : vector<256x1024xf32>
    %mul3A_243 = arith.mulf %exp3A_203, %div3A_227 : vector<256x16xf32>
    %dot_general3A_244 = arith.constant dense<0.000000e+00> : vector<256x1024xf32>
    %dot_general3A_245 = tpu.matmul %mul3A_243, %convert_element_type3A_62, %dot_general3A_244 {dimension_numbers = #tpu.dot_dimension_numbers<[1], [0], [0], [1], [0, 0, 1, 1], [], []>, transpose_lhs_hint = false} : vector<256x16xf32>, vector<16x1024xf32>, vector<256x1024xf32> -> vector<256x1024xf32>
    %get3A_246 = arith.constant 1 : index
    %get3A_247 = arith.constant 0 : index
    %get3A_248 = arith.constant 0 : index
    %get3A_249 = vector.load %arg2[%get3A_246, %get3A_247, %get3A_248] : memref<9x256x1024xi32, #tpu.memory_space<vmem>>, vector<1x256x1024xi32>
    %get3A_250 = vector.shape_cast %get3A_249 : vector<1x256x1024xi32> to vector<256x1024xi32>
    %and3A_251 = arith.constant -65536 : i32
    %and3A_252 = vector.broadcast %and3A_251 : i32 to vector<256x1024xi32>
    %and3A_253 = arith.andi %get3A_250, %and3A_252 : vector<256x1024xi32>
    %bitcast_convert_type3A_254 = tpu.bitcast %and3A_253 : vector<256x1024xi32> -> vector<256x1024xf32>
    %mul3A_255 = arith.mulf %dot_general3A_245, %bitcast_convert_type3A_254 : vector<256x1024xf32>
    %add3A_256 = arith.addf %add3A_242, %mul3A_255 : vector<256x1024xf32>
    %mul3A_257 = arith.mulf %exp3A_205, %div3A_227 : vector<256x16xf32>
    %dot_general3A_258 = arith.constant dense<0.000000e+00> : vector<256x1024xf32>
    %dot_general3A_259 = tpu.matmul %mul3A_257, %convert_element_type3A_62, %dot_general3A_258 {dimension_numbers = #tpu.dot_dimension_numbers<[1], [0], [0], [1], [0, 0, 1, 1], [], []>, transpose_lhs_hint = false} : vector<256x16xf32>, vector<16x1024xf32>, vector<256x1024xf32> -> vector<256x1024xf32>
    %get3A_260 = arith.constant 2 : index
    %get3A_261 = arith.constant 0 : index
    %get3A_262 = arith.constant 0 : index
    %get3A_263 = vector.load %arg2[%get3A_260, %get3A_261, %get3A_262] : memref<9x256x1024xi32, #tpu.memory_space<vmem>>, vector<1x256x1024xi32>
    %get3A_264 = vector.shape_cast %get3A_263 : vector<1x256x1024xi32> to vector<256x1024xi32>
    %and3A_265 = arith.constant -65536 : i32
    %and3A_266 = vector.broadcast %and3A_265 : i32 to vector<256x1024xi32>
    %and3A_267 = arith.andi %get3A_264, %and3A_266 : vector<256x1024xi32>
    %bitcast_convert_type3A_268 = tpu.bitcast %and3A_267 : vector<256x1024xi32> -> vector<256x1024xf32>
    %mul3A_269 = arith.mulf %dot_general3A_259, %bitcast_convert_type3A_268 : vector<256x1024xf32>
    %add3A_270 = arith.addf %add3A_256, %mul3A_269 : vector<256x1024xf32>
    %mul3A_271 = arith.mulf %exp3A_207, %div3A_227 : vector<256x16xf32>
    %dot_general3A_272 = arith.constant dense<0.000000e+00> : vector<256x1024xf32>
    %dot_general3A_273 = tpu.matmul %mul3A_271, %convert_element_type3A_62, %dot_general3A_272 {dimension_numbers = #tpu.dot_dimension_numbers<[1], [0], [0], [1], [0, 0, 1, 1], [], []>, transpose_lhs_hint = false} : vector<256x16xf32>, vector<16x1024xf32>, vector<256x1024xf32> -> vector<256x1024xf32>
    %get3A_274 = arith.constant 3 : index
    %get3A_275 = arith.constant 0 : index
    %get3A_276 = arith.constant 0 : index
    %get3A_277 = vector.load %arg2[%get3A_274, %get3A_275, %get3A_276] : memref<9x256x1024xi32, #tpu.memory_space<vmem>>, vector<1x256x1024xi32>
    %get3A_278 = vector.shape_cast %get3A_277 : vector<1x256x1024xi32> to vector<256x1024xi32>
    %and3A_279 = arith.constant -65536 : i32
    %and3A_280 = vector.broadcast %and3A_279 : i32 to vector<256x1024xi32>
    %and3A_281 = arith.andi %get3A_278, %and3A_280 : vector<256x1024xi32>
    %bitcast_convert_type3A_282 = tpu.bitcast %and3A_281 : vector<256x1024xi32> -> vector<256x1024xf32>
    %mul3A_283 = arith.mulf %dot_general3A_273, %bitcast_convert_type3A_282 : vector<256x1024xf32>
    %add3A_284 = arith.addf %add3A_270, %mul3A_283 : vector<256x1024xf32>
    %mul3A_285 = arith.mulf %exp3A_209, %div3A_227 : vector<256x16xf32>
    %dot_general3A_286 = arith.constant dense<0.000000e+00> : vector<256x1024xf32>
    %dot_general3A_287 = tpu.matmul %mul3A_285, %convert_element_type3A_62, %dot_general3A_286 {dimension_numbers = #tpu.dot_dimension_numbers<[1], [0], [0], [1], [0, 0, 1, 1], [], []>, transpose_lhs_hint = false} : vector<256x16xf32>, vector<16x1024xf32>, vector<256x1024xf32> -> vector<256x1024xf32>
    %get3A_288 = arith.constant 4 : index
    %get3A_289 = arith.constant 0 : index
    %get3A_290 = arith.constant 0 : index
    %get3A_291 = vector.load %arg2[%get3A_288, %get3A_289, %get3A_290] : memref<9x256x1024xi32, #tpu.memory_space<vmem>>, vector<1x256x1024xi32>
    %get3A_292 = vector.shape_cast %get3A_291 : vector<1x256x1024xi32> to vector<256x1024xi32>
    %and3A_293 = arith.constant -65536 : i32
    %and3A_294 = vector.broadcast %and3A_293 : i32 to vector<256x1024xi32>
    %and3A_295 = arith.andi %get3A_292, %and3A_294 : vector<256x1024xi32>
    %bitcast_convert_type3A_296 = tpu.bitcast %and3A_295 : vector<256x1024xi32> -> vector<256x1024xf32>
    %mul3A_297 = arith.mulf %dot_general3A_287, %bitcast_convert_type3A_296 : vector<256x1024xf32>
    %add3A_298 = arith.addf %add3A_284, %mul3A_297 : vector<256x1024xf32>
    %mul3A_299 = arith.mulf %exp3A_211, %div3A_227 : vector<256x16xf32>
    %dot_general3A_300 = arith.constant dense<0.000000e+00> : vector<256x1024xf32>
    %dot_general3A_301 = tpu.matmul %mul3A_299, %convert_element_type3A_62, %dot_general3A_300 {dimension_numbers = #tpu.dot_dimension_numbers<[1], [0], [0], [1], [0, 0, 1, 1], [], []>, transpose_lhs_hint = false} : vector<256x16xf32>, vector<16x1024xf32>, vector<256x1024xf32> -> vector<256x1024xf32>
    %get3A_302 = arith.constant 5 : index
    %get3A_303 = arith.constant 0 : index
    %get3A_304 = arith.constant 0 : index
    %get3A_305 = vector.load %arg2[%get3A_302, %get3A_303, %get3A_304] : memref<9x256x1024xi32, #tpu.memory_space<vmem>>, vector<1x256x1024xi32>
    %get3A_306 = vector.shape_cast %get3A_305 : vector<1x256x1024xi32> to vector<256x1024xi32>
    %and3A_307 = arith.constant -65536 : i32
    %and3A_308 = vector.broadcast %and3A_307 : i32 to vector<256x1024xi32>
    %and3A_309 = arith.andi %get3A_306, %and3A_308 : vector<256x1024xi32>
    %bitcast_convert_type3A_310 = tpu.bitcast %and3A_309 : vector<256x1024xi32> -> vector<256x1024xf32>
    %mul3A_311 = arith.mulf %dot_general3A_301, %bitcast_convert_type3A_310 : vector<256x1024xf32>
    %add3A_312 = arith.addf %add3A_298, %mul3A_311 : vector<256x1024xf32>
    %mul3A_313 = arith.mulf %exp3A_213, %div3A_227 : vector<256x16xf32>
    %dot_general3A_314 = arith.constant dense<0.000000e+00> : vector<256x1024xf32>
    %dot_general3A_315 = tpu.matmul %mul3A_313, %convert_element_type3A_62, %dot_general3A_314 {dimension_numbers = #tpu.dot_dimension_numbers<[1], [0], [0], [1], [0, 0, 1, 1], [], []>, transpose_lhs_hint = false} : vector<256x16xf32>, vector<16x1024xf32>, vector<256x1024xf32> -> vector<256x1024xf32>
    %get3A_316 = arith.constant 6 : index
    %get3A_317 = arith.constant 0 : index
    %get3A_318 = arith.constant 0 : index
    %get3A_319 = vector.load %arg2[%get3A_316, %get3A_317, %get3A_318] : memref<9x256x1024xi32, #tpu.memory_space<vmem>>, vector<1x256x1024xi32>
    %get3A_320 = vector.shape_cast %get3A_319 : vector<1x256x1024xi32> to vector<256x1024xi32>
    %and3A_321 = arith.constant -65536 : i32
    %and3A_322 = vector.broadcast %and3A_321 : i32 to vector<256x1024xi32>
    %and3A_323 = arith.andi %get3A_320, %and3A_322 : vector<256x1024xi32>
    %bitcast_convert_type3A_324 = tpu.bitcast %and3A_323 : vector<256x1024xi32> -> vector<256x1024xf32>
    %mul3A_325 = arith.mulf %dot_general3A_315, %bitcast_convert_type3A_324 : vector<256x1024xf32>
    %add3A_326 = arith.addf %add3A_312, %mul3A_325 : vector<256x1024xf32>
    %mul3A_327 = arith.mulf %exp3A_215, %div3A_227 : vector<256x16xf32>
    %dot_general3A_328 = arith.constant dense<0.000000e+00> : vector<256x1024xf32>
    %dot_general3A_329 = tpu.matmul %mul3A_327, %convert_element_type3A_62, %dot_general3A_328 {dimension_numbers = #tpu.dot_dimension_numbers<[1], [0], [0], [1], [0, 0, 1, 1], [], []>, transpose_lhs_hint = false} : vector<256x16xf32>, vector<16x1024xf32>, vector<256x1024xf32> -> vector<256x1024xf32>
    %get3A_330 = arith.constant 7 : index
    %get3A_331 = arith.constant 0 : index
    %get3A_332 = arith.constant 0 : index
    %get3A_333 = vector.load %arg2[%get3A_330, %get3A_331, %get3A_332] : memref<9x256x1024xi32, #tpu.memory_space<vmem>>, vector<1x256x1024xi32>
    %get3A_334 = vector.shape_cast %get3A_333 : vector<1x256x1024xi32> to vector<256x1024xi32>
    %and3A_335 = arith.constant -65536 : i32
    %and3A_336 = vector.broadcast %and3A_335 : i32 to vector<256x1024xi32>
    %and3A_337 = arith.andi %get3A_334, %and3A_336 : vector<256x1024xi32>
    %bitcast_convert_type3A_338 = tpu.bitcast %and3A_337 : vector<256x1024xi32> -> vector<256x1024xf32>
    %mul3A_339 = arith.mulf %dot_general3A_329, %bitcast_convert_type3A_338 : vector<256x1024xf32>
    %add3A_340 = arith.addf %add3A_326, %mul3A_339 : vector<256x1024xf32>
    %mul3A_341 = arith.mulf %exp3A_217, %div3A_227 : vector<256x16xf32>
    %dot_general3A_342 = arith.constant dense<0.000000e+00> : vector<256x1024xf32>
    %dot_general3A_343 = tpu.matmul %mul3A_341, %convert_element_type3A_62, %dot_general3A_342 {dimension_numbers = #tpu.dot_dimension_numbers<[1], [0], [0], [1], [0, 0, 1, 1], [], []>, transpose_lhs_hint = false} : vector<256x16xf32>, vector<16x1024xf32>, vector<256x1024xf32> -> vector<256x1024xf32>
    %get3A_344 = arith.constant 8 : index
    %get3A_345 = arith.constant 0 : index
    %get3A_346 = arith.constant 0 : index
    %get3A_347 = vector.load %arg2[%get3A_344, %get3A_345, %get3A_346] : memref<9x256x1024xi32, #tpu.memory_space<vmem>>, vector<1x256x1024xi32>
    %get3A_348 = vector.shape_cast %get3A_347 : vector<1x256x1024xi32> to vector<256x1024xi32>
    %and3A_349 = arith.constant -65536 : i32
    %and3A_350 = vector.broadcast %and3A_349 : i32 to vector<256x1024xi32>
    %and3A_351 = arith.andi %get3A_348, %and3A_350 : vector<256x1024xi32>
    %bitcast_convert_type3A_352 = tpu.bitcast %and3A_351 : vector<256x1024xi32> -> vector<256x1024xf32>
    %mul3A_353 = arith.mulf %dot_general3A_343, %bitcast_convert_type3A_352 : vector<256x1024xf32>
    %add3A_354 = arith.addf %add3A_340, %mul3A_353 : vector<256x1024xf32>
    %mul3A_355 = arith.constant 5.000000e-01 : f32
    %mul3A_356 = vector.broadcast %mul3A_355 : f32 to vector<256x1024xf32>
    %mul3A_357 = arith.mulf %mul3A_356, %add3A_354 : vector<256x1024xf32>
    %mul3A_358 = arith.constant 0.707106769 : f32
    %mul3A_359 = vector.broadcast %mul3A_358 : f32 to vector<256x1024xf32>
    %mul3A_360 = arith.mulf %add3A_354, %mul3A_359 : vector<256x1024xf32>
    %erf3A = math.erf %mul3A_360 : vector<256x1024xf32>
    %add3A_361 = arith.constant 1.000000e+00 : f32
    %add3A_362 = vector.broadcast %add3A_361 : f32 to vector<256x1024xf32>
    %add3A_363 = arith.addf %add3A_362, %erf3A : vector<256x1024xf32>
    %mul3A_364 = arith.mulf %mul3A_357, %add3A_363 : vector<256x1024xf32>
    %convert_element_type3A_365 = arith.truncf %mul3A_364 : vector<256x1024xf32> to vector<256x1024xbf16>
    %get3A_366 = arith.constant 0 : index
    %get3A_367 = arith.constant 0 : index
    %get3A_368 = vector.load %arg4[%get3A_366, %get3A_367] : memref<1024x1024xbf16, #tpu.memory_space<vmem>>, vector<1024x1024xbf16>
    %dot_general3A_369 = arith.constant dense<0.000000e+00> : vector<256x1024xf32>
    %dot_general3A_370 = tpu.matmul %convert_element_type3A_365, %get3A_368, %dot_general3A_369 {dimension_numbers = #tpu.dot_dimension_numbers<[1], [0], [0], [1], [0, 0, 1, 1], [], []>, transpose_lhs_hint = false} : vector<256x1024xbf16>, vector<1024x1024xbf16>, vector<256x1024xf32> -> vector<256x1024xf32>
    %get3A_371 = arith.constant 0 : index
    %get3A_372 = arith.constant 0 : index
    %get3A_373 = vector.load %arg3[%get3A_371, %get3A_372] : memref<256x1024xf32, #tpu.memory_space<vmem>>, vector<256x1024xf32>
    %add3A_374 = arith.addf %get3A_373, %dot_general3A_370 : vector<256x1024xf32>
    %get3A_375 = arith.constant 0 : index
    %get3A_376 = arith.constant 0 : index
    %get3A_377 = vector.load %arg5[%get3A_375, %get3A_376] : memref<1x1024xf32, #tpu.memory_space<vmem>>, vector<1x1024xf32>
    %add3A_378 = vector.broadcast %get3A_377 : vector<1x1024xf32> to vector<256x1024xf32>
    %add3A_379 = arith.addf %add3A_374, %add3A_378 : vector<256x1024xf32>
    %swap3A = arith.constant 0 : index
    %swap3A_380 = arith.constant 0 : index
    %swap3A_381 = vector.load %arg6[%swap3A, %swap3A_380] : memref<256x1024xf32, #tpu.memory_space<vmem>>, vector<256x1024xf32>
    tpu.vector_store %arg6[%swap3A, %swap3A_380], %add3A_379 {strides = array<i32>} : memref<256x1024xf32, #tpu.memory_space<vmem>>, vector<256x1024xf32>,
    return
  }
  func.func @transform_0(%arg0: i32) -> (i32, i32) {
    %add3A = arith.constant 24 : i32
    %add3A_0 = arith.addi %add3A, %arg0 : i32
    %c0_i32 = arith.constant 0 : i32
    %c0_i32_1 = arith.constant 0 : i32
    return %add3A_0, %c0_i32 : i32, i32
  }
  func.func @transform_1(%arg0: i32) -> (i32, i32, i32) {
    %c0_i32 = arith.constant 0 : i32
    %c0_i32_0 = arith.constant 0 : i32
    %c0_i32_1 = arith.constant 0 : i32
    return %c0_i32, %arg0, %c0_i32_0 : i32, i32, i32
  }
  func.func @transform_2(%arg0: i32) -> (i32, i32) {
    %add3A = arith.constant 24 : i32
    %add3A_0 = arith.addi %add3A, %arg0 : i32
    %c0_i32 = arith.constant 0 : i32
    %c0_i32_1 = arith.constant 0 : i32
    return %add3A_0, %c0_i32 : i32, i32
  }
  func.func @transform_3(%arg0: i32) -> (i32, i32) {
    %c0_i32 = arith.constant 0 : i32
    %c0_i32_0 = arith.constant 0 : i32
    %c0_i32_1 = arith.constant 0 : i32
    return %c0_i32, %c0_i32_0 : i32, i32
  }
  func.func @transform_4(%arg0: i32) -> (i32, i32) {
    %c0_i32 = arith.constant 0 : i32
    %c0_i32_0 = arith.constant 0 : i32
    %c0_i32_1 = arith.constant 0 : i32
    return %c0_i32, %c0_i32_0 : i32, i32
  }
  func.func @transform_5(%arg0: i32) -> (i32, i32) {
    %c0_i32 = arith.constant 0 : i32
    %c0_i32_0 = arith.constant 0 : i32
    return %arg0, %c0_i32 : i32, i32
  }
}

module attributes {stable_mosaic.version = 14 : i64} {
  func.func @_attn_kernel(%arg0: i32, %arg1: memref<256x1024xf32, #tpu.memory_space<vmem>>, %arg2: memref<9x256x1024xi32, #tpu.memory_space<vmem>>, %arg3: memref<256x1024xf32, #tpu.memory_space<vmem>>, %arg4: memref<1024x1024xbf16, #tpu.memory_space<vmem>>, %arg5: memref<1x1024xf32, #tpu.memory_space<vmem>>, %arg6: memref<256x1024xf32, #tpu.memory_space<vmem>>) attributes {dimension_semantics = [#tpu.dimension_semantics<arbitrary>], iteration_bounds = array<i64: 8>, scalar_prefetch = 0 : i64, scratch_operands = 0 : i64, tpu.core_type = #tpu.core_type<tc>, window_params = [{transform_indices = @transform_0, window_bounds = array<i64: 256, 1024>}, {transform_indices = @transform_1, window_bounds = array<i64: 9, 256, 1024>}, {transform_indices = @transform_2, window_bounds = array<i64: 256, 1024>}, {pipeline_mode = #tpu.pipeline_mode<synchronous>, transform_indices = @transform_3, window_bounds = array<i64: 1024, 1024>}, {pipeline_mode = #tpu.pipeline_mode<synchronous>, transform_indices = @transform_4, window_bounds = array<i64: 1, 1024>}, {transform_indices = @transform_5, window_bounds = array<i64: 256, 1024>}]} {
    %get3A = arith.constant 0 : index
    %get3A_0 = arith.constant 0 : index
    %get3A_1 = vector.load %arg1[%get3A, %get3A_0] : memref<256x1024xf32, #tpu.memory_space<vmem>>, vector<256x1024xf32>
    %iota3A = tpu.iota {dimensions = array<i32: 0>} : vector<1024x16xi32>
    %iota3A_2 = tpu.iota {dimensions = array<i32: 1>} : vector<1024x16xi32>
    %jit3A = arith.constant 64 : i32
    %div3A = vector.broadcast %jit3A : i32 to vector<1024x16xi32>
    %div3A_3 = arith.divsi %iota3A, %div3A : vector<1024x16xi32>
    %sign3A = arith.constant 0 : i32
    %sign3A_4 = vector.broadcast %sign3A : i32 to vector<1024x16xi32>
    %sign3A_5 = arith.cmpi sgt, %iota3A, %sign3A_4 : vector<1024x16xi32>
    %sign3A_6 = arith.extui %sign3A_5 : vector<1024x16xi1> to vector<1024x16xi32>
    %sign3A_7 = arith.constant 0 : i32
    %sign3A_8 = vector.broadcast %sign3A_7 : i32 to vector<1024x16xi32>
    %sign3A_9 = arith.cmpi slt, %iota3A, %sign3A_8 : vector<1024x16xi32>
    %sign3A_10 = arith.extui %sign3A_9 : vector<1024x16xi1> to vector<1024x16xi32>
    %sign3A_11 = arith.subi %sign3A_6, %sign3A_10 : vector<1024x16xi32>
    %sign3A_12 = arith.constant 0 : i32
    %sign3A_13 = arith.cmpi sgt, %jit3A, %sign3A_12 : i32
    %sign3A_14 = arith.extui %sign3A_13 : i1 to i32
    %sign3A_15 = arith.constant 0 : i32
    %sign3A_16 = arith.cmpi slt, %jit3A, %sign3A_15 : i32
    %sign3A_17 = arith.extui %sign3A_16 : i1 to i32
    %sign3A_18 = arith.subi %sign3A_14, %sign3A_17 : i32
    %ne3A = vector.broadcast %sign3A_18 : i32 to vector<1024x16xi32>
    %ne3A_19 = arith.cmpi ne, %sign3A_11, %ne3A : vector<1024x16xi32>
    %rem3A = vector.broadcast %jit3A : i32 to vector<1024x16xi32>
    %rem3A_20 = arith.remsi %iota3A, %rem3A : vector<1024x16xi32>
    %ne3A_21 = arith.constant 0 : i32
    %ne3A_22 = vector.broadcast %ne3A_21 : i32 to vector<1024x16xi32>
    %ne3A_23 = arith.cmpi ne, %rem3A_20, %ne3A_22 : vector<1024x16xi32>
    %and3A = arith.andi %ne3A_19, %ne3A_23 : vector<1024x16xi1>
    %sub3A = arith.constant 1 : i32
    %sub3A_24 = vector.broadcast %sub3A : i32 to vector<1024x16xi32>
    %sub3A_25 = arith.subi %div3A_3, %sub3A_24 : vector<1024x16xi32>
    %select_n3A = arith.select %and3A, %sub3A_25, %div3A_3 : vector<1024x16xi1>, vector<1024x16xi32>
    %eq3A = arith.cmpi eq, %select_n3A, %iota3A_2 : vector<1024x16xi32>
    %convert_element_type3A = arith.extui %eq3A : vector<1024x16xi1> to vector<1024x16xi32>
    %convert_element_type3A_26 = arith.sitofp %convert_element_type3A : vector<1024x16xi32> to vector<1024x16xf32>
    %iota3A_27 = tpu.iota {dimensions = array<i32: 0>} : vector<16x1024xi32>
    %iota3A_28 = tpu.iota {dimensions = array<i32: 1>} : vector<16x1024xi32>
    %jit3A_29 = arith.constant 64 : i32
    %div3A_30 = vector.broadcast %jit3A_29 : i32 to vector<16x1024xi32>
    %div3A_31 = arith.divsi %iota3A_28, %div3A_30 : vector<16x1024xi32>
    %sign3A_32 = arith.constant 0 : i32
    %sign3A_33 = vector.broadcast %sign3A_32 : i32 to vector<16x1024xi32>
    %sign3A_34 = arith.cmpi sgt, %iota3A_28, %sign3A_33 : vector<16x1024xi32>
    %sign3A_35 = arith.extui %sign3A_34 : vector<16x1024xi1> to vector<16x1024xi32>
    %sign3A_36 = arith.constant 0 : i32
    %sign3A_37 = vector.broadcast %sign3A_36 : i32 to vector<16x1024xi32>
    %sign3A_38 = arith.cmpi slt, %iota3A_28, %sign3A_37 : vector<16x1024xi32>
    %sign3A_39 = arith.extui %sign3A_38 : vector<16x1024xi1> to vector<16x1024xi32>
    %sign3A_40 = arith.subi %sign3A_35, %sign3A_39 : vector<16x1024xi32>
    %sign3A_41 = arith.constant 0 : i32
    %sign3A_42 = arith.cmpi sgt, %jit3A_29, %sign3A_41 : i32
    %sign3A_43 = arith.extui %sign3A_42 : i1 to i32
    %sign3A_44 = arith.constant 0 : i32
    %sign3A_45 = arith.cmpi slt, %jit3A_29, %sign3A_44 : i32
    %sign3A_46 = arith.extui %sign3A_45 : i1 to i32
    %sign3A_47 = arith.subi %sign3A_43, %sign3A_46 : i32
    %ne3A_48 = vector.broadcast %sign3A_47 : i32 to vector<16x1024xi32>
    %ne3A_49 = arith.cmpi ne, %sign3A_40, %ne3A_48 : vector<16x1024xi32>
    %rem3A_50 = vector.broadcast %jit3A_29 : i32 to vector<16x1024xi32>
    %rem3A_51 = arith.remsi %iota3A_28, %rem3A_50 : vector<16x1024xi32>
    %ne3A_52 = arith.constant 0 : i32
    %ne3A_53 = vector.broadcast %ne3A_52 : i32 to vector<16x1024xi32>
    %ne3A_54 = arith.cmpi ne, %rem3A_51, %ne3A_53 : vector<16x1024xi32>
    %and3A_55 = arith.andi %ne3A_49, %ne3A_54 : vector<16x1024xi1>
    %sub3A_56 = arith.constant 1 : i32
    %sub3A_57 = vector.broadcast %sub3A_56 : i32 to vector<16x1024xi32>
    %sub3A_58 = arith.subi %div3A_31, %sub3A_57 : vector<16x1024xi32>
    %select_n3A_59 = arith.select %and3A_55, %sub3A_58, %div3A_31 : vector<16x1024xi1>, vector<16x1024xi32>
    %eq3A_60 = arith.cmpi eq, %select_n3A_59, %iota3A_27 : vector<16x1024xi32>
    %convert_element_type3A_61 = arith.extui %eq3A_60 : vector<16x1024xi1> to vector<16x1024xi32>
    %convert_element_type3A_62 = arith.sitofp %convert_element_type3A_61 : vector<16x1024xi32> to vector<16x1024xf32>
    %get3A_63 = arith.constant 0 : index
    %get3A_64 = arith.constant 0 : index
    %get3A_65 = arith.constant 0 : index
    %get3A_66 = vector.load %arg2[%get3A_63, %get3A_64, %get3A_65] : memref<9x256x1024xi32, #tpu.memory_space<vmem>>, vector<1x256x1024xi32>
    %get3A_67 = vector.shape_cast %get3A_66 : vector<1x256x1024xi32> to vector<256x1024xi32>
    %shift_left3A = arith.constant 16 : i32
    %shift_left3A_68 = vector.broadcast %shift_left3A : i32 to vector<256x1024xi32>
    %shift_left3A_69 = arith.shli %get3A_67, %shift_left3A_68 : vector<256x1024xi32>
    %bitcast_convert_type3A = tpu.bitcast %shift_left3A_69 : vector<256x1024xi32> -> vector<256x1024xf32>
    %mul3A = arith.mulf %get3A_1, %bitcast_convert_type3A : vector<256x1024xf32>
    %dot_general3A = arith.constant dense<0.000000e+00> : vector<256x16xf32>
    %dot_general3A_70 = tpu.matmul %mul3A, %convert_element_type3A_26, %dot_general3A {dimension_numbers = #tpu.dot_dimension_numbers<[1], [0], [0], [1], [0, 0, 1, 1], [], []>, transpose_lhs_hint = false} : vector<256x1024xf32>, vector<1024x16xf32>, vector<256x16xf32> -> vector<256x16xf32>
    %mul3A_71 = arith.constant 1.250000e-01 : f32
    %mul3A_72 = vector.broadcast %mul3A_71 : f32 to vector<256x16xf32>
    %mul3A_73 = arith.mulf %dot_general3A_70, %mul3A_72 : vector<256x16xf32>
    %get3A_74 = arith.constant 1 : index
    %get3A_75 = arith.constant 0 : index
    %get3A_76 = arith.constant 0 : index
    %get3A_77 = vector.load %arg2[%get3A_74, %get3A_75, %get3A_76] : memref<9x256x1024xi32, #tpu.memory_space<vmem>>, vector<1x256x1024xi32>
    %get3A_78 = vector.shape_cast %get3A_77 : vector<1x256x1024xi32> to vector<256x1024xi32>
    %shift_left3A_79 = arith.constant 16 : i32
    %shift_left3A_80 = vector.broadcast %shift_left3A_79 : i32 to vector<256x1024xi32>
    %shift_left3A_81 = arith.shli %get3A_78, %shift_left3A_80 : vector<256x1024xi32>
    %bitcast_convert_type3A_82 = tpu.bitcast %shift_left3A_81 : vector<256x1024xi32> -> vector<256x1024xf32>
    %mul3A_83 = arith.mulf %get3A_1, %bitcast_convert_type3A_82 : vector<256x1024xf32>
    %dot_general3A_84 = arith.constant dense<0.000000e+00> : vector<256x16xf32>
    %dot_general3A_85 = tpu.matmul %mul3A_83, %convert_element_type3A_26, %dot_general3A_84 {dimension_numbers = #tpu.dot_dimension_numbers<[1], [0], [0], [1], [0, 0, 1, 1], [], []>, transpose_lhs_hint = false} : vector<256x1024xf32>, vector<1024x16xf32>, vector<256x16xf32> -> vector<256x16xf32>
    %mul3A_86 = arith.constant 1.250000e-01 : f32
    %mul3A_87 = vector.broadcast %mul3A_86 : f32 to vector<256x16xf32>
    %mul3A_88 = arith.mulf %dot_general3A_85, %mul3A_87 : vector<256x16xf32>
    %get3A_89 = arith.constant 2 : index
    %get3A_90 = arith.constant 0 : index
    %get3A_91 = arith.constant 0 : index
    %get3A_92 = vector.load %arg2[%get3A_89, %get3A_90, %get3A_91] : memref<9x256x1024xi32, #tpu.memory_space<vmem>>, vector<1x256x1024xi32>
    %get3A_93 = vector.shape_cast %get3A_92 : vector<1x256x1024xi32> to vector<256x1024xi32>
    %shift_left3A_94 = arith.constant 16 : i32
    %shift_left3A_95 = vector.broadcast %shift_left3A_94 : i32 to vector<256x1024xi32>
    %shift_left3A_96 = arith.shli %get3A_93, %shift_left3A_95 : vector<256x1024xi32>
    %bitcast_convert_type3A_97 = tpu.bitcast %shift_left3A_96 : vector<256x1024xi32> -> vector<256x1024xf32>
    %mul3A_98 = arith.mulf %get3A_1, %bitcast_convert_type3A_97 : vector<256x1024xf32>
    %dot_general3A_99 = arith.constant dense<0.000000e+00> : vector<256x16xf32>
    %dot_general3A_100 = tpu.matmul %mul3A_98, %convert_element_type3A_26, %dot_general3A_99 {dimension_numbers = #tpu.dot_dimension_numbers<[1], [0], [0], [1], [0, 0, 1, 1], [], []>, transpose_lhs_hint = false} : vector<256x1024xf32>, vector<1024x16xf32>, vector<256x16xf32> -> vector<256x16xf32>
    %mul3A_101 = arith.constant 1.250000e-01 : f32
    %mul3A_102 = vector.broadcast %mul3A_101 : f32 to vector<256x16xf32>
    %mul3A_103 = arith.mulf %dot_general3A_100, %mul3A_102 : vector<256x16xf32>
    %get3A_104 = arith.constant 3 : index
    %get3A_105 = arith.constant 0 : index
    %get3A_106 = arith.constant 0 : index
    %get3A_107 = vector.load %arg2[%get3A_104, %get3A_105, %get3A_106] : memref<9x256x1024xi32, #tpu.memory_space<vmem>>, vector<1x256x1024xi32>
    %get3A_108 = vector.shape_cast %get3A_107 : vector<1x256x1024xi32> to vector<256x1024xi32>
    %shift_left3A_109 = arith.constant 16 : i32
    %shift_left3A_110 = vector.broadcast %shift_left3A_109 : i32 to vector<256x1024xi32>
    %shift_left3A_111 = arith.shli %get3A_108, %shift_left3A_110 : vector<256x1024xi32>
    %bitcast_convert_type3A_112 = tpu.bitcast %shift_left3A_111 : vector<256x1024xi32> -> vector<256x1024xf32>
    %mul3A_113 = arith.mulf %get3A_1, %bitcast_convert_type3A_112 : vector<256x1024xf32>
    %dot_general3A_114 = arith.constant dense<0.000000e+00> : vector<256x16xf32>
    %dot_general3A_115 = tpu.matmul %mul3A_113, %convert_element_type3A_26, %dot_general3A_114 {dimension_numbers = #tpu.dot_dimension_numbers<[1], [0], [0], [1], [0, 0, 1, 1], [], []>, transpose_lhs_hint = false} : vector<256x1024xf32>, vector<1024x16xf32>, vector<256x16xf32> -> vector<256x16xf32>
    %mul3A_116 = arith.constant 1.250000e-01 : f32
    %mul3A_117 = vector.broadcast %mul3A_116 : f32 to vector<256x16xf32>
    %mul3A_118 = arith.mulf %dot_general3A_115, %mul3A_117 : vector<256x16xf32>
    %get3A_119 = arith.constant 4 : index
    %get3A_120 = arith.constant 0 : index
    %get3A_121 = arith.constant 0 : index
    %get3A_122 = vector.load %arg2[%get3A_119, %get3A_120, %get3A_121] : memref<9x256x1024xi32, #tpu.memory_space<vmem>>, vector<1x256x1024xi32>
    %get3A_123 = vector.shape_cast %get3A_122 : vector<1x256x1024xi32> to vector<256x1024xi32>
    %shift_left3A_124 = arith.constant 16 : i32
    %shift_left3A_125 = vector.broadcast %shift_left3A_124 : i32 to vector<256x1024xi32>
    %shift_left3A_126 = arith.shli %get3A_123, %shift_left3A_125 : vector<256x1024xi32>
    %bitcast_convert_type3A_127 = tpu.bitcast %shift_left3A_126 : vector<256x1024xi32> -> vector<256x1024xf32>
    %mul3A_128 = arith.mulf %get3A_1, %bitcast_convert_type3A_127 : vector<256x1024xf32>
    %dot_general3A_129 = arith.constant dense<0.000000e+00> : vector<256x16xf32>
    %dot_general3A_130 = tpu.matmul %mul3A_128, %convert_element_type3A_26, %dot_general3A_129 {dimension_numbers = #tpu.dot_dimension_numbers<[1], [0], [0], [1], [0, 0, 1, 1], [], []>, transpose_lhs_hint = false} : vector<256x1024xf32>, vector<1024x16xf32>, vector<256x16xf32> -> vector<256x16xf32>
    %mul3A_131 = arith.constant 1.250000e-01 : f32
    %mul3A_132 = vector.broadcast %mul3A_131 : f32 to vector<256x16xf32>
    %mul3A_133 = arith.mulf %dot_general3A_130, %mul3A_132 : vector<256x16xf32>
    %get3A_134 = arith.constant 5 : index
    %get3A_135 = arith.constant 0 : index
    %get3A_136 = arith.constant 0 : index
    %get3A_137 = vector.load %arg2[%get3A_134, %get3A_135, %get3A_136] : memref<9x256x1024xi32, #tpu.memory_space<vmem>>, vector<1x256x1024xi32>
    %get3A_138 = vector.shape_cast %get3A_137 : vector<1x256x1024xi32> to vector<256x1024xi32>
    %shift_left3A_139 = arith.constant 16 : i32
    %shift_left3A_140 = vector.broadcast %shift_left3A_139 : i32 to vector<256x1024xi32>
    %shift_left3A_141 = arith.shli %get3A_138, %shift_left3A_140 : vector<256x1024xi32>
    %bitcast_convert_type3A_142 = tpu.bitcast %shift_left3A_141 : vector<256x1024xi32> -> vector<256x1024xf32>
    %mul3A_143 = arith.mulf %get3A_1, %bitcast_convert_type3A_142 : vector<256x1024xf32>
    %dot_general3A_144 = arith.constant dense<0.000000e+00> : vector<256x16xf32>
    %dot_general3A_145 = tpu.matmul %mul3A_143, %convert_element_type3A_26, %dot_general3A_144 {dimension_numbers = #tpu.dot_dimension_numbers<[1], [0], [0], [1], [0, 0, 1, 1], [], []>, transpose_lhs_hint = false} : vector<256x1024xf32>, vector<1024x16xf32>, vector<256x16xf32> -> vector<256x16xf32>
    %mul3A_146 = arith.constant 1.250000e-01 : f32
    %mul3A_147 = vector.broadcast %mul3A_146 : f32 to vector<256x16xf32>
    %mul3A_148 = arith.mulf %dot_general3A_145, %mul3A_147 : vector<256x16xf32>
    %get3A_149 = arith.constant 6 : index
    %get3A_150 = arith.constant 0 : index
    %get3A_151 = arith.constant 0 : index
    %get3A_152 = vector.load %arg2[%get3A_149, %get3A_150, %get3A_151] : memref<9x256x1024xi32, #tpu.memory_space<vmem>>, vector<1x256x1024xi32>
    %get3A_153 = vector.shape_cast %get3A_152 : vector<1x256x1024xi32> to vector<256x1024xi32>
    %shift_left3A_154 = arith.constant 16 : i32
    %shift_left3A_155 = vector.broadcast %shift_left3A_154 : i32 to vector<256x1024xi32>
    %shift_left3A_156 = arith.shli %get3A_153, %shift_left3A_155 : vector<256x1024xi32>
    %bitcast_convert_type3A_157 = tpu.bitcast %shift_left3A_156 : vector<256x1024xi32> -> vector<256x1024xf32>
    %mul3A_158 = arith.mulf %get3A_1, %bitcast_convert_type3A_157 : vector<256x1024xf32>
    %dot_general3A_159 = arith.constant dense<0.000000e+00> : vector<256x16xf32>
    %dot_general3A_160 = tpu.matmul %mul3A_158, %convert_element_type3A_26, %dot_general3A_159 {dimension_numbers = #tpu.dot_dimension_numbers<[1], [0], [0], [1], [0, 0, 1, 1], [], []>, transpose_lhs_hint = false} : vector<256x1024xf32>, vector<1024x16xf32>, vector<256x16xf32> -> vector<256x16xf32>
    %mul3A_161 = arith.constant 1.250000e-01 : f32
    %mul3A_162 = vector.broadcast %mul3A_161 : f32 to vector<256x16xf32>
    %mul3A_163 = arith.mulf %dot_general3A_160, %mul3A_162 : vector<256x16xf32>
    %get3A_164 = arith.constant 7 : index
    %get3A_165 = arith.constant 0 : index
    %get3A_166 = arith.constant 0 : index
    %get3A_167 = vector.load %arg2[%get3A_164, %get3A_165, %get3A_166] : memref<9x256x1024xi32, #tpu.memory_space<vmem>>, vector<1x256x1024xi32>
    %get3A_168 = vector.shape_cast %get3A_167 : vector<1x256x1024xi32> to vector<256x1024xi32>
    %shift_left3A_169 = arith.constant 16 : i32
    %shift_left3A_170 = vector.broadcast %shift_left3A_169 : i32 to vector<256x1024xi32>
    %shift_left3A_171 = arith.shli %get3A_168, %shift_left3A_170 : vector<256x1024xi32>
    %bitcast_convert_type3A_172 = tpu.bitcast %shift_left3A_171 : vector<256x1024xi32> -> vector<256x1024xf32>
    %mul3A_173 = arith.mulf %get3A_1, %bitcast_convert_type3A_172 : vector<256x1024xf32>
    %dot_general3A_174 = arith.constant dense<0.000000e+00> : vector<256x16xf32>
    %dot_general3A_175 = tpu.matmul %mul3A_173, %convert_element_type3A_26, %dot_general3A_174 {dimension_numbers = #tpu.dot_dimension_numbers<[1], [0], [0], [1], [0, 0, 1, 1], [], []>, transpose_lhs_hint = false} : vector<256x1024xf32>, vector<1024x16xf32>, vector<256x16xf32> -> vector<256x16xf32>
    %mul3A_176 = arith.constant 1.250000e-01 : f32
    %mul3A_177 = vector.broadcast %mul3A_176 : f32 to vector<256x16xf32>
    %mul3A_178 = arith.mulf %dot_general3A_175, %mul3A_177 : vector<256x16xf32>
    %get3A_179 = arith.constant 8 : index
    %get3A_180 = arith.constant 0 : index
    %get3A_181 = arith.constant 0 : index
    %get3A_182 = vector.load %arg2[%get3A_179, %get3A_180, %get3A_181] : memref<9x256x1024xi32, #tpu.memory_space<vmem>>, vector<1x256x1024xi32>
    %get3A_183 = vector.shape_cast %get3A_182 : vector<1x256x1024xi32> to vector<256x1024xi32>
    %shift_left3A_184 = arith.constant 16 : i32
    %shift_left3A_185 = vector.broadcast %shift_left3A_184 : i32 to vector<256x1024xi32>
    %shift_left3A_186 = arith.shli %get3A_183, %shift_left3A_185 : vector<256x1024xi32>
    %bitcast_convert_type3A_187 = tpu.bitcast %shift_left3A_186 : vector<256x1024xi32> -> vector<256x1024xf32>
    %mul3A_188 = arith.mulf %get3A_1, %bitcast_convert_type3A_187 : vector<256x1024xf32>
    %dot_general3A_189 = arith.constant dense<0.000000e+00> : vector<256x16xf32>
    %dot_general3A_190 = tpu.matmul %mul3A_188, %convert_element_type3A_26, %dot_general3A_189 {dimension_numbers = #tpu.dot_dimension_numbers<[1], [0], [0], [1], [0, 0, 1, 1], [], []>, transpose_lhs_hint = false} : vector<256x1024xf32>, vector<1024x16xf32>, vector<256x16xf32> -> vector<256x16xf32>
    %mul3A_191 = arith.constant 1.250000e-01 : f32
    %mul3A_192 = vector.broadcast %mul3A_191 : f32 to vector<256x16xf32>
    %mul3A_193 = arith.mulf %dot_general3A_190, %mul3A_192 : vector<256x16xf32>
    %max3A = arith.maximumf %mul3A_73, %mul3A_88 : vector<256x16xf32>
    %max3A_194 = arith.maximumf %max3A, %mul3A_103 : vector<256x16xf32>
    %max3A_195 = arith.maximumf %max3A_194, %mul3A_118 : vector<256x16xf32>
    %max3A_196 = arith.maximumf %max3A_195, %mul3A_133 : vector<256x16xf32>
    %max3A_197 = arith.maximumf %max3A_196, %mul3A_148 : vector<256x16xf32>
    %max3A_198 = arith.maximumf %max3A_197, %mul3A_163 : vector<256x16xf32>
    %max3A_199 = arith.maximumf %max3A_198, %mul3A_178 : vector<256x16xf32>
    %max3A_200 = arith.maximumf %max3A_199, %mul3A_193 : vector<256x16xf32>
    %sub3A_201 = arith.subf %mul3A_73, %max3A_200 : vector<256x16xf32>
    %exp3A = math.exp %sub3A_201 : vector<256x16xf32>
    %sub3A_202 = arith.subf %mul3A_88, %max3A_200 : vector<256x16xf32>
    %exp3A_203 = math.exp %sub3A_202 : vector<256x16xf32>
    %sub3A_204 = arith.subf %mul3A_103, %max3A_200 : vector<256x16xf32>
    %exp3A_205 = math.exp %sub3A_204 : vector<256x16xf32>
    %sub3A_206 = arith.subf %mul3A_118, %max3A_200 : vector<256x16xf32>
    %exp3A_207 = math.exp %sub3A_206 : vector<256x16xf32>
    %sub3A_208 = arith.subf %mul3A_133, %max3A_200 : vector<256x16xf32>
    %exp3A_209 = math.exp %sub3A_208 : vector<256x16xf32>
    %sub3A_210 = arith.subf %mul3A_148, %max3A_200 : vector<256x16xf32>
    %exp3A_211 = math.exp %sub3A_210 : vector<256x16xf32>
    %sub3A_212 = arith.subf %mul3A_163, %max3A_200 : vector<256x16xf32>
    %exp3A_213 = math.exp %sub3A_212 : vector<256x16xf32>
    %sub3A_214 = arith.subf %mul3A_178, %max3A_200 : vector<256x16xf32>
    %exp3A_215 = math.exp %sub3A_214 : vector<256x16xf32>
    %sub3A_216 = arith.subf %mul3A_193, %max3A_200 : vector<256x16xf32>
    %exp3A_217 = math.exp %sub3A_216 : vector<256x16xf32>
    %add3A = arith.addf %exp3A, %exp3A_203 : vector<256x16xf32>
    %add3A_218 = arith.addf %add3A, %exp3A_205 : vector<256x16xf32>
    %add3A_219 = arith.addf %add3A_218, %exp3A_207 : vector<256x16xf32>
    %add3A_220 = arith.addf %add3A_219, %exp3A_209 : vector<256x16xf32>
    %add3A_221 = arith.addf %add3A_220, %exp3A_211 : vector<256x16xf32>
    %add3A_222 = arith.addf %add3A_221, %exp3A_213 : vector<256x16xf32>
    %add3A_223 = arith.addf %add3A_222, %exp3A_215 : vector<256x16xf32>
    %add3A_224 = arith.addf %add3A_223, %exp3A_217 : vector<256x16xf32>
    %div3A_225 = arith.constant 1.000000e+00 : f32
    %div3A_226 = vector.broadcast %div3A_225 : f32 to vector<256x16xf32>
    %div3A_227 = arith.divf %div3A_226, %add3A_224 : vector<256x16xf32>
    %broadcast_in_dim3A = arith.constant 0.000000e+00 : f32
    %broadcast_in_dim3A_228 = vector.broadcast %broadcast_in_dim3A : f32 to vector<256x1024xf32>
    %mul3A_229 = arith.mulf %exp3A, %div3A_227 : vector<256x16xf32>
    %dot_general3A_230 = arith.constant dense<0.000000e+00> : vector<256x1024xf32>
    %dot_general3A_231 = tpu.matmul %mul3A_229, %convert_element_type3A_62, %dot_general3A_230 {dimension_numbers = #tpu.dot_dimension_numbers<[1], [0], [0], [1], [0, 0, 1, 1], [], []>, transpose_lhs_hint = false} : vector<256x16xf32>, vector<16x1024xf32>, vector<256x1024xf32> -> vector<256x1024xf32>
    %get3A_232 = arith.constant 0 : index
    %get3A_233 = arith.constant 0 : index
    %get3A_234 = arith.constant 0 : index
    %get3A_235 = vector.load %arg2[%get3A_232, %get3A_233, %get3A_234] : memref<9x256x1024xi32, #tpu.memory_space<vmem>>, vector<1x256x1024xi32>
    %get3A_236 = vector.shape_cast %get3A_235 : vector<1x256x1024xi32> to vector<256x1024xi32>
    %and3A_237 = arith.constant -65536 : i32
    %and3A_238 = vector.broadcast %and3A_237 : i32 to vector<256x1024xi32>
    %and3A_239 = arith.andi %get3A_236, %and3A_238 : vector<256x1024xi32>
    %bitcast_convert_type3A_240 = tpu.bitcast %and3A_239 : vector<256x1024xi32> -> vector<256x1024xf32>
    %mul3A_241 = arith.mulf %dot_general3A_231, %bitcast_convert_type3A_240 : vector<256x1024xf32>
    %add3A_242 = arith.addf %broadcast_in_dim3A_228, %mul3A_241 : vector<256x1024xf32>
    %mul3A_243 = arith.mulf %exp3A_203, %div3A_227 : vector<256x16xf32>
    %dot_general3A_244 = arith.constant dense<0.000000e+00> : vector<256x1024xf32>
    %dot_general3A_245 = tpu.matmul %mul3A_243, %convert_element_type3A_62, %dot_general3A_244 {dimension_numbers = #tpu.dot_dimension_numbers<[1], [0], [0], [1], [0, 0, 1, 1], [], []>, transpose_lhs_hint = false} : vector<256x16xf32>, vector<16x1024xf32>, vector<256x1024xf32> -> vector<256x1024xf32>
    %get3A_246 = arith.constant 1 : index
    %get3A_247 = arith.constant 0 : index
    %get3A_248 = arith.constant 0 : index
    %get3A_249 = vector.load %arg2[%get3A_246, %get3A_247, %get3A_248] : memref<9x256x1024xi32, #tpu.memory_space<vmem>>, vector<1x256x1024xi32>
    %get3A_250 = vector.shape_cast %get3A_249 : vector<1x256x1024xi32> to vector<256x1024xi32>
    %and3A_251 = arith.constant -65536 : i32
    %and3A_252 = vector.broadcast %and3A_251 : i32 to vector<256x1024xi32>
    %and3A_253 = arith.andi %get3A_250, %and3A_252 : vector<256x1024xi32>
    %bitcast_convert_type3A_254 = tpu.bitcast %and3A_253 : vector<256x1024xi32> -> vector<256x1024xf32>
    %mul3A_255 = arith.mulf %dot_general3A_245, %bitcast_convert_type3A_254 : vector<256x1024xf32>
    %add3A_256 = arith.addf %add3A_242, %mul3A_255 : vector<256x1024xf32>
    %mul3A_257 = arith.mulf %exp3A_205, %div3A_227 : vector<256x16xf32>
    %dot_general3A_258 = arith.constant dense<0.000000e+00> : vector<256x1024xf32>
    %dot_general3A_259 = tpu.matmul %mul3A_257, %convert_element_type3A_62, %dot_general3A_258 {dimension_numbers = #tpu.dot_dimension_numbers<[1], [0], [0], [1], [0, 0, 1, 1], [], []>, transpose_lhs_hint = false} : vector<256x16xf32>, vector<16x1024xf32>, vector<256x1024xf32> -> vector<256x1024xf32>
    %get3A_260 = arith.constant 2 : index
    %get3A_261 = arith.constant 0 : index
    %get3A_262 = arith.constant 0 : index
    %get3A_263 = vector.load %arg2[%get3A_260, %get3A_261, %get3A_262] : memref<9x256x1024xi32, #tpu.memory_space<vmem>>, vector<1x256x1024xi32>
    %get3A_264 = vector.shape_cast %get3A_263 : vector<1x256x1024xi32> to vector<256x1024xi32>
    %and3A_265 = arith.constant -65536 : i32
    %and3A_266 = vector.broadcast %and3A_265 : i32 to vector<256x1024xi32>
    %and3A_267 = arith.andi %get3A_264, %and3A_266 : vector<256x1024xi32>
    %bitcast_convert_type3A_268 = tpu.bitcast %and3A_267 : vector<256x1024xi32> -> vector<256x1024xf32>
    %mul3A_269 = arith.mulf %dot_general3A_259, %bitcast_convert_type3A_268 : vector<256x1024xf32>
    %add3A_270 = arith.addf %add3A_256, %mul3A_269 : vector<256x1024xf32>
    %mul3A_271 = arith.mulf %exp3A_207, %div3A_227 : vector<256x16xf32>
    %dot_general3A_272 = arith.constant dense<0.000000e+00> : vector<256x1024xf32>
    %dot_general3A_273 = tpu.matmul %mul3A_271, %convert_element_type3A_62, %dot_general3A_272 {dimension_numbers = #tpu.dot_dimension_numbers<[1], [0], [0], [1], [0, 0, 1, 1], [], []>, transpose_lhs_hint = false} : vector<256x16xf32>, vector<16x1024xf32>, vector<256x1024xf32> -> vector<256x1024xf32>
    %get3A_274 = arith.constant 3 : index
    %get3A_275 = arith.constant 0 : index
    %get3A_276 = arith.constant 0 : index
    %get3A_277 = vector.load %arg2[%get3A_274, %get3A_275, %get3A_276] : memref<9x256x1024xi32, #tpu.memory_space<vmem>>, vector<1x256x1024xi32>
    %get3A_278 = vector.shape_cast %get3A_277 : vector<1x256x1024xi32> to vector<256x1024xi32>
    %and3A_279 = arith.constant -65536 : i32
    %and3A_280 = vector.broadcast %and3A_279 : i32 to vector<256x1024xi32>
    %and3A_281 = arith.andi %get3A_278, %and3A_280 : vector<256x1024xi32>
    %bitcast_convert_type3A_282 = tpu.bitcast %and3A_281 : vector<256x1024xi32> -> vector<256x1024xf32>
    %mul3A_283 = arith.mulf %dot_general3A_273, %bitcast_convert_type3A_282 : vector<256x1024xf32>
    %add3A_284 = arith.addf %add3A_270, %mul3A_283 : vector<256x1024xf32>
    %mul3A_285 = arith.mulf %exp3A_209, %div3A_227 : vector<256x16xf32>
    %dot_general3A_286 = arith.constant dense<0.000000e+00> : vector<256x1024xf32>
    %dot_general3A_287 = tpu.matmul %mul3A_285, %convert_element_type3A_62, %dot_general3A_286 {dimension_numbers = #tpu.dot_dimension_numbers<[1], [0], [0], [1], [0, 0, 1, 1], [], []>, transpose_lhs_hint = false} : vector<256x16xf32>, vector<16x1024xf32>, vector<256x1024xf32> -> vector<256x1024xf32>
    %get3A_288 = arith.constant 4 : index
    %get3A_289 = arith.constant 0 : index
    %get3A_290 = arith.constant 0 : index
    %get3A_291 = vector.load %arg2[%get3A_288, %get3A_289, %get3A_290] : memref<9x256x1024xi32, #tpu.memory_space<vmem>>, vector<1x256x1024xi32>
    %get3A_292 = vector.shape_cast %get3A_291 : vector<1x256x1024xi32> to vector<256x1024xi32>
    %and3A_293 = arith.constant -65536 : i32
    %and3A_294 = vector.broadcast %and3A_293 : i32 to vector<256x1024xi32>
    %and3A_295 = arith.andi %get3A_292, %and3A_294 : vector<256x1024xi32>
    %bitcast_convert_type3A_296 = tpu.bitcast %and3A_295 : vector<256x1024xi32> -> vector<256x1024xf32>
    %mul3A_297 = arith.mulf %dot_general3A_287, %bitcast_convert_type3A_296 : vector<256x1024xf32>
    %add3A_298 = arith.addf %add3A_284, %mul3A_297 : vector<256x1024xf32>
    %mul3A_299 = arith.mulf %exp3A_211, %div3A_227 : vector<256x16xf32>
    %dot_general3A_300 = arith.constant dense<0.000000e+00> : vector<256x1024xf32>
    %dot_general3A_301 = tpu.matmul %mul3A_299, %convert_element_type3A_62, %dot_general3A_300 {dimension_numbers = #tpu.dot_dimension_numbers<[1], [0], [0], [1], [0, 0, 1, 1], [], []>, transpose_lhs_hint = false} : vector<256x16xf32>, vector<16x1024xf32>, vector<256x1024xf32> -> vector<256x1024xf32>
    %get3A_302 = arith.constant 5 : index
    %get3A_303 = arith.constant 0 : index
    %get3A_304 = arith.constant 0 : index
    %get3A_305 = vector.load %arg2[%get3A_302, %get3A_303, %get3A_304] : memref<9x256x1024xi32, #tpu.memory_space<vmem>>, vector<1x256x1024xi32>
    %get3A_306 = vector.shape_cast %get3A_305 : vector<1x256x1024xi32> to vector<256x1024xi32>
    %and3A_307 = arith.constant -65536 : i32
    %and3A_308 = vector.broadcast %and3A_307 : i32 to vector<256x1024xi32>
    %and3A_309 = arith.andi %get3A_306, %and3A_308 : vector<256x1024xi32>
    %bitcast_convert_type3A_310 = tpu.bitcast %and3A_309 : vector<256x1024xi32> -> vector<256x1024xf32>
    %mul3A_311 = arith.mulf %dot_general3A_301, %bitcast_convert_type3A_310 : vector<256x1024xf32>
    %add3A_312 = arith.addf %add3A_298, %mul3A_311 : vector<256x1024xf32>
    %mul3A_313 = arith.mulf %exp3A_213, %div3A_227 : vector<256x16xf32>
    %dot_general3A_314 = arith.constant dense<0.000000e+00> : vector<256x1024xf32>
    %dot_general3A_315 = tpu.matmul %mul3A_313, %convert_element_type3A_62, %dot_general3A_314 {dimension_numbers = #tpu.dot_dimension_numbers<[1], [0], [0], [1], [0, 0, 1, 1], [], []>, transpose_lhs_hint = false} : vector<256x16xf32>, vector<16x1024xf32>, vector<256x1024xf32> -> vector<256x1024xf32>
    %get3A_316 = arith.constant 6 : index
    %get3A_317 = arith.constant 0 : index
    %get3A_318 = arith.constant 0 : index
    %get3A_319 = vector.load %arg2[%get3A_316, %get3A_317, %get3A_318] : memref<9x256x1024xi32, #tpu.memory_space<vmem>>, vector<1x256x1024xi32>
    %get3A_320 = vector.shape_cast %get3A_319 : vector<1x256x1024xi32> to vector<256x1024xi32>
    %and3A_321 = arith.constant -65536 : i32
    %and3A_322 = vector.broadcast %and3A_321 : i32 to vector<256x1024xi32>
    %and3A_323 = arith.andi %get3A_320, %and3A_322 : vector<256x1024xi32>
    %bitcast_convert_type3A_324 = tpu.bitcast %and3A_323 : vector<256x1024xi32> -> vector<256x1024xf32>
    %mul3A_325 = arith.mulf %dot_general3A_315, %bitcast_convert_type3A_324 : vector<256x1024xf32>
    %add3A_326 = arith.addf %add3A_312, %mul3A_325 : vector<256x1024xf32>
    %mul3A_327 = arith.mulf %exp3A_215, %div3A_227 : vector<256x16xf32>
    %dot_general3A_328 = arith.constant dense<0.000000e+00> : vector<256x1024xf32>
    %dot_general3A_329 = tpu.matmul %mul3A_327, %convert_element_type3A_62, %dot_general3A_328 {dimension_numbers = #tpu.dot_dimension_numbers<[1], [0], [0], [1], [0, 0, 1, 1], [], []>, transpose_lhs_hint = false} : vector<256x16xf32>, vector<16x1024xf32>, vector<256x1024xf32> -> vector<256x1024xf32>
    %get3A_330 = arith.constant 7 : index
    %get3A_331 = arith.constant 0 : index
    %get3A_332 = arith.constant 0 : index
    %get3A_333 = vector.load %arg2[%get3A_330, %get3A_331, %get3A_332] : memref<9x256x1024xi32, #tpu.memory_space<vmem>>, vector<1x256x1024xi32>
    %get3A_334 = vector.shape_cast %get3A_333 : vector<1x256x1024xi32> to vector<256x1024xi32>
    %and3A_335 = arith.constant -65536 : i32
    %and3A_336 = vector.broadcast %and3A_335 : i32 to vector<256x1024xi32>
    %and3A_337 = arith.andi %get3A_334, %and3A_336 : vector<256x1024xi32>
    %bitcast_convert_type3A_338 = tpu.bitcast %and3A_337 : vector<256x1024xi32> -> vector<256x1024xf32>
    %mul3A_339 = arith.mulf %dot_general3A_329, %bitcast_convert_type3A_338 : vector<256x1024xf32>
    %add3A_340 = arith.addf %add3A_326, %mul3A_339 : vector<256x1024xf32>
    %mul3A_341 = arith.mulf %exp3A_217, %div3A_227 : vector<256x16xf32>
    %dot_general3A_342 = arith.constant dense<0.000000e+00> : vector<256x1024xf32>
    %dot_general3A_343 = tpu.matmul %mul3A_341, %convert_element_type3A_62, %dot_general3A_342 {dimension_numbers = #tpu.dot_dimension_numbers<[1], [0], [0], [1], [0, 0, 1, 1], [], []>, transpose_lhs_hint = false} : vector<256x16xf32>, vector<16x1024xf32>, vector<256x1024xf32> -> vector<256x1024xf32>
    %get3A_344 = arith.constant 8 : index
    %get3A_345 = arith.constant 0 : index
    %get3A_346 = arith.constant 0 : index
    %get3A_347 = vector.load %arg2[%get3A_344, %get3A_345, %get3A_346] : memref<9x256x1024xi32, #tpu.memory_space<vmem>>, vector<1x256x1024xi32>
    %get3A_348 = vector.shape_cast %get3A_347 : vector<1x256x1024xi32> to vector<256x1024xi32>
    %and3A_349 = arith.constant -65536 : i32
    %and3A_350 = vector.broadcast %and3A_349 : i32 to vector<256x1024xi32>
    %and3A_351 = arith.andi %get3A_348, %and3A_350 : vector<256x1024xi32>
    %bitcast_convert_type3A_352 = tpu.bitcast %and3A_351 : vector<256x1024xi32> -> vector<256x1024xf32>
    %mul3A_353 = arith.mulf %dot_general3A_343, %bitcast_convert_type3A_352 : vector<256x1024xf32>
    %add3A_354 = arith.addf %add3A_340, %mul3A_353 : vector<256x1024xf32>
    %mul3A_355 = arith.constant 5.000000e-01 : f32
    %mul3A_356 = vector.broadcast %mul3A_355 : f32 to vector<256x1024xf32>
    %mul3A_357 = arith.mulf %mul3A_356, %add3A_354 : vector<256x1024xf32>
    %mul3A_358 = arith.constant 0.707106769 : f32
    %mul3A_359 = vector.broadcast %mul3A_358 : f32 to vector<256x1024xf32>
    %mul3A_360 = arith.mulf %add3A_354, %mul3A_359 : vector<256x1024xf32>
    %erf3A = math.erf %mul3A_360 : vector<256x1024xf32>
    %add3A_361 = arith.constant 1.000000e+00 : f32
    %add3A_362 = vector.broadcast %add3A_361 : f32 to vector<256x1024xf32>
    %add3A_363 = arith.addf %add3A_362, %erf3A : vector<256x1024xf32>
    %mul3A_364 = arith.mulf %mul3A_357, %add3A_363 : vector<256x1024xf32>
    %convert_element_type3A_365 = arith.truncf %mul3A_364 : vector<256x1024xf32> to vector<256x1024xbf16>
    %get3A_366 = arith.constant 0 : index
    %get3A_367 = arith.constant 0 : index
    %get3A_368 = vector.load %arg4[%get3A_366, %get3A_367] : memref<1024x1024xbf16, #tpu.memory_space<vmem>>, vector<1024x1024xbf16>
    %dot_general3A_369 = arith.constant dense<0.000000e+00> : vector<256x1024xf32>
    %dot_general3A_370 = tpu.matmul %convert_element_type3A_365, %get3A_368, %dot_general3A_369 {dimension_numbers = #tpu.dot_dimension_numbers<[1], [0], [0], [1], [0, 0, 1, 1], [], []>, transpose_lhs_hint = false} : vector<256x1024xbf16>, vector<1024x1024xbf16>, vector<256x1024xf32> -> vector<256x1024xf32>
    %get3A_371 = arith.constant 0 : index
    %get3A_372 = arith.constant 0 : index
    %get3A_373 = vector.load %arg3[%get3A_371, %get3A_372] : memref<256x1024xf32, #tpu.memory_space<vmem>>, vector<256x1024xf32>
    %add3A_374 = arith.addf %get3A_373, %dot_general3A_370 : vector<256x1024xf32>
    %get3A_375 = arith.constant 0 : index
    %get3A_376 = arith.constant 0 : index
    %get3A_377 = vector.load %arg5[%get3A_375, %get3A_376] : memref<1x1024xf32, #tpu.memory_space<vmem>>, vector<1x1024xf32>
    %add3A_378 = vector.broadcast %get3A_377 : vector<1x1024xf32> to vector<256x1024xf32>
    %add3A_379 = arith.addf %add3A_374, %add3A_378 : vector<256x1024xf32>
    %swap3A = arith.constant 0 : index
    %swap3A_380 = arith.constant 0 : index
    %swap3A_381 = vector.load %arg6[%swap3A, %swap3A_380] : memref<256x1024xf32, #tpu.memory_space<vmem>>, vector<256x1024xf32>
    tpu.vector_store %arg6[%swap3A, %swap3A_380], %add3A_379 {strides = array<i32>} : memref<256x1024xf32, #tpu.memory_space<vmem>>, vector<256x1024xf32>,
    return
  }
  func.func @transform_0(%arg0: i32) -> (i32, i32) {
    %add3A = arith.constant 16 : i32
    %add3A_0 = arith.addi %add3A, %arg0 : i32
    %c0_i32 = arith.constant 0 : i32
    %c0_i32_1 = arith.constant 0 : i32
    return %add3A_0, %c0_i32 : i32, i32
  }
  func.func @transform_1(%arg0: i32) -> (i32, i32, i32) {
    %c0_i32 = arith.constant 0 : i32
    %c0_i32_0 = arith.constant 0 : i32
    %c0_i32_1 = arith.constant 0 : i32
    return %c0_i32, %arg0, %c0_i32_0 : i32, i32, i32
  }
  func.func @transform_2(%arg0: i32) -> (i32, i32) {
    %add3A = arith.constant 16 : i32
    %add3A_0 = arith.addi %add3A, %arg0 : i32
    %c0_i32 = arith.constant 0 : i32
    %c0_i32_1 = arith.constant 0 : i32
    return %add3A_0, %c0_i32 : i32, i32
  }
  func.func @transform_3(%arg0: i32) -> (i32, i32) {
    %c0_i32 = arith.constant 0 : i32
    %c0_i32_0 = arith.constant 0 : i32
    %c0_i32_1 = arith.constant 0 : i32
    return %c0_i32, %c0_i32_0 : i32, i32
  }
  func.func @transform_4(%arg0: i32) -> (i32, i32) {
    %c0_i32 = arith.constant 0 : i32
    %c0_i32_0 = arith.constant 0 : i32
    %c0_i32_1 = arith.constant 0 : i32
    return %c0_i32, %c0_i32_0 : i32, i32
  }
  func.func @transform_5(%arg0: i32) -> (i32, i32) {
    %c0_i32 = arith.constant 0 : i32
    %c0_i32_0 = arith.constant 0 : i32
    return %arg0, %c0_i32 : i32, i32
  }
}

module attributes {stable_mosaic.version = 14 : i64} {
  func.func @_attn_kernel(%arg0: i32, %arg1: memref<256x1024xf32, #tpu.memory_space<vmem>>, %arg2: memref<9x256x1024xi32, #tpu.memory_space<vmem>>, %arg3: memref<256x1024xf32, #tpu.memory_space<vmem>>, %arg4: memref<1024x1024xbf16, #tpu.memory_space<vmem>>, %arg5: memref<1x1024xf32, #tpu.memory_space<vmem>>, %arg6: memref<256x1024xf32, #tpu.memory_space<vmem>>) attributes {dimension_semantics = [#tpu.dimension_semantics<arbitrary>], iteration_bounds = array<i64: 8>, scalar_prefetch = 0 : i64, scratch_operands = 0 : i64, tpu.core_type = #tpu.core_type<tc>, window_params = [{transform_indices = @transform_0, window_bounds = array<i64: 256, 1024>}, {transform_indices = @transform_1, window_bounds = array<i64: 9, 256, 1024>}, {transform_indices = @transform_2, window_bounds = array<i64: 256, 1024>}, {pipeline_mode = #tpu.pipeline_mode<synchronous>, transform_indices = @transform_3, window_bounds = array<i64: 1024, 1024>}, {pipeline_mode = #tpu.pipeline_mode<synchronous>, transform_indices = @transform_4, window_bounds = array<i64: 1, 1024>}, {transform_indices = @transform_5, window_bounds = array<i64: 256, 1024>}]} {
    %get3A = arith.constant 0 : index
    %get3A_0 = arith.constant 0 : index
    %get3A_1 = vector.load %arg1[%get3A, %get3A_0] : memref<256x1024xf32, #tpu.memory_space<vmem>>, vector<256x1024xf32>
    %iota3A = tpu.iota {dimensions = array<i32: 0>} : vector<1024x16xi32>
    %iota3A_2 = tpu.iota {dimensions = array<i32: 1>} : vector<1024x16xi32>
    %jit3A = arith.constant 64 : i32
    %div3A = vector.broadcast %jit3A : i32 to vector<1024x16xi32>
    %div3A_3 = arith.divsi %iota3A, %div3A : vector<1024x16xi32>
    %sign3A = arith.constant 0 : i32
    %sign3A_4 = vector.broadcast %sign3A : i32 to vector<1024x16xi32>
    %sign3A_5 = arith.cmpi sgt, %iota3A, %sign3A_4 : vector<1024x16xi32>
    %sign3A_6 = arith.extui %sign3A_5 : vector<1024x16xi1> to vector<1024x16xi32>
    %sign3A_7 = arith.constant 0 : i32
    %sign3A_8 = vector.broadcast %sign3A_7 : i32 to vector<1024x16xi32>
    %sign3A_9 = arith.cmpi slt, %iota3A, %sign3A_8 : vector<1024x16xi32>
    %sign3A_10 = arith.extui %sign3A_9 : vector<1024x16xi1> to vector<1024x16xi32>
    %sign3A_11 = arith.subi %sign3A_6, %sign3A_10 : vector<1024x16xi32>
    %sign3A_12 = arith.constant 0 : i32
    %sign3A_13 = arith.cmpi sgt, %jit3A, %sign3A_12 : i32
    %sign3A_14 = arith.extui %sign3A_13 : i1 to i32
    %sign3A_15 = arith.constant 0 : i32
    %sign3A_16 = arith.cmpi slt, %jit3A, %sign3A_15 : i32
    %sign3A_17 = arith.extui %sign3A_16 : i1 to i32
    %sign3A_18 = arith.subi %sign3A_14, %sign3A_17 : i32
    %ne3A = vector.broadcast %sign3A_18 : i32 to vector<1024x16xi32>
    %ne3A_19 = arith.cmpi ne, %sign3A_11, %ne3A : vector<1024x16xi32>
    %rem3A = vector.broadcast %jit3A : i32 to vector<1024x16xi32>
    %rem3A_20 = arith.remsi %iota3A, %rem3A : vector<1024x16xi32>
    %ne3A_21 = arith.constant 0 : i32
    %ne3A_22 = vector.broadcast %ne3A_21 : i32 to vector<1024x16xi32>
    %ne3A_23 = arith.cmpi ne, %rem3A_20, %ne3A_22 : vector<1024x16xi32>
    %and3A = arith.andi %ne3A_19, %ne3A_23 : vector<1024x16xi1>
    %sub3A = arith.constant 1 : i32
    %sub3A_24 = vector.broadcast %sub3A : i32 to vector<1024x16xi32>
    %sub3A_25 = arith.subi %div3A_3, %sub3A_24 : vector<1024x16xi32>
    %select_n3A = arith.select %and3A, %sub3A_25, %div3A_3 : vector<1024x16xi1>, vector<1024x16xi32>
    %eq3A = arith.cmpi eq, %select_n3A, %iota3A_2 : vector<1024x16xi32>
    %convert_element_type3A = arith.extui %eq3A : vector<1024x16xi1> to vector<1024x16xi32>
    %convert_element_type3A_26 = arith.sitofp %convert_element_type3A : vector<1024x16xi32> to vector<1024x16xf32>
    %iota3A_27 = tpu.iota {dimensions = array<i32: 0>} : vector<16x1024xi32>
    %iota3A_28 = tpu.iota {dimensions = array<i32: 1>} : vector<16x1024xi32>
    %jit3A_29 = arith.constant 64 : i32
    %div3A_30 = vector.broadcast %jit3A_29 : i32 to vector<16x1024xi32>
    %div3A_31 = arith.divsi %iota3A_28, %div3A_30 : vector<16x1024xi32>
    %sign3A_32 = arith.constant 0 : i32
    %sign3A_33 = vector.broadcast %sign3A_32 : i32 to vector<16x1024xi32>
    %sign3A_34 = arith.cmpi sgt, %iota3A_28, %sign3A_33 : vector<16x1024xi32>
    %sign3A_35 = arith.extui %sign3A_34 : vector<16x1024xi1> to vector<16x1024xi32>
    %sign3A_36 = arith.constant 0 : i32
    %sign3A_37 = vector.broadcast %sign3A_36 : i32 to vector<16x1024xi32>
    %sign3A_38 = arith.cmpi slt, %iota3A_28, %sign3A_37 : vector<16x1024xi32>
    %sign3A_39 = arith.extui %sign3A_38 : vector<16x1024xi1> to vector<16x1024xi32>
    %sign3A_40 = arith.subi %sign3A_35, %sign3A_39 : vector<16x1024xi32>
    %sign3A_41 = arith.constant 0 : i32
    %sign3A_42 = arith.cmpi sgt, %jit3A_29, %sign3A_41 : i32
    %sign3A_43 = arith.extui %sign3A_42 : i1 to i32
    %sign3A_44 = arith.constant 0 : i32
    %sign3A_45 = arith.cmpi slt, %jit3A_29, %sign3A_44 : i32
    %sign3A_46 = arith.extui %sign3A_45 : i1 to i32
    %sign3A_47 = arith.subi %sign3A_43, %sign3A_46 : i32
    %ne3A_48 = vector.broadcast %sign3A_47 : i32 to vector<16x1024xi32>
    %ne3A_49 = arith.cmpi ne, %sign3A_40, %ne3A_48 : vector<16x1024xi32>
    %rem3A_50 = vector.broadcast %jit3A_29 : i32 to vector<16x1024xi32>
    %rem3A_51 = arith.remsi %iota3A_28, %rem3A_50 : vector<16x1024xi32>
    %ne3A_52 = arith.constant 0 : i32
    %ne3A_53 = vector.broadcast %ne3A_52 : i32 to vector<16x1024xi32>
    %ne3A_54 = arith.cmpi ne, %rem3A_51, %ne3A_53 : vector<16x1024xi32>
    %and3A_55 = arith.andi %ne3A_49, %ne3A_54 : vector<16x1024xi1>
    %sub3A_56 = arith.constant 1 : i32
    %sub3A_57 = vector.broadcast %sub3A_56 : i32 to vector<16x1024xi32>
    %sub3A_58 = arith.subi %div3A_31, %sub3A_57 : vector<16x1024xi32>
    %select_n3A_59 = arith.select %and3A_55, %sub3A_58, %div3A_31 : vector<16x1024xi1>, vector<16x1024xi32>
    %eq3A_60 = arith.cmpi eq, %select_n3A_59, %iota3A_27 : vector<16x1024xi32>
    %convert_element_type3A_61 = arith.extui %eq3A_60 : vector<16x1024xi1> to vector<16x1024xi32>
    %convert_element_type3A_62 = arith.sitofp %convert_element_type3A_61 : vector<16x1024xi32> to vector<16x1024xf32>
    %get3A_63 = arith.constant 0 : index
    %get3A_64 = arith.constant 0 : index
    %get3A_65 = arith.constant 0 : index
    %get3A_66 = vector.load %arg2[%get3A_63, %get3A_64, %get3A_65] : memref<9x256x1024xi32, #tpu.memory_space<vmem>>, vector<1x256x1024xi32>
    %get3A_67 = vector.shape_cast %get3A_66 : vector<1x256x1024xi32> to vector<256x1024xi32>
    %shift_left3A = arith.constant 16 : i32
    %shift_left3A_68 = vector.broadcast %shift_left3A : i32 to vector<256x1024xi32>
    %shift_left3A_69 = arith.shli %get3A_67, %shift_left3A_68 : vector<256x1024xi32>
    %bitcast_convert_type3A = tpu.bitcast %shift_left3A_69 : vector<256x1024xi32> -> vector<256x1024xf32>
    %mul3A = arith.mulf %get3A_1, %bitcast_convert_type3A : vector<256x1024xf32>
    %dot_general3A = arith.constant dense<0.000000e+00> : vector<256x16xf32>
    %dot_general3A_70 = tpu.matmul %mul3A, %convert_element_type3A_26, %dot_general3A {dimension_numbers = #tpu.dot_dimension_numbers<[1], [0], [0], [1], [0, 0, 1, 1], [], []>, transpose_lhs_hint = false} : vector<256x1024xf32>, vector<1024x16xf32>, vector<256x16xf32> -> vector<256x16xf32>
    %mul3A_71 = arith.constant 1.250000e-01 : f32
    %mul3A_72 = vector.broadcast %mul3A_71 : f32 to vector<256x16xf32>
    %mul3A_73 = arith.mulf %dot_general3A_70, %mul3A_72 : vector<256x16xf32>
    %get3A_74 = arith.constant 1 : index
    %get3A_75 = arith.constant 0 : index
    %get3A_76 = arith.constant 0 : index
    %get3A_77 = vector.load %arg2[%get3A_74, %get3A_75, %get3A_76] : memref<9x256x1024xi32, #tpu.memory_space<vmem>>, vector<1x256x1024xi32>
    %get3A_78 = vector.shape_cast %get3A_77 : vector<1x256x1024xi32> to vector<256x1024xi32>
    %shift_left3A_79 = arith.constant 16 : i32
    %shift_left3A_80 = vector.broadcast %shift_left3A_79 : i32 to vector<256x1024xi32>
    %shift_left3A_81 = arith.shli %get3A_78, %shift_left3A_80 : vector<256x1024xi32>
    %bitcast_convert_type3A_82 = tpu.bitcast %shift_left3A_81 : vector<256x1024xi32> -> vector<256x1024xf32>
    %mul3A_83 = arith.mulf %get3A_1, %bitcast_convert_type3A_82 : vector<256x1024xf32>
    %dot_general3A_84 = arith.constant dense<0.000000e+00> : vector<256x16xf32>
    %dot_general3A_85 = tpu.matmul %mul3A_83, %convert_element_type3A_26, %dot_general3A_84 {dimension_numbers = #tpu.dot_dimension_numbers<[1], [0], [0], [1], [0, 0, 1, 1], [], []>, transpose_lhs_hint = false} : vector<256x1024xf32>, vector<1024x16xf32>, vector<256x16xf32> -> vector<256x16xf32>
    %mul3A_86 = arith.constant 1.250000e-01 : f32
    %mul3A_87 = vector.broadcast %mul3A_86 : f32 to vector<256x16xf32>
    %mul3A_88 = arith.mulf %dot_general3A_85, %mul3A_87 : vector<256x16xf32>
    %get3A_89 = arith.constant 2 : index
    %get3A_90 = arith.constant 0 : index
    %get3A_91 = arith.constant 0 : index
    %get3A_92 = vector.load %arg2[%get3A_89, %get3A_90, %get3A_91] : memref<9x256x1024xi32, #tpu.memory_space<vmem>>, vector<1x256x1024xi32>
    %get3A_93 = vector.shape_cast %get3A_92 : vector<1x256x1024xi32> to vector<256x1024xi32>
    %shift_left3A_94 = arith.constant 16 : i32
    %shift_left3A_95 = vector.broadcast %shift_left3A_94 : i32 to vector<256x1024xi32>
    %shift_left3A_96 = arith.shli %get3A_93, %shift_left3A_95 : vector<256x1024xi32>
    %bitcast_convert_type3A_97 = tpu.bitcast %shift_left3A_96 : vector<256x1024xi32> -> vector<256x1024xf32>
    %mul3A_98 = arith.mulf %get3A_1, %bitcast_convert_type3A_97 : vector<256x1024xf32>
    %dot_general3A_99 = arith.constant dense<0.000000e+00> : vector<256x16xf32>
    %dot_general3A_100 = tpu.matmul %mul3A_98, %convert_element_type3A_26, %dot_general3A_99 {dimension_numbers = #tpu.dot_dimension_numbers<[1], [0], [0], [1], [0, 0, 1, 1], [], []>, transpose_lhs_hint = false} : vector<256x1024xf32>, vector<1024x16xf32>, vector<256x16xf32> -> vector<256x16xf32>
    %mul3A_101 = arith.constant 1.250000e-01 : f32
    %mul3A_102 = vector.broadcast %mul3A_101 : f32 to vector<256x16xf32>
    %mul3A_103 = arith.mulf %dot_general3A_100, %mul3A_102 : vector<256x16xf32>
    %get3A_104 = arith.constant 3 : index
    %get3A_105 = arith.constant 0 : index
    %get3A_106 = arith.constant 0 : index
    %get3A_107 = vector.load %arg2[%get3A_104, %get3A_105, %get3A_106] : memref<9x256x1024xi32, #tpu.memory_space<vmem>>, vector<1x256x1024xi32>
    %get3A_108 = vector.shape_cast %get3A_107 : vector<1x256x1024xi32> to vector<256x1024xi32>
    %shift_left3A_109 = arith.constant 16 : i32
    %shift_left3A_110 = vector.broadcast %shift_left3A_109 : i32 to vector<256x1024xi32>
    %shift_left3A_111 = arith.shli %get3A_108, %shift_left3A_110 : vector<256x1024xi32>
    %bitcast_convert_type3A_112 = tpu.bitcast %shift_left3A_111 : vector<256x1024xi32> -> vector<256x1024xf32>
    %mul3A_113 = arith.mulf %get3A_1, %bitcast_convert_type3A_112 : vector<256x1024xf32>
    %dot_general3A_114 = arith.constant dense<0.000000e+00> : vector<256x16xf32>
    %dot_general3A_115 = tpu.matmul %mul3A_113, %convert_element_type3A_26, %dot_general3A_114 {dimension_numbers = #tpu.dot_dimension_numbers<[1], [0], [0], [1], [0, 0, 1, 1], [], []>, transpose_lhs_hint = false} : vector<256x1024xf32>, vector<1024x16xf32>, vector<256x16xf32> -> vector<256x16xf32>
    %mul3A_116 = arith.constant 1.250000e-01 : f32
    %mul3A_117 = vector.broadcast %mul3A_116 : f32 to vector<256x16xf32>
    %mul3A_118 = arith.mulf %dot_general3A_115, %mul3A_117 : vector<256x16xf32>
    %get3A_119 = arith.constant 4 : index
    %get3A_120 = arith.constant 0 : index
    %get3A_121 = arith.constant 0 : index
    %get3A_122 = vector.load %arg2[%get3A_119, %get3A_120, %get3A_121] : memref<9x256x1024xi32, #tpu.memory_space<vmem>>, vector<1x256x1024xi32>
    %get3A_123 = vector.shape_cast %get3A_122 : vector<1x256x1024xi32> to vector<256x1024xi32>
    %shift_left3A_124 = arith.constant 16 : i32
    %shift_left3A_125 = vector.broadcast %shift_left3A_124 : i32 to vector<256x1024xi32>
    %shift_left3A_126 = arith.shli %get3A_123, %shift_left3A_125 : vector<256x1024xi32>
    %bitcast_convert_type3A_127 = tpu.bitcast %shift_left3A_126 : vector<256x1024xi32> -> vector<256x1024xf32>
    %mul3A_128 = arith.mulf %get3A_1, %bitcast_convert_type3A_127 : vector<256x1024xf32>
    %dot_general3A_129 = arith.constant dense<0.000000e+00> : vector<256x16xf32>
    %dot_general3A_130 = tpu.matmul %mul3A_128, %convert_element_type3A_26, %dot_general3A_129 {dimension_numbers = #tpu.dot_dimension_numbers<[1], [0], [0], [1], [0, 0, 1, 1], [], []>, transpose_lhs_hint = false} : vector<256x1024xf32>, vector<1024x16xf32>, vector<256x16xf32> -> vector<256x16xf32>
    %mul3A_131 = arith.constant 1.250000e-01 : f32
    %mul3A_132 = vector.broadcast %mul3A_131 : f32 to vector<256x16xf32>
    %mul3A_133 = arith.mulf %dot_general3A_130, %mul3A_132 : vector<256x16xf32>
    %get3A_134 = arith.constant 5 : index
    %get3A_135 = arith.constant 0 : index
    %get3A_136 = arith.constant 0 : index
    %get3A_137 = vector.load %arg2[%get3A_134, %get3A_135, %get3A_136] : memref<9x256x1024xi32, #tpu.memory_space<vmem>>, vector<1x256x1024xi32>
    %get3A_138 = vector.shape_cast %get3A_137 : vector<1x256x1024xi32> to vector<256x1024xi32>
    %shift_left3A_139 = arith.constant 16 : i32
    %shift_left3A_140 = vector.broadcast %shift_left3A_139 : i32 to vector<256x1024xi32>
    %shift_left3A_141 = arith.shli %get3A_138, %shift_left3A_140 : vector<256x1024xi32>
    %bitcast_convert_type3A_142 = tpu.bitcast %shift_left3A_141 : vector<256x1024xi32> -> vector<256x1024xf32>
    %mul3A_143 = arith.mulf %get3A_1, %bitcast_convert_type3A_142 : vector<256x1024xf32>
    %dot_general3A_144 = arith.constant dense<0.000000e+00> : vector<256x16xf32>
    %dot_general3A_145 = tpu.matmul %mul3A_143, %convert_element_type3A_26, %dot_general3A_144 {dimension_numbers = #tpu.dot_dimension_numbers<[1], [0], [0], [1], [0, 0, 1, 1], [], []>, transpose_lhs_hint = false} : vector<256x1024xf32>, vector<1024x16xf32>, vector<256x16xf32> -> vector<256x16xf32>
    %mul3A_146 = arith.constant 1.250000e-01 : f32
    %mul3A_147 = vector.broadcast %mul3A_146 : f32 to vector<256x16xf32>
    %mul3A_148 = arith.mulf %dot_general3A_145, %mul3A_147 : vector<256x16xf32>
    %get3A_149 = arith.constant 6 : index
    %get3A_150 = arith.constant 0 : index
    %get3A_151 = arith.constant 0 : index
    %get3A_152 = vector.load %arg2[%get3A_149, %get3A_150, %get3A_151] : memref<9x256x1024xi32, #tpu.memory_space<vmem>>, vector<1x256x1024xi32>
    %get3A_153 = vector.shape_cast %get3A_152 : vector<1x256x1024xi32> to vector<256x1024xi32>
    %shift_left3A_154 = arith.constant 16 : i32
    %shift_left3A_155 = vector.broadcast %shift_left3A_154 : i32 to vector<256x1024xi32>
    %shift_left3A_156 = arith.shli %get3A_153, %shift_left3A_155 : vector<256x1024xi32>
    %bitcast_convert_type3A_157 = tpu.bitcast %shift_left3A_156 : vector<256x1024xi32> -> vector<256x1024xf32>
    %mul3A_158 = arith.mulf %get3A_1, %bitcast_convert_type3A_157 : vector<256x1024xf32>
    %dot_general3A_159 = arith.constant dense<0.000000e+00> : vector<256x16xf32>
    %dot_general3A_160 = tpu.matmul %mul3A_158, %convert_element_type3A_26, %dot_general3A_159 {dimension_numbers = #tpu.dot_dimension_numbers<[1], [0], [0], [1], [0, 0, 1, 1], [], []>, transpose_lhs_hint = false} : vector<256x1024xf32>, vector<1024x16xf32>, vector<256x16xf32> -> vector<256x16xf32>
    %mul3A_161 = arith.constant 1.250000e-01 : f32
    %mul3A_162 = vector.broadcast %mul3A_161 : f32 to vector<256x16xf32>
    %mul3A_163 = arith.mulf %dot_general3A_160, %mul3A_162 : vector<256x16xf32>
    %get3A_164 = arith.constant 7 : index
    %get3A_165 = arith.constant 0 : index
    %get3A_166 = arith.constant 0 : index
    %get3A_167 = vector.load %arg2[%get3A_164, %get3A_165, %get3A_166] : memref<9x256x1024xi32, #tpu.memory_space<vmem>>, vector<1x256x1024xi32>
    %get3A_168 = vector.shape_cast %get3A_167 : vector<1x256x1024xi32> to vector<256x1024xi32>
    %shift_left3A_169 = arith.constant 16 : i32
    %shift_left3A_170 = vector.broadcast %shift_left3A_169 : i32 to vector<256x1024xi32>
    %shift_left3A_171 = arith.shli %get3A_168, %shift_left3A_170 : vector<256x1024xi32>
    %bitcast_convert_type3A_172 = tpu.bitcast %shift_left3A_171 : vector<256x1024xi32> -> vector<256x1024xf32>
    %mul3A_173 = arith.mulf %get3A_1, %bitcast_convert_type3A_172 : vector<256x1024xf32>
    %dot_general3A_174 = arith.constant dense<0.000000e+00> : vector<256x16xf32>
    %dot_general3A_175 = tpu.matmul %mul3A_173, %convert_element_type3A_26, %dot_general3A_174 {dimension_numbers = #tpu.dot_dimension_numbers<[1], [0], [0], [1], [0, 0, 1, 1], [], []>, transpose_lhs_hint = false} : vector<256x1024xf32>, vector<1024x16xf32>, vector<256x16xf32> -> vector<256x16xf32>
    %mul3A_176 = arith.constant 1.250000e-01 : f32
    %mul3A_177 = vector.broadcast %mul3A_176 : f32 to vector<256x16xf32>
    %mul3A_178 = arith.mulf %dot_general3A_175, %mul3A_177 : vector<256x16xf32>
    %get3A_179 = arith.constant 8 : index
    %get3A_180 = arith.constant 0 : index
    %get3A_181 = arith.constant 0 : index
    %get3A_182 = vector.load %arg2[%get3A_179, %get3A_180, %get3A_181] : memref<9x256x1024xi32, #tpu.memory_space<vmem>>, vector<1x256x1024xi32>
    %get3A_183 = vector.shape_cast %get3A_182 : vector<1x256x1024xi32> to vector<256x1024xi32>
    %shift_left3A_184 = arith.constant 16 : i32
    %shift_left3A_185 = vector.broadcast %shift_left3A_184 : i32 to vector<256x1024xi32>
    %shift_left3A_186 = arith.shli %get3A_183, %shift_left3A_185 : vector<256x1024xi32>
    %bitcast_convert_type3A_187 = tpu.bitcast %shift_left3A_186 : vector<256x1024xi32> -> vector<256x1024xf32>
    %mul3A_188 = arith.mulf %get3A_1, %bitcast_convert_type3A_187 : vector<256x1024xf32>
    %dot_general3A_189 = arith.constant dense<0.000000e+00> : vector<256x16xf32>
    %dot_general3A_190 = tpu.matmul %mul3A_188, %convert_element_type3A_26, %dot_general3A_189 {dimension_numbers = #tpu.dot_dimension_numbers<[1], [0], [0], [1], [0, 0, 1, 1], [], []>, transpose_lhs_hint = false} : vector<256x1024xf32>, vector<1024x16xf32>, vector<256x16xf32> -> vector<256x16xf32>
    %mul3A_191 = arith.constant 1.250000e-01 : f32
    %mul3A_192 = vector.broadcast %mul3A_191 : f32 to vector<256x16xf32>
    %mul3A_193 = arith.mulf %dot_general3A_190, %mul3A_192 : vector<256x16xf32>
    %max3A = arith.maximumf %mul3A_73, %mul3A_88 : vector<256x16xf32>
    %max3A_194 = arith.maximumf %max3A, %mul3A_103 : vector<256x16xf32>
    %max3A_195 = arith.maximumf %max3A_194, %mul3A_118 : vector<256x16xf32>
    %max3A_196 = arith.maximumf %max3A_195, %mul3A_133 : vector<256x16xf32>
    %max3A_197 = arith.maximumf %max3A_196, %mul3A_148 : vector<256x16xf32>
    %max3A_198 = arith.maximumf %max3A_197, %mul3A_163 : vector<256x16xf32>
    %max3A_199 = arith.maximumf %max3A_198, %mul3A_178 : vector<256x16xf32>
    %max3A_200 = arith.maximumf %max3A_199, %mul3A_193 : vector<256x16xf32>
    %sub3A_201 = arith.subf %mul3A_73, %max3A_200 : vector<256x16xf32>
    %exp3A = math.exp %sub3A_201 : vector<256x16xf32>
    %sub3A_202 = arith.subf %mul3A_88, %max3A_200 : vector<256x16xf32>
    %exp3A_203 = math.exp %sub3A_202 : vector<256x16xf32>
    %sub3A_204 = arith.subf %mul3A_103, %max3A_200 : vector<256x16xf32>
    %exp3A_205 = math.exp %sub3A_204 : vector<256x16xf32>
    %sub3A_206 = arith.subf %mul3A_118, %max3A_200 : vector<256x16xf32>
    %exp3A_207 = math.exp %sub3A_206 : vector<256x16xf32>
    %sub3A_208 = arith.subf %mul3A_133, %max3A_200 : vector<256x16xf32>
    %exp3A_209 = math.exp %sub3A_208 : vector<256x16xf32>
    %sub3A_210 = arith.subf %mul3A_148, %max3A_200 : vector<256x16xf32>
    %exp3A_211 = math.exp %sub3A_210 : vector<256x16xf32>
    %sub3A_212 = arith.subf %mul3A_163, %max3A_200 : vector<256x16xf32>
    %exp3A_213 = math.exp %sub3A_212 : vector<256x16xf32>
    %sub3A_214 = arith.subf %mul3A_178, %max3A_200 : vector<256x16xf32>
    %exp3A_215 = math.exp %sub3A_214 : vector<256x16xf32>
    %sub3A_216 = arith.subf %mul3A_193, %max3A_200 : vector<256x16xf32>
    %exp3A_217 = math.exp %sub3A_216 : vector<256x16xf32>
    %add3A = arith.addf %exp3A, %exp3A_203 : vector<256x16xf32>
    %add3A_218 = arith.addf %add3A, %exp3A_205 : vector<256x16xf32>
    %add3A_219 = arith.addf %add3A_218, %exp3A_207 : vector<256x16xf32>
    %add3A_220 = arith.addf %add3A_219, %exp3A_209 : vector<256x16xf32>
    %add3A_221 = arith.addf %add3A_220, %exp3A_211 : vector<256x16xf32>
    %add3A_222 = arith.addf %add3A_221, %exp3A_213 : vector<256x16xf32>
    %add3A_223 = arith.addf %add3A_222, %exp3A_215 : vector<256x16xf32>
    %add3A_224 = arith.addf %add3A_223, %exp3A_217 : vector<256x16xf32>
    %div3A_225 = arith.constant 1.000000e+00 : f32
    %div3A_226 = vector.broadcast %div3A_225 : f32 to vector<256x16xf32>
    %div3A_227 = arith.divf %div3A_226, %add3A_224 : vector<256x16xf32>
    %broadcast_in_dim3A = arith.constant 0.000000e+00 : f32
    %broadcast_in_dim3A_228 = vector.broadcast %broadcast_in_dim3A : f32 to vector<256x1024xf32>
    %mul3A_229 = arith.mulf %exp3A, %div3A_227 : vector<256x16xf32>
    %dot_general3A_230 = arith.constant dense<0.000000e+00> : vector<256x1024xf32>
    %dot_general3A_231 = tpu.matmul %mul3A_229, %convert_element_type3A_62, %dot_general3A_230 {dimension_numbers = #tpu.dot_dimension_numbers<[1], [0], [0], [1], [0, 0, 1, 1], [], []>, transpose_lhs_hint = false} : vector<256x16xf32>, vector<16x1024xf32>, vector<256x1024xf32> -> vector<256x1024xf32>
    %get3A_232 = arith.constant 0 : index
    %get3A_233 = arith.constant 0 : index
    %get3A_234 = arith.constant 0 : index
    %get3A_235 = vector.load %arg2[%get3A_232, %get3A_233, %get3A_234] : memref<9x256x1024xi32, #tpu.memory_space<vmem>>, vector<1x256x1024xi32>
    %get3A_236 = vector.shape_cast %get3A_235 : vector<1x256x1024xi32> to vector<256x1024xi32>
    %and3A_237 = arith.constant -65536 : i32
    %and3A_238 = vector.broadcast %and3A_237 : i32 to vector<256x1024xi32>
    %and3A_239 = arith.andi %get3A_236, %and3A_238 : vector<256x1024xi32>
    %bitcast_convert_type3A_240 = tpu.bitcast %and3A_239 : vector<256x1024xi32> -> vector<256x1024xf32>
    %mul3A_241 = arith.mulf %dot_general3A_231, %bitcast_convert_type3A_240 : vector<256x1024xf32>
    %add3A_242 = arith.addf %broadcast_in_dim3A_228, %mul3A_241 : vector<256x1024xf32>
    %mul3A_243 = arith.mulf %exp3A_203, %div3A_227 : vector<256x16xf32>
    %dot_general3A_244 = arith.constant dense<0.000000e+00> : vector<256x1024xf32>
    %dot_general3A_245 = tpu.matmul %mul3A_243, %convert_element_type3A_62, %dot_general3A_244 {dimension_numbers = #tpu.dot_dimension_numbers<[1], [0], [0], [1], [0, 0, 1, 1], [], []>, transpose_lhs_hint = false} : vector<256x16xf32>, vector<16x1024xf32>, vector<256x1024xf32> -> vector<256x1024xf32>
    %get3A_246 = arith.constant 1 : index
    %get3A_247 = arith.constant 0 : index
    %get3A_248 = arith.constant 0 : index
    %get3A_249 = vector.load %arg2[%get3A_246, %get3A_247, %get3A_248] : memref<9x256x1024xi32, #tpu.memory_space<vmem>>, vector<1x256x1024xi32>
    %get3A_250 = vector.shape_cast %get3A_249 : vector<1x256x1024xi32> to vector<256x1024xi32>
    %and3A_251 = arith.constant -65536 : i32
    %and3A_252 = vector.broadcast %and3A_251 : i32 to vector<256x1024xi32>
    %and3A_253 = arith.andi %get3A_250, %and3A_252 : vector<256x1024xi32>
    %bitcast_convert_type3A_254 = tpu.bitcast %and3A_253 : vector<256x1024xi32> -> vector<256x1024xf32>
    %mul3A_255 = arith.mulf %dot_general3A_245, %bitcast_convert_type3A_254 : vector<256x1024xf32>
    %add3A_256 = arith.addf %add3A_242, %mul3A_255 : vector<256x1024xf32>
    %mul3A_257 = arith.mulf %exp3A_205, %div3A_227 : vector<256x16xf32>
    %dot_general3A_258 = arith.constant dense<0.000000e+00> : vector<256x1024xf32>
    %dot_general3A_259 = tpu.matmul %mul3A_257, %convert_element_type3A_62, %dot_general3A_258 {dimension_numbers = #tpu.dot_dimension_numbers<[1], [0], [0], [1], [0, 0, 1, 1], [], []>, transpose_lhs_hint = false} : vector<256x16xf32>, vector<16x1024xf32>, vector<256x1024xf32> -> vector<256x1024xf32>
    %get3A_260 = arith.constant 2 : index
    %get3A_261 = arith.constant 0 : index
    %get3A_262 = arith.constant 0 : index
    %get3A_263 = vector.load %arg2[%get3A_260, %get3A_261, %get3A_262] : memref<9x256x1024xi32, #tpu.memory_space<vmem>>, vector<1x256x1024xi32>
    %get3A_264 = vector.shape_cast %get3A_263 : vector<1x256x1024xi32> to vector<256x1024xi32>
    %and3A_265 = arith.constant -65536 : i32
    %and3A_266 = vector.broadcast %and3A_265 : i32 to vector<256x1024xi32>
    %and3A_267 = arith.andi %get3A_264, %and3A_266 : vector<256x1024xi32>
    %bitcast_convert_type3A_268 = tpu.bitcast %and3A_267 : vector<256x1024xi32> -> vector<256x1024xf32>
    %mul3A_269 = arith.mulf %dot_general3A_259, %bitcast_convert_type3A_268 : vector<256x1024xf32>
    %add3A_270 = arith.addf %add3A_256, %mul3A_269 : vector<256x1024xf32>
    %mul3A_271 = arith.mulf %exp3A_207, %div3A_227 : vector<256x16xf32>
    %dot_general3A_272 = arith.constant dense<0.000000e+00> : vector<256x1024xf32>
    %dot_general3A_273 = tpu.matmul %mul3A_271, %convert_element_type3A_62, %dot_general3A_272 {dimension_numbers = #tpu.dot_dimension_numbers<[1], [0], [0], [1], [0, 0, 1, 1], [], []>, transpose_lhs_hint = false} : vector<256x16xf32>, vector<16x1024xf32>, vector<256x1024xf32> -> vector<256x1024xf32>
    %get3A_274 = arith.constant 3 : index
    %get3A_275 = arith.constant 0 : index
    %get3A_276 = arith.constant 0 : index
    %get3A_277 = vector.load %arg2[%get3A_274, %get3A_275, %get3A_276] : memref<9x256x1024xi32, #tpu.memory_space<vmem>>, vector<1x256x1024xi32>
    %get3A_278 = vector.shape_cast %get3A_277 : vector<1x256x1024xi32> to vector<256x1024xi32>
    %and3A_279 = arith.constant -65536 : i32
    %and3A_280 = vector.broadcast %and3A_279 : i32 to vector<256x1024xi32>
    %and3A_281 = arith.andi %get3A_278, %and3A_280 : vector<256x1024xi32>
    %bitcast_convert_type3A_282 = tpu.bitcast %and3A_281 : vector<256x1024xi32> -> vector<256x1024xf32>
    %mul3A_283 = arith.mulf %dot_general3A_273, %bitcast_convert_type3A_282 : vector<256x1024xf32>
    %add3A_284 = arith.addf %add3A_270, %mul3A_283 : vector<256x1024xf32>
    %mul3A_285 = arith.mulf %exp3A_209, %div3A_227 : vector<256x16xf32>
    %dot_general3A_286 = arith.constant dense<0.000000e+00> : vector<256x1024xf32>
    %dot_general3A_287 = tpu.matmul %mul3A_285, %convert_element_type3A_62, %dot_general3A_286 {dimension_numbers = #tpu.dot_dimension_numbers<[1], [0], [0], [1], [0, 0, 1, 1], [], []>, transpose_lhs_hint = false} : vector<256x16xf32>, vector<16x1024xf32>, vector<256x1024xf32> -> vector<256x1024xf32>
    %get3A_288 = arith.constant 4 : index
    %get3A_289 = arith.constant 0 : index
    %get3A_290 = arith.constant 0 : index
    %get3A_291 = vector.load %arg2[%get3A_288, %get3A_289, %get3A_290] : memref<9x256x1024xi32, #tpu.memory_space<vmem>>, vector<1x256x1024xi32>
    %get3A_292 = vector.shape_cast %get3A_291 : vector<1x256x1024xi32> to vector<256x1024xi32>
    %and3A_293 = arith.constant -65536 : i32
    %and3A_294 = vector.broadcast %and3A_293 : i32 to vector<256x1024xi32>
    %and3A_295 = arith.andi %get3A_292, %and3A_294 : vector<256x1024xi32>
    %bitcast_convert_type3A_296 = tpu.bitcast %and3A_295 : vector<256x1024xi32> -> vector<256x1024xf32>
    %mul3A_297 = arith.mulf %dot_general3A_287, %bitcast_convert_type3A_296 : vector<256x1024xf32>
    %add3A_298 = arith.addf %add3A_284, %mul3A_297 : vector<256x1024xf32>
    %mul3A_299 = arith.mulf %exp3A_211, %div3A_227 : vector<256x16xf32>
    %dot_general3A_300 = arith.constant dense<0.000000e+00> : vector<256x1024xf32>
    %dot_general3A_301 = tpu.matmul %mul3A_299, %convert_element_type3A_62, %dot_general3A_300 {dimension_numbers = #tpu.dot_dimension_numbers<[1], [0], [0], [1], [0, 0, 1, 1], [], []>, transpose_lhs_hint = false} : vector<256x16xf32>, vector<16x1024xf32>, vector<256x1024xf32> -> vector<256x1024xf32>
    %get3A_302 = arith.constant 5 : index
    %get3A_303 = arith.constant 0 : index
    %get3A_304 = arith.constant 0 : index
    %get3A_305 = vector.load %arg2[%get3A_302, %get3A_303, %get3A_304] : memref<9x256x1024xi32, #tpu.memory_space<vmem>>, vector<1x256x1024xi32>
    %get3A_306 = vector.shape_cast %get3A_305 : vector<1x256x1024xi32> to vector<256x1024xi32>
    %and3A_307 = arith.constant -65536 : i32
    %and3A_308 = vector.broadcast %and3A_307 : i32 to vector<256x1024xi32>
    %and3A_309 = arith.andi %get3A_306, %and3A_308 : vector<256x1024xi32>
    %bitcast_convert_type3A_310 = tpu.bitcast %and3A_309 : vector<256x1024xi32> -> vector<256x1024xf32>
    %mul3A_311 = arith.mulf %dot_general3A_301, %bitcast_convert_type3A_310 : vector<256x1024xf32>
    %add3A_312 = arith.addf %add3A_298, %mul3A_311 : vector<256x1024xf32>
    %mul3A_313 = arith.mulf %exp3A_213, %div3A_227 : vector<256x16xf32>
    %dot_general3A_314 = arith.constant dense<0.000000e+00> : vector<256x1024xf32>
    %dot_general3A_315 = tpu.matmul %mul3A_313, %convert_element_type3A_62, %dot_general3A_314 {dimension_numbers = #tpu.dot_dimension_numbers<[1], [0], [0], [1], [0, 0, 1, 1], [], []>, transpose_lhs_hint = false} : vector<256x16xf32>, vector<16x1024xf32>, vector<256x1024xf32> -> vector<256x1024xf32>
    %get3A_316 = arith.constant 6 : index
    %get3A_317 = arith.constant 0 : index
    %get3A_318 = arith.constant 0 : index
    %get3A_319 = vector.load %arg2[%get3A_316, %get3A_317, %get3A_318] : memref<9x256x1024xi32, #tpu.memory_space<vmem>>, vector<1x256x1024xi32>
    %get3A_320 = vector.shape_cast %get3A_319 : vector<1x256x1024xi32> to vector<256x1024xi32>
    %and3A_321 = arith.constant -65536 : i32
    %and3A_322 = vector.broadcast %and3A_321 : i32 to vector<256x1024xi32>
    %and3A_323 = arith.andi %get3A_320, %and3A_322 : vector<256x1024xi32>
    %bitcast_convert_type3A_324 = tpu.bitcast %and3A_323 : vector<256x1024xi32> -> vector<256x1024xf32>
    %mul3A_325 = arith.mulf %dot_general3A_315, %bitcast_convert_type3A_324 : vector<256x1024xf32>
    %add3A_326 = arith.addf %add3A_312, %mul3A_325 : vector<256x1024xf32>
    %mul3A_327 = arith.mulf %exp3A_215, %div3A_227 : vector<256x16xf32>
    %dot_general3A_328 = arith.constant dense<0.000000e+00> : vector<256x1024xf32>
    %dot_general3A_329 = tpu.matmul %mul3A_327, %convert_element_type3A_62, %dot_general3A_328 {dimension_numbers = #tpu.dot_dimension_numbers<[1], [0], [0], [1], [0, 0, 1, 1], [], []>, transpose_lhs_hint = false} : vector<256x16xf32>, vector<16x1024xf32>, vector<256x1024xf32> -> vector<256x1024xf32>
    %get3A_330 = arith.constant 7 : index
    %get3A_331 = arith.constant 0 : index
    %get3A_332 = arith.constant 0 : index
    %get3A_333 = vector.load %arg2[%get3A_330, %get3A_331, %get3A_332] : memref<9x256x1024xi32, #tpu.memory_space<vmem>>, vector<1x256x1024xi32>
    %get3A_334 = vector.shape_cast %get3A_333 : vector<1x256x1024xi32> to vector<256x1024xi32>
    %and3A_335 = arith.constant -65536 : i32
    %and3A_336 = vector.broadcast %and3A_335 : i32 to vector<256x1024xi32>
    %and3A_337 = arith.andi %get3A_334, %and3A_336 : vector<256x1024xi32>
    %bitcast_convert_type3A_338 = tpu.bitcast %and3A_337 : vector<256x1024xi32> -> vector<256x1024xf32>
    %mul3A_339 = arith.mulf %dot_general3A_329, %bitcast_convert_type3A_338 : vector<256x1024xf32>
    %add3A_340 = arith.addf %add3A_326, %mul3A_339 : vector<256x1024xf32>
    %mul3A_341 = arith.mulf %exp3A_217, %div3A_227 : vector<256x16xf32>
    %dot_general3A_342 = arith.constant dense<0.000000e+00> : vector<256x1024xf32>
    %dot_general3A_343 = tpu.matmul %mul3A_341, %convert_element_type3A_62, %dot_general3A_342 {dimension_numbers = #tpu.dot_dimension_numbers<[1], [0], [0], [1], [0, 0, 1, 1], [], []>, transpose_lhs_hint = false} : vector<256x16xf32>, vector<16x1024xf32>, vector<256x1024xf32> -> vector<256x1024xf32>
    %get3A_344 = arith.constant 8 : index
    %get3A_345 = arith.constant 0 : index
    %get3A_346 = arith.constant 0 : index
    %get3A_347 = vector.load %arg2[%get3A_344, %get3A_345, %get3A_346] : memref<9x256x1024xi32, #tpu.memory_space<vmem>>, vector<1x256x1024xi32>
    %get3A_348 = vector.shape_cast %get3A_347 : vector<1x256x1024xi32> to vector<256x1024xi32>
    %and3A_349 = arith.constant -65536 : i32
    %and3A_350 = vector.broadcast %and3A_349 : i32 to vector<256x1024xi32>
    %and3A_351 = arith.andi %get3A_348, %and3A_350 : vector<256x1024xi32>
    %bitcast_convert_type3A_352 = tpu.bitcast %and3A_351 : vector<256x1024xi32> -> vector<256x1024xf32>
    %mul3A_353 = arith.mulf %dot_general3A_343, %bitcast_convert_type3A_352 : vector<256x1024xf32>
    %add3A_354 = arith.addf %add3A_340, %mul3A_353 : vector<256x1024xf32>
    %mul3A_355 = arith.constant 5.000000e-01 : f32
    %mul3A_356 = vector.broadcast %mul3A_355 : f32 to vector<256x1024xf32>
    %mul3A_357 = arith.mulf %mul3A_356, %add3A_354 : vector<256x1024xf32>
    %mul3A_358 = arith.constant 0.707106769 : f32
    %mul3A_359 = vector.broadcast %mul3A_358 : f32 to vector<256x1024xf32>
    %mul3A_360 = arith.mulf %add3A_354, %mul3A_359 : vector<256x1024xf32>
    %erf3A = math.erf %mul3A_360 : vector<256x1024xf32>
    %add3A_361 = arith.constant 1.000000e+00 : f32
    %add3A_362 = vector.broadcast %add3A_361 : f32 to vector<256x1024xf32>
    %add3A_363 = arith.addf %add3A_362, %erf3A : vector<256x1024xf32>
    %mul3A_364 = arith.mulf %mul3A_357, %add3A_363 : vector<256x1024xf32>
    %convert_element_type3A_365 = arith.truncf %mul3A_364 : vector<256x1024xf32> to vector<256x1024xbf16>
    %get3A_366 = arith.constant 0 : index
    %get3A_367 = arith.constant 0 : index
    %get3A_368 = vector.load %arg4[%get3A_366, %get3A_367] : memref<1024x1024xbf16, #tpu.memory_space<vmem>>, vector<1024x1024xbf16>
    %dot_general3A_369 = arith.constant dense<0.000000e+00> : vector<256x1024xf32>
    %dot_general3A_370 = tpu.matmul %convert_element_type3A_365, %get3A_368, %dot_general3A_369 {dimension_numbers = #tpu.dot_dimension_numbers<[1], [0], [0], [1], [0, 0, 1, 1], [], []>, transpose_lhs_hint = false} : vector<256x1024xbf16>, vector<1024x1024xbf16>, vector<256x1024xf32> -> vector<256x1024xf32>
    %get3A_371 = arith.constant 0 : index
    %get3A_372 = arith.constant 0 : index
    %get3A_373 = vector.load %arg3[%get3A_371, %get3A_372] : memref<256x1024xf32, #tpu.memory_space<vmem>>, vector<256x1024xf32>
    %add3A_374 = arith.addf %get3A_373, %dot_general3A_370 : vector<256x1024xf32>
    %get3A_375 = arith.constant 0 : index
    %get3A_376 = arith.constant 0 : index
    %get3A_377 = vector.load %arg5[%get3A_375, %get3A_376] : memref<1x1024xf32, #tpu.memory_space<vmem>>, vector<1x1024xf32>
    %add3A_378 = vector.broadcast %get3A_377 : vector<1x1024xf32> to vector<256x1024xf32>
    %add3A_379 = arith.addf %add3A_374, %add3A_378 : vector<256x1024xf32>
    %swap3A = arith.constant 0 : index
    %swap3A_380 = arith.constant 0 : index
    %swap3A_381 = vector.load %arg6[%swap3A, %swap3A_380] : memref<256x1024xf32, #tpu.memory_space<vmem>>, vector<256x1024xf32>
    tpu.vector_store %arg6[%swap3A, %swap3A_380], %add3A_379 {strides = array<i32>} : memref<256x1024xf32, #tpu.memory_space<vmem>>, vector<256x1024xf32>,
    return
  }
  func.func @transform_0(%arg0: i32) -> (i32, i32) {
    %add3A = arith.constant 8 : i32
    %add3A_0 = arith.addi %add3A, %arg0 : i32
    %c0_i32 = arith.constant 0 : i32
    %c0_i32_1 = arith.constant 0 : i32
    return %add3A_0, %c0_i32 : i32, i32
  }
  func.func @transform_1(%arg0: i32) -> (i32, i32, i32) {
    %c0_i32 = arith.constant 0 : i32
    %c0_i32_0 = arith.constant 0 : i32
    %c0_i32_1 = arith.constant 0 : i32
    return %c0_i32, %arg0, %c0_i32_0 : i32, i32, i32
  }
  func.func @transform_2(%arg0: i32) -> (i32, i32) {
    %add3A = arith.constant 8 : i32
    %add3A_0 = arith.addi %add3A, %arg0 : i32
    %c0_i32 = arith.constant 0 : i32
    %c0_i32_1 = arith.constant 0 : i32
    return %add3A_0, %c0_i32 : i32, i32
  }
  func.func @transform_3(%arg0: i32) -> (i32, i32) {
    %c0_i32 = arith.constant 0 : i32
    %c0_i32_0 = arith.constant 0 : i32
    %c0_i32_1 = arith.constant 0 : i32
    return %c0_i32, %c0_i32_0 : i32, i32
  }
  func.func @transform_4(%arg0: i32) -> (i32, i32) {
    %c0_i32 = arith.constant 0 : i32
    %c0_i32_0 = arith.constant 0 : i32
    %c0_i32_1 = arith.constant 0 : i32
    return %c0_i32, %c0_i32_0 : i32, i32
  }
  func.func @transform_5(%arg0: i32) -> (i32, i32) {
    %c0_i32 = arith.constant 0 : i32
    %c0_i32_0 = arith.constant 0 : i32
    return %arg0, %c0_i32 : i32, i32
  }
}

module attributes {stable_mosaic.version = 14 : i64} {
  func.func @_attn_kernel(%arg0: i32, %arg1: memref<256x1024xf32, #tpu.memory_space<vmem>>, %arg2: memref<9x256x1024xi32, #tpu.memory_space<vmem>>, %arg3: memref<256x1024xf32, #tpu.memory_space<vmem>>, %arg4: memref<1024x1024xbf16, #tpu.memory_space<vmem>>, %arg5: memref<1x1024xf32, #tpu.memory_space<vmem>>, %arg6: memref<256x1024xf32, #tpu.memory_space<vmem>>) attributes {dimension_semantics = [#tpu.dimension_semantics<arbitrary>], iteration_bounds = array<i64: 8>, scalar_prefetch = 0 : i64, scratch_operands = 0 : i64, tpu.core_type = #tpu.core_type<tc>, window_params = [{transform_indices = @transform_0, window_bounds = array<i64: 256, 1024>}, {transform_indices = @transform_1, window_bounds = array<i64: 9, 256, 1024>}, {transform_indices = @transform_2, window_bounds = array<i64: 256, 1024>}, {pipeline_mode = #tpu.pipeline_mode<synchronous>, transform_indices = @transform_3, window_bounds = array<i64: 1024, 1024>}, {pipeline_mode = #tpu.pipeline_mode<synchronous>, transform_indices = @transform_4, window_bounds = array<i64: 1, 1024>}, {transform_indices = @transform_5, window_bounds = array<i64: 256, 1024>}]} {
    %get3A = arith.constant 0 : index
    %get3A_0 = arith.constant 0 : index
    %get3A_1 = vector.load %arg1[%get3A, %get3A_0] : memref<256x1024xf32, #tpu.memory_space<vmem>>, vector<256x1024xf32>
    %iota3A = tpu.iota {dimensions = array<i32: 0>} : vector<1024x16xi32>
    %iota3A_2 = tpu.iota {dimensions = array<i32: 1>} : vector<1024x16xi32>
    %jit3A = arith.constant 64 : i32
    %div3A = vector.broadcast %jit3A : i32 to vector<1024x16xi32>
    %div3A_3 = arith.divsi %iota3A, %div3A : vector<1024x16xi32>
    %sign3A = arith.constant 0 : i32
    %sign3A_4 = vector.broadcast %sign3A : i32 to vector<1024x16xi32>
    %sign3A_5 = arith.cmpi sgt, %iota3A, %sign3A_4 : vector<1024x16xi32>
    %sign3A_6 = arith.extui %sign3A_5 : vector<1024x16xi1> to vector<1024x16xi32>
    %sign3A_7 = arith.constant 0 : i32
    %sign3A_8 = vector.broadcast %sign3A_7 : i32 to vector<1024x16xi32>
    %sign3A_9 = arith.cmpi slt, %iota3A, %sign3A_8 : vector<1024x16xi32>
    %sign3A_10 = arith.extui %sign3A_9 : vector<1024x16xi1> to vector<1024x16xi32>
    %sign3A_11 = arith.subi %sign3A_6, %sign3A_10 : vector<1024x16xi32>
    %sign3A_12 = arith.constant 0 : i32
    %sign3A_13 = arith.cmpi sgt, %jit3A, %sign3A_12 : i32
    %sign3A_14 = arith.extui %sign3A_13 : i1 to i32
    %sign3A_15 = arith.constant 0 : i32
    %sign3A_16 = arith.cmpi slt, %jit3A, %sign3A_15 : i32
    %sign3A_17 = arith.extui %sign3A_16 : i1 to i32
    %sign3A_18 = arith.subi %sign3A_14, %sign3A_17 : i32
    %ne3A = vector.broadcast %sign3A_18 : i32 to vector<1024x16xi32>
    %ne3A_19 = arith.cmpi ne, %sign3A_11, %ne3A : vector<1024x16xi32>
    %rem3A = vector.broadcast %jit3A : i32 to vector<1024x16xi32>
    %rem3A_20 = arith.remsi %iota3A, %rem3A : vector<1024x16xi32>
    %ne3A_21 = arith.constant 0 : i32
    %ne3A_22 = vector.broadcast %ne3A_21 : i32 to vector<1024x16xi32>
    %ne3A_23 = arith.cmpi ne, %rem3A_20, %ne3A_22 : vector<1024x16xi32>
    %and3A = arith.andi %ne3A_19, %ne3A_23 : vector<1024x16xi1>
    %sub3A = arith.constant 1 : i32
    %sub3A_24 = vector.broadcast %sub3A : i32 to vector<1024x16xi32>
    %sub3A_25 = arith.subi %div3A_3, %sub3A_24 : vector<1024x16xi32>
    %select_n3A = arith.select %and3A, %sub3A_25, %div3A_3 : vector<1024x16xi1>, vector<1024x16xi32>
    %eq3A = arith.cmpi eq, %select_n3A, %iota3A_2 : vector<1024x16xi32>
    %convert_element_type3A = arith.extui %eq3A : vector<1024x16xi1> to vector<1024x16xi32>
    %convert_element_type3A_26 = arith.sitofp %convert_element_type3A : vector<1024x16xi32> to vector<1024x16xf32>
    %iota3A_27 = tpu.iota {dimensions = array<i32: 0>} : vector<16x1024xi32>
    %iota3A_28 = tpu.iota {dimensions = array<i32: 1>} : vector<16x1024xi32>
    %jit3A_29 = arith.constant 64 : i32
    %div3A_30 = vector.broadcast %jit3A_29 : i32 to vector<16x1024xi32>
    %div3A_31 = arith.divsi %iota3A_28, %div3A_30 : vector<16x1024xi32>
    %sign3A_32 = arith.constant 0 : i32
    %sign3A_33 = vector.broadcast %sign3A_32 : i32 to vector<16x1024xi32>
    %sign3A_34 = arith.cmpi sgt, %iota3A_28, %sign3A_33 : vector<16x1024xi32>
    %sign3A_35 = arith.extui %sign3A_34 : vector<16x1024xi1> to vector<16x1024xi32>
    %sign3A_36 = arith.constant 0 : i32
    %sign3A_37 = vector.broadcast %sign3A_36 : i32 to vector<16x1024xi32>
    %sign3A_38 = arith.cmpi slt, %iota3A_28, %sign3A_37 : vector<16x1024xi32>
    %sign3A_39 = arith.extui %sign3A_38 : vector<16x1024xi1> to vector<16x1024xi32>
    %sign3A_40 = arith.subi %sign3A_35, %sign3A_39 : vector<16x1024xi32>
    %sign3A_41 = arith.constant 0 : i32
    %sign3A_42 = arith.cmpi sgt, %jit3A_29, %sign3A_41 : i32
    %sign3A_43 = arith.extui %sign3A_42 : i1 to i32
    %sign3A_44 = arith.constant 0 : i32
    %sign3A_45 = arith.cmpi slt, %jit3A_29, %sign3A_44 : i32
    %sign3A_46 = arith.extui %sign3A_45 : i1 to i32
    %sign3A_47 = arith.subi %sign3A_43, %sign3A_46 : i32
    %ne3A_48 = vector.broadcast %sign3A_47 : i32 to vector<16x1024xi32>
    %ne3A_49 = arith.cmpi ne, %sign3A_40, %ne3A_48 : vector<16x1024xi32>
    %rem3A_50 = vector.broadcast %jit3A_29 : i32 to vector<16x1024xi32>
    %rem3A_51 = arith.remsi %iota3A_28, %rem3A_50 : vector<16x1024xi32>
    %ne3A_52 = arith.constant 0 : i32
    %ne3A_53 = vector.broadcast %ne3A_52 : i32 to vector<16x1024xi32>
    %ne3A_54 = arith.cmpi ne, %rem3A_51, %ne3A_53 : vector<16x1024xi32>
    %and3A_55 = arith.andi %ne3A_49, %ne3A_54 : vector<16x1024xi1>
    %sub3A_56 = arith.constant 1 : i32
    %sub3A_57 = vector.broadcast %sub3A_56 : i32 to vector<16x1024xi32>
    %sub3A_58 = arith.subi %div3A_31, %sub3A_57 : vector<16x1024xi32>
    %select_n3A_59 = arith.select %and3A_55, %sub3A_58, %div3A_31 : vector<16x1024xi1>, vector<16x1024xi32>
    %eq3A_60 = arith.cmpi eq, %select_n3A_59, %iota3A_27 : vector<16x1024xi32>
    %convert_element_type3A_61 = arith.extui %eq3A_60 : vector<16x1024xi1> to vector<16x1024xi32>
    %convert_element_type3A_62 = arith.sitofp %convert_element_type3A_61 : vector<16x1024xi32> to vector<16x1024xf32>
    %get3A_63 = arith.constant 0 : index
    %get3A_64 = arith.constant 0 : index
    %get3A_65 = arith.constant 0 : index
    %get3A_66 = vector.load %arg2[%get3A_63, %get3A_64, %get3A_65] : memref<9x256x1024xi32, #tpu.memory_space<vmem>>, vector<1x256x1024xi32>
    %get3A_67 = vector.shape_cast %get3A_66 : vector<1x256x1024xi32> to vector<256x1024xi32>
    %shift_left3A = arith.constant 16 : i32
    %shift_left3A_68 = vector.broadcast %shift_left3A : i32 to vector<256x1024xi32>
    %shift_left3A_69 = arith.shli %get3A_67, %shift_left3A_68 : vector<256x1024xi32>
    %bitcast_convert_type3A = tpu.bitcast %shift_left3A_69 : vector<256x1024xi32> -> vector<256x1024xf32>
    %mul3A = arith.mulf %get3A_1, %bitcast_convert_type3A : vector<256x1024xf32>
    %dot_general3A = arith.constant dense<0.000000e+00> : vector<256x16xf32>
    %dot_general3A_70 = tpu.matmul %mul3A, %convert_element_type3A_26, %dot_general3A {dimension_numbers = #tpu.dot_dimension_numbers<[1], [0], [0], [1], [0, 0, 1, 1], [], []>, transpose_lhs_hint = false} : vector<256x1024xf32>, vector<1024x16xf32>, vector<256x16xf32> -> vector<256x16xf32>
    %mul3A_71 = arith.constant 1.250000e-01 : f32
    %mul3A_72 = vector.broadcast %mul3A_71 : f32 to vector<256x16xf32>
    %mul3A_73 = arith.mulf %dot_general3A_70, %mul3A_72 : vector<256x16xf32>
    %get3A_74 = arith.constant 1 : index
    %get3A_75 = arith.constant 0 : index
    %get3A_76 = arith.constant 0 : index
    %get3A_77 = vector.load %arg2[%get3A_74, %get3A_75, %get3A_76] : memref<9x256x1024xi32, #tpu.memory_space<vmem>>, vector<1x256x1024xi32>
    %get3A_78 = vector.shape_cast %get3A_77 : vector<1x256x1024xi32> to vector<256x1024xi32>
    %shift_left3A_79 = arith.constant 16 : i32
    %shift_left3A_80 = vector.broadcast %shift_left3A_79 : i32 to vector<256x1024xi32>
    %shift_left3A_81 = arith.shli %get3A_78, %shift_left3A_80 : vector<256x1024xi32>
    %bitcast_convert_type3A_82 = tpu.bitcast %shift_left3A_81 : vector<256x1024xi32> -> vector<256x1024xf32>
    %mul3A_83 = arith.mulf %get3A_1, %bitcast_convert_type3A_82 : vector<256x1024xf32>
    %dot_general3A_84 = arith.constant dense<0.000000e+00> : vector<256x16xf32>
    %dot_general3A_85 = tpu.matmul %mul3A_83, %convert_element_type3A_26, %dot_general3A_84 {dimension_numbers = #tpu.dot_dimension_numbers<[1], [0], [0], [1], [0, 0, 1, 1], [], []>, transpose_lhs_hint = false} : vector<256x1024xf32>, vector<1024x16xf32>, vector<256x16xf32> -> vector<256x16xf32>
    %mul3A_86 = arith.constant 1.250000e-01 : f32
    %mul3A_87 = vector.broadcast %mul3A_86 : f32 to vector<256x16xf32>
    %mul3A_88 = arith.mulf %dot_general3A_85, %mul3A_87 : vector<256x16xf32>
    %get3A_89 = arith.constant 2 : index
    %get3A_90 = arith.constant 0 : index
    %get3A_91 = arith.constant 0 : index
    %get3A_92 = vector.load %arg2[%get3A_89, %get3A_90, %get3A_91] : memref<9x256x1024xi32, #tpu.memory_space<vmem>>, vector<1x256x1024xi32>
    %get3A_93 = vector.shape_cast %get3A_92 : vector<1x256x1024xi32> to vector<256x1024xi32>
    %shift_left3A_94 = arith.constant 16 : i32
    %shift_left3A_95 = vector.broadcast %shift_left3A_94 : i32 to vector<256x1024xi32>
    %shift_left3A_96 = arith.shli %get3A_93, %shift_left3A_95 : vector<256x1024xi32>
    %bitcast_convert_type3A_97 = tpu.bitcast %shift_left3A_96 : vector<256x1024xi32> -> vector<256x1024xf32>
    %mul3A_98 = arith.mulf %get3A_1, %bitcast_convert_type3A_97 : vector<256x1024xf32>
    %dot_general3A_99 = arith.constant dense<0.000000e+00> : vector<256x16xf32>
    %dot_general3A_100 = tpu.matmul %mul3A_98, %convert_element_type3A_26, %dot_general3A_99 {dimension_numbers = #tpu.dot_dimension_numbers<[1], [0], [0], [1], [0, 0, 1, 1], [], []>, transpose_lhs_hint = false} : vector<256x1024xf32>, vector<1024x16xf32>, vector<256x16xf32> -> vector<256x16xf32>
    %mul3A_101 = arith.constant 1.250000e-01 : f32
    %mul3A_102 = vector.broadcast %mul3A_101 : f32 to vector<256x16xf32>
    %mul3A_103 = arith.mulf %dot_general3A_100, %mul3A_102 : vector<256x16xf32>
    %get3A_104 = arith.constant 3 : index
    %get3A_105 = arith.constant 0 : index
    %get3A_106 = arith.constant 0 : index
    %get3A_107 = vector.load %arg2[%get3A_104, %get3A_105, %get3A_106] : memref<9x256x1024xi32, #tpu.memory_space<vmem>>, vector<1x256x1024xi32>
    %get3A_108 = vector.shape_cast %get3A_107 : vector<1x256x1024xi32> to vector<256x1024xi32>
    %shift_left3A_109 = arith.constant 16 : i32
    %shift_left3A_110 = vector.broadcast %shift_left3A_109 : i32 to vector<256x1024xi32>
    %shift_left3A_111 = arith.shli %get3A_108, %shift_left3A_110 : vector<256x1024xi32>
    %bitcast_convert_type3A_112 = tpu.bitcast %shift_left3A_111 : vector<256x1024xi32> -> vector<256x1024xf32>
    %mul3A_113 = arith.mulf %get3A_1, %bitcast_convert_type3A_112 : vector<256x1024xf32>
    %dot_general3A_114 = arith.constant dense<0.000000e+00> : vector<256x16xf32>
    %dot_general3A_115 = tpu.matmul %mul3A_113, %convert_element_type3A_26, %dot_general3A_114 {dimension_numbers = #tpu.dot_dimension_numbers<[1], [0], [0], [1], [0, 0, 1, 1], [], []>, transpose_lhs_hint = false} : vector<256x1024xf32>, vector<1024x16xf32>, vector<256x16xf32> -> vector<256x16xf32>
    %mul3A_116 = arith.constant 1.250000e-01 : f32
    %mul3A_117 = vector.broadcast %mul3A_116 : f32 to vector<256x16xf32>
    %mul3A_118 = arith.mulf %dot_general3A_115, %mul3A_117 : vector<256x16xf32>
    %get3A_119 = arith.constant 4 : index
    %get3A_120 = arith.constant 0 : index
    %get3A_121 = arith.constant 0 : index
    %get3A_122 = vector.load %arg2[%get3A_119, %get3A_120, %get3A_121] : memref<9x256x1024xi32, #tpu.memory_space<vmem>>, vector<1x256x1024xi32>
    %get3A_123 = vector.shape_cast %get3A_122 : vector<1x256x1024xi32> to vector<256x1024xi32>
    %shift_left3A_124 = arith.constant 16 : i32
    %shift_left3A_125 = vector.broadcast %shift_left3A_124 : i32 to vector<256x1024xi32>
    %shift_left3A_126 = arith.shli %get3A_123, %shift_left3A_125 : vector<256x1024xi32>
    %bitcast_convert_type3A_127 = tpu.bitcast %shift_left3A_126 : vector<256x1024xi32> -> vector<256x1024xf32>
    %mul3A_128 = arith.mulf %get3A_1, %bitcast_convert_type3A_127 : vector<256x1024xf32>
    %dot_general3A_129 = arith.constant dense<0.000000e+00> : vector<256x16xf32>
    %dot_general3A_130 = tpu.matmul %mul3A_128, %convert_element_type3A_26, %dot_general3A_129 {dimension_numbers = #tpu.dot_dimension_numbers<[1], [0], [0], [1], [0, 0, 1, 1], [], []>, transpose_lhs_hint = false} : vector<256x1024xf32>, vector<1024x16xf32>, vector<256x16xf32> -> vector<256x16xf32>
    %mul3A_131 = arith.constant 1.250000e-01 : f32
    %mul3A_132 = vector.broadcast %mul3A_131 : f32 to vector<256x16xf32>
    %mul3A_133 = arith.mulf %dot_general3A_130, %mul3A_132 : vector<256x16xf32>
    %get3A_134 = arith.constant 5 : index
    %get3A_135 = arith.constant 0 : index
    %get3A_136 = arith.constant 0 : index
    %get3A_137 = vector.load %arg2[%get3A_134, %get3A_135, %get3A_136] : memref<9x256x1024xi32, #tpu.memory_space<vmem>>, vector<1x256x1024xi32>
    %get3A_138 = vector.shape_cast %get3A_137 : vector<1x256x1024xi32> to vector<256x1024xi32>
    %shift_left3A_139 = arith.constant 16 : i32
    %shift_left3A_140 = vector.broadcast %shift_left3A_139 : i32 to vector<256x1024xi32>
    %shift_left3A_141 = arith.shli %get3A_138, %shift_left3A_140 : vector<256x1024xi32>
    %bitcast_convert_type3A_142 = tpu.bitcast %shift_left3A_141 : vector<256x1024xi32> -> vector<256x1024xf32>
    %mul3A_143 = arith.mulf %get3A_1, %bitcast_convert_type3A_142 : vector<256x1024xf32>
    %dot_general3A_144 = arith.constant dense<0.000000e+00> : vector<256x16xf32>
    %dot_general3A_145 = tpu.matmul %mul3A_143, %convert_element_type3A_26, %dot_general3A_144 {dimension_numbers = #tpu.dot_dimension_numbers<[1], [0], [0], [1], [0, 0, 1, 1], [], []>, transpose_lhs_hint = false} : vector<256x1024xf32>, vector<1024x16xf32>, vector<256x16xf32> -> vector<256x16xf32>
    %mul3A_146 = arith.constant 1.250000e-01 : f32
    %mul3A_147 = vector.broadcast %mul3A_146 : f32 to vector<256x16xf32>
    %mul3A_148 = arith.mulf %dot_general3A_145, %mul3A_147 : vector<256x16xf32>
    %get3A_149 = arith.constant 6 : index
    %get3A_150 = arith.constant 0 : index
    %get3A_151 = arith.constant 0 : index
    %get3A_152 = vector.load %arg2[%get3A_149, %get3A_150, %get3A_151] : memref<9x256x1024xi32, #tpu.memory_space<vmem>>, vector<1x256x1024xi32>
    %get3A_153 = vector.shape_cast %get3A_152 : vector<1x256x1024xi32> to vector<256x1024xi32>
    %shift_left3A_154 = arith.constant 16 : i32
    %shift_left3A_155 = vector.broadcast %shift_left3A_154 : i32 to vector<256x1024xi32>
    %shift_left3A_156 = arith.shli %get3A_153, %shift_left3A_155 : vector<256x1024xi32>
    %bitcast_convert_type3A_157 = tpu.bitcast %shift_left3A_156 : vector<256x1024xi32> -> vector<256x1024xf32>
    %mul3A_158 = arith.mulf %get3A_1, %bitcast_convert_type3A_157 : vector<256x1024xf32>
    %dot_general3A_159 = arith.constant dense<0.000000e+00> : vector<256x16xf32>
    %dot_general3A_160 = tpu.matmul %mul3A_158, %convert_element_type3A_26, %dot_general3A_159 {dimension_numbers = #tpu.dot_dimension_numbers<[1], [0], [0], [1], [0, 0, 1, 1], [], []>, transpose_lhs_hint = false} : vector<256x1024xf32>, vector<1024x16xf32>, vector<256x16xf32> -> vector<256x16xf32>
    %mul3A_161 = arith.constant 1.250000e-01 : f32
    %mul3A_162 = vector.broadcast %mul3A_161 : f32 to vector<256x16xf32>
    %mul3A_163 = arith.mulf %dot_general3A_160, %mul3A_162 : vector<256x16xf32>
    %get3A_164 = arith.constant 7 : index
    %get3A_165 = arith.constant 0 : index
    %get3A_166 = arith.constant 0 : index
    %get3A_167 = vector.load %arg2[%get3A_164, %get3A_165, %get3A_166] : memref<9x256x1024xi32, #tpu.memory_space<vmem>>, vector<1x256x1024xi32>
    %get3A_168 = vector.shape_cast %get3A_167 : vector<1x256x1024xi32> to vector<256x1024xi32>
    %shift_left3A_169 = arith.constant 16 : i32
    %shift_left3A_170 = vector.broadcast %shift_left3A_169 : i32 to vector<256x1024xi32>
    %shift_left3A_171 = arith.shli %get3A_168, %shift_left3A_170 : vector<256x1024xi32>
    %bitcast_convert_type3A_172 = tpu.bitcast %shift_left3A_171 : vector<256x1024xi32> -> vector<256x1024xf32>
    %mul3A_173 = arith.mulf %get3A_1, %bitcast_convert_type3A_172 : vector<256x1024xf32>
    %dot_general3A_174 = arith.constant dense<0.000000e+00> : vector<256x16xf32>
    %dot_general3A_175 = tpu.matmul %mul3A_173, %convert_element_type3A_26, %dot_general3A_174 {dimension_numbers = #tpu.dot_dimension_numbers<[1], [0], [0], [1], [0, 0, 1, 1], [], []>, transpose_lhs_hint = false} : vector<256x1024xf32>, vector<1024x16xf32>, vector<256x16xf32> -> vector<256x16xf32>
    %mul3A_176 = arith.constant 1.250000e-01 : f32
    %mul3A_177 = vector.broadcast %mul3A_176 : f32 to vector<256x16xf32>
    %mul3A_178 = arith.mulf %dot_general3A_175, %mul3A_177 : vector<256x16xf32>
    %get3A_179 = arith.constant 8 : index
    %get3A_180 = arith.constant 0 : index
    %get3A_181 = arith.constant 0 : index
    %get3A_182 = vector.load %arg2[%get3A_179, %get3A_180, %get3A_181] : memref<9x256x1024xi32, #tpu.memory_space<vmem>>, vector<1x256x1024xi32>
    %get3A_183 = vector.shape_cast %get3A_182 : vector<1x256x1024xi32> to vector<256x1024xi32>
    %shift_left3A_184 = arith.constant 16 : i32
    %shift_left3A_185 = vector.broadcast %shift_left3A_184 : i32 to vector<256x1024xi32>
    %shift_left3A_186 = arith.shli %get3A_183, %shift_left3A_185 : vector<256x1024xi32>
    %bitcast_convert_type3A_187 = tpu.bitcast %shift_left3A_186 : vector<256x1024xi32> -> vector<256x1024xf32>
    %mul3A_188 = arith.mulf %get3A_1, %bitcast_convert_type3A_187 : vector<256x1024xf32>
    %dot_general3A_189 = arith.constant dense<0.000000e+00> : vector<256x16xf32>
    %dot_general3A_190 = tpu.matmul %mul3A_188, %convert_element_type3A_26, %dot_general3A_189 {dimension_numbers = #tpu.dot_dimension_numbers<[1], [0], [0], [1], [0, 0, 1, 1], [], []>, transpose_lhs_hint = false} : vector<256x1024xf32>, vector<1024x16xf32>, vector<256x16xf32> -> vector<256x16xf32>
    %mul3A_191 = arith.constant 1.250000e-01 : f32
    %mul3A_192 = vector.broadcast %mul3A_191 : f32 to vector<256x16xf32>
    %mul3A_193 = arith.mulf %dot_general3A_190, %mul3A_192 : vector<256x16xf32>
    %max3A = arith.maximumf %mul3A_73, %mul3A_88 : vector<256x16xf32>
    %max3A_194 = arith.maximumf %max3A, %mul3A_103 : vector<256x16xf32>
    %max3A_195 = arith.maximumf %max3A_194, %mul3A_118 : vector<256x16xf32>
    %max3A_196 = arith.maximumf %max3A_195, %mul3A_133 : vector<256x16xf32>
    %max3A_197 = arith.maximumf %max3A_196, %mul3A_148 : vector<256x16xf32>
    %max3A_198 = arith.maximumf %max3A_197, %mul3A_163 : vector<256x16xf32>
    %max3A_199 = arith.maximumf %max3A_198, %mul3A_178 : vector<256x16xf32>
    %max3A_200 = arith.maximumf %max3A_199, %mul3A_193 : vector<256x16xf32>
    %sub3A_201 = arith.subf %mul3A_73, %max3A_200 : vector<256x16xf32>
    %exp3A = math.exp %sub3A_201 : vector<256x16xf32>
    %sub3A_202 = arith.subf %mul3A_88, %max3A_200 : vector<256x16xf32>
    %exp3A_203 = math.exp %sub3A_202 : vector<256x16xf32>
    %sub3A_204 = arith.subf %mul3A_103, %max3A_200 : vector<256x16xf32>
    %exp3A_205 = math.exp %sub3A_204 : vector<256x16xf32>
    %sub3A_206 = arith.subf %mul3A_118, %max3A_200 : vector<256x16xf32>
    %exp3A_207 = math.exp %sub3A_206 : vector<256x16xf32>
    %sub3A_208 = arith.subf %mul3A_133, %max3A_200 : vector<256x16xf32>
    %exp3A_209 = math.exp %sub3A_208 : vector<256x16xf32>
    %sub3A_210 = arith.subf %mul3A_148, %max3A_200 : vector<256x16xf32>
    %exp3A_211 = math.exp %sub3A_210 : vector<256x16xf32>
    %sub3A_212 = arith.subf %mul3A_163, %max3A_200 : vector<256x16xf32>
    %exp3A_213 = math.exp %sub3A_212 : vector<256x16xf32>
    %sub3A_214 = arith.subf %mul3A_178, %max3A_200 : vector<256x16xf32>
    %exp3A_215 = math.exp %sub3A_214 : vector<256x16xf32>
    %sub3A_216 = arith.subf %mul3A_193, %max3A_200 : vector<256x16xf32>
    %exp3A_217 = math.exp %sub3A_216 : vector<256x16xf32>
    %add3A = arith.addf %exp3A, %exp3A_203 : vector<256x16xf32>
    %add3A_218 = arith.addf %add3A, %exp3A_205 : vector<256x16xf32>
    %add3A_219 = arith.addf %add3A_218, %exp3A_207 : vector<256x16xf32>
    %add3A_220 = arith.addf %add3A_219, %exp3A_209 : vector<256x16xf32>
    %add3A_221 = arith.addf %add3A_220, %exp3A_211 : vector<256x16xf32>
    %add3A_222 = arith.addf %add3A_221, %exp3A_213 : vector<256x16xf32>
    %add3A_223 = arith.addf %add3A_222, %exp3A_215 : vector<256x16xf32>
    %add3A_224 = arith.addf %add3A_223, %exp3A_217 : vector<256x16xf32>
    %div3A_225 = arith.constant 1.000000e+00 : f32
    %div3A_226 = vector.broadcast %div3A_225 : f32 to vector<256x16xf32>
    %div3A_227 = arith.divf %div3A_226, %add3A_224 : vector<256x16xf32>
    %broadcast_in_dim3A = arith.constant 0.000000e+00 : f32
    %broadcast_in_dim3A_228 = vector.broadcast %broadcast_in_dim3A : f32 to vector<256x1024xf32>
    %mul3A_229 = arith.mulf %exp3A, %div3A_227 : vector<256x16xf32>
    %dot_general3A_230 = arith.constant dense<0.000000e+00> : vector<256x1024xf32>
    %dot_general3A_231 = tpu.matmul %mul3A_229, %convert_element_type3A_62, %dot_general3A_230 {dimension_numbers = #tpu.dot_dimension_numbers<[1], [0], [0], [1], [0, 0, 1, 1], [], []>, transpose_lhs_hint = false} : vector<256x16xf32>, vector<16x1024xf32>, vector<256x1024xf32> -> vector<256x1024xf32>
    %get3A_232 = arith.constant 0 : index
    %get3A_233 = arith.constant 0 : index
    %get3A_234 = arith.constant 0 : index
    %get3A_235 = vector.load %arg2[%get3A_232, %get3A_233, %get3A_234] : memref<9x256x1024xi32, #tpu.memory_space<vmem>>, vector<1x256x1024xi32>
    %get3A_236 = vector.shape_cast %get3A_235 : vector<1x256x1024xi32> to vector<256x1024xi32>
    %and3A_237 = arith.constant -65536 : i32
    %and3A_238 = vector.broadcast %and3A_237 : i32 to vector<256x1024xi32>
    %and3A_239 = arith.andi %get3A_236, %and3A_238 : vector<256x1024xi32>
    %bitcast_convert_type3A_240 = tpu.bitcast %and3A_239 : vector<256x1024xi32> -> vector<256x1024xf32>
    %mul3A_241 = arith.mulf %dot_general3A_231, %bitcast_convert_type3A_240 : vector<256x1024xf32>
    %add3A_242 = arith.addf %broadcast_in_dim3A_228, %mul3A_241 : vector<256x1024xf32>
    %mul3A_243 = arith.mulf %exp3A_203, %div3A_227 : vector<256x16xf32>
    %dot_general3A_244 = arith.constant dense<0.000000e+00> : vector<256x1024xf32>
    %dot_general3A_245 = tpu.matmul %mul3A_243, %convert_element_type3A_62, %dot_general3A_244 {dimension_numbers = #tpu.dot_dimension_numbers<[1], [0], [0], [1], [0, 0, 1, 1], [], []>, transpose_lhs_hint = false} : vector<256x16xf32>, vector<16x1024xf32>, vector<256x1024xf32> -> vector<256x1024xf32>
    %get3A_246 = arith.constant 1 : index
    %get3A_247 = arith.constant 0 : index
    %get3A_248 = arith.constant 0 : index
    %get3A_249 = vector.load %arg2[%get3A_246, %get3A_247, %get3A_248] : memref<9x256x1024xi32, #tpu.memory_space<vmem>>, vector<1x256x1024xi32>
    %get3A_250 = vector.shape_cast %get3A_249 : vector<1x256x1024xi32> to vector<256x1024xi32>
    %and3A_251 = arith.constant -65536 : i32
    %and3A_252 = vector.broadcast %and3A_251 : i32 to vector<256x1024xi32>
    %and3A_253 = arith.andi %get3A_250, %and3A_252 : vector<256x1024xi32>
    %bitcast_convert_type3A_254 = tpu.bitcast %and3A_253 : vector<256x1024xi32> -> vector<256x1024xf32>
    %mul3A_255 = arith.mulf %dot_general3A_245, %bitcast_convert_type3A_254 : vector<256x1024xf32>
    %add3A_256 = arith.addf %add3A_242, %mul3A_255 : vector<256x1024xf32>
    %mul3A_257 = arith.mulf %exp3A_205, %div3A_227 : vector<256x16xf32>
    %dot_general3A_258 = arith.constant dense<0.000000e+00> : vector<256x1024xf32>
    %dot_general3A_259 = tpu.matmul %mul3A_257, %convert_element_type3A_62, %dot_general3A_258 {dimension_numbers = #tpu.dot_dimension_numbers<[1], [0], [0], [1], [0, 0, 1, 1], [], []>, transpose_lhs_hint = false} : vector<256x16xf32>, vector<16x1024xf32>, vector<256x1024xf32> -> vector<256x1024xf32>
    %get3A_260 = arith.constant 2 : index
    %get3A_261 = arith.constant 0 : index
    %get3A_262 = arith.constant 0 : index
    %get3A_263 = vector.load %arg2[%get3A_260, %get3A_261, %get3A_262] : memref<9x256x1024xi32, #tpu.memory_space<vmem>>, vector<1x256x1024xi32>
    %get3A_264 = vector.shape_cast %get3A_263 : vector<1x256x1024xi32> to vector<256x1024xi32>
    %and3A_265 = arith.constant -65536 : i32
    %and3A_266 = vector.broadcast %and3A_265 : i32 to vector<256x1024xi32>
    %and3A_267 = arith.andi %get3A_264, %and3A_266 : vector<256x1024xi32>
    %bitcast_convert_type3A_268 = tpu.bitcast %and3A_267 : vector<256x1024xi32> -> vector<256x1024xf32>
    %mul3A_269 = arith.mulf %dot_general3A_259, %bitcast_convert_type3A_268 : vector<256x1024xf32>
    %add3A_270 = arith.addf %add3A_256, %mul3A_269 : vector<256x1024xf32>
    %mul3A_271 = arith.mulf %exp3A_207, %div3A_227 : vector<256x16xf32>
    %dot_general3A_272 = arith.constant dense<0.000000e+00> : vector<256x1024xf32>
    %dot_general3A_273 = tpu.matmul %mul3A_271, %convert_element_type3A_62, %dot_general3A_272 {dimension_numbers = #tpu.dot_dimension_numbers<[1], [0], [0], [1], [0, 0, 1, 1], [], []>, transpose_lhs_hint = false} : vector<256x16xf32>, vector<16x1024xf32>, vector<256x1024xf32> -> vector<256x1024xf32>
    %get3A_274 = arith.constant 3 : index
    %get3A_275 = arith.constant 0 : index
    %get3A_276 = arith.constant 0 : index
    %get3A_277 = vector.load %arg2[%get3A_274, %get3A_275, %get3A_276] : memref<9x256x1024xi32, #tpu.memory_space<vmem>>, vector<1x256x1024xi32>
    %get3A_278 = vector.shape_cast %get3A_277 : vector<1x256x1024xi32> to vector<256x1024xi32>
    %and3A_279 = arith.constant -65536 : i32
    %and3A_280 = vector.broadcast %and3A_279 : i32 to vector<256x1024xi32>
    %and3A_281 = arith.andi %get3A_278, %and3A_280 : vector<256x1024xi32>
    %bitcast_convert_type3A_282 = tpu.bitcast %and3A_281 : vector<256x1024xi32> -> vector<256x1024xf32>
    %mul3A_283 = arith.mulf %dot_general3A_273, %bitcast_convert_type3A_282 : vector<256x1024xf32>
    %add3A_284 = arith.addf %add3A_270, %mul3A_283 : vector<256x1024xf32>
    %mul3A_285 = arith.mulf %exp3A_209, %div3A_227 : vector<256x16xf32>
    %dot_general3A_286 = arith.constant dense<0.000000e+00> : vector<256x1024xf32>
    %dot_general3A_287 = tpu.matmul %mul3A_285, %convert_element_type3A_62, %dot_general3A_286 {dimension_numbers = #tpu.dot_dimension_numbers<[1], [0], [0], [1], [0, 0, 1, 1], [], []>, transpose_lhs_hint = false} : vector<256x16xf32>, vector<16x1024xf32>, vector<256x1024xf32> -> vector<256x1024xf32>
    %get3A_288 = arith.constant 4 : index
    %get3A_289 = arith.constant 0 : index
    %get3A_290 = arith.constant 0 : index
    %get3A_291 = vector.load %arg2[%get3A_288, %get3A_289, %get3A_290] : memref<9x256x1024xi32, #tpu.memory_space<vmem>>, vector<1x256x1024xi32>
    %get3A_292 = vector.shape_cast %get3A_291 : vector<1x256x1024xi32> to vector<256x1024xi32>
    %and3A_293 = arith.constant -65536 : i32
    %and3A_294 = vector.broadcast %and3A_293 : i32 to vector<256x1024xi32>
    %and3A_295 = arith.andi %get3A_292, %and3A_294 : vector<256x1024xi32>
    %bitcast_convert_type3A_296 = tpu.bitcast %and3A_295 : vector<256x1024xi32> -> vector<256x1024xf32>
    %mul3A_297 = arith.mulf %dot_general3A_287, %bitcast_convert_type3A_296 : vector<256x1024xf32>
    %add3A_298 = arith.addf %add3A_284, %mul3A_297 : vector<256x1024xf32>
    %mul3A_299 = arith.mulf %exp3A_211, %div3A_227 : vector<256x16xf32>
    %dot_general3A_300 = arith.constant dense<0.000000e+00> : vector<256x1024xf32>
    %dot_general3A_301 = tpu.matmul %mul3A_299, %convert_element_type3A_62, %dot_general3A_300 {dimension_numbers = #tpu.dot_dimension_numbers<[1], [0], [0], [1], [0, 0, 1, 1], [], []>, transpose_lhs_hint = false} : vector<256x16xf32>, vector<16x1024xf32>, vector<256x1024xf32> -> vector<256x1024xf32>
    %get3A_302 = arith.constant 5 : index
    %get3A_303 = arith.constant 0 : index
    %get3A_304 = arith.constant 0 : index
    %get3A_305 = vector.load %arg2[%get3A_302, %get3A_303, %get3A_304] : memref<9x256x1024xi32, #tpu.memory_space<vmem>>, vector<1x256x1024xi32>
    %get3A_306 = vector.shape_cast %get3A_305 : vector<1x256x1024xi32> to vector<256x1024xi32>
    %and3A_307 = arith.constant -65536 : i32
    %and3A_308 = vector.broadcast %and3A_307 : i32 to vector<256x1024xi32>
    %and3A_309 = arith.andi %get3A_306, %and3A_308 : vector<256x1024xi32>
    %bitcast_convert_type3A_310 = tpu.bitcast %and3A_309 : vector<256x1024xi32> -> vector<256x1024xf32>
    %mul3A_311 = arith.mulf %dot_general3A_301, %bitcast_convert_type3A_310 : vector<256x1024xf32>
    %add3A_312 = arith.addf %add3A_298, %mul3A_311 : vector<256x1024xf32>
    %mul3A_313 = arith.mulf %exp3A_213, %div3A_227 : vector<256x16xf32>
    %dot_general3A_314 = arith.constant dense<0.000000e+00> : vector<256x1024xf32>
    %dot_general3A_315 = tpu.matmul %mul3A_313, %convert_element_type3A_62, %dot_general3A_314 {dimension_numbers = #tpu.dot_dimension_numbers<[1], [0], [0], [1], [0, 0, 1, 1], [], []>, transpose_lhs_hint = false} : vector<256x16xf32>, vector<16x1024xf32>, vector<256x1024xf32> -> vector<256x1024xf32>
    %get3A_316 = arith.constant 6 : index
    %get3A_317 = arith.constant 0 : index
    %get3A_318 = arith.constant 0 : index
    %get3A_319 = vector.load %arg2[%get3A_316, %get3A_317, %get3A_318] : memref<9x256x1024xi32, #tpu.memory_space<vmem>>, vector<1x256x1024xi32>
    %get3A_320 = vector.shape_cast %get3A_319 : vector<1x256x1024xi32> to vector<256x1024xi32>
    %and3A_321 = arith.constant -65536 : i32
    %and3A_322 = vector.broadcast %and3A_321 : i32 to vector<256x1024xi32>
    %and3A_323 = arith.andi %get3A_320, %and3A_322 : vector<256x1024xi32>
    %bitcast_convert_type3A_324 = tpu.bitcast %and3A_323 : vector<256x1024xi32> -> vector<256x1024xf32>
    %mul3A_325 = arith.mulf %dot_general3A_315, %bitcast_convert_type3A_324 : vector<256x1024xf32>
    %add3A_326 = arith.addf %add3A_312, %mul3A_325 : vector<256x1024xf32>
    %mul3A_327 = arith.mulf %exp3A_215, %div3A_227 : vector<256x16xf32>
    %dot_general3A_328 = arith.constant dense<0.000000e+00> : vector<256x1024xf32>
    %dot_general3A_329 = tpu.matmul %mul3A_327, %convert_element_type3A_62, %dot_general3A_328 {dimension_numbers = #tpu.dot_dimension_numbers<[1], [0], [0], [1], [0, 0, 1, 1], [], []>, transpose_lhs_hint = false} : vector<256x16xf32>, vector<16x1024xf32>, vector<256x1024xf32> -> vector<256x1024xf32>
    %get3A_330 = arith.constant 7 : index
    %get3A_331 = arith.constant 0 : index
    %get3A_332 = arith.constant 0 : index
    %get3A_333 = vector.load %arg2[%get3A_330, %get3A_331, %get3A_332] : memref<9x256x1024xi32, #tpu.memory_space<vmem>>, vector<1x256x1024xi32>
    %get3A_334 = vector.shape_cast %get3A_333 : vector<1x256x1024xi32> to vector<256x1024xi32>
    %and3A_335 = arith.constant -65536 : i32
    %and3A_336 = vector.broadcast %and3A_335 : i32 to vector<256x1024xi32>
    %and3A_337 = arith.andi %get3A_334, %and3A_336 : vector<256x1024xi32>
    %bitcast_convert_type3A_338 = tpu.bitcast %and3A_337 : vector<256x1024xi32> -> vector<256x1024xf32>
    %mul3A_339 = arith.mulf %dot_general3A_329, %bitcast_convert_type3A_338 : vector<256x1024xf32>
    %add3A_340 = arith.addf %add3A_326, %mul3A_339 : vector<256x1024xf32>
    %mul3A_341 = arith.mulf %exp3A_217, %div3A_227 : vector<256x16xf32>
    %dot_general3A_342 = arith.constant dense<0.000000e+00> : vector<256x1024xf32>
    %dot_general3A_343 = tpu.matmul %mul3A_341, %convert_element_type3A_62, %dot_general3A_342 {dimension_numbers = #tpu.dot_dimension_numbers<[1], [0], [0], [1], [0, 0, 1, 1], [], []>, transpose_lhs_hint = false} : vector<256x16xf32>, vector<16x1024xf32>, vector<256x1024xf32> -> vector<256x1024xf32>
    %get3A_344 = arith.constant 8 : index
    %get3A_345 = arith.constant 0 : index
    %get3A_346 = arith.constant 0 : index
    %get3A_347 = vector.load %arg2[%get3A_344, %get3A_345, %get3A_346] : memref<9x256x1024xi32, #tpu.memory_space<vmem>>, vector<1x256x1024xi32>
    %get3A_348 = vector.shape_cast %get3A_347 : vector<1x256x1024xi32> to vector<256x1024xi32>
    %and3A_349 = arith.constant -65536 : i32
    %and3A_350 = vector.broadcast %and3A_349 : i32 to vector<256x1024xi32>
    %and3A_351 = arith.andi %get3A_348, %and3A_350 : vector<256x1024xi32>
    %bitcast_convert_type3A_352 = tpu.bitcast %and3A_351 : vector<256x1024xi32> -> vector<256x1024xf32>
    %mul3A_353 = arith.mulf %dot_general3A_343, %bitcast_convert_type3A_352 : vector<256x1024xf32>
    %add3A_354 = arith.addf %add3A_340, %mul3A_353 : vector<256x1024xf32>
    %mul3A_355 = arith.constant 5.000000e-01 : f32
    %mul3A_356 = vector.broadcast %mul3A_355 : f32 to vector<256x1024xf32>
    %mul3A_357 = arith.mulf %mul3A_356, %add3A_354 : vector<256x1024xf32>
    %mul3A_358 = arith.constant 0.707106769 : f32
    %mul3A_359 = vector.broadcast %mul3A_358 : f32 to vector<256x1024xf32>
    %mul3A_360 = arith.mulf %add3A_354, %mul3A_359 : vector<256x1024xf32>
    %erf3A = math.erf %mul3A_360 : vector<256x1024xf32>
    %add3A_361 = arith.constant 1.000000e+00 : f32
    %add3A_362 = vector.broadcast %add3A_361 : f32 to vector<256x1024xf32>
    %add3A_363 = arith.addf %add3A_362, %erf3A : vector<256x1024xf32>
    %mul3A_364 = arith.mulf %mul3A_357, %add3A_363 : vector<256x1024xf32>
    %convert_element_type3A_365 = arith.truncf %mul3A_364 : vector<256x1024xf32> to vector<256x1024xbf16>
    %get3A_366 = arith.constant 0 : index
    %get3A_367 = arith.constant 0 : index
    %get3A_368 = vector.load %arg4[%get3A_366, %get3A_367] : memref<1024x1024xbf16, #tpu.memory_space<vmem>>, vector<1024x1024xbf16>
    %dot_general3A_369 = arith.constant dense<0.000000e+00> : vector<256x1024xf32>
    %dot_general3A_370 = tpu.matmul %convert_element_type3A_365, %get3A_368, %dot_general3A_369 {dimension_numbers = #tpu.dot_dimension_numbers<[1], [0], [0], [1], [0, 0, 1, 1], [], []>, transpose_lhs_hint = false} : vector<256x1024xbf16>, vector<1024x1024xbf16>, vector<256x1024xf32> -> vector<256x1024xf32>
    %get3A_371 = arith.constant 0 : index
    %get3A_372 = arith.constant 0 : index
    %get3A_373 = vector.load %arg3[%get3A_371, %get3A_372] : memref<256x1024xf32, #tpu.memory_space<vmem>>, vector<256x1024xf32>
    %add3A_374 = arith.addf %get3A_373, %dot_general3A_370 : vector<256x1024xf32>
    %get3A_375 = arith.constant 0 : index
    %get3A_376 = arith.constant 0 : index
    %get3A_377 = vector.load %arg5[%get3A_375, %get3A_376] : memref<1x1024xf32, #tpu.memory_space<vmem>>, vector<1x1024xf32>
    %add3A_378 = vector.broadcast %get3A_377 : vector<1x1024xf32> to vector<256x1024xf32>
    %add3A_379 = arith.addf %add3A_374, %add3A_378 : vector<256x1024xf32>
    %swap3A = arith.constant 0 : index
    %swap3A_380 = arith.constant 0 : index
    %swap3A_381 = vector.load %arg6[%swap3A, %swap3A_380] : memref<256x1024xf32, #tpu.memory_space<vmem>>, vector<256x1024xf32>
    tpu.vector_store %arg6[%swap3A, %swap3A_380], %add3A_379 {strides = array<i32>} : memref<256x1024xf32, #tpu.memory_space<vmem>>, vector<256x1024xf32>,
    return
  }
  func.func @transform_0(%arg0: i32) -> (i32, i32) {
    %add3A = arith.constant 0 : i32
    %add3A_0 = arith.addi %add3A, %arg0 : i32
    %c0_i32 = arith.constant 0 : i32
    %c0_i32_1 = arith.constant 0 : i32
    return %add3A_0, %c0_i32 : i32, i32
  }
  func.func @transform_1(%arg0: i32) -> (i32, i32, i32) {
    %c0_i32 = arith.constant 0 : i32
    %c0_i32_0 = arith.constant 0 : i32
    %c0_i32_1 = arith.constant 0 : i32
    return %c0_i32, %arg0, %c0_i32_0 : i32, i32, i32
  }
  func.func @transform_2(%arg0: i32) -> (i32, i32) {
    %add3A = arith.constant 0 : i32
    %add3A_0 = arith.addi %add3A, %arg0 : i32
    %c0_i32 = arith.constant 0 : i32
    %c0_i32_1 = arith.constant 0 : i32
    return %add3A_0, %c0_i32 : i32, i32
  }
  func.func @transform_3(%arg0: i32) -> (i32, i32) {
    %c0_i32 = arith.constant 0 : i32
    %c0_i32_0 = arith.constant 0 : i32
    %c0_i32_1 = arith.constant 0 : i32
    return %c0_i32, %c0_i32_0 : i32, i32
  }
  func.func @transform_4(%arg0: i32) -> (i32, i32) {
    %c0_i32 = arith.constant 0 : i32
    %c0_i32_0 = arith.constant 0 : i32
    %c0_i32_1 = arith.constant 0 : i32
    return %c0_i32, %c0_i32_0 : i32, i32
  }
  func.func @transform_5(%arg0: i32) -> (i32, i32) {
    %c0_i32 = arith.constant 0 : i32
    %c0_i32_0 = arith.constant 0 : i32
    return %arg0, %c0_i32 : i32, i32
  }
}

</mosaic_0001>

<sc_bundles>
// kernel: kernel.15.cloned.1.call-start
scs
__scs_entry_jumppad:
0x0: {  	(pc) =	sbr.rel $0x88, $3  }
0x1: {  	(tag) =	ssettag $0x0;
	lr =	simm.s32 $0x1  }
0x2: {  	[smem:$0x3F9C] =	sst lr;
	_ =	strace $0xD0000000  }
0x3: {  	_ = 	snop  }
0x4: {  	_ = 	snop  }
0x5: {  	_ = 	snop  }
0x6: {  	_ = 	snop  }
0x7: {  	_ = 	snop  }
__scs_overlays_trampoline_lowered:
0x8: {  	[smem:$0x3FAB] =	sst s0  }
0x9: {  	[smem:$0x3FAC] =	sst s1  }
0xa: {  	[smem:$0x3FAD] =	sst s2  }
0xb: {  	[smem:$0x3FAE] =	sst s3  }
0xc: {  	[smem:$0x3FAF] =	sst s4  }
0xd: {  	[smem:$0x3FB0] =	sst s5  }
0xe: {  	[smem:$0x3FB1] =	sst s6  }
0xf: {  	[smem:$0x3FB2] =	sst s7  }
0x10: {  	[smem:$0x3FB3] =	sst s8  }
0x11: {  	[smem:$0x3FB4] =	sst s9;
	s0 =	simm.s32 @!p0 $0x0  }
0x12: {  	s1 =	sld [smem:$0x3F9A];
	s0 =	simm.s32 @p0 $0x1  }
0x13: {  	[smem:$0x3FB5] =	sst s0;
	s0 =	simm.s32 @!p1 $0x0  }
0x14: {  	s2 =	sld [smem:$0x3F99];
	s0 =	simm.s32 @p1 $0x1  }
0x15: {  	[smem:$0x3FB6] =	sst s0;
	s0 =	simm.s32 @!p2 $0x0  }
0x16: {  	s3 =	sld [smem:$0x3FDB];
	s0 =	simm.s32 @p2 $0x1  }
0x17: {  	s4 =	simm.s32 $0x1BF5;
	[smem:$0x3FB8] =	sst s0  }
0x18: {  	s0 =	sld [smem:$0x3F9B];
	_ =	swait.ge [sflag:s4], $0x0  }
0x19: {  	s7 =	sld [smem:$0x3F9C]  }
0x1a: {  	s8 =	sadd.s32 $0xFFFFE003, lr  }
0x1b: {  	s9 =	sadd.s32 $0xFFFFFEF7, lr;
	s5 =	simm.s32 $0xFFFFFFFF;
	p2 =	slt.u32 s8, $0xFFFFF086  }
0x1c: {  	p1 =	slt.u32 s9, $0xF7A;
	s5 =	simm.s32 @!p2 $0x0  }
0x1d: {  	s5 =	simm.s32 @p1 $0x1;
	p0 =	seq.s32 s7, s2  }
0x1e: {  	s7 =	smul.u32 @!p0 $0xF7A, s2;
	p2 =	seq.s32 @!p0 s5, $0x0  }
0x1f: {  	s9 =	smul.u32 $0xF7A, s1;
	s8 =	simm.s32 @!p0 $0x1BF5;
	p2 =	por !p2, p0  }
0x20: {  	[sflag:s8] =	ssyncset.s32 @!p0 $0xFFFFF086;
	s6 =	sadd.s32 @!p0 s3, s7;
	s7 =	simm.s32 @!p0 $0x108  }
0x21: {  	s3 =	sadd.s32 s3, s9;
	s6 =	sadd.s32 @!p0 $0x88, s6;
	s7 =	simm.s32 @p2 $0x1082  }
0x22: {  	[simem:s7], [sflag:s8] =	dma.local @!p0 [hbm:s6], $0xF7A  }
0x23: {  	s9 =	sor.u32 $0xD0000000, s2;
	s6 =	simm.s32 $0x108;
	_ =	swait.ge @!p0 [sflag:s8], $0x0  }
0x24: {  	s3 =	sadd.s32 $0x88, s3;
	s6 =	simm.s32 @!p1 $0x1082;
	[sflag:s4] =	ssyncset.s32 $0xFFFFF086  }
0x25: {  	[simem:s6], [sflag:s4] =	dma.local [hbm:s3], $0xF7A  }
0x26: {  	[smem:$0x3F9C] =	sst s1;
	(tag) =	ssettag s2;
	_ =	strace s9  }
0x27: {  	s1 =	sld [smem:$0x3FAC]  }
0x28: {  	s2 =	sld [smem:$0x3FAD]  }
0x29: {  	s4 =	sld [smem:$0x3FAF]  }
0x2a: {  	p0 =	seq.s32 s5, $0x0;
	s5 =	sld [smem:$0x3FB0]  }
0x2b: {  	s6 =	sld [smem:$0x3FB1]  }
0x2c: {  	s7 =	sld [smem:$0x3FB2]  }
0x2d: {  	s3 =	simm.s32 $0x108;
	s8 =	sld [smem:$0x3FB3]  }
0x2e: {  	s3 =	simm.s32 @!p0 $0x1082;
	s9 =	sld [smem:$0x3FB4]  }
0x2f: {  	lr =	sadd.s32 s0, s3;
	s0 =	sld [smem:$0x3FAB]  }
0x30: {  	s3 =	sld [smem:$0x3FAE]  }
0x31: {  	[smem:$0x3FB7] =	sst s10  }
0x32: {  	s10 =	sld [smem:$0x3FB5];
	_ =	sdelay $0x3  }
0x33: {  	p0 =	seq.s32 s10, $0x1;
	s10 =	sld [smem:$0x3FB7];
	_ =	sdelay $0x3  }
0x34: {  	[smem:$0x3FB7] =	sst s10  }
0x35: {  	s10 =	sld [smem:$0x3FB6];
	_ =	sdelay $0x3  }
0x36: {  	p1 =	seq.s32 s10, $0x1;
	s10 =	sld [smem:$0x3FB7];
	_ =	sdelay $0x3  }
0x37: {  	[smem:$0x3FB7] =	sst s10  }
0x38: {  	s10 =	sld [smem:$0x3FB8]  }
0x39: {  	_ = 	snop;
	(pc) =	sbr.ind lr, $3  }
0x3a: {  	_ = 	snop  }
0x3b: {  	_ = 	snop  }
0x3c: {  	p2 =	seq.s32 s10, $0x1;
	s10 =	sld [smem:$0x3FB7]  }
0x3d: {  	_ =	shalt  }
0x3e: {  	_ =	shalt  }
0x3f: {  	_ =	shalt  }
0x40: {  	_ =	shalt  }
0x41: {  	_ =	shalt  }
0x42: {  	_ =	shalt  }
0x43: {  	_ =	shalt  }
0x44: {  	_ =	shalt  }
0x45: {  	_ =	shalt  }
0x46: {  	_ =	shalt  }
0x47: {  	_ =	shalt  }
0x48: {  	_ =	shalt  }
0x49: {  	_ =	shalt  }
0x4a: {  	_ =	shalt  }
0x4b: {  	_ =	shalt  }
0x4c: {  	_ =	shalt  }
0x4d: {  	_ =	shalt  }
0x4e: {  	_ =	shalt  }
0x4f: {  	_ =	shalt  }
0x50: {  	_ =	shalt  }
0x51: {  	_ =	shalt  }
0x52: {  	_ =	shalt  }
0x53: {  	_ =	shalt  }
0x54: {  	_ =	shalt  }
0x55: {  	_ =	shalt  }
0x56: {  	_ =	shalt  }
0x57: {  	_ =	shalt  }
0x58: {  	_ =	shalt  }
0x59: {  	_ =	shalt  }
0x5a: {  	_ =	shalt  }
0x5b: {  	_ =	shalt  }
0x5c: {  	_ =	shalt  }
0x5d: {  	_ =	shalt  }
0x5e: {  	_ =	shalt  }
0x5f: {  	_ =	shalt  }
0x60: {  	_ =	shalt  }
0x61: {  	_ =	shalt  }
0x62: {  	_ =	shalt  }
0x63: {  	_ =	shalt  }
0x64: {  	_ =	shalt  }
0x65: {  	_ =	shalt  }
0x66: {  	_ =	shalt  }
0x67: {  	_ =	shalt  }
0x68: {  	_ =	shalt  }
0x69: {  	_ =	shalt  }
0x6a: {  	_ =	shalt  }
0x6b: {  	_ =	shalt  }
0x6c: {  	_ =	shalt  }
0x6d: {  	_ =	shalt  }
0x6e: {  	_ =	shalt  }
0x6f: {  	_ =	shalt  }
0x70: {  	_ =	shalt  }
0x71: {  	_ =	shalt  }
0x72: {  	_ =	shalt  }
0x73: {  	_ =	shalt  }
0x74: {  	_ =	shalt  }
0x75: {  	_ =	shalt  }
0x76: {  	_ =	shalt  }
0x77: {  	_ =	shalt  }
0x78: {  	_ =	shalt  }
0x79: {  	_ =	shalt  }
0x7a: {  	_ =	shalt  }
0x7b: {  	_ =	shalt  }
0x7c: {  	_ =	shalt  }
0x7d: {  	_ =	shalt  }
0x7e: {  	_ =	shalt  }
0x7f: {  	_ =	shalt  }
0x80: {  	_ =	shalt  }
0x81: {  	_ =	shalt  }
0x82: {  	_ =	shalt  }
0x83: {  	_ =	shalt  }
0x84: {  	_ =	shalt  }
0x85: {  	_ =	shalt  }
0x86: {  	_ =	shalt  }
0x87: {  	_ =	shalt  }
.Lfunc_end0:
.L_simem_size_0:
called_computation_lowered:
.L_overlay_start_0:
0x88: {  	s2 =	sld [smem:$0x3FD9]  }
0x89: {  	s3 =	sld [smem:$0x3FFE];
	_ =	sdelay $0x1  }
0x8a: {  	s1 =	srdreg.scid  }
0x8b: {  	s0 =	sand.u32 $0x1, s1  }
0x8c: {  	s17 =	sshll.u32 s0, $0xA;
	s2 =	sadd.s32 s3, s2  }
0x8d: {  	s2 =	sadd.s32 s2, s17  }
0x8e: {  	[smem:$0x3FC3] =	sst s2  }
0x8f: {  	_ = 	snop  }
0x90: {  	(tm) =	ssettm $0x1  }
0x91: {  	s18 =	sld [smem:$0x3FFB];
	_ =	sdelay $0x3  }
0x92: {  	_ =	strace s18  }
0x93: {  	s2 =	sld [smem:$0x3FFC];
	_ =	sdelay $0x3  }
0x94: {  	_ =	strace s2  }
0x95: {  	s2 =	sld [smem:$0x3FFD];
	_ =	sdelay $0x3  }
0x96: {  	_ =	strace s2  }
0x97: {  	_ =	strace $0x8FFFFFFF  }
0x98: {  	s19 =	sld [smem:$0x3FDB];
	_ =	sdelay $0x1  }
0x99: {  	s20 =	simm.s32 $_scs_section_size  }
0x9a: {  	s4 =	simm.s32 $_size__tile_overlayer_lowered;
	s5 =	simm.s32 $_tile_overlayer_lowered  }
0x9b: {  	s6 =	simm.s32 $0x1BFF;
	s21 =	sshll.u32 s5, $0x1;
	s3 =	sadd.s32 s20, s19  }
0x9c: {  	s22 =	simm.s32 $0x0;
	s4 =	sshll.u32 s4, $0x1;
	s5 =	sadd.s32 s21, s3  }
0x9d: {  	[timem:s22], [sflag:s6] =	dma.local [hbm:s5], s4  }
0x9e: {  	_ =	swait.ge [sflag:s6], s4  }
0x9f: {  	s4 =	ssub.s32 $0x0, s4;
	[sflag:s6] =	ssyncset.done $0x0  }
0xa0: {  	[sflag:s6] =	ssyncadd.s32 s4;
	_ =	sdelay $0x1  }
0xa1: {  	s23 =	simm.s32 $0x1B8B  }
0xa2: {  	_ =	swait.ge [sflag:s23], $0x1  }
0xa3: {  	[sflag:s23] =	ssyncset.done $0x0  }
0xa4: {  	[sflag:s23] =	ssyncadd.s32 $0xFFFFFFFF  }
0xa5: {  	s4 =	sld [smem:$0x0]  }
0xa6: {  	s5 =	sand.u32 $0xFFFFFFFE, s1  }
0xa7: {  	p0 =	sne.s32 s1, s5  }
0xa8: {  	s5 =	sshll.u32 @p0 s5, $0xE  }
0xa9: {  	s5 =	sadd.s32 @p0 $0x11B8D, s5;
	s6 =	sshll.u32 @p0 s4, $0x11  }
0xaa: {  	s5 =	sor.u32 @p0 s6, s5  }
0xab: {  	[sflag:s5] =	ssyncadd.remote.s32 @p0 $0x1;
	_ =	sdelay $0x1  }
0xac: {  	s5 =	simm.s32 @p0 $0x1B8D  }
0xad: {  	_ =	swait.eq @p0 [sflag:s5], $0x1  }
0xae: {  	[sflag:s5] =	ssyncadd.s32 @p0 $0xFFFFFFFF  }
0xaf: {  	s6 =	sshll.u32 @!p0 s1, $0xE  }
0xb0: {  	s6 =	sor.u32 @!p0 $0x4000, s6;
	s5 =	simm.s32 @!p0 $0x1B8D  }
0xb1: {  	s4 =	sshll.u32 @!p0 s4, $0x11;
	s6 =	sadd.s32 @!p0 $0x11B8D, s6;
	_ =	swait.eq @!p0 [sflag:s5], $0x1  }
0xb2: {  	s4 =	sor.u32 @!p0 s4, s6;
	[sflag:s5] =	ssyncadd.s32 @!p0 $0xFFFFFFFF  }
0xb3: {  	s25 =	simm.s32 $0x1B8E;
	s24 =	sld [smem:$0x3FFE];
	[sflag:s4] =	ssyncadd.remote.s32 @!p0 $0x1  }
0xb4: {  	s26 =	simm.s32 $execute0_lowered;
	[smem:$0x3FD2] =	sst s25  }
0xb5: {  	s5 =	sshll.u32 s26, $0x1;
	_ =	strace $0x8000004F;
	[dreg:$0x1] =	wrdreg $0xFFFFFFFF  }
0xb6: {  	s28 =	simm.s32 $_size_execute0_lowered;
	s3 =	sadd.s32 s3, s5;
	[dreg:$0x0] =	wrdreg $0x0  }
0xb7: {  	s5 =	sshll.u32 s28, $0x1;
	[dreg:$0x2] =	wrdreg s3  }
0xb8: {  	[dreg:$0x3] =	wrdreg s5  }
0xb9: {  	[dreg:$0x4] =	wrdreg $0xC0  }
0xba: {  	_ =	task [dreg:s22], $0x5FFFF  }
0xbb: {  	[dreg:$0x1] =	wrdreg $0xFFFFFFFF  }
0xbc: {  	[dreg:$0x0] =	wrdreg $0x60  }
0xbd: {  	[dreg:$0x2] =	wrdreg s24  }
0xbe: {  	[dreg:$0x3] =	wrdreg $0x9  }
0xbf: {  	_ =	task.clear_ibuf [dreg:s22], $0x4FFFF;
	_ =	strace $0x9000004F  }
0xc0: {  	s29 =	simm.s32 $0x9;
	_ =	strace $0x80000051  }
0xc1: {  	_ =	swait.ge [sflag:s29], $0x1  }
0xc2: {  	[sflag:s29] =	ssyncadd.s32 $0xFFFFFFFF  }
0xc3: {  	_ =	strace $0x90000051  }
0xc4: {  	_ =	sfence  }
0xc5: {  	s30 =	sld [smem:$0x0];
	_ =	sdelay $0x2  }
0xc6: {  	s31 =	sshll.u32 s1, $0xD;
	s1 =	sshrl.u32 s1, $0x2  }
0xc7: {  	s4 =	sand.u32 $0x4000, s31;
	s1 =	sadd.s32 s1, s30  }
0xc8: {  	s0 =	sor.u32 s4, s0;
	s1 =	sshll.u32 s1, $0x11  }
0xc9: {  	s0 =	sor.u32 s1, s0  }
0xca: {  	s0 =	sadd.s32 $0x8F2B, s0  }
0xcb: {  	[sflag:s0] =	ssyncadd.remote.s32 $0x1  }
0xcc: {  	_ =	sfence.sel $0xFFFF  }
0xcd: {  	[dreg:$0x0] =	wrdreg $0xFFFFFFFF;
	(pc) =	sbr.abs _section_cstart, $3  }
0xce: {  	[dreg:$0x1] =	wrdreg $0xFFFFFFFF  }
0xcf: {  	_ =	task.clear_ibuf [dreg:s22], $0x2FFFF;
	_ =	strace $0x9FFFFFFF  }
0xd0: {  	(tm) =	ssettm $0x7FFFFFFF  }
0xd1: {  	_ =	shalt  }
tec
execute0_lowered:
.L_overlay_start_1:
0x0: {  	(tag) =	ssettag $0x1  }
0x1: {  	s0 =	srdreg.scid  }
0x2: {  	s5 =	stileid.u32;
	s1 =	rddreg [dreg:$0x0];
	s2 =	simm.s32 $0x0  }
0x3: {  	s10 =	simm.s32 $0x3;
	s11 =	simm.s32 $0x280;
	s12 =	simm.s32 $0x1  }
0x4: {  	s13 =	simm.s32 $0xC280;
	s21 =	simm.s32 $0xCA80;
	s22 =	simm.s32 $0x10A80  }
0x5: {  	s23 =	simm.s32 $0x11280;
	s24 =	simm.s32 $0x11A80;
	s25 =	simm.s32 $0x12280  }
0x6: {  	s28 =	simm.s32 $0x13280;
	s29 =	simm.s32 $0x13A80;
	s30 =	simm.s32 $0x14280  }
0x7: {  	s31 =	simm.s32 $0x14A80;
	s14 =	simm.s32 $0x17280;
	s15 =	simm.s32 $0x17A80  }
0x8: {  	s16 =	simm.s32 $0x4;
	s17 =	simm.s32 $0x2;
	s0 =	sand.u32 $0x1, s0  }
0x9: {  	s3 =	sshll.u32 s5, $0x1;
	[smem:$0x7FF] =	sst s2;
	s5 =	smul.u32 $0x24000, s5  }
0xa: {  	s3 =	sor.u32 s0, s3;
	s6 =	ssub.s32 $0x2, s0;
	s0 =	smul.u32 $0x12000, s0  }
0xb: {  	s19 =	simm.s32 $0x0;
	_ =	strace $0x80000050;
	s3 =	smul.u32 $0x240, s3  }
0xc: {  	s7 =	sshrl.u32 s6, $0x1;
	s8 =	sadd.s32 s5, s1;
	s5 =	sadd.s32 $0x2700, s1  }
0xd: {  	s9 =	ssub.s32 s6, s7;
	s6 =	sadd.s32 $0x2800, s1;
	s7 =	sadd.s32 $0x2900, s1  }
.Ltmp0:
0xe: {  	s0 =	sadd.s32 s0, s8;
	s8 =	simm.s32 $0x16A80;
	(pc) =	sbr.rel .LBB2_1-.Ltmp0, $4  }
0xf: {  	s4 =	sshrl.u32 s3, $0x3;
	s3 =	sadd.s32 $0x2600, s1;
	s26 =	smax.u32 s9, $0x1  }
0x10: {  	v2 =	vlaneseq.u32;
	s9 =	sadd.s32 $0x7C4400, s0;
	s0 =	simm.s32 $0x15A80;
	s4 =	sadd.s32 s4, s1  }
0x11: {  	vm0 =	vmmov $0xffff;
	v1 =	vshrl.u32 v2, $0x3;
	[dreg:$0x3] =	wrdreg s26;
	s26 =	simm.s32 $0x12A80;
	s4 =	sadd.s32 $0x7C3A00, s4  }
0x12: {  	v0 =	vand.u32 $0x7, v2;
	v2 =	vor.u32 $0x8, v2;
	v1 =	vmul.u32 $0x8, v1;
	s1 =	simm.s32 $0x15280;
	[dreg:$0x2] =	wrdreg s4;
	s4 =	simm.s32 $0x16280  }
.LBB2_5:
0x13: {  	s19 =	rddreg [dreg:$0x4]  }
0x14: {  	s18 =	rddreg [dreg:$0x3];
	s19 =	sadd.s32 $0x1, s19  }
0x15: {  	p0 =	sne.s32 s19, s18  }
.Ltmp1:
0x16: {  	_ = 	snop;
	(pc) =	sbr.rel @!p0 .LBB2_6-.Ltmp1, $1  }
0x17: {  	_ =	sdelay $0x3  }
.LBB2_1:
0x18: {  	[dreg:$0x4] =	wrdreg s19  }
0x19: {  	s18 =	rddreg [dreg:$0x2]  }
0x1a: {  	[tilespmem:s2], [sflag:$0x3] =	stream.linear.gather [hbm4b:s18+s2], $0x240, $0x38;
	[tilespmem:$0x18280] =	vst v63  }
0x1b: {  	_ =	swait.ge [sflag:s10], $0x240  }
0x1c: {  	[sflag:s10] =	ssyncset.done $0x0  }
0x1d: {  	[sflag:s10] =	ssyncadd.s32 $0xFFFFFDC0  }
0x1e: {  	v3 =	vld [tilespmem:$0x0];
	_ =	sdelay $0x4  }
0x1f: {  	v4 =	vshll.u32 v3, $0x3  }
0x20: {  	v3 =	vand.u32 $0x7, v3;
	v4 =	vand.u32 $0xFFFFFFC0, v4  }
0x21: {  	v3 =	vor.u32 v3, v4  }
0x22: {  	v4 =	vperm.xlane v3, v0;
	_ =	sdelay $0x1  }
0x23: {  	v4 =	vadd.s32 v1, v4;
	_ =	sdelay $0x4  }
0x24: {  	[tilespmem:s11], [sflag:$0x1] =	stream.indirect_vreg.gather [hbm4b:s3+s2], $0x80, v4, vm0, $0xb8;
	[tilespmem:$0x18280] =	vst v63  }
0x25: {  	s20 =	simm.s32 $0xA80;
	v3 =	vperm.xlane v3, v2  }
0x26: {  	[tilespmem:s20], [sflag:$0x1] =	stream.indirect_vreg.gather [hbm4b:s5+s2], $0x80, v4, vm0, $0xb8;
	[tilespmem:$0x18280] =	vst v63  }
0x27: {  	s19 =	simm.s32 $0x1280;
	v3 =	vadd.s32 v1, v3  }
0x28: {  	[tilespmem:s19], [sflag:$0x1] =	stream.indirect_vreg.gather [hbm4b:s6+s2], $0x80, v4, vm0, $0xb8;
	[tilespmem:$0x18280] =	vst v63  }
0x29: {  	s20 =	simm.s32 $0x1A80  }
0x2a: {  	[tilespmem:s20], [sflag:$0x1] =	stream.indirect_vreg.gather [hbm4b:s7+s2], $0x80, v4, vm0, $0xb8;
	[tilespmem:$0x18280] =	vst v63  }
0x2b: {  	s19 =	simm.s32 $0x2280  }
0x2c: {  	[tilespmem:s19], [sflag:$0x1] =	stream.indirect_vreg.gather [hbm4b:s3+s2], $0x80, v3, vm0, $0xb8;
	[tilespmem:$0x18280] =	vst v63  }
0x2d: {  	s20 =	simm.s32 $0x2A80  }
0x2e: {  	[tilespmem:s20], [sflag:$0x1] =	stream.indirect_vreg.gather [hbm4b:s5+s2], $0x80, v3, vm0, $0xb8;
	[tilespmem:$0x18280] =	vst v63  }
0x2f: {  	s19 =	simm.s32 $0x3280  }
0x30: {  	[tilespmem:s19], [sflag:$0x1] =	stream.indirect_vreg.gather [hbm4b:s6+s2], $0x80, v3, vm0, $0xb8;
	[tilespmem:$0x18280] =	vst v63  }
0x31: {  	s20 =	simm.s32 $0x3A80  }
0x32: {  	[tilespmem:s20], [sflag:$0x1] =	stream.indirect_vreg.gather [hbm4b:s7+s2], $0x80, v3, vm0, $0xb8;
	[tilespmem:$0x18280] =	vst v63  }
0x33: {  	v3 =	vld [tilespmem:$0x10];
	_ =	sdelay $0x4  }
0x34: {  	v62 =	vshll.u32 v3, $0x3  }
0x35: {  	v3 =	vand.u32 $0x7, v3;
	v4 =	vand.u32 $0xFFFFFFC0, v62  }
0x36: {  	v3 =	vor.u32 v3, v4  }
0x37: {  	v4 =	vperm.xlane v3, v0;
	_ =	sdelay $0x1  }
0x38: {  	v4 =	vadd.s32 v1, v4;
	_ =	sdelay $0x3  }
0x39: {  	s19 =	simm.s32 $0x4280  }
0x3a: {  	[tilespmem:s19], [sflag:$0x1] =	stream.indirect_vreg.gather [hbm4b:s3+s2], $0x80, v4, vm0, $0xb8;
	[tilespmem:$0x18280] =	vst v63  }
0x3b: {  	s20 =	simm.s32 $0x4A80;
	v3 =	vperm.xlane v3, v2  }
0x3c: {  	[tilespmem:s20], [sflag:$0x1] =	stream.indirect_vreg.gather [hbm4b:s5+s2], $0x80, v4, vm0, $0xb8;
	[tilespmem:$0x18280] =	vst v63  }
0x3d: {  	v3 =	vadd.s32 v1, v3;
	s19 =	simm.s32 $0x5280  }
0x3e: {  	[tilespmem:s19], [sflag:$0x1] =	stream.indirect_vreg.gather [hbm4b:s6+s2], $0x80, v4, vm0, $0xb8;
	[tilespmem:$0x18280] =	vst v63  }
0x3f: {  	s20 =	simm.s32 $0x5A80  }
0x40: {  	[tilespmem:s20], [sflag:$0x1] =	stream.indirect_vreg.gather [hbm4b:s7+s2], $0x80, v4, vm0, $0xb8;
	[tilespmem:$0x18280] =	vst v63  }
0x41: {  	s19 =	simm.s32 $0x6280  }
0x42: {  	[tilespmem:s19], [sflag:$0x1] =	stream.indirect_vreg.gather [hbm4b:s3+s2], $0x80, v3, vm0, $0xb8;
	[tilespmem:$0x18280] =	vst v63  }
0x43: {  	s20 =	simm.s32 $0x6A80  }
0x44: {  	[tilespmem:s20], [sflag:$0x1] =	stream.indirect_vreg.gather [hbm4b:s5+s2], $0x80, v3, vm0, $0xb8;
	[tilespmem:$0x18280] =	vst v63  }
0x45: {  	s19 =	simm.s32 $0x7280  }
0x46: {  	[tilespmem:s19], [sflag:$0x1] =	stream.indirect_vreg.gather [hbm4b:s6+s2], $0x80, v3, vm0, $0xb8;
	[tilespmem:$0x18280] =	vst v63  }
0x47: {  	s20 =	simm.s32 $0x7A80  }
0x48: {  	[tilespmem:s20], [sflag:$0x1] =	stream.indirect_vreg.gather [hbm4b:s7+s2], $0x80, v3, vm0, $0xb8;
	[tilespmem:$0x18280] =	vst v63  }
0x49: {  	v3 =	vld [tilespmem:$0x20];
	_ =	sdelay $0x4  }
0x4a: {  	v63 =	vshll.u32 v3, $0x3  }
0x4b: {  	v3 =	vand.u32 $0x7, v3;
	v4 =	vand.u32 $0xFFFFFFC0, v63  }
0x4c: {  	v3 =	vor.u32 v3, v4  }
0x4d: {  	v4 =	vperm.xlane v3, v0;
	_ =	sdelay $0x1  }
0x4e: {  	v4 =	vadd.s32 v1, v4;
	_ =	sdelay $0x3  }
0x4f: {  	s19 =	simm.s32 $0x8280  }
0x50: {  	[tilespmem:s19], [sflag:$0x1] =	stream.indirect_vreg.gather [hbm4b:s3+s2], $0x80, v4, vm0, $0xb8;
	[tilespmem:$0x18280] =	vst v63  }
0x51: {  	s20 =	simm.s32 $0x8A80;
	v3 =	vperm.xlane v3, v2  }
0x52: {  	[tilespmem:s20], [sflag:$0x1] =	stream.indirect_vreg.gather [hbm4b:s5+s2], $0x80, v4, vm0, $0xb8;
	[tilespmem:$0x18280] =	vst v63  }
0x53: {  	v3 =	vadd.s32 v1, v3;
	s19 =	simm.s32 $0x9280  }
0x54: {  	[tilespmem:s19], [sflag:$0x1] =	stream.indirect_vreg.gather [hbm4b:s6+s2], $0x80, v4, vm0, $0xb8;
	[tilespmem:$0x18280] =	vst v63  }
0x55: {  	s20 =	simm.s32 $0x9A80  }
0x56: {  	[tilespmem:s20], [sflag:$0x1] =	stream.indirect_vreg.gather [hbm4b:s7+s2], $0x80, v4, vm0, $0xb8;
	[tilespmem:$0x18280] =	vst v63  }
0x57: {  	s19 =	simm.s32 $0xA280  }
0x58: {  	[tilespmem:s19], [sflag:$0x1] =	stream.indirect_vreg.gather [hbm4b:s3+s2], $0x80, v3, vm0, $0xb8;
	[tilespmem:$0x18280] =	vst v63  }
0x59: {  	s20 =	simm.s32 $0xAA80  }
0x5a: {  	[tilespmem:s20], [sflag:$0x1] =	stream.indirect_vreg.gather [hbm4b:s5+s2], $0x80, v3, vm0, $0xb8;
	[tilespmem:$0x18280] =	vst v63  }
.Ltmp2:
0x5b: {  	_ = 	snop;
	(pc) =	sbr.rel .LBB2_2-.Ltmp2, $4  }
0x5c: {  	s19 =	simm.s32 $0xB280  }
0x5d: {  	[tilespmem:s19], [sflag:$0x1] =	stream.indirect_vreg.gather [hbm4b:s6+s2], $0x80, v3, vm0, $0xb8;
	[tilespmem:$0x18280] =	vst v63  }
0x5e: {  	s18 =	simm.s32 $0x40;
	s20 =	simm.s32 $0xBA80;
	s19 =	simm.s32 $0x0  }
0x5f: {  	[tilespmem:s20], [sflag:$0x1] =	stream.indirect_vreg.gather [hbm4b:s7+s2], $0x80, v3, vm0, $0xb8;
	[tilespmem:$0x18280] =	vst v63  }
.LBB2_4:
0x60: {  	s19 =	sadd.s32 $0x3000, s19  }
0x61: {  	p0 =	sne.s32 s19, $0x12000  }
.Ltmp3:
0x62: {  	s20 =	sadd.s32 $0x1800, s20;
	(pc) =	sbr.rel @!p0 .LBB2_5-.Ltmp3, $4  }
0x63: {  	[hbm4b:s20+s2] =	stream.linear.scatter [tilespmem:s13], [sflag:$0x3], $0xC000, $0x38;
	[tilespmem:$0x18280] =	vst v63  }
0x64: {  	_ =	swait.ge [sflag:s10], $0xC000  }
0x65: {  	[sflag:s10] =	ssyncset.done $0x0  }
0x66: {  	s18 =	sadd.s32 $0x60, s18;
	[sflag:s10] =	ssyncadd.s32 $0xFFFF4000  }
.LBB2_2:
0x67: {  	_ =	swait.ge [sflag:s12], $0xC000  }
0x68: {  	[sflag:s12] =	ssyncset.done $0x0  }
0x69: {  	[sflag:s12] =	ssyncadd.s32 $0xFFFF4000  }
0x6a: {  	v3 =	vld [tilespmem:s18+$0xFFFFFFF0];
	_ =	sdelay $0x4  }
0x6b: {  	v4 =	vshll.u32 v3, $0x3  }
0x6c: {  	v3 =	vand.u32 $0x7, v3;
	v4 =	vand.u32 $0xFFFFFFC0, v4  }
0x6d: {  	v3 =	vor.u32 v3, v4  }
0x6e: {  	v4 =	vperm.xlane v3, v0;
	_ =	sdelay $0x1  }
0x6f: {  	v4 =	vadd.s32 v1, v4;
	_ =	sdelay $0x4  }
0x70: {  	[tilespmem:s13], [sflag:$0x2] =	stream.indirect_vreg.gather [hbm4b:s3+s2], $0x80, v4, vm0, $0xb8;
	[tilespmem:$0x18280] =	vst v63  }
0x71: {  	v3 =	vperm.xlane v3, v2  }
0x72: {  	[tilespmem:s21], [sflag:$0x2] =	stream.indirect_vreg.gather [hbm4b:s5+s2], $0x80, v4, vm0, $0xb8;
	[tilespmem:$0x18280] =	vst v63  }
0x73: {  	s20 =	simm.s32 $0xD280;
	v3 =	vadd.s32 v1, v3  }
0x74: {  	[tilespmem:s20], [sflag:$0x2] =	stream.indirect_vreg.gather [hbm4b:s6+s2], $0x80, v4, vm0, $0xb8;
	[tilespmem:$0x18280] =	vst v63  }
0x75: {  	s20 =	simm.s32 $0xDA80  }
0x76: {  	[tilespmem:s20], [sflag:$0x2] =	stream.indirect_vreg.gather [hbm4b:s7+s2], $0x80, v4, vm0, $0xb8;
	[tilespmem:$0x18280] =	vst v63  }
0x77: {  	s20 =	simm.s32 $0xE280  }
0x78: {  	[tilespmem:s20], [sflag:$0x2] =	stream.indirect_vreg.gather [hbm4b:s3+s2], $0x80, v3, vm0, $0xb8;
	[tilespmem:$0x18280] =	vst v63  }
0x79: {  	s20 =	simm.s32 $0xEA80  }
0x7a: {  	[tilespmem:s20], [sflag:$0x2] =	stream.indirect_vreg.gather [hbm4b:s5+s2], $0x80, v3, vm0, $0xb8;
	[tilespmem:$0x18280] =	vst v63  }
0x7b: {  	s20 =	simm.s32 $0xF280  }
0x7c: {  	[tilespmem:s20], [sflag:$0x2] =	stream.indirect_vreg.gather [hbm4b:s6+s2], $0x80, v3, vm0, $0xb8;
	[tilespmem:$0x18280] =	vst v63  }
0x7d: {  	s20 =	simm.s32 $0xFA80  }
0x7e: {  	[tilespmem:s20], [sflag:$0x2] =	stream.indirect_vreg.gather [hbm4b:s7+s2], $0x80, v3, vm0, $0xb8;
	[tilespmem:$0x18280] =	vst v63  }
0x7f: {  	v3 =	vld [tilespmem:s18+$0x0];
	_ =	sdelay $0x4  }
0x80: {  	v62 =	vshll.u32 v3, $0x3  }
0x81: {  	v3 =	vand.u32 $0x7, v3;
	v4 =	vand.u32 $0xFFFFFFC0, v62  }
0x82: {  	v3 =	vor.u32 v3, v4  }
0x83: {  	v4 =	vperm.xlane v3, v0;
	_ =	sdelay $0x1  }
0x84: {  	v4 =	vadd.s32 v1, v4;
	_ =	sdelay $0x3  }
0x85: {  	s20 =	simm.s32 $0x10280  }
0x86: {  	[tilespmem:s20], [sflag:$0x2] =	stream.indirect_vreg.gather [hbm4b:s3+s2], $0x80, v4, vm0, $0xb8;
	[tilespmem:$0x18280] =	vst v63  }
0x87: {  	v3 =	vperm.xlane v3, v2  }
0x88: {  	[tilespmem:s22], [sflag:$0x2] =	stream.indirect_vreg.gather [hbm4b:s5+s2], $0x80, v4, vm0, $0xb8;
	[tilespmem:$0x18280] =	vst v63  }
0x89: {  	v3 =	vadd.s32 v1, v3  }
0x8a: {  	[tilespmem:s23], [sflag:$0x2] =	stream.indirect_vreg.gather [hbm4b:s6+s2], $0x80, v4, vm0, $0xb8;
	[tilespmem:$0x18280] =	vst v63  }
0x8b: {  	_ = 	snop  }
0x8c: {  	[tilespmem:s24], [sflag:$0x2] =	stream.indirect_vreg.gather [hbm4b:s7+s2], $0x80, v4, vm0, $0xb8;
	[tilespmem:$0x18280] =	vst v63  }
0x8d: {  	_ = 	snop  }
0x8e: {  	[tilespmem:s25], [sflag:$0x2] =	stream.indirect_vreg.gather [hbm4b:s3+s2], $0x80, v3, vm0, $0xb8;
	[tilespmem:$0x18280] =	vst v63  }
0x8f: {  	_ = 	snop  }
0x90: {  	[tilespmem:s26], [sflag:$0x2] =	stream.indirect_vreg.gather [hbm4b:s5+s2], $0x80, v3, vm0, $0xb8;
	[tilespmem:$0x18280] =	vst v63  }
0x91: {  	_ = 	snop  }
0x92: {  	[tilespmem:s28], [sflag:$0x2] =	stream.indirect_vreg.gather [hbm4b:s6+s2], $0x80, v3, vm0, $0xb8;
	[tilespmem:$0x18280] =	vst v63  }
0x93: {  	_ = 	snop  }
0x94: {  	[tilespmem:s29], [sflag:$0x2] =	stream.indirect_vreg.gather [hbm4b:s7+s2], $0x80, v3, vm0, $0xb8;
	[tilespmem:$0x18280] =	vst v63  }
0x95: {  	v3 =	vld [tilespmem:s18+$0x10];
	_ =	sdelay $0x4  }
0x96: {  	v63 =	vshll.u32 v3, $0x3  }
0x97: {  	v3 =	vand.u32 $0x7, v3;
	v4 =	vand.u32 $0xFFFFFFC0, v63  }
0x98: {  	v3 =	vor.u32 v3, v4  }
0x99: {  	v4 =	vperm.xlane v3, v0;
	_ =	sdelay $0x1  }
0x9a: {  	v4 =	vadd.s32 v1, v4;
	_ =	sdelay $0x4  }
0x9b: {  	[tilespmem:s30], [sflag:$0x2] =	stream.indirect_vreg.gather [hbm4b:s3+s2], $0x80, v4, vm0, $0xb8;
	[tilespmem:$0x18280] =	vst v63  }
0x9c: {  	v3 =	vperm.xlane v3, v2  }
0x9d: {  	[tilespmem:s31], [sflag:$0x2] =	stream.indirect_vreg.gather [hbm4b:s5+s2], $0x80, v4, vm0, $0xb8;
	[tilespmem:$0x18280] =	vst v63  }
0x9e: {  	v3 =	vadd.s32 v1, v3  }
0x9f: {  	[tilespmem:s1], [sflag:$0x2] =	stream.indirect_vreg.gather [hbm4b:s6+s2], $0x80, v4, vm0, $0xb8;
	[tilespmem:$0x18280] =	vst v63  }
0xa0: {  	_ = 	snop  }
0xa1: {  	[tilespmem:s0], [sflag:$0x2] =	stream.indirect_vreg.gather [hbm4b:s7+s2], $0x80, v4, vm0, $0xb8;
	[tilespmem:$0x18280] =	vst v63  }
0xa2: {  	_ = 	snop  }
0xa3: {  	[tilespmem:s4], [sflag:$0x2] =	stream.indirect_vreg.gather [hbm4b:s3+s2], $0x80, v3, vm0, $0xb8;
	[tilespmem:$0x18280] =	vst v63  }
0xa4: {  	_ = 	snop  }
0xa5: {  	[tilespmem:s8], [sflag:$0x2] =	stream.indirect_vreg.gather [hbm4b:s5+s2], $0x80, v3, vm0, $0xb8;
	[tilespmem:$0x18280] =	vst v63  }
0xa6: {  	_ = 	snop  }
0xa7: {  	[tilespmem:s14], [sflag:$0x2] =	stream.indirect_vreg.gather [hbm4b:s6+s2], $0x80, v3, vm0, $0xb8;
	[tilespmem:$0x18280] =	vst v63  }
0xa8: {  	_ = 	snop  }
0xa9: {  	[tilespmem:s15], [sflag:$0x2] =	stream.indirect_vreg.gather [hbm4b:s7+s2], $0x80, v3, vm0, $0xb8;
	[tilespmem:$0x18280] =	vst v63  }
0xaa: {  	s20 =	sadd.s32 s19, s9  }
0xab: {  	[hbm4b:s20+s2] =	stream.linear.scatter [tilespmem:s11], [sflag:$0x4], $0xC000, $0x38;
	[tilespmem:$0x18280] =	vst v63  }
0xac: {  	p0 =	seq.s32 s19, $0xF000;
	_ =	swait.ge [sflag:s16], $0xC000  }
.Ltmp4:
0xad: {  	[sflag:s16] =	ssyncset.done $0x0;
	(pc) =	sbr.rel @p0 .LBB2_4-.Ltmp4, $4  }
0xae: {  	[sflag:s16] =	ssyncadd.s32 $0xFFFF4000  }
0xaf: {  	_ =	swait.ge [sflag:s17], $0xC000  }
0xb0: {  	[sflag:s17] =	ssyncset.done $0x0  }
0xb1: {  	[sflag:s17] =	ssyncadd.s32 $0xFFFF4000  }
0xb2: {  	v3 =	vld [tilespmem:s18+$0x20];
	_ =	sdelay $0x4  }
0xb3: {  	v4 =	vshll.u32 v3, $0x3  }
0xb4: {  	v3 =	vand.u32 $0x7, v3;
	v4 =	vand.u32 $0xFFFFFFC0, v4  }
0xb5: {  	v3 =	vor.u32 v3, v4  }
0xb6: {  	v4 =	vperm.xlane v3, v0;
	_ =	sdelay $0x1  }
0xb7: {  	v4 =	vadd.s32 v1, v4;
	_ =	sdelay $0x4  }
0xb8: {  	[tilespmem:s11], [sflag:$0x1] =	stream.indirect_vreg.gather [hbm4b:s3+s2], $0x80, v4, vm0, $0xb8;
	[tilespmem:$0x18280] =	vst v63  }
0xb9: {  	s21 =	simm.s32 $0xA80;
	v3 =	vperm.xlane v3, v2  }
0xba: {  	[tilespmem:s21], [sflag:$0x1] =	stream.indirect_vreg.gather [hbm4b:s5+s2], $0x80, v4, vm0, $0xb8;
	[tilespmem:$0x18280] =	vst v63  }
0xbb: {  	v3 =	vadd.s32 v1, v3;
	s21 =	simm.s32 $0x1280  }
0xbc: {  	[tilespmem:s21], [sflag:$0x1] =	stream.indirect_vreg.gather [hbm4b:s6+s2], $0x80, v4, vm0, $0xb8;
	[tilespmem:$0x18280] =	vst v63  }
0xbd: {  	s21 =	simm.s32 $0x1A80  }
0xbe: {  	[tilespmem:s21], [sflag:$0x1] =	stream.indirect_vreg.gather [hbm4b:s7+s2], $0x80, v4, vm0, $0xb8;
	[tilespmem:$0x18280] =	vst v63  }
0xbf: {  	s21 =	simm.s32 $0x2280  }
0xc0: {  	[tilespmem:s21], [sflag:$0x1] =	stream.indirect_vreg.gather [hbm4b:s3+s2], $0x80, v3, vm0, $0xb8;
	[tilespmem:$0x18280] =	vst v63  }
0xc1: {  	s21 =	simm.s32 $0x2A80  }
0xc2: {  	[tilespmem:s21], [sflag:$0x1] =	stream.indirect_vreg.gather [hbm4b:s5+s2], $0x80, v3, vm0, $0xb8;
	[tilespmem:$0x18280] =	vst v63  }
0xc3: {  	s21 =	simm.s32 $0x3280  }
0xc4: {  	[tilespmem:s21], [sflag:$0x1] =	stream.indirect_vreg.gather [hbm4b:s6+s2], $0x80, v3, vm0, $0xb8;
	[tilespmem:$0x18280] =	vst v63  }
0xc5: {  	s21 =	simm.s32 $0x3A80  }
0xc6: {  	[tilespmem:s21], [sflag:$0x1] =	stream.indirect_vreg.gather [hbm4b:s7+s2], $0x80, v3, vm0, $0xb8;
	[tilespmem:$0x18280] =	vst v63  }
0xc7: {  	v3 =	vld [tilespmem:s18+$0x30];
	_ =	sdelay $0x4  }
0xc8: {  	v62 =	vshll.u32 v3, $0x3  }
0xc9: {  	v3 =	vand.u32 $0x7, v3;
	v4 =	vand.u32 $0xFFFFFFC0, v62  }
0xca: {  	v3 =	vor.u32 v3, v4  }
0xcb: {  	v4 =	vperm.xlane v3, v0;
	_ =	sdelay $0x1  }
0xcc: {  	v4 =	vadd.s32 v1, v4;
	_ =	sdelay $0x3  }
0xcd: {  	s21 =	simm.s32 $0x4280  }
0xce: {  	[tilespmem:s21], [sflag:$0x1] =	stream.indirect_vreg.gather [hbm4b:s3+s2], $0x80, v4, vm0, $0xb8;
	[tilespmem:$0x18280] =	vst v63  }
0xcf: {  	v3 =	vperm.xlane v3, v2;
	s21 =	simm.s32 $0x4A80  }
0xd0: {  	[tilespmem:s21], [sflag:$0x1] =	stream.indirect_vreg.gather [hbm4b:s5+s2], $0x80, v4, vm0, $0xb8;
	[tilespmem:$0x18280] =	vst v63  }
0xd1: {  	v3 =	vadd.s32 v1, v3;
	s21 =	simm.s32 $0x5280  }
0xd2: {  	[tilespmem:s21], [sflag:$0x1] =	stream.indirect_vreg.gather [hbm4b:s6+s2], $0x80, v4, vm0, $0xb8;
	[tilespmem:$0x18280] =	vst v63  }
0xd3: {  	s21 =	simm.s32 $0x5A80  }
0xd4: {  	[tilespmem:s21], [sflag:$0x1] =	stream.indirect_vreg.gather [hbm4b:s7+s2], $0x80, v4, vm0, $0xb8;
	[tilespmem:$0x18280] =	vst v63  }
0xd5: {  	s21 =	simm.s32 $0x6280  }
0xd6: {  	[tilespmem:s21], [sflag:$0x1] =	stream.indirect_vreg.gather [hbm4b:s3+s2], $0x80, v3, vm0, $0xb8;
	[tilespmem:$0x18280] =	vst v63  }
0xd7: {  	s21 =	simm.s32 $0x6A80  }
0xd8: {  	[tilespmem:s21], [sflag:$0x1] =	stream.indirect_vreg.gather [hbm4b:s5+s2], $0x80, v3, vm0, $0xb8;
	[tilespmem:$0x18280] =	vst v63  }
0xd9: {  	s21 =	simm.s32 $0x7280  }
0xda: {  	[tilespmem:s21], [sflag:$0x1] =	stream.indirect_vreg.gather [hbm4b:s6+s2], $0x80, v3, vm0, $0xb8;
	[tilespmem:$0x18280] =	vst v63  }
0xdb: {  	s21 =	simm.s32 $0x7A80  }
0xdc: {  	[tilespmem:s21], [sflag:$0x1] =	stream.indirect_vreg.gather [hbm4b:s7+s2], $0x80, v3, vm0, $0xb8;
	[tilespmem:$0x18280] =	vst v63  }
0xdd: {  	v3 =	vld [tilespmem:s18+$0x40];
	_ =	sdelay $0x4  }
0xde: {  	v63 =	vshll.u32 v3, $0x3  }
0xdf: {  	v3 =	vand.u32 $0x7, v3;
	v4 =	vand.u32 $0xFFFFFFC0, v63  }
0xe0: {  	v3 =	vor.u32 v3, v4  }
0xe1: {  	v4 =	vperm.xlane v3, v0;
	_ =	sdelay $0x1  }
0xe2: {  	v4 =	vadd.s32 v1, v4;
	_ =	sdelay $0x3  }
0xe3: {  	s21 =	simm.s32 $0x8280  }
0xe4: {  	[tilespmem:s21], [sflag:$0x1] =	stream.indirect_vreg.gather [hbm4b:s3+s2], $0x80, v4, vm0, $0xb8;
	[tilespmem:$0x18280] =	vst v63  }
0xe5: {  	v3 =	vperm.xlane v3, v2;
	s21 =	simm.s32 $0x8A80  }
0xe6: {  	[tilespmem:s21], [sflag:$0x1] =	stream.indirect_vreg.gather [hbm4b:s5+s2], $0x80, v4, vm0, $0xb8;
	[tilespmem:$0x18280] =	vst v63  }
0xe7: {  	v3 =	vadd.s32 v1, v3;
	s21 =	simm.s32 $0x9280  }
0xe8: {  	[tilespmem:s21], [sflag:$0x1] =	stream.indirect_vreg.gather [hbm4b:s6+s2], $0x80, v4, vm0, $0xb8;
	[tilespmem:$0x18280] =	vst v63  }
0xe9: {  	s21 =	simm.s32 $0x9A80  }
0xea: {  	[tilespmem:s21], [sflag:$0x1] =	stream.indirect_vreg.gather [hbm4b:s7+s2], $0x80, v4, vm0, $0xb8;
	[tilespmem:$0x18280] =	vst v63  }
0xeb: {  	s21 =	simm.s32 $0xA280  }
0xec: {  	[tilespmem:s21], [sflag:$0x1] =	stream.indirect_vreg.gather [hbm4b:s3+s2], $0x80, v3, vm0, $0xb8;
	[tilespmem:$0x18280] =	vst v63  }
0xed: {  	s21 =	simm.s32 $0xAA80  }
0xee: {  	[tilespmem:s21], [sflag:$0x1] =	stream.indirect_vreg.gather [hbm4b:s5+s2], $0x80, v3, vm0, $0xb8;
	[tilespmem:$0x18280] =	vst v63  }
.Ltmp5:
0xef: {  	s21 =	simm.s32 $0xB280;
	(pc) =	sbr.rel .LBB2_4-.Ltmp5, $4  }
0xf0: {  	[tilespmem:s21], [sflag:$0x1] =	stream.indirect_vreg.gather [hbm4b:s6+s2], $0x80, v3, vm0, $0xb8;
	[tilespmem:$0x18280] =	vst v63  }
0xf1: {  	s21 =	simm.s32 $0xBA80  }
0xf2: {  	[tilespmem:s21], [sflag:$0x1] =	stream.indirect_vreg.gather [hbm4b:s7+s2], $0x80, v3, vm0, $0xb8;
	[tilespmem:$0x18280] =	vst v63  }
0xf3: {  	s21 =	simm.s32 $0xCA80  }
.LBB2_6:
0xf4: {  	_ =	sfence.sel $0x180000  }
0xf5: {  	[bflag:$0x0] =	sbarrier.arrive $0xFFFF  }
0xf6: {  	_ =	strace $0x90000050  }
0xf7: {  	s0 =	stileid.u32;
	[bflag:$0x2] =	sbarrier.arrive $0xFFFF  }
0xf8: {  	p0 =	sne.s32 s0, $0x0;
	s0 =	rddreg [dreg:$0x1]  }
0xf9: {  	s0 =	sadd.s32 @!p0 $0x100000, s0  }
0xfa: {  	[sflag:s0] =	ssyncadd.tile.s32 @!p0 $0x1;
	_ =	shalt  }
.Lfunc_end2:
_tile_overlayer_lowered:
.L_overlay_start_2:
0xfb: {  	(tag) =	ssettag $0x2  }
0xfc: {  	s0 =	rddreg [dreg:$0x0];
	s2 =	stileid.u32  }
0xfd: {  	s1 =	rddreg [dreg:$0x1];
	p0 =	sne.s32 s2, $0x0  }
0xfe: {  	s3 =	rddreg [dreg:$0x2];
	[bflag:$0x3] =	sbarrier.arrive $0xFFFF;
	s2 =	simm.s32 @!p0 $0x1C03  }
0xff: {  	[timem:s3], [sflag:s2] =	dma.local @!p0 [hbm:s0], s1  }
0x100: {  	s0 =	simm.s32 @!p0 $0x3  }
0x101: {  	_ =	swait.ge @!p0 [sflag:s0], s1  }
0x102: {  	s1 =	ssub.s32 @!p0 $0x0, s1;
	[sflag:s0] =	ssyncset.done @!p0 $0x0  }
0x103: {  	[sflag:s0] =	ssyncadd.s32 @!p0 s1  }
0x104: {  	[bflag:$0x3] =	sbarrier.arrive $0xFFFF  }
0x105: {  	_ =	shalt  }

// kernel: kernel.18.cloned.1.call-start
scs
__scs_entry_jumppad:
0x0: {  	(pc) =	sbr.rel $0x88, $3  }
0x1: {  	(tag) =	ssettag $0x0;
	lr =	simm.s32 $0x1  }
0x2: {  	[smem:$0x3F9C] =	sst lr;
	_ =	strace $0xD0000000  }
0x3: {  	_ = 	snop  }
0x4: {  	_ = 	snop  }
0x5: {  	_ = 	snop  }
0x6: {  	_ = 	snop  }
0x7: {  	_ = 	snop  }
__scs_overlays_trampoline_lowered:
0x8: {  	[smem:$0x3FAB] =	sst s0  }
0x9: {  	[smem:$0x3FAC] =	sst s1  }
0xa: {  	[smem:$0x3FAD] =	sst s2  }
0xb: {  	[smem:$0x3FAE] =	sst s3  }
0xc: {  	[smem:$0x3FAF] =	sst s4  }
0xd: {  	[smem:$0x3FB0] =	sst s5  }
0xe: {  	[smem:$0x3FB1] =	sst s6  }
0xf: {  	[smem:$0x3FB2] =	sst s7  }
0x10: {  	[smem:$0x3FB3] =	sst s8  }
0x11: {  	[smem:$0x3FB4] =	sst s9;
	s0 =	simm.s32 @!p0 $0x0  }
0x12: {  	s1 =	sld [smem:$0x3F9A];
	s0 =	simm.s32 @p0 $0x1  }
0x13: {  	[smem:$0x3FB5] =	sst s0;
	s0 =	simm.s32 @!p1 $0x0  }
0x14: {  	s2 =	sld [smem:$0x3F99];
	s0 =	simm.s32 @p1 $0x1  }
0x15: {  	[smem:$0x3FB6] =	sst s0;
	s0 =	simm.s32 @!p2 $0x0  }
0x16: {  	s3 =	sld [smem:$0x3FDB];
	s0 =	simm.s32 @p2 $0x1  }
0x17: {  	s4 =	simm.s32 $0x1BF5;
	[smem:$0x3FB8] =	sst s0  }
0x18: {  	s0 =	sld [smem:$0x3F9B];
	_ =	swait.ge [sflag:s4], $0x0  }
0x19: {  	s7 =	sld [smem:$0x3F9C]  }
0x1a: {  	s8 =	sadd.s32 $0xFFFFE003, lr  }
0x1b: {  	s9 =	sadd.s32 $0xFFFFFEF7, lr;
	s5 =	simm.s32 $0xFFFFFFFF;
	p2 =	slt.u32 s8, $0xFFFFF086  }
0x1c: {  	p1 =	slt.u32 s9, $0xF7A;
	s5 =	simm.s32 @!p2 $0x0  }
0x1d: {  	s5 =	simm.s32 @p1 $0x1;
	p0 =	seq.s32 s7, s2  }
0x1e: {  	s7 =	smul.u32 @!p0 $0xF7A, s2;
	p2 =	seq.s32 @!p0 s5, $0x0  }
0x1f: {  	s9 =	smul.u32 $0xF7A, s1;
	s8 =	simm.s32 @!p0 $0x1BF5;
	p2 =	por !p2, p0  }
0x20: {  	[sflag:s8] =	ssyncset.s32 @!p0 $0xFFFFF086;
	s6 =	sadd.s32 @!p0 s3, s7;
	s7 =	simm.s32 @!p0 $0x108  }
0x21: {  	s3 =	sadd.s32 s3, s9;
	s6 =	sadd.s32 @!p0 $0x88, s6;
	s7 =	simm.s32 @p2 $0x1082  }
0x22: {  	[simem:s7], [sflag:s8] =	dma.local @!p0 [hbm:s6], $0xF7A  }
0x23: {  	s9 =	sor.u32 $0xD0000000, s2;
	s6 =	simm.s32 $0x108;
	_ =	swait.ge @!p0 [sflag:s8], $0x0  }
0x24: {  	s3 =	sadd.s32 $0x88, s3;
	s6 =	simm.s32 @!p1 $0x1082;
	[sflag:s4] =	ssyncset.s32 $0xFFFFF086  }
0x25: {  	[simem:s6], [sflag:s4] =	dma.local [hbm:s3], $0xF7A  }
0x26: {  	[smem:$0x3F9C] =	sst s1;
	(tag) =	ssettag s2;
	_ =	strace s9  }
0x27: {  	s1 =	sld [smem:$0x3FAC]  }
0x28: {  	s2 =	sld [smem:$0x3FAD]  }
0x29: {  	s4 =	sld [smem:$0x3FAF]  }
0x2a: {  	p0 =	seq.s32 s5, $0x0;
	s5 =	sld [smem:$0x3FB0]  }
0x2b: {  	s6 =	sld [smem:$0x3FB1]  }
0x2c: {  	s7 =	sld [smem:$0x3FB2]  }
0x2d: {  	s3 =	simm.s32 $0x108;
	s8 =	sld [smem:$0x3FB3]  }
0x2e: {  	s3 =	simm.s32 @!p0 $0x1082;
	s9 =	sld [smem:$0x3FB4]  }
0x2f: {  	lr =	sadd.s32 s0, s3;
	s0 =	sld [smem:$0x3FAB]  }
0x30: {  	s3 =	sld [smem:$0x3FAE]  }
0x31: {  	[smem:$0x3FB7] =	sst s10  }
0x32: {  	s10 =	sld [smem:$0x3FB5];
	_ =	sdelay $0x3  }
0x33: {  	p0 =	seq.s32 s10, $0x1;
	s10 =	sld [smem:$0x3FB7];
	_ =	sdelay $0x3  }
0x34: {  	[smem:$0x3FB7] =	sst s10  }
0x35: {  	s10 =	sld [smem:$0x3FB6];
	_ =	sdelay $0x3  }
0x36: {  	p1 =	seq.s32 s10, $0x1;
	s10 =	sld [smem:$0x3FB7];
	_ =	sdelay $0x3  }
0x37: {  	[smem:$0x3FB7] =	sst s10  }
0x38: {  	s10 =	sld [smem:$0x3FB8]  }
0x39: {  	_ = 	snop;
	(pc) =	sbr.ind lr, $3  }
0x3a: {  	_ = 	snop  }
0x3b: {  	_ = 	snop  }
0x3c: {  	p2 =	seq.s32 s10, $0x1;
	s10 =	sld [smem:$0x3FB7]  }
0x3d: {  	_ =	shalt  }
0x3e: {  	_ =	shalt  }
0x3f: {  	_ =	shalt  }
0x40: {  	_ =	shalt  }
0x41: {  	_ =	shalt  }
0x42: {  	_ =	shalt  }
0x43: {  	_ =	shalt  }
0x44: {  	_ =	shalt  }
0x45: {  	_ =	shalt  }
0x46: {  	_ =	shalt  }
0x47: {  	_ =	shalt  }
0x48: {  	_ =	shalt  }
0x49: {  	_ =	shalt  }
0x4a: {  	_ =	shalt  }
0x4b: {  	_ =	shalt  }
0x4c: {  	_ =	shalt  }
0x4d: {  	_ =	shalt  }
0x4e: {  	_ =	shalt  }
0x4f: {  	_ =	shalt  }
0x50: {  	_ =	shalt  }
0x51: {  	_ =	shalt  }
0x52: {  	_ =	shalt  }
0x53: {  	_ =	shalt  }
0x54: {  	_ =	shalt  }
0x55: {  	_ =	shalt  }
0x56: {  	_ =	shalt  }
0x57: {  	_ =	shalt  }
0x58: {  	_ =	shalt  }
0x59: {  	_ =	shalt  }
0x5a: {  	_ =	shalt  }
0x5b: {  	_ =	shalt  }
0x5c: {  	_ =	shalt  }
0x5d: {  	_ =	shalt  }
0x5e: {  	_ =	shalt  }
0x5f: {  	_ =	shalt  }
0x60: {  	_ =	shalt  }
0x61: {  	_ =	shalt  }
0x62: {  	_ =	shalt  }
0x63: {  	_ =	shalt  }
0x64: {  	_ =	shalt  }
0x65: {  	_ =	shalt  }
0x66: {  	_ =	shalt  }
0x67: {  	_ =	shalt  }
0x68: {  	_ =	shalt  }
0x69: {  	_ =	shalt  }
0x6a: {  	_ =	shalt  }
0x6b: {  	_ =	shalt  }
0x6c: {  	_ =	shalt  }
0x6d: {  	_ =	shalt  }
0x6e: {  	_ =	shalt  }
0x6f: {  	_ =	shalt  }
0x70: {  	_ =	shalt  }
0x71: {  	_ =	shalt  }
0x72: {  	_ =	shalt  }
0x73: {  	_ =	shalt  }
0x74: {  	_ =	shalt  }
0x75: {  	_ =	shalt  }
0x76: {  	_ =	shalt  }
0x77: {  	_ =	shalt  }
0x78: {  	_ =	shalt  }
0x79: {  	_ =	shalt  }
0x7a: {  	_ =	shalt  }
0x7b: {  	_ =	shalt  }
0x7c: {  	_ =	shalt  }
0x7d: {  	_ =	shalt  }
0x7e: {  	_ =	shalt  }
0x7f: {  	_ =	shalt  }
0x80: {  	_ =	shalt  }
0x81: {  	_ =	shalt  }
0x82: {  	_ =	shalt  }
0x83: {  	_ =	shalt  }
0x84: {  	_ =	shalt  }
0x85: {  	_ =	shalt  }
0x86: {  	_ =	shalt  }
0x87: {  	_ =	shalt  }
.Lfunc_end0:
.L_simem_size_0:
called_computation.1_lowered:
.L_overlay_start_0:
0x88: {  	s2 =	sld [smem:$0x3FD9]  }
0x89: {  	s3 =	sld [smem:$0x3FFE];
	_ =	sdelay $0x1  }
0x8a: {  	s1 =	srdreg.scid  }
0x8b: {  	s0 =	sand.u32 $0x1, s1  }
0x8c: {  	s17 =	sshll.u32 s0, $0xA;
	s2 =	sadd.s32 s3, s2  }
0x8d: {  	s2 =	sadd.s32 s2, s17  }
0x8e: {  	[smem:$0x3FC3] =	sst s2  }
0x8f: {  	_ = 	snop  }
0x90: {  	(tm) =	ssettm $0x1  }
0x91: {  	s18 =	sld [smem:$0x3FFB];
	_ =	sdelay $0x3  }
0x92: {  	_ =	strace s18  }
0x93: {  	s2 =	sld [smem:$0x3FFC];
	_ =	sdelay $0x3  }
0x94: {  	_ =	strace s2  }
0x95: {  	s2 =	sld [smem:$0x3FFD];
	_ =	sdelay $0x3  }
0x96: {  	_ =	strace s2  }
0x97: {  	_ =	strace $0x8FFFFFFF  }
0x98: {  	s19 =	sld [smem:$0x3FDB];
	_ =	sdelay $0x1  }
0x99: {  	s20 =	simm.s32 $_scs_section_size  }
0x9a: {  	s4 =	simm.s32 $_size__tile_overlayer_lowered;
	s5 =	simm.s32 $_tile_overlayer_lowered  }
0x9b: {  	s6 =	simm.s32 $0x1BFF;
	s21 =	sshll.u32 s5, $0x1;
	s3 =	sadd.s32 s20, s19  }
0x9c: {  	s22 =	simm.s32 $0x0;
	s4 =	sshll.u32 s4, $0x1;
	s5 =	sadd.s32 s21, s3  }
0x9d: {  	[timem:s22], [sflag:s6] =	dma.local [hbm:s5], s4  }
0x9e: {  	_ =	swait.ge [sflag:s6], s4  }
0x9f: {  	s4 =	ssub.s32 $0x0, s4;
	[sflag:s6] =	ssyncset.done $0x0  }
0xa0: {  	[sflag:s6] =	ssyncadd.s32 s4;
	_ =	sdelay $0x1  }
0xa1: {  	s23 =	simm.s32 $0x1B8B  }
0xa2: {  	_ =	swait.ge [sflag:s23], $0x1  }
0xa3: {  	[sflag:s23] =	ssyncset.done $0x0  }
0xa4: {  	[sflag:s23] =	ssyncadd.s32 $0xFFFFFFFF  }
0xa5: {  	s4 =	sld [smem:$0x0]  }
0xa6: {  	s5 =	sand.u32 $0xFFFFFFFE, s1  }
0xa7: {  	p0 =	sne.s32 s1, s5  }
0xa8: {  	s5 =	sshll.u32 @p0 s5, $0xE  }
0xa9: {  	s5 =	sadd.s32 @p0 $0x11B8D, s5;
	s6 =	sshll.u32 @p0 s4, $0x11  }
0xaa: {  	s5 =	sor.u32 @p0 s6, s5  }
0xab: {  	[sflag:s5] =	ssyncadd.remote.s32 @p0 $0x1;
	_ =	sdelay $0x1  }
0xac: {  	s5 =	simm.s32 @p0 $0x1B8D  }
0xad: {  	_ =	swait.eq @p0 [sflag:s5], $0x1  }
0xae: {  	[sflag:s5] =	ssyncadd.s32 @p0 $0xFFFFFFFF  }
0xaf: {  	s6 =	sshll.u32 @!p0 s1, $0xE  }
0xb0: {  	s6 =	sor.u32 @!p0 $0x4000, s6;
	s5 =	simm.s32 @!p0 $0x1B8D  }
0xb1: {  	s4 =	sshll.u32 @!p0 s4, $0x11;
	s6 =	sadd.s32 @!p0 $0x11B8D, s6;
	_ =	swait.eq @!p0 [sflag:s5], $0x1  }
0xb2: {  	s4 =	sor.u32 @!p0 s4, s6;
	[sflag:s5] =	ssyncadd.s32 @!p0 $0xFFFFFFFF  }
0xb3: {  	s25 =	simm.s32 $0x1B8E;
	s24 =	sld [smem:$0x3FFE];
	[sflag:s4] =	ssyncadd.remote.s32 @!p0 $0x1  }
0xb4: {  	s26 =	simm.s32 $execute0_lowered;
	[smem:$0x3FD2] =	sst s25  }
0xb5: {  	s5 =	sshll.u32 s26, $0x1;
	_ =	strace $0x8000004C;
	[dreg:$0x1] =	wrdreg $0xFFFFFFFF  }
0xb6: {  	s28 =	simm.s32 $_size_execute0_lowered;
	s3 =	sadd.s32 s3, s5;
	[dreg:$0x0] =	wrdreg $0x0  }
0xb7: {  	s5 =	sshll.u32 s28, $0x1;
	[dreg:$0x2] =	wrdreg s3  }
0xb8: {  	[dreg:$0x3] =	wrdreg s5  }
0xb9: {  	[dreg:$0x4] =	wrdreg $0xC0  }
0xba: {  	_ =	task [dreg:s22], $0x5FFFF  }
0xbb: {  	[dreg:$0x1] =	wrdreg $0xFFFFFFFF  }
0xbc: {  	[dreg:$0x0] =	wrdreg $0x60  }
0xbd: {  	[dreg:$0x2] =	wrdreg s24  }
0xbe: {  	[dreg:$0x3] =	wrdreg $0xA  }
0xbf: {  	_ =	task.clear_ibuf [dreg:s22], $0x4FFFF;
	_ =	strace $0x9000004C  }
0xc0: {  	s29 =	simm.s32 $0xA;
	_ =	strace $0x8000004E  }
0xc1: {  	_ =	swait.ge [sflag:s29], $0x1  }
0xc2: {  	[sflag:s29] =	ssyncadd.s32 $0xFFFFFFFF  }
0xc3: {  	_ =	strace $0x9000004E  }
0xc4: {  	_ =	sfence  }
0xc5: {  	s30 =	sld [smem:$0x0];
	_ =	sdelay $0x2  }
0xc6: {  	s31 =	sshll.u32 s1, $0xD;
	s1 =	sshrl.u32 s1, $0x2  }
0xc7: {  	s4 =	sand.u32 $0x4000, s31;
	s1 =	sadd.s32 s1, s30  }
0xc8: {  	s0 =	sor.u32 s4, s0;
	s1 =	sshll.u32 s1, $0x11  }
0xc9: {  	s0 =	sor.u32 s1, s0  }
0xca: {  	s0 =	sadd.s32 $0x8F2B, s0  }
0xcb: {  	[sflag:s0] =	ssyncadd.remote.s32 $0x1  }
0xcc: {  	_ =	sfence.sel $0xFFFF  }
0xcd: {  	[dreg:$0x0] =	wrdreg $0xFFFFFFFF;
	(pc) =	sbr.abs _section_cstart, $3  }
0xce: {  	[dreg:$0x1] =	wrdreg $0xFFFFFFFF  }
0xcf: {  	_ =	task.clear_ibuf [dreg:s22], $0x2FFFF;
	_ =	strace $0x9FFFFFFF  }
0xd0: {  	(tm) =	ssettm $0x7FFFFFFF  }
0xd1: {  	_ =	shalt  }
tec
execute0_lowered:
.L_overlay_start_1:
0x0: {  	(tag) =	ssettag $0x1  }
0x1: {  	s0 =	srdreg.scid  }
0x2: {  	s5 =	stileid.u32;
	s1 =	rddreg [dreg:$0x0];
	s2 =	simm.s32 $0x0  }
0x3: {  	s10 =	simm.s32 $0x3;
	s11 =	simm.s32 $0x280;
	s12 =	simm.s32 $0x1  }
0x4: {  	s13 =	simm.s32 $0xC280;
	s21 =	simm.s32 $0xCA80;
	s22 =	simm.s32 $0x10A80  }
0x5: {  	s23 =	simm.s32 $0x11280;
	s24 =	simm.s32 $0x11A80;
	s25 =	simm.s32 $0x12280  }
0x6: {  	s28 =	simm.s32 $0x13280;
	s29 =	simm.s32 $0x13A80;
	s30 =	simm.s32 $0x14280  }
0x7: {  	s31 =	simm.s32 $0x14A80;
	s14 =	simm.s32 $0x17280;
	s15 =	simm.s32 $0x17A80  }
0x8: {  	s16 =	simm.s32 $0x4;
	s17 =	simm.s32 $0x2;
	s0 =	sand.u32 $0x1, s0  }
0x9: {  	s3 =	sshll.u32 s5, $0x1;
	[smem:$0x7FF] =	sst s2;
	s5 =	smul.u32 $0x24000, s5  }
0xa: {  	s3 =	sor.u32 s0, s3;
	s6 =	ssub.s32 $0x2, s0;
	s0 =	smul.u32 $0x12000, s0  }
0xb: {  	s19 =	simm.s32 $0x0;
	_ =	strace $0x8000004D;
	s3 =	smul.u32 $0x240, s3  }
0xc: {  	s7 =	sshrl.u32 s6, $0x1;
	s8 =	sadd.s32 s5, s1;
	s5 =	sadd.s32 $0x2700, s1  }
0xd: {  	s9 =	ssub.s32 s6, s7;
	s6 =	sadd.s32 $0x2800, s1;
	s7 =	sadd.s32 $0x2900, s1  }
.Ltmp0:
0xe: {  	s0 =	sadd.s32 s0, s8;
	s8 =	simm.s32 $0x16A80;
	(pc) =	sbr.rel .LBB2_1-.Ltmp0, $4  }
0xf: {  	s4 =	sshrl.u32 s3, $0x3;
	s3 =	sadd.s32 $0x2600, s1;
	s26 =	smax.u32 s9, $0x1  }
0x10: {  	v2 =	vlaneseq.u32;
	s9 =	sadd.s32 $0x583A00, s0;
	s0 =	simm.s32 $0x15A80;
	s4 =	sadd.s32 s4, s1  }
0x11: {  	vm0 =	vmmov $0xffff;
	v1 =	vshrl.u32 v2, $0x3;
	[dreg:$0x3] =	wrdreg s26;
	s26 =	simm.s32 $0x12A80;
	s4 =	sadd.s32 $0x583000, s4  }
0x12: {  	v0 =	vand.u32 $0x7, v2;
	v2 =	vor.u32 $0x8, v2;
	v1 =	vmul.u32 $0x8, v1;
	s1 =	simm.s32 $0x15280;
	[dreg:$0x2] =	wrdreg s4;
	s4 =	simm.s32 $0x16280  }
.LBB2_5:
0x13: {  	s19 =	rddreg [dreg:$0x4]  }
0x14: {  	s18 =	rddreg [dreg:$0x3];
	s19 =	sadd.s32 $0x1, s19  }
0x15: {  	p0 =	sne.s32 s19, s18  }
.Ltmp1:
0x16: {  	_ = 	snop;
	(pc) =	sbr.rel @!p0 .LBB2_6-.Ltmp1, $1  }
0x17: {  	_ =	sdelay $0x3  }
.LBB2_1:
0x18: {  	[dreg:$0x4] =	wrdreg s19  }
0x19: {  	s18 =	rddreg [dreg:$0x2]  }
0x1a: {  	[tilespmem:s2], [sflag:$0x3] =	stream.linear.gather [hbm4b:s18+s2], $0x240, $0x38;
	[tilespmem:$0x18280] =	vst v63  }
0x1b: {  	_ =	swait.ge [sflag:s10], $0x240  }
0x1c: {  	[sflag:s10] =	ssyncset.done $0x0  }
0x1d: {  	[sflag:s10] =	ssyncadd.s32 $0xFFFFFDC0  }
0x1e: {  	v3 =	vld [tilespmem:$0x0];
	_ =	sdelay $0x4  }
0x1f: {  	v4 =	vshll.u32 v3, $0x3  }
0x20: {  	v3 =	vand.u32 $0x7, v3;
	v4 =	vand.u32 $0xFFFFFFC0, v4  }
0x21: {  	v3 =	vor.u32 v3, v4  }
0x22: {  	v4 =	vperm.xlane v3, v0;
	_ =	sdelay $0x1  }
0x23: {  	v4 =	vadd.s32 v1, v4;
	_ =	sdelay $0x4  }
0x24: {  	[tilespmem:s11], [sflag:$0x1] =	stream.indirect_vreg.gather [hbm4b:s3+s2], $0x80, v4, vm0, $0xb8;
	[tilespmem:$0x18280] =	vst v63  }
0x25: {  	s20 =	simm.s32 $0xA80;
	v3 =	vperm.xlane v3, v2  }
0x26: {  	[tilespmem:s20], [sflag:$0x1] =	stream.indirect_vreg.gather [hbm4b:s5+s2], $0x80, v4, vm0, $0xb8;
	[tilespmem:$0x18280] =	vst v63  }
0x27: {  	s19 =	simm.s32 $0x1280;
	v3 =	vadd.s32 v1, v3  }
0x28: {  	[tilespmem:s19], [sflag:$0x1] =	stream.indirect_vreg.gather [hbm4b:s6+s2], $0x80, v4, vm0, $0xb8;
	[tilespmem:$0x18280] =	vst v63  }
0x29: {  	s20 =	simm.s32 $0x1A80  }
0x2a: {  	[tilespmem:s20], [sflag:$0x1] =	stream.indirect_vreg.gather [hbm4b:s7+s2], $0x80, v4, vm0, $0xb8;
	[tilespmem:$0x18280] =	vst v63  }
0x2b: {  	s19 =	simm.s32 $0x2280  }
0x2c: {  	[tilespmem:s19], [sflag:$0x1] =	stream.indirect_vreg.gather [hbm4b:s3+s2], $0x80, v3, vm0, $0xb8;
	[tilespmem:$0x18280] =	vst v63  }
0x2d: {  	s20 =	simm.s32 $0x2A80  }
0x2e: {  	[tilespmem:s20], [sflag:$0x1] =	stream.indirect_vreg.gather [hbm4b:s5+s2], $0x80, v3, vm0, $0xb8;
	[tilespmem:$0x18280] =	vst v63  }
0x2f: {  	s19 =	simm.s32 $0x3280  }
0x30: {  	[tilespmem:s19], [sflag:$0x1] =	stream.indirect_vreg.gather [hbm4b:s6+s2], $0x80, v3, vm0, $0xb8;
	[tilespmem:$0x18280] =	vst v63  }
0x31: {  	s20 =	simm.s32 $0x3A80  }
0x32: {  	[tilespmem:s20], [sflag:$0x1] =	stream.indirect_vreg.gather [hbm4b:s7+s2], $0x80, v3, vm0, $0xb8;
	[tilespmem:$0x18280] =	vst v63  }
0x33: {  	v3 =	vld [tilespmem:$0x10];
	_ =	sdelay $0x4  }
0x34: {  	v62 =	vshll.u32 v3, $0x3  }
0x35: {  	v3 =	vand.u32 $0x7, v3;
	v4 =	vand.u32 $0xFFFFFFC0, v62  }
0x36: {  	v3 =	vor.u32 v3, v4  }
0x37: {  	v4 =	vperm.xlane v3, v0;
	_ =	sdelay $0x1  }
0x38: {  	v4 =	vadd.s32 v1, v4;
	_ =	sdelay $0x3  }
0x39: {  	s19 =	simm.s32 $0x4280  }
0x3a: {  	[tilespmem:s19], [sflag:$0x1] =	stream.indirect_vreg.gather [hbm4b:s3+s2], $0x80, v4, vm0, $0xb8;
	[tilespmem:$0x18280] =	vst v63  }
0x3b: {  	s20 =	simm.s32 $0x4A80;
	v3 =	vperm.xlane v3, v2  }
0x3c: {  	[tilespmem:s20], [sflag:$0x1] =	stream.indirect_vreg.gather [hbm4b:s5+s2], $0x80, v4, vm0, $0xb8;
	[tilespmem:$0x18280] =	vst v63  }
0x3d: {  	v3 =	vadd.s32 v1, v3;
	s19 =	simm.s32 $0x5280  }
0x3e: {  	[tilespmem:s19], [sflag:$0x1] =	stream.indirect_vreg.gather [hbm4b:s6+s2], $0x80, v4, vm0, $0xb8;
	[tilespmem:$0x18280] =	vst v63  }
0x3f: {  	s20 =	simm.s32 $0x5A80  }
0x40: {  	[tilespmem:s20], [sflag:$0x1] =	stream.indirect_vreg.gather [hbm4b:s7+s2], $0x80, v4, vm0, $0xb8;
	[tilespmem:$0x18280] =	vst v63  }
0x41: {  	s19 =	simm.s32 $0x6280  }
0x42: {  	[tilespmem:s19], [sflag:$0x1] =	stream.indirect_vreg.gather [hbm4b:s3+s2], $0x80, v3, vm0, $0xb8;
	[tilespmem:$0x18280] =	vst v63  }
0x43: {  	s20 =	simm.s32 $0x6A80  }
0x44: {  	[tilespmem:s20], [sflag:$0x1] =	stream.indirect_vreg.gather [hbm4b:s5+s2], $0x80, v3, vm0, $0xb8;
	[tilespmem:$0x18280] =	vst v63  }
0x45: {  	s19 =	simm.s32 $0x7280  }
0x46: {  	[tilespmem:s19], [sflag:$0x1] =	stream.indirect_vreg.gather [hbm4b:s6+s2], $0x80, v3, vm0, $0xb8;
	[tilespmem:$0x18280] =	vst v63  }
0x47: {  	s20 =	simm.s32 $0x7A80  }
0x48: {  	[tilespmem:s20], [sflag:$0x1] =	stream.indirect_vreg.gather [hbm4b:s7+s2], $0x80, v3, vm0, $0xb8;
	[tilespmem:$0x18280] =	vst v63  }
0x49: {  	v3 =	vld [tilespmem:$0x20];
	_ =	sdelay $0x4  }
0x4a: {  	v63 =	vshll.u32 v3, $0x3  }
0x4b: {  	v3 =	vand.u32 $0x7, v3;
	v4 =	vand.u32 $0xFFFFFFC0, v63  }
0x4c: {  	v3 =	vor.u32 v3, v4  }
0x4d: {  	v4 =	vperm.xlane v3, v0;
	_ =	sdelay $0x1  }
0x4e: {  	v4 =	vadd.s32 v1, v4;
	_ =	sdelay $0x3  }
0x4f: {  	s19 =	simm.s32 $0x8280  }
0x50: {  	[tilespmem:s19], [sflag:$0x1] =	stream.indirect_vreg.gather [hbm4b:s3+s2], $0x80, v4, vm0, $0xb8;
	[tilespmem:$0x18280] =	vst v63  }
0x51: {  	s20 =	simm.s32 $0x8A80;
	v3 =	vperm.xlane v3, v2  }
0x52: {  	[tilespmem:s20], [sflag:$0x1] =	stream.indirect_vreg.gather [hbm4b:s5+s2], $0x80, v4, vm0, $0xb8;
	[tilespmem:$0x18280] =	vst v63  }
0x53: {  	v3 =	vadd.s32 v1, v3;
	s19 =	simm.s32 $0x9280  }
0x54: {  	[tilespmem:s19], [sflag:$0x1] =	stream.indirect_vreg.gather [hbm4b:s6+s2], $0x80, v4, vm0, $0xb8;
	[tilespmem:$0x18280] =	vst v63  }
0x55: {  	s20 =	simm.s32 $0x9A80  }
0x56: {  	[tilespmem:s20], [sflag:$0x1] =	stream.indirect_vreg.gather [hbm4b:s7+s2], $0x80, v4, vm0, $0xb8;
	[tilespmem:$0x18280] =	vst v63  }
0x57: {  	s19 =	simm.s32 $0xA280  }
0x58: {  	[tilespmem:s19], [sflag:$0x1] =	stream.indirect_vreg.gather [hbm4b:s3+s2], $0x80, v3, vm0, $0xb8;
	[tilespmem:$0x18280] =	vst v63  }
0x59: {  	s20 =	simm.s32 $0xAA80  }
0x5a: {  	[tilespmem:s20], [sflag:$0x1] =	stream.indirect_vreg.gather [hbm4b:s5+s2], $0x80, v3, vm0, $0xb8;
	[tilespmem:$0x18280] =	vst v63  }
.Ltmp2:
0x5b: {  	_ = 	snop;
	(pc) =	sbr.rel .LBB2_2-.Ltmp2, $4  }
0x5c: {  	s19 =	simm.s32 $0xB280  }
0x5d: {  	[tilespmem:s19], [sflag:$0x1] =	stream.indirect_vreg.gather [hbm4b:s6+s2], $0x80, v3, vm0, $0xb8;
	[tilespmem:$0x18280] =	vst v63  }
0x5e: {  	s18 =	simm.s32 $0x40;
	s20 =	simm.s32 $0xBA80;
	s19 =	simm.s32 $0x0  }
0x5f: {  	[tilespmem:s20], [sflag:$0x1] =	stream.indirect_vreg.gather [hbm4b:s7+s2], $0x80, v3, vm0, $0xb8;
	[tilespmem:$0x18280] =	vst v63  }
.LBB2_4:
0x60: {  	s19 =	sadd.s32 $0x3000, s19  }
0x61: {  	p0 =	sne.s32 s19, $0x12000  }
.Ltmp3:
0x62: {  	s20 =	sadd.s32 $0x1800, s20;
	(pc) =	sbr.rel @!p0 .LBB2_5-.Ltmp3, $4  }
0x63: {  	[hbm4b:s20+s2] =	stream.linear.scatter [tilespmem:s13], [sflag:$0x3], $0xC000, $0x38;
	[tilespmem:$0x18280] =	vst v63  }
0x64: {  	_ =	swait.ge [sflag:s10], $0xC000  }
0x65: {  	[sflag:s10] =	ssyncset.done $0x0  }
0x66: {  	s18 =	sadd.s32 $0x60, s18;
	[sflag:s10] =	ssyncadd.s32 $0xFFFF4000  }
.LBB2_2:
0x67: {  	_ =	swait.ge [sflag:s12], $0xC000  }
0x68: {  	[sflag:s12] =	ssyncset.done $0x0  }
0x69: {  	[sflag:s12] =	ssyncadd.s32 $0xFFFF4000  }
0x6a: {  	v3 =	vld [tilespmem:s18+$0xFFFFFFF0];
	_ =	sdelay $0x4  }
0x6b: {  	v4 =	vshll.u32 v3, $0x3  }
0x6c: {  	v3 =	vand.u32 $0x7, v3;
	v4 =	vand.u32 $0xFFFFFFC0, v4  }
0x6d: {  	v3 =	vor.u32 v3, v4  }
0x6e: {  	v4 =	vperm.xlane v3, v0;
	_ =	sdelay $0x1  }
0x6f: {  	v4 =	vadd.s32 v1, v4;
	_ =	sdelay $0x4  }
0x70: {  	[tilespmem:s13], [sflag:$0x2] =	stream.indirect_vreg.gather [hbm4b:s3+s2], $0x80, v4, vm0, $0xb8;
	[tilespmem:$0x18280] =	vst v63  }
0x71: {  	v3 =	vperm.xlane v3, v2  }
0x72: {  	[tilespmem:s21], [sflag:$0x2] =	stream.indirect_vreg.gather [hbm4b:s5+s2], $0x80, v4, vm0, $0xb8;
	[tilespmem:$0x18280] =	vst v63  }
0x73: {  	s20 =	simm.s32 $0xD280;
	v3 =	vadd.s32 v1, v3  }
0x74: {  	[tilespmem:s20], [sflag:$0x2] =	stream.indirect_vreg.gather [hbm4b:s6+s2], $0x80, v4, vm0, $0xb8;
	[tilespmem:$0x18280] =	vst v63  }
0x75: {  	s20 =	simm.s32 $0xDA80  }
0x76: {  	[tilespmem:s20], [sflag:$0x2] =	stream.indirect_vreg.gather [hbm4b:s7+s2], $0x80, v4, vm0, $0xb8;
	[tilespmem:$0x18280] =	vst v63  }
0x77: {  	s20 =	simm.s32 $0xE280  }
0x78: {  	[tilespmem:s20], [sflag:$0x2] =	stream.indirect_vreg.gather [hbm4b:s3+s2], $0x80, v3, vm0, $0xb8;
	[tilespmem:$0x18280] =	vst v63  }
0x79: {  	s20 =	simm.s32 $0xEA80  }
0x7a: {  	[tilespmem:s20], [sflag:$0x2] =	stream.indirect_vreg.gather [hbm4b:s5+s2], $0x80, v3, vm0, $0xb8;
	[tilespmem:$0x18280] =	vst v63  }
0x7b: {  	s20 =	simm.s32 $0xF280  }
0x7c: {  	[tilespmem:s20], [sflag:$0x2] =	stream.indirect_vreg.gather [hbm4b:s6+s2], $0x80, v3, vm0, $0xb8;
	[tilespmem:$0x18280] =	vst v63  }
0x7d: {  	s20 =	simm.s32 $0xFA80  }
0x7e: {  	[tilespmem:s20], [sflag:$0x2] =	stream.indirect_vreg.gather [hbm4b:s7+s2], $0x80, v3, vm0, $0xb8;
	[tilespmem:$0x18280] =	vst v63  }
0x7f: {  	v3 =	vld [tilespmem:s18+$0x0];
	_ =	sdelay $0x4  }
0x80: {  	v62 =	vshll.u32 v3, $0x3  }
0x81: {  	v3 =	vand.u32 $0x7, v3;
	v4 =	vand.u32 $0xFFFFFFC0, v62  }
0x82: {  	v3 =	vor.u32 v3, v4  }
0x83: {  	v4 =	vperm.xlane v3, v0;
	_ =	sdelay $0x1  }
0x84: {  	v4 =	vadd.s32 v1, v4;
	_ =	sdelay $0x3  }
0x85: {  	s20 =	simm.s32 $0x10280  }
0x86: {  	[tilespmem:s20], [sflag:$0x2] =	stream.indirect_vreg.gather [hbm4b:s3+s2], $0x80, v4, vm0, $0xb8;
	[tilespmem:$0x18280] =	vst v63  }
0x87: {  	v3 =	vperm.xlane v3, v2  }
0x88: {  	[tilespmem:s22], [sflag:$0x2] =	stream.indirect_vreg.gather [hbm4b:s5+s2], $0x80, v4, vm0, $0xb8;
	[tilespmem:$0x18280] =	vst v63  }
0x89: {  	v3 =	vadd.s32 v1, v3  }
0x8a: {  	[tilespmem:s23], [sflag:$0x2] =	stream.indirect_vreg.gather [hbm4b:s6+s2], $0x80, v4, vm0, $0xb8;
	[tilespmem:$0x18280] =	vst v63  }
0x8b: {  	_ = 	snop  }
0x8c: {  	[tilespmem:s24], [sflag:$0x2] =	stream.indirect_vreg.gather [hbm4b:s7+s2], $0x80, v4, vm0, $0xb8;
	[tilespmem:$0x18280] =	vst v63  }
0x8d: {  	_ = 	snop  }
0x8e: {  	[tilespmem:s25], [sflag:$0x2] =	stream.indirect_vreg.gather [hbm4b:s3+s2], $0x80, v3, vm0, $0xb8;
	[tilespmem:$0x18280] =	vst v63  }
0x8f: {  	_ = 	snop  }
0x90: {  	[tilespmem:s26], [sflag:$0x2] =	stream.indirect_vreg.gather [hbm4b:s5+s2], $0x80, v3, vm0, $0xb8;
	[tilespmem:$0x18280] =	vst v63  }
0x91: {  	_ = 	snop  }
0x92: {  	[tilespmem:s28], [sflag:$0x2] =	stream.indirect_vreg.gather [hbm4b:s6+s2], $0x80, v3, vm0, $0xb8;
	[tilespmem:$0x18280] =	vst v63  }
0x93: {  	_ = 	snop  }
0x94: {  	[tilespmem:s29], [sflag:$0x2] =	stream.indirect_vreg.gather [hbm4b:s7+s2], $0x80, v3, vm0, $0xb8;
	[tilespmem:$0x18280] =	vst v63  }
0x95: {  	v3 =	vld [tilespmem:s18+$0x10];
	_ =	sdelay $0x4  }
0x96: {  	v63 =	vshll.u32 v3, $0x3  }
0x97: {  	v3 =	vand.u32 $0x7, v3;
	v4 =	vand.u32 $0xFFFFFFC0, v63  }
0x98: {  	v3 =	vor.u32 v3, v4  }
0x99: {  	v4 =	vperm.xlane v3, v0;
	_ =	sdelay $0x1  }
0x9a: {  	v4 =	vadd.s32 v1, v4;
	_ =	sdelay $0x4  }
0x9b: {  	[tilespmem:s30], [sflag:$0x2] =	stream.indirect_vreg.gather [hbm4b:s3+s2], $0x80, v4, vm0, $0xb8;
	[tilespmem:$0x18280] =	vst v63  }
0x9c: {  	v3 =	vperm.xlane v3, v2  }
0x9d: {  	[tilespmem:s31], [sflag:$0x2] =	stream.indirect_vreg.gather [hbm4b:s5+s2], $0x80, v4, vm0, $0xb8;
	[tilespmem:$0x18280] =	vst v63  }
0x9e: {  	v3 =	vadd.s32 v1, v3  }
0x9f: {  	[tilespmem:s1], [sflag:$0x2] =	stream.indirect_vreg.gather [hbm4b:s6+s2], $0x80, v4, vm0, $0xb8;
	[tilespmem:$0x18280] =	vst v63  }
0xa0: {  	_ = 	snop  }
0xa1: {  	[tilespmem:s0], [sflag:$0x2] =	stream.indirect_vreg.gather [hbm4b:s7+s2], $0x80, v4, vm0, $0xb8;
	[tilespmem:$0x18280] =	vst v63  }
0xa2: {  	_ = 	snop  }
0xa3: {  	[tilespmem:s4], [sflag:$0x2] =	stream.indirect_vreg.gather [hbm4b:s3+s2], $0x80, v3, vm0, $0xb8;
	[tilespmem:$0x18280] =	vst v63  }
0xa4: {  	_ = 	snop  }
0xa5: {  	[tilespmem:s8], [sflag:$0x2] =	stream.indirect_vreg.gather [hbm4b:s5+s2], $0x80, v3, vm0, $0xb8;
	[tilespmem:$0x18280] =	vst v63  }
0xa6: {  	_ = 	snop  }
0xa7: {  	[tilespmem:s14], [sflag:$0x2] =	stream.indirect_vreg.gather [hbm4b:s6+s2], $0x80, v3, vm0, $0xb8;
	[tilespmem:$0x18280] =	vst v63  }
0xa8: {  	_ = 	snop  }
0xa9: {  	[tilespmem:s15], [sflag:$0x2] =	stream.indirect_vreg.gather [hbm4b:s7+s2], $0x80, v3, vm0, $0xb8;
	[tilespmem:$0x18280] =	vst v63  }
0xaa: {  	s20 =	sadd.s32 s19, s9  }
0xab: {  	[hbm4b:s20+s2] =	stream.linear.scatter [tilespmem:s11], [sflag:$0x4], $0xC000, $0x38;
	[tilespmem:$0x18280] =	vst v63  }
0xac: {  	p0 =	seq.s32 s19, $0xF000;
	_ =	swait.ge [sflag:s16], $0xC000  }
.Ltmp4:
0xad: {  	[sflag:s16] =	ssyncset.done $0x0;
	(pc) =	sbr.rel @p0 .LBB2_4-.Ltmp4, $4  }
0xae: {  	[sflag:s16] =	ssyncadd.s32 $0xFFFF4000  }
0xaf: {  	_ =	swait.ge [sflag:s17], $0xC000  }
0xb0: {  	[sflag:s17] =	ssyncset.done $0x0  }
0xb1: {  	[sflag:s17] =	ssyncadd.s32 $0xFFFF4000  }
0xb2: {  	v3 =	vld [tilespmem:s18+$0x20];
	_ =	sdelay $0x4  }
0xb3: {  	v4 =	vshll.u32 v3, $0x3  }
0xb4: {  	v3 =	vand.u32 $0x7, v3;
	v4 =	vand.u32 $0xFFFFFFC0, v4  }
0xb5: {  	v3 =	vor.u32 v3, v4  }
0xb6: {  	v4 =	vperm.xlane v3, v0;
	_ =	sdelay $0x1  }
0xb7: {  	v4 =	vadd.s32 v1, v4;
	_ =	sdelay $0x4  }
0xb8: {  	[tilespmem:s11], [sflag:$0x1] =	stream.indirect_vreg.gather [hbm4b:s3+s2], $0x80, v4, vm0, $0xb8;
	[tilespmem:$0x18280] =	vst v63  }
0xb9: {  	s21 =	simm.s32 $0xA80;
	v3 =	vperm.xlane v3, v2  }
0xba: {  	[tilespmem:s21], [sflag:$0x1] =	stream.indirect_vreg.gather [hbm4b:s5+s2], $0x80, v4, vm0, $0xb8;
	[tilespmem:$0x18280] =	vst v63  }
0xbb: {  	v3 =	vadd.s32 v1, v3;
	s21 =	simm.s32 $0x1280  }
0xbc: {  	[tilespmem:s21], [sflag:$0x1] =	stream.indirect_vreg.gather [hbm4b:s6+s2], $0x80, v4, vm0, $0xb8;
	[tilespmem:$0x18280] =	vst v63  }
0xbd: {  	s21 =	simm.s32 $0x1A80  }
0xbe: {  	[tilespmem:s21], [sflag:$0x1] =	stream.indirect_vreg.gather [hbm4b:s7+s2], $0x80, v4, vm0, $0xb8;
	[tilespmem:$0x18280] =	vst v63  }
0xbf: {  	s21 =	simm.s32 $0x2280  }
0xc0: {  	[tilespmem:s21], [sflag:$0x1] =	stream.indirect_vreg.gather [hbm4b:s3+s2], $0x80, v3, vm0, $0xb8;
	[tilespmem:$0x18280] =	vst v63  }
0xc1: {  	s21 =	simm.s32 $0x2A80  }
0xc2: {  	[tilespmem:s21], [sflag:$0x1] =	stream.indirect_vreg.gather [hbm4b:s5+s2], $0x80, v3, vm0, $0xb8;
	[tilespmem:$0x18280] =	vst v63  }
0xc3: {  	s21 =	simm.s32 $0x3280  }
0xc4: {  	[tilespmem:s21], [sflag:$0x1] =	stream.indirect_vreg.gather [hbm4b:s6+s2], $0x80, v3, vm0, $0xb8;
	[tilespmem:$0x18280] =	vst v63  }
0xc5: {  	s21 =	simm.s32 $0x3A80  }
0xc6: {  	[tilespmem:s21], [sflag:$0x1] =	stream.indirect_vreg.gather [hbm4b:s7+s2], $0x80, v3, vm0, $0xb8;
	[tilespmem:$0x18280] =	vst v63  }
0xc7: {  	v3 =	vld [tilespmem:s18+$0x30];
	_ =	sdelay $0x4  }
0xc8: {  	v62 =	vshll.u32 v3, $0x3  }
0xc9: {  	v3 =	vand.u32 $0x7, v3;
	v4 =	vand.u32 $0xFFFFFFC0, v62  }
0xca: {  	v3 =	vor.u32 v3, v4  }
0xcb: {  	v4 =	vperm.xlane v3, v0;
	_ =	sdelay $0x1  }
0xcc: {  	v4 =	vadd.s32 v1, v4;
	_ =	sdelay $0x3  }
0xcd: {  	s21 =	simm.s32 $0x4280  }
0xce: {  	[tilespmem:s21], [sflag:$0x1] =	stream.indirect_vreg.gather [hbm4b:s3+s2], $0x80, v4, vm0, $0xb8;
	[tilespmem:$0x18280] =	vst v63  }
0xcf: {  	v3 =	vperm.xlane v3, v2;
	s21 =	simm.s32 $0x4A80  }
0xd0: {  	[tilespmem:s21], [sflag:$0x1] =	stream.indirect_vreg.gather [hbm4b:s5+s2], $0x80, v4, vm0, $0xb8;
	[tilespmem:$0x18280] =	vst v63  }
0xd1: {  	v3 =	vadd.s32 v1, v3;
	s21 =	simm.s32 $0x5280  }
0xd2: {  	[tilespmem:s21], [sflag:$0x1] =	stream.indirect_vreg.gather [hbm4b:s6+s2], $0x80, v4, vm0, $0xb8;
	[tilespmem:$0x18280] =	vst v63  }
0xd3: {  	s21 =	simm.s32 $0x5A80  }
0xd4: {  	[tilespmem:s21], [sflag:$0x1] =	stream.indirect_vreg.gather [hbm4b:s7+s2], $0x80, v4, vm0, $0xb8;
	[tilespmem:$0x18280] =	vst v63  }
0xd5: {  	s21 =	simm.s32 $0x6280  }
0xd6: {  	[tilespmem:s21], [sflag:$0x1] =	stream.indirect_vreg.gather [hbm4b:s3+s2], $0x80, v3, vm0, $0xb8;
	[tilespmem:$0x18280] =	vst v63  }
0xd7: {  	s21 =	simm.s32 $0x6A80  }
0xd8: {  	[tilespmem:s21], [sflag:$0x1] =	stream.indirect_vreg.gather [hbm4b:s5+s2], $0x80, v3, vm0, $0xb8;
	[tilespmem:$0x18280] =	vst v63  }
0xd9: {  	s21 =	simm.s32 $0x7280  }
0xda: {  	[tilespmem:s21], [sflag:$0x1] =	stream.indirect_vreg.gather [hbm4b:s6+s2], $0x80, v3, vm0, $0xb8;
	[tilespmem:$0x18280] =	vst v63  }
0xdb: {  	s21 =	simm.s32 $0x7A80  }
0xdc: {  	[tilespmem:s21], [sflag:$0x1] =	stream.indirect_vreg.gather [hbm4b:s7+s2], $0x80, v3, vm0, $0xb8;
	[tilespmem:$0x18280] =	vst v63  }
0xdd: {  	v3 =	vld [tilespmem:s18+$0x40];
	_ =	sdelay $0x4  }
0xde: {  	v63 =	vshll.u32 v3, $0x3  }
0xdf: {  	v3 =	vand.u32 $0x7, v3;
	v4 =	vand.u32 $0xFFFFFFC0, v63  }
0xe0: {  	v3 =	vor.u32 v3, v4  }
0xe1: {  	v4 =	vperm.xlane v3, v0;
	_ =	sdelay $0x1  }
0xe2: {  	v4 =	vadd.s32 v1, v4;
	_ =	sdelay $0x3  }
0xe3: {  	s21 =	simm.s32 $0x8280  }
0xe4: {  	[tilespmem:s21], [sflag:$0x1] =	stream.indirect_vreg.gather [hbm4b:s3+s2], $0x80, v4, vm0, $0xb8;
	[tilespmem:$0x18280] =	vst v63  }
0xe5: {  	v3 =	vperm.xlane v3, v2;
	s21 =	simm.s32 $0x8A80  }
0xe6: {  	[tilespmem:s21], [sflag:$0x1] =	stream.indirect_vreg.gather [hbm4b:s5+s2], $0x80, v4, vm0, $0xb8;
	[tilespmem:$0x18280] =	vst v63  }
0xe7: {  	v3 =	vadd.s32 v1, v3;
	s21 =	simm.s32 $0x9280  }
0xe8: {  	[tilespmem:s21], [sflag:$0x1] =	stream.indirect_vreg.gather [hbm4b:s6+s2], $0x80, v4, vm0, $0xb8;
	[tilespmem:$0x18280] =	vst v63  }
0xe9: {  	s21 =	simm.s32 $0x9A80  }
0xea: {  	[tilespmem:s21], [sflag:$0x1] =	stream.indirect_vreg.gather [hbm4b:s7+s2], $0x80, v4, vm0, $0xb8;
	[tilespmem:$0x18280] =	vst v63  }
0xeb: {  	s21 =	simm.s32 $0xA280  }
0xec: {  	[tilespmem:s21], [sflag:$0x1] =	stream.indirect_vreg.gather [hbm4b:s3+s2], $0x80, v3, vm0, $0xb8;
	[tilespmem:$0x18280] =	vst v63  }
0xed: {  	s21 =	simm.s32 $0xAA80  }
0xee: {  	[tilespmem:s21], [sflag:$0x1] =	stream.indirect_vreg.gather [hbm4b:s5+s2], $0x80, v3, vm0, $0xb8;
	[tilespmem:$0x18280] =	vst v63  }
.Ltmp5:
0xef: {  	s21 =	simm.s32 $0xB280;
	(pc) =	sbr.rel .LBB2_4-.Ltmp5, $4  }
0xf0: {  	[tilespmem:s21], [sflag:$0x1] =	stream.indirect_vreg.gather [hbm4b:s6+s2], $0x80, v3, vm0, $0xb8;
	[tilespmem:$0x18280] =	vst v63  }
0xf1: {  	s21 =	simm.s32 $0xBA80  }
0xf2: {  	[tilespmem:s21], [sflag:$0x1] =	stream.indirect_vreg.gather [hbm4b:s7+s2], $0x80, v3, vm0, $0xb8;
	[tilespmem:$0x18280] =	vst v63  }
0xf3: {  	s21 =	simm.s32 $0xCA80  }
.LBB2_6:
0xf4: {  	_ =	sfence.sel $0x180000  }
0xf5: {  	[bflag:$0x0] =	sbarrier.arrive $0xFFFF  }
0xf6: {  	_ =	strace $0x9000004D  }
0xf7: {  	s0 =	stileid.u32;
	[bflag:$0x2] =	sbarrier.arrive $0xFFFF  }
0xf8: {  	p0 =	sne.s32 s0, $0x0;
	s0 =	rddreg [dreg:$0x1]  }
0xf9: {  	s0 =	sadd.s32 @!p0 $0x100000, s0  }
0xfa: {  	[sflag:s0] =	ssyncadd.tile.s32 @!p0 $0x1;
	_ =	shalt  }
.Lfunc_end2:
_tile_overlayer_lowered:
.L_overlay_start_2:
0xfb: {  	(tag) =	ssettag $0x2  }
0xfc: {  	s0 =	rddreg [dreg:$0x0];
	s2 =	stileid.u32  }
0xfd: {  	s1 =	rddreg [dreg:$0x1];
	p0 =	sne.s32 s2, $0x0  }
0xfe: {  	s3 =	rddreg [dreg:$0x2];
	[bflag:$0x3] =	sbarrier.arrive $0xFFFF;
	s2 =	simm.s32 @!p0 $0x1C03  }
0xff: {  	[timem:s3], [sflag:s2] =	dma.local @!p0 [hbm:s0], s1  }
0x100: {  	s0 =	simm.s32 @!p0 $0x3  }
0x101: {  	_ =	swait.ge @!p0 [sflag:s0], s1  }
0x102: {  	s1 =	ssub.s32 @!p0 $0x0, s1;
	[sflag:s0] =	ssyncset.done @!p0 $0x0  }
0x103: {  	[sflag:s0] =	ssyncadd.s32 @!p0 s1  }
0x104: {  	[bflag:$0x3] =	sbarrier.arrive $0xFFFF  }
0x105: {  	_ =	shalt  }

// kernel: kernel.21.cloned.1.call-start
scs
__scs_entry_jumppad:
0x0: {  	(pc) =	sbr.rel $0x88, $3  }
0x1: {  	(tag) =	ssettag $0x0;
	lr =	simm.s32 $0x1  }
0x2: {  	[smem:$0x3F9C] =	sst lr;
	_ =	strace $0xD0000000  }
0x3: {  	_ = 	snop  }
0x4: {  	_ = 	snop  }
0x5: {  	_ = 	snop  }
0x6: {  	_ = 	snop  }
0x7: {  	_ = 	snop  }
__scs_overlays_trampoline_lowered:
0x8: {  	[smem:$0x3FAB] =	sst s0  }
0x9: {  	[smem:$0x3FAC] =	sst s1  }
0xa: {  	[smem:$0x3FAD] =	sst s2  }
0xb: {  	[smem:$0x3FAE] =	sst s3  }
0xc: {  	[smem:$0x3FAF] =	sst s4  }
0xd: {  	[smem:$0x3FB0] =	sst s5  }
0xe: {  	[smem:$0x3FB1] =	sst s6  }
0xf: {  	[smem:$0x3FB2] =	sst s7  }
0x10: {  	[smem:$0x3FB3] =	sst s8  }
0x11: {  	[smem:$0x3FB4] =	sst s9;
	s0 =	simm.s32 @!p0 $0x0  }
0x12: {  	s1 =	sld [smem:$0x3F9A];
	s0 =	simm.s32 @p0 $0x1  }
0x13: {  	[smem:$0x3FB5] =	sst s0;
	s0 =	simm.s32 @!p1 $0x0  }
0x14: {  	s2 =	sld [smem:$0x3F99];
	s0 =	simm.s32 @p1 $0x1  }
0x15: {  	[smem:$0x3FB6] =	sst s0;
	s0 =	simm.s32 @!p2 $0x0  }
0x16: {  	s3 =	sld [smem:$0x3FDB];
	s0 =	simm.s32 @p2 $0x1  }
0x17: {  	s4 =	simm.s32 $0x1BF5;
	[smem:$0x3FB8] =	sst s0  }
0x18: {  	s0 =	sld [smem:$0x3F9B];
	_ =	swait.ge [sflag:s4], $0x0  }
0x19: {  	s7 =	sld [smem:$0x3F9C]  }
0x1a: {  	s8 =	sadd.s32 $0xFFFFE003, lr  }
0x1b: {  	s9 =	sadd.s32 $0xFFFFFEF7, lr;
	s5 =	simm.s32 $0xFFFFFFFF;
	p2 =	slt.u32 s8, $0xFFFFF086  }
0x1c: {  	p1 =	slt.u32 s9, $0xF7A;
	s5 =	simm.s32 @!p2 $0x0  }
0x1d: {  	s5 =	simm.s32 @p1 $0x1;
	p0 =	seq.s32 s7, s2  }
0x1e: {  	s7 =	smul.u32 @!p0 $0xF7A, s2;
	p2 =	seq.s32 @!p0 s5, $0x0  }
0x1f: {  	s9 =	smul.u32 $0xF7A, s1;
	s8 =	simm.s32 @!p0 $0x1BF5;
	p2 =	por !p2, p0  }
0x20: {  	[sflag:s8] =	ssyncset.s32 @!p0 $0xFFFFF086;
	s6 =	sadd.s32 @!p0 s3, s7;
	s7 =	simm.s32 @!p0 $0x108  }
0x21: {  	s3 =	sadd.s32 s3, s9;
	s6 =	sadd.s32 @!p0 $0x88, s6;
	s7 =	simm.s32 @p2 $0x1082  }
0x22: {  	[simem:s7], [sflag:s8] =	dma.local @!p0 [hbm:s6], $0xF7A  }
0x23: {  	s9 =	sor.u32 $0xD0000000, s2;
	s6 =	simm.s32 $0x108;
	_ =	swait.ge @!p0 [sflag:s8], $0x0  }
0x24: {  	s3 =	sadd.s32 $0x88, s3;
	s6 =	simm.s32 @!p1 $0x1082;
	[sflag:s4] =	ssyncset.s32 $0xFFFFF086  }
0x25: {  	[simem:s6], [sflag:s4] =	dma.local [hbm:s3], $0xF7A  }
0x26: {  	[smem:$0x3F9C] =	sst s1;
	(tag) =	ssettag s2;
	_ =	strace s9  }
0x27: {  	s1 =	sld [smem:$0x3FAC]  }
0x28: {  	s2 =	sld [smem:$0x3FAD]  }
0x29: {  	s4 =	sld [smem:$0x3FAF]  }
0x2a: {  	p0 =	seq.s32 s5, $0x0;
	s5 =	sld [smem:$0x3FB0]  }
0x2b: {  	s6 =	sld [smem:$0x3FB1]  }
0x2c: {  	s7 =	sld [smem:$0x3FB2]  }
0x2d: {  	s3 =	simm.s32 $0x108;
	s8 =	sld [smem:$0x3FB3]  }
0x2e: {  	s3 =	simm.s32 @!p0 $0x1082;
	s9 =	sld [smem:$0x3FB4]  }
0x2f: {  	lr =	sadd.s32 s0, s3;
	s0 =	sld [smem:$0x3FAB]  }
0x30: {  	s3 =	sld [smem:$0x3FAE]  }
0x31: {  	[smem:$0x3FB7] =	sst s10  }
0x32: {  	s10 =	sld [smem:$0x3FB5];
	_ =	sdelay $0x3  }
0x33: {  	p0 =	seq.s32 s10, $0x1;
	s10 =	sld [smem:$0x3FB7];
	_ =	sdelay $0x3  }
0x34: {  	[smem:$0x3FB7] =	sst s10  }
0x35: {  	s10 =	sld [smem:$0x3FB6];
	_ =	sdelay $0x3  }
0x36: {  	p1 =	seq.s32 s10, $0x1;
	s10 =	sld [smem:$0x3FB7];
	_ =	sdelay $0x3  }
0x37: {  	[smem:$0x3FB7] =	sst s10  }
0x38: {  	s10 =	sld [smem:$0x3FB8]  }
0x39: {  	_ = 	snop;
	(pc) =	sbr.ind lr, $3  }
0x3a: {  	_ = 	snop  }
0x3b: {  	_ = 	snop  }
0x3c: {  	p2 =	seq.s32 s10, $0x1;
	s10 =	sld [smem:$0x3FB7]  }
0x3d: {  	_ =	shalt  }
0x3e: {  	_ =	shalt  }
0x3f: {  	_ =	shalt  }
0x40: {  	_ =	shalt  }
0x41: {  	_ =	shalt  }
0x42: {  	_ =	shalt  }
0x43: {  	_ =	shalt  }
0x44: {  	_ =	shalt  }
0x45: {  	_ =	shalt  }
0x46: {  	_ =	shalt  }
0x47: {  	_ =	shalt  }
0x48: {  	_ =	shalt  }
0x49: {  	_ =	shalt  }
0x4a: {  	_ =	shalt  }
0x4b: {  	_ =	shalt  }
0x4c: {  	_ =	shalt  }
0x4d: {  	_ =	shalt  }
0x4e: {  	_ =	shalt  }
0x4f: {  	_ =	shalt  }
0x50: {  	_ =	shalt  }
0x51: {  	_ =	shalt  }
0x52: {  	_ =	shalt  }
0x53: {  	_ =	shalt  }
0x54: {  	_ =	shalt  }
0x55: {  	_ =	shalt  }
0x56: {  	_ =	shalt  }
0x57: {  	_ =	shalt  }
0x58: {  	_ =	shalt  }
0x59: {  	_ =	shalt  }
0x5a: {  	_ =	shalt  }
0x5b: {  	_ =	shalt  }
0x5c: {  	_ =	shalt  }
0x5d: {  	_ =	shalt  }
0x5e: {  	_ =	shalt  }
0x5f: {  	_ =	shalt  }
0x60: {  	_ =	shalt  }
0x61: {  	_ =	shalt  }
0x62: {  	_ =	shalt  }
0x63: {  	_ =	shalt  }
0x64: {  	_ =	shalt  }
0x65: {  	_ =	shalt  }
0x66: {  	_ =	shalt  }
0x67: {  	_ =	shalt  }
0x68: {  	_ =	shalt  }
0x69: {  	_ =	shalt  }
0x6a: {  	_ =	shalt  }
0x6b: {  	_ =	shalt  }
0x6c: {  	_ =	shalt  }
0x6d: {  	_ =	shalt  }
0x6e: {  	_ =	shalt  }
0x6f: {  	_ =	shalt  }
0x70: {  	_ =	shalt  }
0x71: {  	_ =	shalt  }
0x72: {  	_ =	shalt  }
0x73: {  	_ =	shalt  }
0x74: {  	_ =	shalt  }
0x75: {  	_ =	shalt  }
0x76: {  	_ =	shalt  }
0x77: {  	_ =	shalt  }
0x78: {  	_ =	shalt  }
0x79: {  	_ =	shalt  }
0x7a: {  	_ =	shalt  }
0x7b: {  	_ =	shalt  }
0x7c: {  	_ =	shalt  }
0x7d: {  	_ =	shalt  }
0x7e: {  	_ =	shalt  }
0x7f: {  	_ =	shalt  }
0x80: {  	_ =	shalt  }
0x81: {  	_ =	shalt  }
0x82: {  	_ =	shalt  }
0x83: {  	_ =	shalt  }
0x84: {  	_ =	shalt  }
0x85: {  	_ =	shalt  }
0x86: {  	_ =	shalt  }
0x87: {  	_ =	shalt  }
.Lfunc_end0:
.L_simem_size_0:
called_computation.2_lowered:
.L_overlay_start_0:
0x88: {  	s2 =	sld [smem:$0x3FD9]  }
0x89: {  	s3 =	sld [smem:$0x3FFE];
	_ =	sdelay $0x1  }
0x8a: {  	s1 =	srdreg.scid  }
0x8b: {  	s0 =	sand.u32 $0x1, s1  }
0x8c: {  	s17 =	sshll.u32 s0, $0xA;
	s2 =	sadd.s32 s3, s2  }
0x8d: {  	s2 =	sadd.s32 s2, s17  }
0x8e: {  	[smem:$0x3FC3] =	sst s2  }
0x8f: {  	_ = 	snop  }
0x90: {  	(tm) =	ssettm $0x1  }
0x91: {  	s18 =	sld [smem:$0x3FFB];
	_ =	sdelay $0x3  }
0x92: {  	_ =	strace s18  }
0x93: {  	s2 =	sld [smem:$0x3FFC];
	_ =	sdelay $0x3  }
0x94: {  	_ =	strace s2  }
0x95: {  	s2 =	sld [smem:$0x3FFD];
	_ =	sdelay $0x3  }
0x96: {  	_ =	strace s2  }
0x97: {  	_ =	strace $0x8FFFFFFF  }
0x98: {  	s19 =	sld [smem:$0x3FDB];
	_ =	sdelay $0x1  }
0x99: {  	s20 =	simm.s32 $_scs_section_size  }
0x9a: {  	s4 =	simm.s32 $_size__tile_overlayer_lowered;
	s5 =	simm.s32 $_tile_overlayer_lowered  }
0x9b: {  	s6 =	simm.s32 $0x1BFF;
	s21 =	sshll.u32 s5, $0x1;
	s3 =	sadd.s32 s20, s19  }
0x9c: {  	s22 =	simm.s32 $0x0;
	s4 =	sshll.u32 s4, $0x1;
	s5 =	sadd.s32 s21, s3  }
0x9d: {  	[timem:s22], [sflag:s6] =	dma.local [hbm:s5], s4  }
0x9e: {  	_ =	swait.ge [sflag:s6], s4  }
0x9f: {  	s4 =	ssub.s32 $0x0, s4;
	[sflag:s6] =	ssyncset.done $0x0  }
0xa0: {  	[sflag:s6] =	ssyncadd.s32 s4;
	_ =	sdelay $0x1  }
0xa1: {  	s23 =	simm.s32 $0x1B8B  }
0xa2: {  	_ =	swait.ge [sflag:s23], $0x1  }
0xa3: {  	[sflag:s23] =	ssyncset.done $0x0  }
0xa4: {  	[sflag:s23] =	ssyncadd.s32 $0xFFFFFFFF  }
0xa5: {  	s4 =	sld [smem:$0x0]  }
0xa6: {  	s5 =	sand.u32 $0xFFFFFFFE, s1  }
0xa7: {  	p0 =	sne.s32 s1, s5  }
0xa8: {  	s5 =	sshll.u32 @p0 s5, $0xE  }
0xa9: {  	s5 =	sadd.s32 @p0 $0x11B8D, s5;
	s6 =	sshll.u32 @p0 s4, $0x11  }
0xaa: {  	s5 =	sor.u32 @p0 s6, s5  }
0xab: {  	[sflag:s5] =	ssyncadd.remote.s32 @p0 $0x1;
	_ =	sdelay $0x1  }
0xac: {  	s5 =	simm.s32 @p0 $0x1B8D  }
0xad: {  	_ =	swait.eq @p0 [sflag:s5], $0x1  }
0xae: {  	[sflag:s5] =	ssyncadd.s32 @p0 $0xFFFFFFFF  }
0xaf: {  	s6 =	sshll.u32 @!p0 s1, $0xE  }
0xb0: {  	s6 =	sor.u32 @!p0 $0x4000, s6;
	s5 =	simm.s32 @!p0 $0x1B8D  }
0xb1: {  	s4 =	sshll.u32 @!p0 s4, $0x11;
	s6 =	sadd.s32 @!p0 $0x11B8D, s6;
	_ =	swait.eq @!p0 [sflag:s5], $0x1  }
0xb2: {  	s4 =	sor.u32 @!p0 s4, s6;
	[sflag:s5] =	ssyncadd.s32 @!p0 $0xFFFFFFFF  }
0xb3: {  	s25 =	simm.s32 $0x1B8E;
	s24 =	sld [smem:$0x3FFE];
	[sflag:s4] =	ssyncadd.remote.s32 @!p0 $0x1  }
0xb4: {  	s26 =	simm.s32 $execute0_lowered;
	[smem:$0x3FD2] =	sst s25  }
0xb5: {  	s5 =	sshll.u32 s26, $0x1;
	_ =	strace $0x80000049;
	[dreg:$0x1] =	wrdreg $0xFFFFFFFF  }
0xb6: {  	s28 =	simm.s32 $_size_execute0_lowered;
	s3 =	sadd.s32 s3, s5;
	[dreg:$0x0] =	wrdreg $0x0  }
0xb7: {  	s5 =	sshll.u32 s28, $0x1;
	[dreg:$0x2] =	wrdreg s3  }
0xb8: {  	[dreg:$0x3] =	wrdreg s5  }
0xb9: {  	[dreg:$0x4] =	wrdreg $0xC0  }
0xba: {  	_ =	task [dreg:s22], $0x5FFFF  }
0xbb: {  	[dreg:$0x1] =	wrdreg $0xFFFFFFFF  }
0xbc: {  	[dreg:$0x0] =	wrdreg $0x60  }
0xbd: {  	[dreg:$0x2] =	wrdreg s24  }
0xbe: {  	[dreg:$0x3] =	wrdreg $0xB  }
0xbf: {  	_ =	task.clear_ibuf [dreg:s22], $0x4FFFF;
	_ =	strace $0x90000049  }
0xc0: {  	s29 =	simm.s32 $0xB;
	_ =	strace $0x8000004B  }
0xc1: {  	_ =	swait.ge [sflag:s29], $0x1  }
0xc2: {  	[sflag:s29] =	ssyncadd.s32 $0xFFFFFFFF  }
0xc3: {  	_ =	strace $0x9000004B  }
0xc4: {  	_ =	sfence  }
0xc5: {  	s30 =	sld [smem:$0x0];
	_ =	sdelay $0x2  }
0xc6: {  	s31 =	sshll.u32 s1, $0xD;
	s1 =	sshrl.u32 s1, $0x2  }
0xc7: {  	s4 =	sand.u32 $0x4000, s31;
	s1 =	sadd.s32 s1, s30  }
0xc8: {  	s0 =	sor.u32 s4, s0;
	s1 =	sshll.u32 s1, $0x11  }
0xc9: {  	s0 =	sor.u32 s1, s0  }
0xca: {  	s0 =	sadd.s32 $0x8F2B, s0  }
0xcb: {  	[sflag:s0] =	ssyncadd.remote.s32 $0x1  }
0xcc: {  	_ =	sfence.sel $0xFFFF  }
0xcd: {  	[dreg:$0x0] =	wrdreg $0xFFFFFFFF;
	(pc) =	sbr.abs _section_cstart, $3  }
0xce: {  	[dreg:$0x1] =	wrdreg $0xFFFFFFFF  }
0xcf: {  	_ =	task.clear_ibuf [dreg:s22], $0x2FFFF;
	_ =	strace $0x9FFFFFFF  }
0xd0: {  	(tm) =	ssettm $0x7FFFFFFF  }
0xd1: {  	_ =	shalt  }
tec
execute0_lowered:
.L_overlay_start_1:
0x0: {  	(tag) =	ssettag $0x1  }
0x1: {  	s0 =	srdreg.scid  }
0x2: {  	s5 =	stileid.u32;
	s1 =	rddreg [dreg:$0x0];
	s2 =	simm.s32 $0x0  }
0x3: {  	s10 =	simm.s32 $0x3;
	s11 =	simm.s32 $0x280;
	s12 =	simm.s32 $0x1  }
0x4: {  	s13 =	simm.s32 $0xC280;
	s21 =	simm.s32 $0xCA80;
	s22 =	simm.s32 $0x10A80  }
0x5: {  	s23 =	simm.s32 $0x11280;
	s24 =	simm.s32 $0x11A80;
	s25 =	simm.s32 $0x12280  }
0x6: {  	s28 =	simm.s32 $0x13280;
	s29 =	simm.s32 $0x13A80;
	s30 =	simm.s32 $0x14280  }
0x7: {  	s31 =	simm.s32 $0x14A80;
	s14 =	simm.s32 $0x17280;
	s15 =	simm.s32 $0x17A80  }
0x8: {  	s16 =	simm.s32 $0x4;
	s17 =	simm.s32 $0x2;
	s0 =	sand.u32 $0x1, s0  }
0x9: {  	s3 =	sshll.u32 s5, $0x1;
	[smem:$0x7FF] =	sst s2;
	s5 =	smul.u32 $0x24000, s5  }
0xa: {  	s3 =	sor.u32 s0, s3;
	s6 =	ssub.s32 $0x2, s0;
	s0 =	smul.u32 $0x12000, s0  }
0xb: {  	s19 =	simm.s32 $0x0;
	_ =	strace $0x8000004A;
	s3 =	smul.u32 $0x240, s3  }
0xc: {  	s7 =	sshrl.u32 s6, $0x1;
	s8 =	sadd.s32 s5, s1;
	s5 =	sadd.s32 $0x2700, s1  }
0xd: {  	s9 =	ssub.s32 s6, s7;
	s6 =	sadd.s32 $0x2800, s1;
	s7 =	sadd.s32 $0x2900, s1  }
.Ltmp0:
0xe: {  	s0 =	sadd.s32 s0, s8;
	s8 =	simm.s32 $0x16A80;
	(pc) =	sbr.rel .LBB2_1-.Ltmp0, $4  }
0xf: {  	s4 =	sshrl.u32 s3, $0x3;
	s3 =	sadd.s32 $0x2600, s1;
	s26 =	smax.u32 s9, $0x1  }
0x10: {  	v2 =	vlaneseq.u32;
	s9 =	sadd.s32 $0x343000, s0;
	s0 =	simm.s32 $0x15A80;
	s4 =	sadd.s32 s4, s1  }
0x11: {  	vm0 =	vmmov $0xffff;
	v1 =	vshrl.u32 v2, $0x3;
	[dreg:$0x3] =	wrdreg s26;
	s26 =	simm.s32 $0x12A80;
	s4 =	sadd.s32 $0x342600, s4  }
0x12: {  	v0 =	vand.u32 $0x7, v2;
	v2 =	vor.u32 $0x8, v2;
	v1 =	vmul.u32 $0x8, v1;
	s1 =	simm.s32 $0x15280;
	[dreg:$0x2] =	wrdreg s4;
	s4 =	simm.s32 $0x16280  }
.LBB2_5:
0x13: {  	s19 =	rddreg [dreg:$0x4]  }
0x14: {  	s18 =	rddreg [dreg:$0x3];
	s19 =	sadd.s32 $0x1, s19  }
0x15: {  	p0 =	sne.s32 s19, s18  }
.Ltmp1:
0x16: {  	_ = 	snop;
	(pc) =	sbr.rel @!p0 .LBB2_6-.Ltmp1, $1  }
0x17: {  	_ =	sdelay $0x3  }
.LBB2_1:
0x18: {  	[dreg:$0x4] =	wrdreg s19  }
0x19: {  	s18 =	rddreg [dreg:$0x2]  }
0x1a: {  	[tilespmem:s2], [sflag:$0x3] =	stream.linear.gather [hbm4b:s18+s2], $0x240, $0x38;
	[tilespmem:$0x18280] =	vst v63  }
0x1b: {  	_ =	swait.ge [sflag:s10], $0x240  }
0x1c: {  	[sflag:s10] =	ssyncset.done $0x0  }
0x1d: {  	[sflag:s10] =	ssyncadd.s32 $0xFFFFFDC0  }
0x1e: {  	v3 =	vld [tilespmem:$0x0];
	_ =	sdelay $0x4  }
0x1f: {  	v4 =	vshll.u32 v3, $0x3  }
0x20: {  	v3 =	vand.u32 $0x7, v3;
	v4 =	vand.u32 $0xFFFFFFC0, v4  }
0x21: {  	v3 =	vor.u32 v3, v4  }
0x22: {  	v4 =	vperm.xlane v3, v0;
	_ =	sdelay $0x1  }
0x23: {  	v4 =	vadd.s32 v1, v4;
	_ =	sdelay $0x4  }
0x24: {  	[tilespmem:s11], [sflag:$0x1] =	stream.indirect_vreg.gather [hbm4b:s3+s2], $0x80, v4, vm0, $0xb8;
	[tilespmem:$0x18280] =	vst v63  }
0x25: {  	s20 =	simm.s32 $0xA80;
	v3 =	vperm.xlane v3, v2  }
0x26: {  	[tilespmem:s20], [sflag:$0x1] =	stream.indirect_vreg.gather [hbm4b:s5+s2], $0x80, v4, vm0, $0xb8;
	[tilespmem:$0x18280] =	vst v63  }
0x27: {  	s19 =	simm.s32 $0x1280;
	v3 =	vadd.s32 v1, v3  }
0x28: {  	[tilespmem:s19], [sflag:$0x1] =	stream.indirect_vreg.gather [hbm4b:s6+s2], $0x80, v4, vm0, $0xb8;
	[tilespmem:$0x18280] =	vst v63  }
0x29: {  	s20 =	simm.s32 $0x1A80  }
0x2a: {  	[tilespmem:s20], [sflag:$0x1] =	stream.indirect_vreg.gather [hbm4b:s7+s2], $0x80, v4, vm0, $0xb8;
	[tilespmem:$0x18280] =	vst v63  }
0x2b: {  	s19 =	simm.s32 $0x2280  }
0x2c: {  	[tilespmem:s19], [sflag:$0x1] =	stream.indirect_vreg.gather [hbm4b:s3+s2], $0x80, v3, vm0, $0xb8;
	[tilespmem:$0x18280] =	vst v63  }
0x2d: {  	s20 =	simm.s32 $0x2A80  }
0x2e: {  	[tilespmem:s20], [sflag:$0x1] =	stream.indirect_vreg.gather [hbm4b:s5+s2], $0x80, v3, vm0, $0xb8;
	[tilespmem:$0x18280] =	vst v63  }
0x2f: {  	s19 =	simm.s32 $0x3280  }
0x30: {  	[tilespmem:s19], [sflag:$0x1] =	stream.indirect_vreg.gather [hbm4b:s6+s2], $0x80, v3, vm0, $0xb8;
	[tilespmem:$0x18280] =	vst v63  }
0x31: {  	s20 =	simm.s32 $0x3A80  }
0x32: {  	[tilespmem:s20], [sflag:$0x1] =	stream.indirect_vreg.gather [hbm4b:s7+s2], $0x80, v3, vm0, $0xb8;
	[tilespmem:$0x18280] =	vst v63  }
0x33: {  	v3 =	vld [tilespmem:$0x10];
	_ =	sdelay $0x4  }
0x34: {  	v62 =	vshll.u32 v3, $0x3  }
0x35: {  	v3 =	vand.u32 $0x7, v3;
	v4 =	vand.u32 $0xFFFFFFC0, v62  }
0x36: {  	v3 =	vor.u32 v3, v4  }
0x37: {  	v4 =	vperm.xlane v3, v0;
	_ =	sdelay $0x1  }
0x38: {  	v4 =	vadd.s32 v1, v4;
	_ =	sdelay $0x3  }
0x39: {  	s19 =	simm.s32 $0x4280  }
0x3a: {  	[tilespmem:s19], [sflag:$0x1] =	stream.indirect_vreg.gather [hbm4b:s3+s2], $0x80, v4, vm0, $0xb8;
	[tilespmem:$0x18280] =	vst v63  }
0x3b: {  	s20 =	simm.s32 $0x4A80;
	v3 =	vperm.xlane v3, v2  }
0x3c: {  	[tilespmem:s20], [sflag:$0x1] =	stream.indirect_vreg.gather [hbm4b:s5+s2], $0x80, v4, vm0, $0xb8;
	[tilespmem:$0x18280] =	vst v63  }
0x3d: {  	v3 =	vadd.s32 v1, v3;
	s19 =	simm.s32 $0x5280  }
0x3e: {  	[tilespmem:s19], [sflag:$0x1] =	stream.indirect_vreg.gather [hbm4b:s6+s2], $0x80, v4, vm0, $0xb8;
	[tilespmem:$0x18280] =	vst v63  }
0x3f: {  	s20 =	simm.s32 $0x5A80  }
0x40: {  	[tilespmem:s20], [sflag:$0x1] =	stream.indirect_vreg.gather [hbm4b:s7+s2], $0x80, v4, vm0, $0xb8;
	[tilespmem:$0x18280] =	vst v63  }
0x41: {  	s19 =	simm.s32 $0x6280  }
0x42: {  	[tilespmem:s19], [sflag:$0x1] =	stream.indirect_vreg.gather [hbm4b:s3+s2], $0x80, v3, vm0, $0xb8;
	[tilespmem:$0x18280] =	vst v63  }
0x43: {  	s20 =	simm.s32 $0x6A80  }
0x44: {  	[tilespmem:s20], [sflag:$0x1] =	stream.indirect_vreg.gather [hbm4b:s5+s2], $0x80, v3, vm0, $0xb8;
	[tilespmem:$0x18280] =	vst v63  }
0x45: {  	s19 =	simm.s32 $0x7280  }
0x46: {  	[tilespmem:s19], [sflag:$0x1] =	stream.indirect_vreg.gather [hbm4b:s6+s2], $0x80, v3, vm0, $0xb8;
	[tilespmem:$0x18280] =	vst v63  }
0x47: {  	s20 =	simm.s32 $0x7A80  }
0x48: {  	[tilespmem:s20], [sflag:$0x1] =	stream.indirect_vreg.gather [hbm4b:s7+s2], $0x80, v3, vm0, $0xb8;
	[tilespmem:$0x18280] =	vst v63  }
0x49: {  	v3 =	vld [tilespmem:$0x20];
	_ =	sdelay $0x4  }
0x4a: {  	v63 =	vshll.u32 v3, $0x3  }
0x4b: {  	v3 =	vand.u32 $0x7, v3;
	v4 =	vand.u32 $0xFFFFFFC0, v63  }
0x4c: {  	v3 =	vor.u32 v3, v4  }
0x4d: {  	v4 =	vperm.xlane v3, v0;
	_ =	sdelay $0x1  }
0x4e: {  	v4 =	vadd.s32 v1, v4;
	_ =	sdelay $0x3  }
0x4f: {  	s19 =	simm.s32 $0x8280  }
0x50: {  	[tilespmem:s19], [sflag:$0x1] =	stream.indirect_vreg.gather [hbm4b:s3+s2], $0x80, v4, vm0, $0xb8;
	[tilespmem:$0x18280] =	vst v63  }
0x51: {  	s20 =	simm.s32 $0x8A80;
	v3 =	vperm.xlane v3, v2  }
0x52: {  	[tilespmem:s20], [sflag:$0x1] =	stream.indirect_vreg.gather [hbm4b:s5+s2], $0x80, v4, vm0, $0xb8;
	[tilespmem:$0x18280] =	vst v63  }
0x53: {  	v3 =	vadd.s32 v1, v3;
	s19 =	simm.s32 $0x9280  }
0x54: {  	[tilespmem:s19], [sflag:$0x1] =	stream.indirect_vreg.gather [hbm4b:s6+s2], $0x80, v4, vm0, $0xb8;
	[tilespmem:$0x18280] =	vst v63  }
0x55: {  	s20 =	simm.s32 $0x9A80  }
0x56: {  	[tilespmem:s20], [sflag:$0x1] =	stream.indirect_vreg.gather [hbm4b:s7+s2], $0x80, v4, vm0, $0xb8;
	[tilespmem:$0x18280] =	vst v63  }
0x57: {  	s19 =	simm.s32 $0xA280  }
0x58: {  	[tilespmem:s19], [sflag:$0x1] =	stream.indirect_vreg.gather [hbm4b:s3+s2], $0x80, v3, vm0, $0xb8;
	[tilespmem:$0x18280] =	vst v63  }
0x59: {  	s20 =	simm.s32 $0xAA80  }
0x5a: {  	[tilespmem:s20], [sflag:$0x1] =	stream.indirect_vreg.gather [hbm4b:s5+s2], $0x80, v3, vm0, $0xb8;
	[tilespmem:$0x18280] =	vst v63  }
.Ltmp2:
0x5b: {  	_ = 	snop;
	(pc) =	sbr.rel .LBB2_2-.Ltmp2, $4  }
0x5c: {  	s19 =	simm.s32 $0xB280  }
0x5d: {  	[tilespmem:s19], [sflag:$0x1] =	stream.indirect_vreg.gather [hbm4b:s6+s2], $0x80, v3, vm0, $0xb8;
	[tilespmem:$0x18280] =	vst v63  }
0x5e: {  	s18 =	simm.s32 $0x40;
	s20 =	simm.s32 $0xBA80;
	s19 =	simm.s32 $0x0  }
0x5f: {  	[tilespmem:s20], [sflag:$0x1] =	stream.indirect_vreg.gather [hbm4b:s7+s2], $0x80, v3, vm0, $0xb8;
	[tilespmem:$0x18280] =	vst v63  }
.LBB2_4:
0x60: {  	s19 =	sadd.s32 $0x3000, s19  }
0x61: {  	p0 =	sne.s32 s19, $0x12000  }
.Ltmp3:
0x62: {  	s20 =	sadd.s32 $0x1800, s20;
	(pc) =	sbr.rel @!p0 .LBB2_5-.Ltmp3, $4  }
0x63: {  	[hbm4b:s20+s2] =	stream.linear.scatter [tilespmem:s13], [sflag:$0x3], $0xC000, $0x38;
	[tilespmem:$0x18280] =	vst v63  }
0x64: {  	_ =	swait.ge [sflag:s10], $0xC000  }
0x65: {  	[sflag:s10] =	ssyncset.done $0x0  }
0x66: {  	s18 =	sadd.s32 $0x60, s18;
	[sflag:s10] =	ssyncadd.s32 $0xFFFF4000  }
.LBB2_2:
0x67: {  	_ =	swait.ge [sflag:s12], $0xC000  }
0x68: {  	[sflag:s12] =	ssyncset.done $0x0  }
0x69: {  	[sflag:s12] =	ssyncadd.s32 $0xFFFF4000  }
0x6a: {  	v3 =	vld [tilespmem:s18+$0xFFFFFFF0];
	_ =	sdelay $0x4  }
0x6b: {  	v4 =	vshll.u32 v3, $0x3  }
0x6c: {  	v3 =	vand.u32 $0x7, v3;
	v4 =	vand.u32 $0xFFFFFFC0, v4  }
0x6d: {  	v3 =	vor.u32 v3, v4  }
0x6e: {  	v4 =	vperm.xlane v3, v0;
	_ =	sdelay $0x1  }
0x6f: {  	v4 =	vadd.s32 v1, v4;
	_ =	sdelay $0x4  }
0x70: {  	[tilespmem:s13], [sflag:$0x2] =	stream.indirect_vreg.gather [hbm4b:s3+s2], $0x80, v4, vm0, $0xb8;
	[tilespmem:$0x18280] =	vst v63  }
0x71: {  	v3 =	vperm.xlane v3, v2  }
0x72: {  	[tilespmem:s21], [sflag:$0x2] =	stream.indirect_vreg.gather [hbm4b:s5+s2], $0x80, v4, vm0, $0xb8;
	[tilespmem:$0x18280] =	vst v63  }
0x73: {  	s20 =	simm.s32 $0xD280;
	v3 =	vadd.s32 v1, v3  }
0x74: {  	[tilespmem:s20], [sflag:$0x2] =	stream.indirect_vreg.gather [hbm4b:s6+s2], $0x80, v4, vm0, $0xb8;
	[tilespmem:$0x18280] =	vst v63  }
0x75: {  	s20 =	simm.s32 $0xDA80  }
0x76: {  	[tilespmem:s20], [sflag:$0x2] =	stream.indirect_vreg.gather [hbm4b:s7+s2], $0x80, v4, vm0, $0xb8;
	[tilespmem:$0x18280] =	vst v63  }
0x77: {  	s20 =	simm.s32 $0xE280  }
0x78: {  	[tilespmem:s20], [sflag:$0x2] =	stream.indirect_vreg.gather [hbm4b:s3+s2], $0x80, v3, vm0, $0xb8;
	[tilespmem:$0x18280] =	vst v63  }
0x79: {  	s20 =	simm.s32 $0xEA80  }
0x7a: {  	[tilespmem:s20], [sflag:$0x2] =	stream.indirect_vreg.gather [hbm4b:s5+s2], $0x80, v3, vm0, $0xb8;
	[tilespmem:$0x18280] =	vst v63  }
0x7b: {  	s20 =	simm.s32 $0xF280  }
0x7c: {  	[tilespmem:s20], [sflag:$0x2] =	stream.indirect_vreg.gather [hbm4b:s6+s2], $0x80, v3, vm0, $0xb8;
	[tilespmem:$0x18280] =	vst v63  }
0x7d: {  	s20 =	simm.s32 $0xFA80  }
0x7e: {  	[tilespmem:s20], [sflag:$0x2] =	stream.indirect_vreg.gather [hbm4b:s7+s2], $0x80, v3, vm0, $0xb8;
	[tilespmem:$0x18280] =	vst v63  }
0x7f: {  	v3 =	vld [tilespmem:s18+$0x0];
	_ =	sdelay $0x4  }
0x80: {  	v62 =	vshll.u32 v3, $0x3  }
0x81: {  	v3 =	vand.u32 $0x7, v3;
	v4 =	vand.u32 $0xFFFFFFC0, v62  }
0x82: {  	v3 =	vor.u32 v3, v4  }
0x83: {  	v4 =	vperm.xlane v3, v0;
	_ =	sdelay $0x1  }
0x84: {  	v4 =	vadd.s32 v1, v4;
	_ =	sdelay $0x3  }
0x85: {  	s20 =	simm.s32 $0x10280  }
0x86: {  	[tilespmem:s20], [sflag:$0x2] =	stream.indirect_vreg.gather [hbm4b:s3+s2], $0x80, v4, vm0, $0xb8;
	[tilespmem:$0x18280] =	vst v63  }
0x87: {  	v3 =	vperm.xlane v3, v2  }
0x88: {  	[tilespmem:s22], [sflag:$0x2] =	stream.indirect_vreg.gather [hbm4b:s5+s2], $0x80, v4, vm0, $0xb8;
	[tilespmem:$0x18280] =	vst v63  }
0x89: {  	v3 =	vadd.s32 v1, v3  }
0x8a: {  	[tilespmem:s23], [sflag:$0x2] =	stream.indirect_vreg.gather [hbm4b:s6+s2], $0x80, v4, vm0, $0xb8;
	[tilespmem:$0x18280] =	vst v63  }
0x8b: {  	_ = 	snop  }
0x8c: {  	[tilespmem:s24], [sflag:$0x2] =	stream.indirect_vreg.gather [hbm4b:s7+s2], $0x80, v4, vm0, $0xb8;
	[tilespmem:$0x18280] =	vst v63  }
0x8d: {  	_ = 	snop  }
0x8e: {  	[tilespmem:s25], [sflag:$0x2] =	stream.indirect_vreg.gather [hbm4b:s3+s2], $0x80, v3, vm0, $0xb8;
	[tilespmem:$0x18280] =	vst v63  }
0x8f: {  	_ = 	snop  }
0x90: {  	[tilespmem:s26], [sflag:$0x2] =	stream.indirect_vreg.gather [hbm4b:s5+s2], $0x80, v3, vm0, $0xb8;
	[tilespmem:$0x18280] =	vst v63  }
0x91: {  	_ = 	snop  }
0x92: {  	[tilespmem:s28], [sflag:$0x2] =	stream.indirect_vreg.gather [hbm4b:s6+s2], $0x80, v3, vm0, $0xb8;
	[tilespmem:$0x18280] =	vst v63  }
0x93: {  	_ = 	snop  }
0x94: {  	[tilespmem:s29], [sflag:$0x2] =	stream.indirect_vreg.gather [hbm4b:s7+s2], $0x80, v3, vm0, $0xb8;
	[tilespmem:$0x18280] =	vst v63  }
0x95: {  	v3 =	vld [tilespmem:s18+$0x10];
	_ =	sdelay $0x4  }
0x96: {  	v63 =	vshll.u32 v3, $0x3  }
0x97: {  	v3 =	vand.u32 $0x7, v3;
	v4 =	vand.u32 $0xFFFFFFC0, v63  }
0x98: {  	v3 =	vor.u32 v3, v4  }
0x99: {  	v4 =	vperm.xlane v3, v0;
	_ =	sdelay $0x1  }
0x9a: {  	v4 =	vadd.s32 v1, v4;
	_ =	sdelay $0x4  }
0x9b: {  	[tilespmem:s30], [sflag:$0x2] =	stream.indirect_vreg.gather [hbm4b:s3+s2], $0x80, v4, vm0, $0xb8;
	[tilespmem:$0x18280] =	vst v63  }
0x9c: {  	v3 =	vperm.xlane v3, v2  }
0x9d: {  	[tilespmem:s31], [sflag:$0x2] =	stream.indirect_vreg.gather [hbm4b:s5+s2], $0x80, v4, vm0, $0xb8;
	[tilespmem:$0x18280] =	vst v63  }
0x9e: {  	v3 =	vadd.s32 v1, v3  }
0x9f: {  	[tilespmem:s1], [sflag:$0x2] =	stream.indirect_vreg.gather [hbm4b:s6+s2], $0x80, v4, vm0, $0xb8;
	[tilespmem:$0x18280] =	vst v63  }
0xa0: {  	_ = 	snop  }
0xa1: {  	[tilespmem:s0], [sflag:$0x2] =	stream.indirect_vreg.gather [hbm4b:s7+s2], $0x80, v4, vm0, $0xb8;
	[tilespmem:$0x18280] =	vst v63  }
0xa2: {  	_ = 	snop  }
0xa3: {  	[tilespmem:s4], [sflag:$0x2] =	stream.indirect_vreg.gather [hbm4b:s3+s2], $0x80, v3, vm0, $0xb8;
	[tilespmem:$0x18280] =	vst v63  }
0xa4: {  	_ = 	snop  }
0xa5: {  	[tilespmem:s8], [sflag:$0x2] =	stream.indirect_vreg.gather [hbm4b:s5+s2], $0x80, v3, vm0, $0xb8;
	[tilespmem:$0x18280] =	vst v63  }
0xa6: {  	_ = 	snop  }
0xa7: {  	[tilespmem:s14], [sflag:$0x2] =	stream.indirect_vreg.gather [hbm4b:s6+s2], $0x80, v3, vm0, $0xb8;
	[tilespmem:$0x18280] =	vst v63  }
0xa8: {  	_ = 	snop  }
0xa9: {  	[tilespmem:s15], [sflag:$0x2] =	stream.indirect_vreg.gather [hbm4b:s7+s2], $0x80, v3, vm0, $0xb8;
	[tilespmem:$0x18280] =	vst v63  }
0xaa: {  	s20 =	sadd.s32 s19, s9  }
0xab: {  	[hbm4b:s20+s2] =	stream.linear.scatter [tilespmem:s11], [sflag:$0x4], $0xC000, $0x38;
	[tilespmem:$0x18280] =	vst v63  }
0xac: {  	p0 =	seq.s32 s19, $0xF000;
	_ =	swait.ge [sflag:s16], $0xC000  }
.Ltmp4:
0xad: {  	[sflag:s16] =	ssyncset.done $0x0;
	(pc) =	sbr.rel @p0 .LBB2_4-.Ltmp4, $4  }
0xae: {  	[sflag:s16] =	ssyncadd.s32 $0xFFFF4000  }
0xaf: {  	_ =	swait.ge [sflag:s17], $0xC000  }
0xb0: {  	[sflag:s17] =	ssyncset.done $0x0  }
0xb1: {  	[sflag:s17] =	ssyncadd.s32 $0xFFFF4000  }
0xb2: {  	v3 =	vld [tilespmem:s18+$0x20];
	_ =	sdelay $0x4  }
0xb3: {  	v4 =	vshll.u32 v3, $0x3  }
0xb4: {  	v3 =	vand.u32 $0x7, v3;
	v4 =	vand.u32 $0xFFFFFFC0, v4  }
0xb5: {  	v3 =	vor.u32 v3, v4  }
0xb6: {  	v4 =	vperm.xlane v3, v0;
	_ =	sdelay $0x1  }
0xb7: {  	v4 =	vadd.s32 v1, v4;
	_ =	sdelay $0x4  }
0xb8: {  	[tilespmem:s11], [sflag:$0x1] =	stream.indirect_vreg.gather [hbm4b:s3+s2], $0x80, v4, vm0, $0xb8;
	[tilespmem:$0x18280] =	vst v63  }
0xb9: {  	s21 =	simm.s32 $0xA80;
	v3 =	vperm.xlane v3, v2  }
0xba: {  	[tilespmem:s21], [sflag:$0x1] =	stream.indirect_vreg.gather [hbm4b:s5+s2], $0x80, v4, vm0, $0xb8;
	[tilespmem:$0x18280] =	vst v63  }
0xbb: {  	v3 =	vadd.s32 v1, v3;
	s21 =	simm.s32 $0x1280  }
0xbc: {  	[tilespmem:s21], [sflag:$0x1] =	stream.indirect_vreg.gather [hbm4b:s6+s2], $0x80, v4, vm0, $0xb8;
	[tilespmem:$0x18280] =	vst v63  }
0xbd: {  	s21 =	simm.s32 $0x1A80  }
0xbe: {  	[tilespmem:s21], [sflag:$0x1] =	stream.indirect_vreg.gather [hbm4b:s7+s2], $0x80, v4, vm0, $0xb8;
	[tilespmem:$0x18280] =	vst v63  }
0xbf: {  	s21 =	simm.s32 $0x2280  }
0xc0: {  	[tilespmem:s21], [sflag:$0x1] =	stream.indirect_vreg.gather [hbm4b:s3+s2], $0x80, v3, vm0, $0xb8;
	[tilespmem:$0x18280] =	vst v63  }
0xc1: {  	s21 =	simm.s32 $0x2A80  }
0xc2: {  	[tilespmem:s21], [sflag:$0x1] =	stream.indirect_vreg.gather [hbm4b:s5+s2], $0x80, v3, vm0, $0xb8;
	[tilespmem:$0x18280] =	vst v63  }
0xc3: {  	s21 =	simm.s32 $0x3280  }
0xc4: {  	[tilespmem:s21], [sflag:$0x1] =	stream.indirect_vreg.gather [hbm4b:s6+s2], $0x80, v3, vm0, $0xb8;
	[tilespmem:$0x18280] =	vst v63  }
0xc5: {  	s21 =	simm.s32 $0x3A80  }
0xc6: {  	[tilespmem:s21], [sflag:$0x1] =	stream.indirect_vreg.gather [hbm4b:s7+s2], $0x80, v3, vm0, $0xb8;
	[tilespmem:$0x18280] =	vst v63  }
0xc7: {  	v3 =	vld [tilespmem:s18+$0x30];
	_ =	sdelay $0x4  }
0xc8: {  	v62 =	vshll.u32 v3, $0x3  }
0xc9: {  	v3 =	vand.u32 $0x7, v3;
	v4 =	vand.u32 $0xFFFFFFC0, v62  }
0xca: {  	v3 =	vor.u32 v3, v4  }
0xcb: {  	v4 =	vperm.xlane v3, v0;
	_ =	sdelay $0x1  }
0xcc: {  	v4 =	vadd.s32 v1, v4;
	_ =	sdelay $0x3  }
0xcd: {  	s21 =	simm.s32 $0x4280  }
0xce: {  	[tilespmem:s21], [sflag:$0x1] =	stream.indirect_vreg.gather [hbm4b:s3+s2], $0x80, v4, vm0, $0xb8;
	[tilespmem:$0x18280] =	vst v63  }
0xcf: {  	v3 =	vperm.xlane v3, v2;
	s21 =	simm.s32 $0x4A80  }
0xd0: {  	[tilespmem:s21], [sflag:$0x1] =	stream.indirect_vreg.gather [hbm4b:s5+s2], $0x80, v4, vm0, $0xb8;
	[tilespmem:$0x18280] =	vst v63  }
0xd1: {  	v3 =	vadd.s32 v1, v3;
	s21 =	simm.s32 $0x5280  }
0xd2: {  	[tilespmem:s21], [sflag:$0x1] =	stream.indirect_vreg.gather [hbm4b:s6+s2], $0x80, v4, vm0, $0xb8;
	[tilespmem:$0x18280] =	vst v63  }
0xd3: {  	s21 =	simm.s32 $0x5A80  }
0xd4: {  	[tilespmem:s21], [sflag:$0x1] =	stream.indirect_vreg.gather [hbm4b:s7+s2], $0x80, v4, vm0, $0xb8;
	[tilespmem:$0x18280] =	vst v63  }
0xd5: {  	s21 =	simm.s32 $0x6280  }
0xd6: {  	[tilespmem:s21], [sflag:$0x1] =	stream.indirect_vreg.gather [hbm4b:s3+s2], $0x80, v3, vm0, $0xb8;
	[tilespmem:$0x18280] =	vst v63  }
0xd7: {  	s21 =	simm.s32 $0x6A80  }
0xd8: {  	[tilespmem:s21], [sflag:$0x1] =	stream.indirect_vreg.gather [hbm4b:s5+s2], $0x80, v3, vm0, $0xb8;
	[tilespmem:$0x18280] =	vst v63  }
0xd9: {  	s21 =	simm.s32 $0x7280  }
0xda: {  	[tilespmem:s21], [sflag:$0x1] =	stream.indirect_vreg.gather [hbm4b:s6+s2], $0x80, v3, vm0, $0xb8;
	[tilespmem:$0x18280] =	vst v63  }
0xdb: {  	s21 =	simm.s32 $0x7A80  }
0xdc: {  	[tilespmem:s21], [sflag:$0x1] =	stream.indirect_vreg.gather [hbm4b:s7+s2], $0x80, v3, vm0, $0xb8;
	[tilespmem:$0x18280] =	vst v63  }
0xdd: {  	v3 =	vld [tilespmem:s18+$0x40];
	_ =	sdelay $0x4  }
0xde: {  	v63 =	vshll.u32 v3, $0x3  }
0xdf: {  	v3 =	vand.u32 $0x7, v3;
	v4 =	vand.u32 $0xFFFFFFC0, v63  }
0xe0: {  	v3 =	vor.u32 v3, v4  }
0xe1: {  	v4 =	vperm.xlane v3, v0;
	_ =	sdelay $0x1  }
0xe2: {  	v4 =	vadd.s32 v1, v4;
	_ =	sdelay $0x3  }
0xe3: {  	s21 =	simm.s32 $0x8280  }
0xe4: {  	[tilespmem:s21], [sflag:$0x1] =	stream.indirect_vreg.gather [hbm4b:s3+s2], $0x80, v4, vm0, $0xb8;
	[tilespmem:$0x18280] =	vst v63  }
0xe5: {  	v3 =	vperm.xlane v3, v2;
	s21 =	simm.s32 $0x8A80  }
0xe6: {  	[tilespmem:s21], [sflag:$0x1] =	stream.indirect_vreg.gather [hbm4b:s5+s2], $0x80, v4, vm0, $0xb8;
	[tilespmem:$0x18280] =	vst v63  }
0xe7: {  	v3 =	vadd.s32 v1, v3;
	s21 =	simm.s32 $0x9280  }
0xe8: {  	[tilespmem:s21], [sflag:$0x1] =	stream.indirect_vreg.gather [hbm4b:s6+s2], $0x80, v4, vm0, $0xb8;
	[tilespmem:$0x18280] =	vst v63  }
0xe9: {  	s21 =	simm.s32 $0x9A80  }
0xea: {  	[tilespmem:s21], [sflag:$0x1] =	stream.indirect_vreg.gather [hbm4b:s7+s2], $0x80, v4, vm0, $0xb8;
	[tilespmem:$0x18280] =	vst v63  }
0xeb: {  	s21 =	simm.s32 $0xA280  }
0xec: {  	[tilespmem:s21], [sflag:$0x1] =	stream.indirect_vreg.gather [hbm4b:s3+s2], $0x80, v3, vm0, $0xb8;
	[tilespmem:$0x18280] =	vst v63  }
0xed: {  	s21 =	simm.s32 $0xAA80  }
0xee: {  	[tilespmem:s21], [sflag:$0x1] =	stream.indirect_vreg.gather [hbm4b:s5+s2], $0x80, v3, vm0, $0xb8;
	[tilespmem:$0x18280] =	vst v63  }
.Ltmp5:
0xef: {  	s21 =	simm.s32 $0xB280;
	(pc) =	sbr.rel .LBB2_4-.Ltmp5, $4  }
0xf0: {  	[tilespmem:s21], [sflag:$0x1] =	stream.indirect_vreg.gather [hbm4b:s6+s2], $0x80, v3, vm0, $0xb8;
	[tilespmem:$0x18280] =	vst v63  }
0xf1: {  	s21 =	simm.s32 $0xBA80  }
0xf2: {  	[tilespmem:s21], [sflag:$0x1] =	stream.indirect_vreg.gather [hbm4b:s7+s2], $0x80, v3, vm0, $0xb8;
	[tilespmem:$0x18280] =	vst v63  }
0xf3: {  	s21 =	simm.s32 $0xCA80  }
.LBB2_6:
0xf4: {  	_ =	sfence.sel $0x180000  }
0xf5: {  	[bflag:$0x0] =	sbarrier.arrive $0xFFFF  }
0xf6: {  	_ =	strace $0x9000004A  }
0xf7: {  	s0 =	stileid.u32;
	[bflag:$0x2] =	sbarrier.arrive $0xFFFF  }
0xf8: {  	p0 =	sne.s32 s0, $0x0;
	s0 =	rddreg [dreg:$0x1]  }
0xf9: {  	s0 =	sadd.s32 @!p0 $0x100000, s0  }
0xfa: {  	[sflag:s0] =	ssyncadd.tile.s32 @!p0 $0x1;
	_ =	shalt  }
.Lfunc_end2:
_tile_overlayer_lowered:
.L_overlay_start_2:
0xfb: {  	(tag) =	ssettag $0x2  }
0xfc: {  	s0 =	rddreg [dreg:$0x0];
	s2 =	stileid.u32  }
0xfd: {  	s1 =	rddreg [dreg:$0x1];
	p0 =	sne.s32 s2, $0x0  }
0xfe: {  	s3 =	rddreg [dreg:$0x2];
	[bflag:$0x3] =	sbarrier.arrive $0xFFFF;
	s2 =	simm.s32 @!p0 $0x1C03  }
0xff: {  	[timem:s3], [sflag:s2] =	dma.local @!p0 [hbm:s0], s1  }
0x100: {  	s0 =	simm.s32 @!p0 $0x3  }
0x101: {  	_ =	swait.ge @!p0 [sflag:s0], s1  }
0x102: {  	s1 =	ssub.s32 @!p0 $0x0, s1;
	[sflag:s0] =	ssyncset.done @!p0 $0x0  }
0x103: {  	[sflag:s0] =	ssyncadd.s32 @!p0 s1  }
0x104: {  	[bflag:$0x3] =	sbarrier.arrive $0xFFFF  }
0x105: {  	_ =	shalt  }

// kernel: kernel.24.cloned.1.call-start
scs
__scs_entry_jumppad:
0x0: {  	(pc) =	sbr.rel $0x88, $3  }
0x1: {  	(tag) =	ssettag $0x0;
	lr =	simm.s32 $0x1  }
0x2: {  	[smem:$0x3F9C] =	sst lr;
	_ =	strace $0xD0000000  }
0x3: {  	_ = 	snop  }
0x4: {  	_ = 	snop  }
0x5: {  	_ = 	snop  }
0x6: {  	_ = 	snop  }
0x7: {  	_ = 	snop  }
__scs_overlays_trampoline_lowered:
0x8: {  	[smem:$0x3FAB] =	sst s0  }
0x9: {  	[smem:$0x3FAC] =	sst s1  }
0xa: {  	[smem:$0x3FAD] =	sst s2  }
0xb: {  	[smem:$0x3FAE] =	sst s3  }
0xc: {  	[smem:$0x3FAF] =	sst s4  }
0xd: {  	[smem:$0x3FB0] =	sst s5  }
0xe: {  	[smem:$0x3FB1] =	sst s6  }
0xf: {  	[smem:$0x3FB2] =	sst s7  }
0x10: {  	[smem:$0x3FB3] =	sst s8  }
0x11: {  	[smem:$0x3FB4] =	sst s9;
	s0 =	simm.s32 @!p0 $0x0  }
0x12: {  	s1 =	sld [smem:$0x3F9A];
	s0 =	simm.s32 @p0 $0x1  }
0x13: {  	[smem:$0x3FB5] =	sst s0;
	s0 =	simm.s32 @!p1 $0x0  }
0x14: {  	s2 =	sld [smem:$0x3F99];
	s0 =	simm.s32 @p1 $0x1  }
0x15: {  	[smem:$0x3FB6] =	sst s0;
	s0 =	simm.s32 @!p2 $0x0  }
0x16: {  	s3 =	sld [smem:$0x3FDB];
	s0 =	simm.s32 @p2 $0x1  }
0x17: {  	s4 =	simm.s32 $0x1BF5;
	[smem:$0x3FB8] =	sst s0  }
0x18: {  	s0 =	sld [smem:$0x3F9B];
	_ =	swait.ge [sflag:s4], $0x0  }
0x19: {  	s7 =	sld [smem:$0x3F9C]  }
0x1a: {  	s8 =	sadd.s32 $0xFFFFE003, lr  }
0x1b: {  	s9 =	sadd.s32 $0xFFFFFEF7, lr;
	s5 =	simm.s32 $0xFFFFFFFF;
	p2 =	slt.u32 s8, $0xFFFFF086  }
0x1c: {  	p1 =	slt.u32 s9, $0xF7A;
	s5 =	simm.s32 @!p2 $0x0  }
0x1d: {  	s5 =	simm.s32 @p1 $0x1;
	p0 =	seq.s32 s7, s2  }
0x1e: {  	s7 =	smul.u32 @!p0 $0xF7A, s2;
	p2 =	seq.s32 @!p0 s5, $0x0  }
0x1f: {  	s9 =	smul.u32 $0xF7A, s1;
	s8 =	simm.s32 @!p0 $0x1BF5;
	p2 =	por !p2, p0  }
0x20: {  	[sflag:s8] =	ssyncset.s32 @!p0 $0xFFFFF086;
	s6 =	sadd.s32 @!p0 s3, s7;
	s7 =	simm.s32 @!p0 $0x108  }
0x21: {  	s3 =	sadd.s32 s3, s9;
	s6 =	sadd.s32 @!p0 $0x88, s6;
	s7 =	simm.s32 @p2 $0x1082  }
0x22: {  	[simem:s7], [sflag:s8] =	dma.local @!p0 [hbm:s6], $0xF7A  }
0x23: {  	s9 =	sor.u32 $0xD0000000, s2;
	s6 =	simm.s32 $0x108;
	_ =	swait.ge @!p0 [sflag:s8], $0x0  }
0x24: {  	s3 =	sadd.s32 $0x88, s3;
	s6 =	simm.s32 @!p1 $0x1082;
	[sflag:s4] =	ssyncset.s32 $0xFFFFF086  }
0x25: {  	[simem:s6], [sflag:s4] =	dma.local [hbm:s3], $0xF7A  }
0x26: {  	[smem:$0x3F9C] =	sst s1;
	(tag) =	ssettag s2;
	_ =	strace s9  }
0x27: {  	s1 =	sld [smem:$0x3FAC]  }
0x28: {  	s2 =	sld [smem:$0x3FAD]  }
0x29: {  	s4 =	sld [smem:$0x3FAF]  }
0x2a: {  	p0 =	seq.s32 s5, $0x0;
	s5 =	sld [smem:$0x3FB0]  }
0x2b: {  	s6 =	sld [smem:$0x3FB1]  }
0x2c: {  	s7 =	sld [smem:$0x3FB2]  }
0x2d: {  	s3 =	simm.s32 $0x108;
	s8 =	sld [smem:$0x3FB3]  }
0x2e: {  	s3 =	simm.s32 @!p0 $0x1082;
	s9 =	sld [smem:$0x3FB4]  }
0x2f: {  	lr =	sadd.s32 s0, s3;
	s0 =	sld [smem:$0x3FAB]  }
0x30: {  	s3 =	sld [smem:$0x3FAE]  }
0x31: {  	[smem:$0x3FB7] =	sst s10  }
0x32: {  	s10 =	sld [smem:$0x3FB5];
	_ =	sdelay $0x3  }
0x33: {  	p0 =	seq.s32 s10, $0x1;
	s10 =	sld [smem:$0x3FB7];
	_ =	sdelay $0x3  }
0x34: {  	[smem:$0x3FB7] =	sst s10  }
0x35: {  	s10 =	sld [smem:$0x3FB6];
	_ =	sdelay $0x3  }
0x36: {  	p1 =	seq.s32 s10, $0x1;
	s10 =	sld [smem:$0x3FB7];
	_ =	sdelay $0x3  }
0x37: {  	[smem:$0x3FB7] =	sst s10  }
0x38: {  	s10 =	sld [smem:$0x3FB8]  }
0x39: {  	_ = 	snop;
	(pc) =	sbr.ind lr, $3  }
0x3a: {  	_ = 	snop  }
0x3b: {  	_ = 	snop  }
0x3c: {  	p2 =	seq.s32 s10, $0x1;
	s10 =	sld [smem:$0x3FB7]  }
0x3d: {  	_ =	shalt  }
0x3e: {  	_ =	shalt  }
0x3f: {  	_ =	shalt  }
0x40: {  	_ =	shalt  }
0x41: {  	_ =	shalt  }
0x42: {  	_ =	shalt  }
0x43: {  	_ =	shalt  }
0x44: {  	_ =	shalt  }
0x45: {  	_ =	shalt  }
0x46: {  	_ =	shalt  }
0x47: {  	_ =	shalt  }
0x48: {  	_ =	shalt  }
0x49: {  	_ =	shalt  }
0x4a: {  	_ =	shalt  }
0x4b: {  	_ =	shalt  }
0x4c: {  	_ =	shalt  }
0x4d: {  	_ =	shalt  }
0x4e: {  	_ =	shalt  }
0x4f: {  	_ =	shalt  }
0x50: {  	_ =	shalt  }
0x51: {  	_ =	shalt  }
0x52: {  	_ =	shalt  }
0x53: {  	_ =	shalt  }
0x54: {  	_ =	shalt  }
0x55: {  	_ =	shalt  }
0x56: {  	_ =	shalt  }
0x57: {  	_ =	shalt  }
0x58: {  	_ =	shalt  }
0x59: {  	_ =	shalt  }
0x5a: {  	_ =	shalt  }
0x5b: {  	_ =	shalt  }
0x5c: {  	_ =	shalt  }
0x5d: {  	_ =	shalt  }
0x5e: {  	_ =	shalt  }
0x5f: {  	_ =	shalt  }
0x60: {  	_ =	shalt  }
0x61: {  	_ =	shalt  }
0x62: {  	_ =	shalt  }
0x63: {  	_ =	shalt  }
0x64: {  	_ =	shalt  }
0x65: {  	_ =	shalt  }
0x66: {  	_ =	shalt  }
0x67: {  	_ =	shalt  }
0x68: {  	_ =	shalt  }
0x69: {  	_ =	shalt  }
0x6a: {  	_ =	shalt  }
0x6b: {  	_ =	shalt  }
0x6c: {  	_ =	shalt  }
0x6d: {  	_ =	shalt  }
0x6e: {  	_ =	shalt  }
0x6f: {  	_ =	shalt  }
0x70: {  	_ =	shalt  }
0x71: {  	_ =	shalt  }
0x72: {  	_ =	shalt  }
0x73: {  	_ =	shalt  }
0x74: {  	_ =	shalt  }
0x75: {  	_ =	shalt  }
0x76: {  	_ =	shalt  }
0x77: {  	_ =	shalt  }
0x78: {  	_ =	shalt  }
0x79: {  	_ =	shalt  }
0x7a: {  	_ =	shalt  }
0x7b: {  	_ =	shalt  }
0x7c: {  	_ =	shalt  }
0x7d: {  	_ =	shalt  }
0x7e: {  	_ =	shalt  }
0x7f: {  	_ =	shalt  }
0x80: {  	_ =	shalt  }
0x81: {  	_ =	shalt  }
0x82: {  	_ =	shalt  }
0x83: {  	_ =	shalt  }
0x84: {  	_ =	shalt  }
0x85: {  	_ =	shalt  }
0x86: {  	_ =	shalt  }
0x87: {  	_ =	shalt  }
.Lfunc_end0:
.L_simem_size_0:
called_computation.3_lowered:
.L_overlay_start_0:
0x88: {  	s2 =	sld [smem:$0x3FD9]  }
0x89: {  	s3 =	sld [smem:$0x3FFE];
	_ =	sdelay $0x1  }
0x8a: {  	s1 =	srdreg.scid  }
0x8b: {  	s0 =	sand.u32 $0x1, s1  }
0x8c: {  	s16 =	sshll.u32 s0, $0xA;
	s2 =	sadd.s32 s3, s2  }
0x8d: {  	s2 =	sadd.s32 s2, s16  }
0x8e: {  	[smem:$0x3FC3] =	sst s2  }
0x8f: {  	_ = 	snop  }
0x90: {  	(tm) =	ssettm $0x1  }
0x91: {  	s17 =	sld [smem:$0x3FFB];
	_ =	sdelay $0x3  }
0x92: {  	_ =	strace s17  }
0x93: {  	s2 =	sld [smem:$0x3FFC];
	_ =	sdelay $0x3  }
0x94: {  	_ =	strace s2  }
0x95: {  	s2 =	sld [smem:$0x3FFD];
	_ =	sdelay $0x3  }
0x96: {  	_ =	strace s2  }
0x97: {  	_ =	strace $0x8FFFFFFF  }
0x98: {  	s18 =	sld [smem:$0x3FDB];
	_ =	sdelay $0x1  }
0x99: {  	s19 =	simm.s32 $_scs_section_size  }
0x9a: {  	s4 =	simm.s32 $_size__tile_overlayer_lowered;
	s5 =	simm.s32 $_tile_overlayer_lowered  }
0x9b: {  	s22 =	simm.s32 $0x1BFF;
	s21 =	sshll.u32 s5, $0x1;
	s2 =	sadd.s32 s19, s18  }
0x9c: {  	s6 =	simm.s32 $0x0;
	s20 =	sshll.u32 s4, $0x1;
	s4 =	sadd.s32 s21, s2  }
0x9d: {  	[timem:s6], [sflag:s22] =	dma.local [hbm:s4], s20  }
0x9e: {  	_ =	swait.ge [sflag:s22], s20  }
0x9f: {  	s3 =	ssub.s32 $0x0, s20;
	[sflag:s22] =	ssyncset.done $0x0  }
0xa0: {  	[sflag:s22] =	ssyncadd.s32 s3;
	_ =	sdelay $0x1  }
0xa1: {  	s23 =	simm.s32 $0x1B8B  }
0xa2: {  	_ =	swait.ge [sflag:s23], $0x1  }
0xa3: {  	[sflag:s23] =	ssyncset.done $0x0  }
0xa4: {  	s25 =	simm.s32 $0x1B8E;
	s24 =	sld [smem:$0x3FFE];
	[sflag:s23] =	ssyncadd.s32 $0xFFFFFFFF  }
0xa5: {  	s26 =	simm.s32 $execute0_lowered;
	[smem:$0x3FD2] =	sst s25  }
0xa6: {  	s4 =	sshll.u32 s26, $0x1;
	_ =	strace $0x80000046;
	[dreg:$0x1] =	wrdreg $0xFFFFFFFF  }
0xa7: {  	s28 =	simm.s32 $_size_execute0_lowered;
	s2 =	sadd.s32 s2, s4;
	[dreg:$0x0] =	wrdreg $0x0  }
0xa8: {  	s4 =	sshll.u32 s28, $0x1;
	[dreg:$0x2] =	wrdreg s2  }
0xa9: {  	[dreg:$0x3] =	wrdreg s4  }
0xaa: {  	[dreg:$0x4] =	wrdreg $0xC0  }
0xab: {  	_ =	task [dreg:s6], $0x5FFFF  }
0xac: {  	[dreg:$0x1] =	wrdreg $0xFFFFFFFF  }
0xad: {  	[dreg:$0x0] =	wrdreg $0x60  }
0xae: {  	[dreg:$0x2] =	wrdreg s24  }
0xaf: {  	[dreg:$0x3] =	wrdreg $0xC  }
0xb0: {  	_ =	task.clear_ibuf [dreg:s6], $0x4FFFF;
	_ =	strace $0x90000046  }
0xb1: {  	s29 =	simm.s32 $0xC;
	_ =	strace $0x80000048  }
0xb2: {  	_ =	swait.ge [sflag:s29], $0x1  }
0xb3: {  	[sflag:s29] =	ssyncadd.s32 $0xFFFFFFFF  }
0xb4: {  	_ =	strace $0x90000048  }
0xb5: {  	_ =	sfence  }
0xb6: {  	s30 =	sld [smem:$0x0];
	_ =	sdelay $0x2  }
0xb7: {  	s31 =	sshll.u32 s1, $0xD;
	s1 =	sshrl.u32 s1, $0x2  }
0xb8: {  	s3 =	sand.u32 $0x4000, s31;
	s1 =	sadd.s32 s1, s30  }
0xb9: {  	s0 =	sor.u32 s3, s0;
	s1 =	sshll.u32 s1, $0x11  }
0xba: {  	s0 =	sor.u32 s1, s0  }
0xbb: {  	s0 =	sadd.s32 $0x8F2B, s0  }
0xbc: {  	[sflag:s0] =	ssyncadd.remote.s32 $0x1  }
0xbd: {  	_ =	sfence.sel $0xFFFF  }
0xbe: {  	[dreg:$0x0] =	wrdreg $0xFFFFFFFF;
	(pc) =	sbr.abs _section_cstart, $3  }
0xbf: {  	[dreg:$0x1] =	wrdreg $0xFFFFFFFF  }
0xc0: {  	_ =	task.clear_ibuf [dreg:s6], $0x2FFFF;
	_ =	strace $0x9FFFFFFF  }
0xc1: {  	(tm) =	ssettm $0x7FFFFFFF  }
tec
execute0_lowered:
.L_overlay_start_1:
0x0: {  	(tag) =	ssettag $0x1  }
0x1: {  	s0 =	srdreg.scid  }
0x2: {  	s5 =	stileid.u32;
	s1 =	rddreg [dreg:$0x0];
	s2 =	simm.s32 $0x0  }
0x3: {  	s10 =	simm.s32 $0x3;
	s11 =	simm.s32 $0x280;
	s12 =	simm.s32 $0x1  }
0x4: {  	s13 =	simm.s32 $0xC280;
	s21 =	simm.s32 $0xCA80;
	s22 =	simm.s32 $0x10A80  }
0x5: {  	s23 =	simm.s32 $0x11280;
	s24 =	simm.s32 $0x11A80;
	s25 =	simm.s32 $0x12280  }
0x6: {  	s28 =	simm.s32 $0x13280;
	s29 =	simm.s32 $0x13A80;
	s30 =	simm.s32 $0x14280  }
0x7: {  	s31 =	simm.s32 $0x14A80;
	s14 =	simm.s32 $0x17280;
	s15 =	simm.s32 $0x17A80  }
0x8: {  	s16 =	simm.s32 $0x4;
	s17 =	simm.s32 $0x2;
	s0 =	sand.u32 $0x1, s0  }
0x9: {  	s3 =	sshll.u32 s5, $0x1;
	[smem:$0x7FF] =	sst s2;
	s5 =	smul.u32 $0x24000, s5  }
0xa: {  	s3 =	sor.u32 s0, s3;
	s6 =	ssub.s32 $0x2, s0;
	s0 =	smul.u32 $0x12000, s0  }
0xb: {  	s19 =	simm.s32 $0x0;
	_ =	strace $0x80000047;
	s3 =	smul.u32 $0x240, s3  }
0xc: {  	s7 =	sshrl.u32 s6, $0x1;
	s8 =	sadd.s32 s5, s1;
	s5 =	sadd.s32 $0x2700, s1  }
0xd: {  	s9 =	ssub.s32 s6, s7;
	s6 =	sadd.s32 $0x2800, s1;
	s7 =	sadd.s32 $0x2900, s1  }
.Ltmp0:
0xe: {  	s0 =	sadd.s32 s0, s8;
	s8 =	simm.s32 $0x16A80;
	(pc) =	sbr.rel .LBB2_1-.Ltmp0, $4  }
0xf: {  	s4 =	sshrl.u32 s3, $0x3;
	s3 =	sadd.s32 $0x2600, s1;
	s26 =	smax.u32 s9, $0x1  }
0x10: {  	v2 =	vlaneseq.u32;
	s9 =	sadd.s32 $0x102600, s0;
	s0 =	simm.s32 $0x15A80;
	s4 =	sadd.s32 s4, s1  }
0x11: {  	vm0 =	vmmov $0xffff;
	v1 =	vshrl.u32 v2, $0x3;
	[dreg:$0x3] =	wrdreg s26;
	s26 =	simm.s32 $0x12A80;
	s4 =	sadd.s32 $0x1C00, s4  }
0x12: {  	v0 =	vand.u32 $0x7, v2;
	v2 =	vor.u32 $0x8, v2;
	v1 =	vmul.u32 $0x8, v1;
	s1 =	simm.s32 $0x15280;
	[dreg:$0x2] =	wrdreg s4;
	s4 =	simm.s32 $0x16280  }
.LBB2_5:
0x13: {  	s19 =	rddreg [dreg:$0x4]  }
0x14: {  	s18 =	rddreg [dreg:$0x3];
	s19 =	sadd.s32 $0x1, s19  }
0x15: {  	p0 =	sne.s32 s19, s18  }
.Ltmp1:
0x16: {  	_ = 	snop;
	(pc) =	sbr.rel @!p0 .LBB2_6-.Ltmp1, $1  }
0x17: {  	_ =	sdelay $0x3  }
.LBB2_1:
0x18: {  	[dreg:$0x4] =	wrdreg s19  }
0x19: {  	s18 =	rddreg [dreg:$0x2]  }
0x1a: {  	[tilespmem:s2], [sflag:$0x3] =	stream.linear.gather [hbm4b:s18+s2], $0x240, $0x38;
	[tilespmem:$0x18280] =	vst v63  }
0x1b: {  	_ =	swait.ge [sflag:s10], $0x240  }
0x1c: {  	[sflag:s10] =	ssyncset.done $0x0  }
0x1d: {  	[sflag:s10] =	ssyncadd.s32 $0xFFFFFDC0  }
0x1e: {  	v3 =	vld [tilespmem:$0x0];
	_ =	sdelay $0x4  }
0x1f: {  	v4 =	vshll.u32 v3, $0x3  }
0x20: {  	v3 =	vand.u32 $0x7, v3;
	v4 =	vand.u32 $0xFFFFFFC0, v4  }
0x21: {  	v3 =	vor.u32 v3, v4  }
0x22: {  	v4 =	vperm.xlane v3, v0;
	_ =	sdelay $0x1  }
0x23: {  	v4 =	vadd.s32 v1, v4;
	_ =	sdelay $0x4  }
0x24: {  	[tilespmem:s11], [sflag:$0x1] =	stream.indirect_vreg.gather [hbm4b:s3+s2], $0x80, v4, vm0, $0xb8;
	[tilespmem:$0x18280] =	vst v63  }
0x25: {  	s20 =	simm.s32 $0xA80;
	v3 =	vperm.xlane v3, v2  }
0x26: {  	[tilespmem:s20], [sflag:$0x1] =	stream.indirect_vreg.gather [hbm4b:s5+s2], $0x80, v4, vm0, $0xb8;
	[tilespmem:$0x18280] =	vst v63  }
0x27: {  	s19 =	simm.s32 $0x1280;
	v3 =	vadd.s32 v1, v3  }
0x28: {  	[tilespmem:s19], [sflag:$0x1] =	stream.indirect_vreg.gather [hbm4b:s6+s2], $0x80, v4, vm0, $0xb8;
	[tilespmem:$0x18280] =	vst v63  }
0x29: {  	s20 =	simm.s32 $0x1A80  }
0x2a: {  	[tilespmem:s20], [sflag:$0x1] =	stream.indirect_vreg.gather [hbm4b:s7+s2], $0x80, v4, vm0, $0xb8;
	[tilespmem:$0x18280] =	vst v63  }
0x2b: {  	s19 =	simm.s32 $0x2280  }
0x2c: {  	[tilespmem:s19], [sflag:$0x1] =	stream.indirect_vreg.gather [hbm4b:s3+s2], $0x80, v3, vm0, $0xb8;
	[tilespmem:$0x18280] =	vst v63  }
0x2d: {  	s20 =	simm.s32 $0x2A80  }
0x2e: {  	[tilespmem:s20], [sflag:$0x1] =	stream.indirect_vreg.gather [hbm4b:s5+s2], $0x80, v3, vm0, $0xb8;
	[tilespmem:$0x18280] =	vst v63  }
0x2f: {  	s19 =	simm.s32 $0x3280  }
0x30: {  	[tilespmem:s19], [sflag:$0x1] =	stream.indirect_vreg.gather [hbm4b:s6+s2], $0x80, v3, vm0, $0xb8;
	[tilespmem:$0x18280] =	vst v63  }
0x31: {  	s20 =	simm.s32 $0x3A80  }
0x32: {  	[tilespmem:s20], [sflag:$0x1] =	stream.indirect_vreg.gather [hbm4b:s7+s2], $0x80, v3, vm0, $0xb8;
	[tilespmem:$0x18280] =	vst v63  }
0x33: {  	v3 =	vld [tilespmem:$0x10];
	_ =	sdelay $0x4  }
0x34: {  	v62 =	vshll.u32 v3, $0x3  }
0x35: {  	v3 =	vand.u32 $0x7, v3;
	v4 =	vand.u32 $0xFFFFFFC0, v62  }
0x36: {  	v3 =	vor.u32 v3, v4  }
0x37: {  	v4 =	vperm.xlane v3, v0;
	_ =	sdelay $0x1  }
0x38: {  	v4 =	vadd.s32 v1, v4;
	_ =	sdelay $0x3  }
0x39: {  	s19 =	simm.s32 $0x4280  }
0x3a: {  	[tilespmem:s19], [sflag:$0x1] =	stream.indirect_vreg.gather [hbm4b:s3+s2], $0x80, v4, vm0, $0xb8;
	[tilespmem:$0x18280] =	vst v63  }
0x3b: {  	s20 =	simm.s32 $0x4A80;
	v3 =	vperm.xlane v3, v2  }
0x3c: {  	[tilespmem:s20], [sflag:$0x1] =	stream.indirect_vreg.gather [hbm4b:s5+s2], $0x80, v4, vm0, $0xb8;
	[tilespmem:$0x18280] =	vst v63  }
0x3d: {  	v3 =	vadd.s32 v1, v3;
	s19 =	simm.s32 $0x5280  }
0x3e: {  	[tilespmem:s19], [sflag:$0x1] =	stream.indirect_vreg.gather [hbm4b:s6+s2], $0x80, v4, vm0, $0xb8;
	[tilespmem:$0x18280] =	vst v63  }
0x3f: {  	s20 =	simm.s32 $0x5A80  }
0x40: {  	[tilespmem:s20], [sflag:$0x1] =	stream.indirect_vreg.gather [hbm4b:s7+s2], $0x80, v4, vm0, $0xb8;
	[tilespmem:$0x18280] =	vst v63  }
0x41: {  	s19 =	simm.s32 $0x6280  }
0x42: {  	[tilespmem:s19], [sflag:$0x1] =	stream.indirect_vreg.gather [hbm4b:s3+s2], $0x80, v3, vm0, $0xb8;
	[tilespmem:$0x18280] =	vst v63  }
0x43: {  	s20 =	simm.s32 $0x6A80  }
0x44: {  	[tilespmem:s20], [sflag:$0x1] =	stream.indirect_vreg.gather [hbm4b:s5+s2], $0x80, v3, vm0, $0xb8;
	[tilespmem:$0x18280] =	vst v63  }
0x45: {  	s19 =	simm.s32 $0x7280  }
0x46: {  	[tilespmem:s19], [sflag:$0x1] =	stream.indirect_vreg.gather [hbm4b:s6+s2], $0x80, v3, vm0, $0xb8;
	[tilespmem:$0x18280] =	vst v63  }
0x47: {  	s20 =	simm.s32 $0x7A80  }
0x48: {  	[tilespmem:s20], [sflag:$0x1] =	stream.indirect_vreg.gather [hbm4b:s7+s2], $0x80, v3, vm0, $0xb8;
	[tilespmem:$0x18280] =	vst v63  }
0x49: {  	v3 =	vld [tilespmem:$0x20];
	_ =	sdelay $0x4  }
0x4a: {  	v63 =	vshll.u32 v3, $0x3  }
0x4b: {  	v3 =	vand.u32 $0x7, v3;
	v4 =	vand.u32 $0xFFFFFFC0, v63  }
0x4c: {  	v3 =	vor.u32 v3, v4  }
0x4d: {  	v4 =	vperm.xlane v3, v0;
	_ =	sdelay $0x1  }
0x4e: {  	v4 =	vadd.s32 v1, v4;
	_ =	sdelay $0x3  }
0x4f: {  	s19 =	simm.s32 $0x8280  }
0x50: {  	[tilespmem:s19], [sflag:$0x1] =	stream.indirect_vreg.gather [hbm4b:s3+s2], $0x80, v4, vm0, $0xb8;
	[tilespmem:$0x18280] =	vst v63  }
0x51: {  	s20 =	simm.s32 $0x8A80;
	v3 =	vperm.xlane v3, v2  }
0x52: {  	[tilespmem:s20], [sflag:$0x1] =	stream.indirect_vreg.gather [hbm4b:s5+s2], $0x80, v4, vm0, $0xb8;
	[tilespmem:$0x18280] =	vst v63  }
0x53: {  	v3 =	vadd.s32 v1, v3;
	s19 =	simm.s32 $0x9280  }
0x54: {  	[tilespmem:s19], [sflag:$0x1] =	stream.indirect_vreg.gather [hbm4b:s6+s2], $0x80, v4, vm0, $0xb8;
	[tilespmem:$0x18280] =	vst v63  }
0x55: {  	s20 =	simm.s32 $0x9A80  }
0x56: {  	[tilespmem:s20], [sflag:$0x1] =	stream.indirect_vreg.gather [hbm4b:s7+s2], $0x80, v4, vm0, $0xb8;
	[tilespmem:$0x18280] =	vst v63  }
0x57: {  	s19 =	simm.s32 $0xA280  }
0x58: {  	[tilespmem:s19], [sflag:$0x1] =	stream.indirect_vreg.gather [hbm4b:s3+s2], $0x80, v3, vm0, $0xb8;
	[tilespmem:$0x18280] =	vst v63  }
0x59: {  	s20 =	simm.s32 $0xAA80  }
0x5a: {  	[tilespmem:s20], [sflag:$0x1] =	stream.indirect_vreg.gather [hbm4b:s5+s2], $0x80, v3, vm0, $0xb8;
	[tilespmem:$0x18280] =	vst v63  }
.Ltmp2:
0x5b: {  	_ = 	snop;
	(pc) =	sbr.rel .LBB2_2-.Ltmp2, $4  }
0x5c: {  	s19 =	simm.s32 $0xB280  }
0x5d: {  	[tilespmem:s19], [sflag:$0x1] =	stream.indirect_vreg.gather [hbm4b:s6+s2], $0x80, v3, vm0, $0xb8;
	[tilespmem:$0x18280] =	vst v63  }
0x5e: {  	s18 =	simm.s32 $0x40;
	s20 =	simm.s32 $0xBA80;
	s19 =	simm.s32 $0x0  }
0x5f: {  	[tilespmem:s20], [sflag:$0x1] =	stream.indirect_vreg.gather [hbm4b:s7+s2], $0x80, v3, vm0, $0xb8;
	[tilespmem:$0x18280] =	vst v63  }
.LBB2_4:
0x60: {  	s19 =	sadd.s32 $0x3000, s19  }
0x61: {  	p0 =	sne.s32 s19, $0x12000  }
.Ltmp3:
0x62: {  	s20 =	sadd.s32 $0x1800, s20;
	(pc) =	sbr.rel @!p0 .LBB2_5-.Ltmp3, $4  }
0x63: {  	[hbm4b:s20+s2] =	stream.linear.scatter [tilespmem:s13], [sflag:$0x3], $0xC000, $0x38;
	[tilespmem:$0x18280] =	vst v63  }
0x64: {  	_ =	swait.ge [sflag:s10], $0xC000  }
0x65: {  	[sflag:s10] =	ssyncset.done $0x0  }
0x66: {  	s18 =	sadd.s32 $0x60, s18;
	[sflag:s10] =	ssyncadd.s32 $0xFFFF4000  }
.LBB2_2:
0x67: {  	_ =	swait.ge [sflag:s12], $0xC000  }
0x68: {  	[sflag:s12] =	ssyncset.done $0x0  }
0x69: {  	[sflag:s12] =	ssyncadd.s32 $0xFFFF4000  }
0x6a: {  	v3 =	vld [tilespmem:s18+$0xFFFFFFF0];
	_ =	sdelay $0x4  }
0x6b: {  	v4 =	vshll.u32 v3, $0x3  }
0x6c: {  	v3 =	vand.u32 $0x7, v3;
	v4 =	vand.u32 $0xFFFFFFC0, v4  }
0x6d: {  	v3 =	vor.u32 v3, v4  }
0x6e: {  	v4 =	vperm.xlane v3, v0;
	_ =	sdelay $0x1  }
0x6f: {  	v4 =	vadd.s32 v1, v4;
	_ =	sdelay $0x4  }
0x70: {  	[tilespmem:s13], [sflag:$0x2] =	stream.indirect_vreg.gather [hbm4b:s3+s2], $0x80, v4, vm0, $0xb8;
	[tilespmem:$0x18280] =	vst v63  }
0x71: {  	v3 =	vperm.xlane v3, v2  }
0x72: {  	[tilespmem:s21], [sflag:$0x2] =	stream.indirect_vreg.gather [hbm4b:s5+s2], $0x80, v4, vm0, $0xb8;
	[tilespmem:$0x18280] =	vst v63  }
0x73: {  	s20 =	simm.s32 $0xD280;
	v3 =	vadd.s32 v1, v3  }
0x74: {  	[tilespmem:s20], [sflag:$0x2] =	stream.indirect_vreg.gather [hbm4b:s6+s2], $0x80, v4, vm0, $0xb8;
	[tilespmem:$0x18280] =	vst v63  }
0x75: {  	s20 =	simm.s32 $0xDA80  }
0x76: {  	[tilespmem:s20], [sflag:$0x2] =	stream.indirect_vreg.gather [hbm4b:s7+s2], $0x80, v4, vm0, $0xb8;
	[tilespmem:$0x18280] =	vst v63  }
0x77: {  	s20 =	simm.s32 $0xE280  }
0x78: {  	[tilespmem:s20], [sflag:$0x2] =	stream.indirect_vreg.gather [hbm4b:s3+s2], $0x80, v3, vm0, $0xb8;
	[tilespmem:$0x18280] =	vst v63  }
0x79: {  	s20 =	simm.s32 $0xEA80  }
0x7a: {  	[tilespmem:s20], [sflag:$0x2] =	stream.indirect_vreg.gather [hbm4b:s5+s2], $0x80, v3, vm0, $0xb8;
	[tilespmem:$0x18280] =	vst v63  }
0x7b: {  	s20 =	simm.s32 $0xF280  }
0x7c: {  	[tilespmem:s20], [sflag:$0x2] =	stream.indirect_vreg.gather [hbm4b:s6+s2], $0x80, v3, vm0, $0xb8;
	[tilespmem:$0x18280] =	vst v63  }
0x7d: {  	s20 =	simm.s32 $0xFA80  }
0x7e: {  	[tilespmem:s20], [sflag:$0x2] =	stream.indirect_vreg.gather [hbm4b:s7+s2], $0x80, v3, vm0, $0xb8;
	[tilespmem:$0x18280] =	vst v63  }
0x7f: {  	v3 =	vld [tilespmem:s18+$0x0];
	_ =	sdelay $0x4  }
0x80: {  	v62 =	vshll.u32 v3, $0x3  }
0x81: {  	v3 =	vand.u32 $0x7, v3;
	v4 =	vand.u32 $0xFFFFFFC0, v62  }
0x82: {  	v3 =	vor.u32 v3, v4  }
0x83: {  	v4 =	vperm.xlane v3, v0;
	_ =	sdelay $0x1  }
0x84: {  	v4 =	vadd.s32 v1, v4;
	_ =	sdelay $0x3  }
0x85: {  	s20 =	simm.s32 $0x10280  }
0x86: {  	[tilespmem:s20], [sflag:$0x2] =	stream.indirect_vreg.gather [hbm4b:s3+s2], $0x80, v4, vm0, $0xb8;
	[tilespmem:$0x18280] =	vst v63  }
0x87: {  	v3 =	vperm.xlane v3, v2  }
0x88: {  	[tilespmem:s22], [sflag:$0x2] =	stream.indirect_vreg.gather [hbm4b:s5+s2], $0x80, v4, vm0, $0xb8;
	[tilespmem:$0x18280] =	vst v63  }
0x89: {  	v3 =	vadd.s32 v1, v3  }
0x8a: {  	[tilespmem:s23], [sflag:$0x2] =	stream.indirect_vreg.gather [hbm4b:s6+s2], $0x80, v4, vm0, $0xb8;
	[tilespmem:$0x18280] =	vst v63  }
0x8b: {  	_ = 	snop  }
0x8c: {  	[tilespmem:s24], [sflag:$0x2] =	stream.indirect_vreg.gather [hbm4b:s7+s2], $0x80, v4, vm0, $0xb8;
	[tilespmem:$0x18280] =	vst v63  }
0x8d: {  	_ = 	snop  }
0x8e: {  	[tilespmem:s25], [sflag:$0x2] =	stream.indirect_vreg.gather [hbm4b:s3+s2], $0x80, v3, vm0, $0xb8;
	[tilespmem:$0x18280] =	vst v63  }
0x8f: {  	_ = 	snop  }
0x90: {  	[tilespmem:s26], [sflag:$0x2] =	stream.indirect_vreg.gather [hbm4b:s5+s2], $0x80, v3, vm0, $0xb8;
	[tilespmem:$0x18280] =	vst v63  }
0x91: {  	_ = 	snop  }
0x92: {  	[tilespmem:s28], [sflag:$0x2] =	stream.indirect_vreg.gather [hbm4b:s6+s2], $0x80, v3, vm0, $0xb8;
	[tilespmem:$0x18280] =	vst v63  }
0x93: {  	_ = 	snop  }
0x94: {  	[tilespmem:s29], [sflag:$0x2] =	stream.indirect_vreg.gather [hbm4b:s7+s2], $0x80, v3, vm0, $0xb8;
	[tilespmem:$0x18280] =	vst v63  }
0x95: {  	v3 =	vld [tilespmem:s18+$0x10];
	_ =	sdelay $0x4  }
0x96: {  	v63 =	vshll.u32 v3, $0x3  }
0x97: {  	v3 =	vand.u32 $0x7, v3;
	v4 =	vand.u32 $0xFFFFFFC0, v63  }
0x98: {  	v3 =	vor.u32 v3, v4  }
0x99: {  	v4 =	vperm.xlane v3, v0;
	_ =	sdelay $0x1  }
0x9a: {  	v4 =	vadd.s32 v1, v4;
	_ =	sdelay $0x4  }
0x9b: {  	[tilespmem:s30], [sflag:$0x2] =	stream.indirect_vreg.gather [hbm4b:s3+s2], $0x80, v4, vm0, $0xb8;
	[tilespmem:$0x18280] =	vst v63  }
0x9c: {  	v3 =	vperm.xlane v3, v2  }
0x9d: {  	[tilespmem:s31], [sflag:$0x2] =	stream.indirect_vreg.gather [hbm4b:s5+s2], $0x80, v4, vm0, $0xb8;
	[tilespmem:$0x18280] =	vst v63  }
0x9e: {  	v3 =	vadd.s32 v1, v3  }
0x9f: {  	[tilespmem:s1], [sflag:$0x2] =	stream.indirect_vreg.gather [hbm4b:s6+s2], $0x80, v4, vm0, $0xb8;
	[tilespmem:$0x18280] =	vst v63  }
0xa0: {  	_ = 	snop  }
0xa1: {  	[tilespmem:s0], [sflag:$0x2] =	stream.indirect_vreg.gather [hbm4b:s7+s2], $0x80, v4, vm0, $0xb8;
	[tilespmem:$0x18280] =	vst v63  }
0xa2: {  	_ = 	snop  }
0xa3: {  	[tilespmem:s4], [sflag:$0x2] =	stream.indirect_vreg.gather [hbm4b:s3+s2], $0x80, v3, vm0, $0xb8;
	[tilespmem:$0x18280] =	vst v63  }
0xa4: {  	_ = 	snop  }
0xa5: {  	[tilespmem:s8], [sflag:$0x2] =	stream.indirect_vreg.gather [hbm4b:s5+s2], $0x80, v3, vm0, $0xb8;
	[tilespmem:$0x18280] =	vst v63  }
0xa6: {  	_ = 	snop  }
0xa7: {  	[tilespmem:s14], [sflag:$0x2] =	stream.indirect_vreg.gather [hbm4b:s6+s2], $0x80, v3, vm0, $0xb8;
	[tilespmem:$0x18280] =	vst v63  }
0xa8: {  	_ = 	snop  }
0xa9: {  	[tilespmem:s15], [sflag:$0x2] =	stream.indirect_vreg.gather [hbm4b:s7+s2], $0x80, v3, vm0, $0xb8;
	[tilespmem:$0x18280] =	vst v63  }
0xaa: {  	s20 =	sadd.s32 s19, s9  }
0xab: {  	[hbm4b:s20+s2] =	stream.linear.scatter [tilespmem:s11], [sflag:$0x4], $0xC000, $0x38;
	[tilespmem:$0x18280] =	vst v63  }
0xac: {  	p0 =	seq.s32 s19, $0xF000;
	_ =	swait.ge [sflag:s16], $0xC000  }
.Ltmp4:
0xad: {  	[sflag:s16] =	ssyncset.done $0x0;
	(pc) =	sbr.rel @p0 .LBB2_4-.Ltmp4, $4  }
0xae: {  	[sflag:s16] =	ssyncadd.s32 $0xFFFF4000  }
0xaf: {  	_ =	swait.ge [sflag:s17], $0xC000  }
0xb0: {  	[sflag:s17] =	ssyncset.done $0x0  }
0xb1: {  	[sflag:s17] =	ssyncadd.s32 $0xFFFF4000  }
0xb2: {  	v3 =	vld [tilespmem:s18+$0x20];
	_ =	sdelay $0x4  }
0xb3: {  	v4 =	vshll.u32 v3, $0x3  }
0xb4: {  	v3 =	vand.u32 $0x7, v3;
	v4 =	vand.u32 $0xFFFFFFC0, v4  }
0xb5: {  	v3 =	vor.u32 v3, v4  }
0xb6: {  	v4 =	vperm.xlane v3, v0;
	_ =	sdelay $0x1  }
0xb7: {  	v4 =	vadd.s32 v1, v4;
	_ =	sdelay $0x4  }
0xb8: {  	[tilespmem:s11], [sflag:$0x1] =	stream.indirect_vreg.gather [hbm4b:s3+s2], $0x80, v4, vm0, $0xb8;
	[tilespmem:$0x18280] =	vst v63  }
0xb9: {  	s21 =	simm.s32 $0xA80;
	v3 =	vperm.xlane v3, v2  }
0xba: {  	[tilespmem:s21], [sflag:$0x1] =	stream.indirect_vreg.gather [hbm4b:s5+s2], $0x80, v4, vm0, $0xb8;
	[tilespmem:$0x18280] =	vst v63  }
0xbb: {  	v3 =	vadd.s32 v1, v3;
	s21 =	simm.s32 $0x1280  }
0xbc: {  	[tilespmem:s21], [sflag:$0x1] =	stream.indirect_vreg.gather [hbm4b:s6+s2], $0x80, v4, vm0, $0xb8;
	[tilespmem:$0x18280] =	vst v63  }
0xbd: {  	s21 =	simm.s32 $0x1A80  }
0xbe: {  	[tilespmem:s21], [sflag:$0x1] =	stream.indirect_vreg.gather [hbm4b:s7+s2], $0x80, v4, vm0, $0xb8;
	[tilespmem:$0x18280] =	vst v63  }
0xbf: {  	s21 =	simm.s32 $0x2280  }
0xc0: {  	[tilespmem:s21], [sflag:$0x1] =	stream.indirect_vreg.gather [hbm4b:s3+s2], $0x80, v3, vm0, $0xb8;
	[tilespmem:$0x18280] =	vst v63  }
0xc1: {  	s21 =	simm.s32 $0x2A80  }
0xc2: {  	[tilespmem:s21], [sflag:$0x1] =	stream.indirect_vreg.gather [hbm4b:s5+s2], $0x80, v3, vm0, $0xb8;
	[tilespmem:$0x18280] =	vst v63  }
0xc3: {  	s21 =	simm.s32 $0x3280  }
0xc4: {  	[tilespmem:s21], [sflag:$0x1] =	stream.indirect_vreg.gather [hbm4b:s6+s2], $0x80, v3, vm0, $0xb8;
	[tilespmem:$0x18280] =	vst v63  }
0xc5: {  	s21 =	simm.s32 $0x3A80  }
0xc6: {  	[tilespmem:s21], [sflag:$0x1] =	stream.indirect_vreg.gather [hbm4b:s7+s2], $0x80, v3, vm0, $0xb8;
	[tilespmem:$0x18280] =	vst v63  }
0xc7: {  	v3 =	vld [tilespmem:s18+$0x30];
	_ =	sdelay $0x4  }
0xc8: {  	v62 =	vshll.u32 v3, $0x3  }
0xc9: {  	v3 =	vand.u32 $0x7, v3;
	v4 =	vand.u32 $0xFFFFFFC0, v62  }
0xca: {  	v3 =	vor.u32 v3, v4  }
0xcb: {  	v4 =	vperm.xlane v3, v0;
	_ =	sdelay $0x1  }
0xcc: {  	v4 =	vadd.s32 v1, v4;
	_ =	sdelay $0x3  }
0xcd: {  	s21 =	simm.s32 $0x4280  }
0xce: {  	[tilespmem:s21], [sflag:$0x1] =	stream.indirect_vreg.gather [hbm4b:s3+s2], $0x80, v4, vm0, $0xb8;
	[tilespmem:$0x18280] =	vst v63  }
0xcf: {  	v3 =	vperm.xlane v3, v2;
	s21 =	simm.s32 $0x4A80  }
0xd0: {  	[tilespmem:s21], [sflag:$0x1] =	stream.indirect_vreg.gather [hbm4b:s5+s2], $0x80, v4, vm0, $0xb8;
	[tilespmem:$0x18280] =	vst v63  }
0xd1: {  	v3 =	vadd.s32 v1, v3;
	s21 =	simm.s32 $0x5280  }
0xd2: {  	[tilespmem:s21], [sflag:$0x1] =	stream.indirect_vreg.gather [hbm4b:s6+s2], $0x80, v4, vm0, $0xb8;
	[tilespmem:$0x18280] =	vst v63  }
0xd3: {  	s21 =	simm.s32 $0x5A80  }
0xd4: {  	[tilespmem:s21], [sflag:$0x1] =	stream.indirect_vreg.gather [hbm4b:s7+s2], $0x80, v4, vm0, $0xb8;
	[tilespmem:$0x18280] =	vst v63  }
0xd5: {  	s21 =	simm.s32 $0x6280  }
0xd6: {  	[tilespmem:s21], [sflag:$0x1] =	stream.indirect_vreg.gather [hbm4b:s3+s2], $0x80, v3, vm0, $0xb8;
	[tilespmem:$0x18280] =	vst v63  }
0xd7: {  	s21 =	simm.s32 $0x6A80  }
0xd8: {  	[tilespmem:s21], [sflag:$0x1] =	stream.indirect_vreg.gather [hbm4b:s5+s2], $0x80, v3, vm0, $0xb8;
	[tilespmem:$0x18280] =	vst v63  }
0xd9: {  	s21 =	simm.s32 $0x7280  }
0xda: {  	[tilespmem:s21], [sflag:$0x1] =	stream.indirect_vreg.gather [hbm4b:s6+s2], $0x80, v3, vm0, $0xb8;
	[tilespmem:$0x18280] =	vst v63  }
0xdb: {  	s21 =	simm.s32 $0x7A80  }
0xdc: {  	[tilespmem:s21], [sflag:$0x1] =	stream.indirect_vreg.gather [hbm4b:s7+s2], $0x80, v3, vm0, $0xb8;
	[tilespmem:$0x18280] =	vst v63  }
0xdd: {  	v3 =	vld [tilespmem:s18+$0x40];
	_ =	sdelay $0x4  }
0xde: {  	v63 =	vshll.u32 v3, $0x3  }
0xdf: {  	v3 =	vand.u32 $0x7, v3;
	v4 =	vand.u32 $0xFFFFFFC0, v63  }
0xe0: {  	v3 =	vor.u32 v3, v4  }
0xe1: {  	v4 =	vperm.xlane v3, v0;
	_ =	sdelay $0x1  }
0xe2: {  	v4 =	vadd.s32 v1, v4;
	_ =	sdelay $0x3  }
0xe3: {  	s21 =	simm.s32 $0x8280  }
0xe4: {  	[tilespmem:s21], [sflag:$0x1] =	stream.indirect_vreg.gather [hbm4b:s3+s2], $0x80, v4, vm0, $0xb8;
	[tilespmem:$0x18280] =	vst v63  }
0xe5: {  	v3 =	vperm.xlane v3, v2;
	s21 =	simm.s32 $0x8A80  }
0xe6: {  	[tilespmem:s21], [sflag:$0x1] =	stream.indirect_vreg.gather [hbm4b:s5+s2], $0x80, v4, vm0, $0xb8;
	[tilespmem:$0x18280] =	vst v63  }
0xe7: {  	v3 =	vadd.s32 v1, v3;
	s21 =	simm.s32 $0x9280  }
0xe8: {  	[tilespmem:s21], [sflag:$0x1] =	stream.indirect_vreg.gather [hbm4b:s6+s2], $0x80, v4, vm0, $0xb8;
	[tilespmem:$0x18280] =	vst v63  }
0xe9: {  	s21 =	simm.s32 $0x9A80  }
0xea: {  	[tilespmem:s21], [sflag:$0x1] =	stream.indirect_vreg.gather [hbm4b:s7+s2], $0x80, v4, vm0, $0xb8;
	[tilespmem:$0x18280] =	vst v63  }
0xeb: {  	s21 =	simm.s32 $0xA280  }
0xec: {  	[tilespmem:s21], [sflag:$0x1] =	stream.indirect_vreg.gather [hbm4b:s3+s2], $0x80, v3, vm0, $0xb8;
	[tilespmem:$0x18280] =	vst v63  }
0xed: {  	s21 =	simm.s32 $0xAA80  }
0xee: {  	[tilespmem:s21], [sflag:$0x1] =	stream.indirect_vreg.gather [hbm4b:s5+s2], $0x80, v3, vm0, $0xb8;
	[tilespmem:$0x18280] =	vst v63  }
.Ltmp5:
0xef: {  	s21 =	simm.s32 $0xB280;
	(pc) =	sbr.rel .LBB2_4-.Ltmp5, $4  }
0xf0: {  	[tilespmem:s21], [sflag:$0x1] =	stream.indirect_vreg.gather [hbm4b:s6+s2], $0x80, v3, vm0, $0xb8;
	[tilespmem:$0x18280] =	vst v63  }
0xf1: {  	s21 =	simm.s32 $0xBA80  }
0xf2: {  	[tilespmem:s21], [sflag:$0x1] =	stream.indirect_vreg.gather [hbm4b:s7+s2], $0x80, v3, vm0, $0xb8;
	[tilespmem:$0x18280] =	vst v63  }
0xf3: {  	s21 =	simm.s32 $0xCA80  }
.LBB2_6:
0xf4: {  	_ =	sfence.sel $0x180000  }
0xf5: {  	[bflag:$0x0] =	sbarrier.arrive $0xFFFF  }
0xf6: {  	_ =	strace $0x90000047  }
0xf7: {  	s0 =	stileid.u32;
	[bflag:$0x2] =	sbarrier.arrive $0xFFFF  }
0xf8: {  	p0 =	sne.s32 s0, $0x0;
	s0 =	rddreg [dreg:$0x1]  }
0xf9: {  	s0 =	sadd.s32 @!p0 $0x100000, s0  }
0xfa: {  	[sflag:s0] =	ssyncadd.tile.s32 @!p0 $0x1;
	_ =	shalt  }
.Lfunc_end2:
_tile_overlayer_lowered:
.L_overlay_start_2:
0xfb: {  	(tag) =	ssettag $0x2  }
0xfc: {  	s0 =	rddreg [dreg:$0x0];
	s2 =	stileid.u32  }
0xfd: {  	s1 =	rddreg [dreg:$0x1];
	p0 =	sne.s32 s2, $0x0  }
0xfe: {  	s3 =	rddreg [dreg:$0x2];
	[bflag:$0x3] =	sbarrier.arrive $0xFFFF;
	s2 =	simm.s32 @!p0 $0x1C03  }
0xff: {  	[timem:s3], [sflag:s2] =	dma.local @!p0 [hbm:s0], s1  }
0x100: {  	s0 =	simm.s32 @!p0 $0x3  }
0x101: {  	_ =	swait.ge @!p0 [sflag:s0], s1  }
0x102: {  	s1 =	ssub.s32 @!p0 $0x0, s1;
	[sflag:s0] =	ssyncset.done @!p0 $0x0  }
0x103: {  	[sflag:s0] =	ssyncadd.s32 @!p0 s1  }
0x104: {  	[bflag:$0x3] =	sbarrier.arrive $0xFFFF  }
0x105: {  	_ =	shalt  }

</sc_bundles>
